<compile_context>
chip_gen: v7x
topology: tpu7x:2x2x1
jax: 0.10.2.dev20260603
libtpu: 0.0.44.dev20260713+nightly
codegen_flags: <defaults>
</compile_context>

<pallas_src>
import jax
import jax.numpy as jnp
from jax import lax
from jax.experimental import pallas as pl
from jax.experimental.pallas import tpu as pltpu
from jax.experimental.pallas import tpu_sc as plsc

VOCAB = 1000000
EMB = 32
B = 4096
L = 50

BK = 2048
NPART = 4
NBLK = 123
Q = NBLK * BK
TPAD = NPART * Q

NC = 2
NS = 16
HALF = B * L
CHUNK = 512
NCHUNK = HALF // CHUNK // NS
BPL = B // CHUNK


LASTB = VOCAB // BK
TAILK = LASTB - 3 * NBLK
TAIL0 = LASTB * BK


def _relayout_body(x0, x1, x2, x3, xt, y_ref):
    k = pl.program_id(0)
    x3v = jnp.where(k >= TAILK, xt[...], x3[...])
    y_ref[:, pl.ds(0, EMB)] = x0[...].T
    y_ref[:, pl.ds(EMB, EMB)] = x1[...].T
    y_ref[:, pl.ds(2 * EMB, EMB)] = x2[...].T
    y_ref[:, pl.ds(3 * EMB, EMB)] = x3v.T


def _relayout_table(table_t, tail_pad):
    def in_spec(a):
        if a < 3:
            return pl.BlockSpec((EMB, BK), lambda k, a=a: (0, NBLK * a + k))
        return pl.BlockSpec(
            (EMB, BK), lambda k: (0, jnp.minimum(3 * NBLK + k, LASTB - 1)))

    tail_spec = pl.BlockSpec(
        (EMB, BK), lambda k: (0, jnp.maximum(k - TAILK, 0)))
    return pl.pallas_call(
        _relayout_body,
        grid=(NBLK,),
        in_specs=[in_spec(a) for a in range(NPART)] + [tail_spec],
        out_specs=pl.BlockSpec((BK, 128), lambda k: (k, 0)),
        out_shape=jax.ShapeDtypeStruct((Q, 128), jnp.float32),
    )(table_t, table_t, table_t, table_t, tail_pad)


def _transpose_chunk(rows_v, trans_v):
    iota16 = lax.iota(jnp.int32, 16)

    def per_group(gidx, carry):
        r0 = gidx * 8
        for u in range(8):
            r = r0 + u
            col = jnp.full((16,), r, jnp.int32)
            v0 = rows_v[r, pl.ds(0, 16)]
            v1 = rows_v[r, pl.ds(16, 16)]
            plsc.store_scatter(trans_v, [iota16, col], v0)
            plsc.store_scatter(trans_v, [iota16 + 16, col], v1)
        return carry

    lax.fori_loop(0, CHUNK // 8, per_group, 0)


def _gather_body(table_hbm, ipost_hbm, iresp_hbm, out_hbm,
                 idx_v0, idx_v1, rows_v0, rows_v1, trans_v,
                 si0, si1, sg0, sg1, so):
    c = lax.axis_index("c")
    s = lax.axis_index("s")
    ids = (idx_v0, idx_v1)
    rows = (rows_v0, rows_v1)
    si = (si0, si1)
    sg = (sg0, sg1)

    def run(idx_hbm):
        def idx_at(k):
            return idx_hbm.at[pl.ds((s * NCHUNK + k) * CHUNK, CHUNK)]

        def out_at(k):
            chunk_id = s * NCHUNK + k
            l = chunk_id // BPL
            b0 = (chunk_id % BPL) * CHUNK
            return out_hbm.at[c, l, :, pl.ds(b0, CHUNK)]

        def trans_src():
            return trans_v.at[:, pl.ds(0, CHUNK)]

        def wait_out(k):
            pltpu.make_async_copy(trans_src(), out_at(k), so).wait()

        def chunk_step(k, b, first, last, prefetch2):
            b1 = 1 - b
            pltpu.make_async_copy(table_hbm.at[ids[b]], rows[b], sg[b]).wait()
            if not last:
                pltpu.make_async_copy(idx_at(k + 1), ids[b1], si[b1]).wait()
                pltpu.async_copy(table_hbm.at[ids[b1]], rows[b1], sg[b1])
                if prefetch2:
                    pltpu.async_copy(idx_at(k + 2), ids[b], si[b])
            if not first:
                wait_out(k - 1)
            _transpose_chunk(rows[b], trans_v)
            pltpu.async_copy(trans_src(), out_at(k), so)

        pltpu.async_copy(idx_at(0), ids[0], si[0])
        pltpu.async_copy(idx_at(1), ids[1], si[1])
        pltpu.make_async_copy(idx_at(0), ids[0], si[0]).wait()
        pltpu.async_copy(table_hbm.at[ids[0]], rows[0], sg[0])

        chunk_step(0, 0, first=True, last=False, prefetch2=True)

        def pair_body(t, carry):
            chunk_step(2 * t + 1, 1, first=False, last=False, prefetch2=True)
            chunk_step(2 * t + 2, 0, first=False, last=False, prefetch2=True)
            return carry

        lax.fori_loop(0, (NCHUNK - 2) // 2, pair_body, 0)

        chunk_step(NCHUNK - 2, 1, first=False, last=False, prefetch2=False)
        chunk_step(NCHUNK - 1, 0, first=False, last=True, prefetch2=False)
        wait_out(NCHUNK - 1)

    @pl.when(c == 0)
    def _():
        run(ipost_hbm)

    @pl.when(c == 1)
    def _():
        run(iresp_hbm)


def _embed_gather(table_lin, ipost, iresp):
    mesh = plsc.VectorSubcoreMesh(core_axis_name="c", subcore_axis_name="s")
    return pl.kernel(
        _gather_body,
        out_type=jax.ShapeDtypeStruct((2, L, EMB, B), jnp.float32),
        mesh=mesh,
        scratch_types=[
            pltpu.VMEM((CHUNK,), jnp.int32),
            pltpu.VMEM((CHUNK,), jnp.int32),
            pltpu.VMEM((CHUNK, EMB), jnp.float32),
            pltpu.VMEM((CHUNK, EMB), jnp.float32),
            pltpu.VMEM((EMB, CHUNK + 1), jnp.float32),
            pltpu.SemaphoreType.DMA,
            pltpu.SemaphoreType.DMA,
            pltpu.SemaphoreType.DMA,
            pltpu.SemaphoreType.DMA,
            pltpu.SemaphoreType.DMA,
        ],
        compiler_params=pltpu.CompilerParams(
            use_tc_tiling_on_sc=False, needs_layout_passes=False),
    )(table_lin, ipost, iresp)


@jax.jit
def _pointer_embedding(table, post, resp):
    table_t = table.T
    tail_pad = jnp.pad(
        table_t[:, TAIL0:], ((0, 0), (0, (NBLK - TAILK) * BK - (VOCAB - TAIL0))))
    table_lin = _relayout_table(table_t, tail_pad).reshape(TPAD, EMB)

    def to_lin_idx(x):
        v = x.T.reshape(-1)
        a = v // Q
        return 4 * (v - a * Q) + a

    g = _embed_gather(table_lin, to_lin_idx(post), to_lin_idx(resp))
    return g.transpose(0, 3, 1, 2)


def kernel(table, post, resp):
    return _pointer_embedding(table, post, resp)

# --- scband reference (transcript-rebuilt; emitter-appended) ---
"""Pipeline reference for scband-pointer-embedding-layer-32899449487738 (READ-ONLY COPY).

The authoritative reference and input builder live on the scoring server;
editing this copy changes nothing except your own understanding.
"""

import jax, jax.numpy as jnp
import numpy as np

VOCAB = 1000000
EMB = 32
B = 4096
L = 50

def setup_inputs(seed: int = 0) -> dict:
    key = jax.random.key(seed)
    k1, k2, k3 = jax.random.split(key, 3)
    table = jax.random.normal(k1, (VOCAB, EMB), dtype=jnp.float32) * 0.02
    post = jax.random.randint(k2, (B, L), 0, VOCAB)
    resp = jax.random.randint(k3, (B, L), 0, VOCAB)
    return {"table": table, "post": post, "resp": resp}

def reference(table, post, resp):
    # Faithful translation of PointerEmbeddingLayer.forward:
    # two lookups into the same embedding table (post and resp sequences).
    post_emb = jnp.take(table, post, axis=0)  # [B, L, EMB]
    resp_emb = jnp.take(table, resp, axis=0)  # [B, L, EMB]
    # stack so the module returns a single array [2, B, L, EMB]
    return jnp.stack([post_emb, resp_emb], axis=0)

if __name__ == "__main__":
    import jax
    _d = setup_inputs()
    print(jax.jit(kernel)(*tuple(_d.values())))

</pallas_src>

<mosaic_0001>
#map = affine_map<(d0, d1) -> (0, 0)>
#map1 = affine_map<(d0, d1) -> (0)>
#map2 = affine_map<(d0, d1) -> (0, 0, 0, 0)>
module attributes {stable_mosaic.version = 14 : i64} {
  func.func @_gather_body(%arg0: i32, %arg1: i32, %arg2: memref<1007616x32xf32, #tpu.memory_space<hbm>>, %arg3: memref<204800xi32, #tpu.memory_space<hbm>>, %arg4: memref<204800xi32, #tpu.memory_space<hbm>>, %arg5: memref<2x50x32x4096xf32, #tpu.memory_space<hbm>>, %arg6: memref<512xi32, #tpu.memory_space<vmem>>, %arg7: memref<512xi32, #tpu.memory_space<vmem>>, %arg8: memref<512x32xf32, #tpu.memory_space<vmem>>, %arg9: memref<512x32xf32, #tpu.memory_space<vmem>>, %arg10: memref<32x513xf32, #tpu.memory_space<vmem>>, %arg11: memref<!tpu.dma_semaphore, #tpu.memory_space<semaphore_mem>>, %arg12: memref<!tpu.dma_semaphore, #tpu.memory_space<semaphore_mem>>, %arg13: memref<!tpu.dma_semaphore, #tpu.memory_space<semaphore_mem>>, %arg14: memref<!tpu.dma_semaphore, #tpu.memory_space<semaphore_mem>>, %arg15: memref<!tpu.dma_semaphore, #tpu.memory_space<semaphore_mem>>) attributes {dimension_semantics = [#tpu.dimension_semantics<core_parallel>, #tpu.dimension_semantics<subcore_parallel>], iteration_bounds = array<i64: 2, 16>, scalar_prefetch = 0 : i64, scratch_operands = 10 : i64, tpu.core_type = #tpu.core_type<sc_vector_subcore>, window_params = [{transform_indices = #map}, {transform_indices = #map1}, {transform_indices = #map1}, {transform_indices = #map2}]} {
    %eq3A = arith.constant 0 : i32
    %eq3A_0 = arith.cmpi eq, %arg0, %eq3A : i32
    %convert_element_type3A = arith.extui %eq3A_0 : i1 to i32
    %cond3A = arith.constant 0 : i32
    %cond3A_1 = arith.cmpi ne, %convert_element_type3A, %cond3A : i32
    scf.if %cond3A_1 {
      %mul3A = arith.constant 25 : i32
      %mul3A_7 = arith.muli %arg1, %mul3A : i32
      %add3A = arith.constant 0 : i32
      %add3A_8 = arith.addi %mul3A_7, %add3A : i32
      %mul3A_9 = arith.constant 512 : i32
      %mul3A_10 = arith.muli %add3A_8, %mul3A_9 : i32
      %dma_start3A = tpu.memref_slice %arg3[%mul3A_10] : memref<204800xi32, #tpu.memory_space<hbm>> -> memref<512xi32, #tpu.memory_space<hbm>>
      %dma_start3A_11 = tpu.memref_slice %arg3[%mul3A_10] : memref<204800xi32, #tpu.memory_space<hbm>> -> memref<512xi32, #tpu.memory_space<hbm>>
      tpu.enqueue_dma source(%dma_start3A_11 : memref<512xi32, #tpu.memory_space<hbm>>) target(%arg6 : memref<512xi32, #tpu.memory_space<vmem>>) target_semaphore(%arg11 : memref<!tpu.dma_semaphore, #tpu.memory_space<semaphore_mem>>)
      %mul3A_12 = arith.constant 25 : i32
      %mul3A_13 = arith.muli %arg1, %mul3A_12 : i32
      %add3A_14 = arith.constant 1 : i32
      %add3A_15 = arith.addi %mul3A_13, %add3A_14 : i32
      %mul3A_16 = arith.constant 512 : i32
      %mul3A_17 = arith.muli %add3A_15, %mul3A_16 : i32
      %dma_start3A_18 = tpu.memref_slice %arg3[%mul3A_17] : memref<204800xi32, #tpu.memory_space<hbm>> -> memref<512xi32, #tpu.memory_space<hbm>>
      %dma_start3A_19 = tpu.memref_slice %arg3[%mul3A_17] : memref<204800xi32, #tpu.memory_space<hbm>> -> memref<512xi32, #tpu.memory_space<hbm>>
      tpu.enqueue_dma source(%dma_start3A_19 : memref<512xi32, #tpu.memory_space<hbm>>) target(%arg7 : memref<512xi32, #tpu.memory_space<vmem>>) target_semaphore(%arg12 : memref<!tpu.dma_semaphore, #tpu.memory_space<semaphore_mem>>)
      %mul3A_20 = arith.constant 25 : i32
      %mul3A_21 = arith.muli %arg1, %mul3A_20 : i32
      %add3A_22 = arith.constant 0 : i32
      %add3A_23 = arith.addi %mul3A_21, %add3A_22 : i32
      %mul3A_24 = arith.constant 512 : i32
      %mul3A_25 = arith.muli %add3A_23, %mul3A_24 : i32
      %dma_wait3A = tpu.memref_slice %arg3[%mul3A_25] : memref<204800xi32, #tpu.memory_space<hbm>> -> memref<512xi32, #tpu.memory_space<hbm>>
      %dma_wait3A_26 = tpu.memref_slice %arg3[%mul3A_25] : memref<204800xi32, #tpu.memory_space<hbm>> -> memref<512xi32, #tpu.memory_space<hbm>>
      tpu.wait_dma2 semaphore(%arg11 : memref<!tpu.dma_semaphore, #tpu.memory_space<semaphore_mem>>) src(%dma_wait3A_26 : memref<512xi32, #tpu.memory_space<hbm>>) dst(%arg6 : memref<512xi32, #tpu.memory_space<vmem>>)
      %dma_start3A_27 = arith.constant 0 : i32
      %dma_start3A_28 = arith.constant 0 : i32
      %dma_start3A_29 = tpu.memref_slice %arg2[%dma_start3A_27, %dma_start3A_28] : memref<1007616x32xf32, #tpu.memory_space<hbm>> -> memref<1007616x32xf32, #tpu.memory_space<hbm>>
      tpu.enqueue_indirect_dma source(%dma_start3A_29 : memref<1007616x32xf32, #tpu.memory_space<hbm>>) target(%arg8 : memref<512x32xf32, #tpu.memory_space<vmem>>) offsets(%arg6 : memref<512xi32, #tpu.memory_space<vmem>>) semaphore(%arg13 : memref<!tpu.dma_semaphore, #tpu.memory_space<semaphore_mem>>)
      %dma_wait3A_30 = arith.constant 0 : i32
      %dma_wait3A_31 = arith.constant 0 : i32
      %dma_wait3A_32 = tpu.memref_slice %arg2[%dma_wait3A_30, %dma_wait3A_31] : memref<1007616x32xf32, #tpu.memory_space<hbm>> -> memref<1007616x32xf32, #tpu.memory_space<hbm>>
      tpu.wait_indirect_dma semaphore(%arg13 : memref<!tpu.dma_semaphore, #tpu.memory_space<semaphore_mem>>) src(%dma_wait3A_32 : memref<1007616x32xf32, #tpu.memory_space<hbm>>) dst(%arg8 : memref<512x32xf32, #tpu.memory_space<vmem>>)
      %mul3A_33 = arith.constant 25 : i32
      %mul3A_34 = arith.muli %arg1, %mul3A_33 : i32
      %add3A_35 = arith.constant 1 : i32
      %add3A_36 = arith.addi %mul3A_34, %add3A_35 : i32
      %mul3A_37 = arith.constant 512 : i32
      %mul3A_38 = arith.muli %add3A_36, %mul3A_37 : i32
      %dma_wait3A_39 = tpu.memref_slice %arg3[%mul3A_38] : memref<204800xi32, #tpu.memory_space<hbm>> -> memref<512xi32, #tpu.memory_space<hbm>>
      %dma_wait3A_40 = tpu.memref_slice %arg3[%mul3A_38] : memref<204800xi32, #tpu.memory_space<hbm>> -> memref<512xi32, #tpu.memory_space<hbm>>
      tpu.wait_dma2 semaphore(%arg12 : memref<!tpu.dma_semaphore, #tpu.memory_space<semaphore_mem>>) src(%dma_wait3A_40 : memref<512xi32, #tpu.memory_space<hbm>>) dst(%arg7 : memref<512xi32, #tpu.memory_space<vmem>>)
      %dma_start3A_41 = arith.constant 0 : i32
      %dma_start3A_42 = arith.constant 0 : i32
      %dma_start3A_43 = tpu.memref_slice %arg2[%dma_start3A_41, %dma_start3A_42] : memref<1007616x32xf32, #tpu.memory_space<hbm>> -> memref<1007616x32xf32, #tpu.memory_space<hbm>>
      tpu.enqueue_indirect_dma source(%dma_start3A_43 : memref<1007616x32xf32, #tpu.memory_space<hbm>>) target(%arg9 : memref<512x32xf32, #tpu.memory_space<vmem>>) offsets(%arg7 : memref<512xi32, #tpu.memory_space<vmem>>) semaphore(%arg14 : memref<!tpu.dma_semaphore, #tpu.memory_space<semaphore_mem>>)
      %mul3A_44 = arith.constant 25 : i32
      %mul3A_45 = arith.muli %arg1, %mul3A_44 : i32
      %add3A_46 = arith.constant 2 : i32
      %add3A_47 = arith.addi %mul3A_45, %add3A_46 : i32
      %mul3A_48 = arith.constant 512 : i32
      %mul3A_49 = arith.muli %add3A_47, %mul3A_48 : i32
      %dma_start3A_50 = tpu.memref_slice %arg3[%mul3A_49] : memref<204800xi32, #tpu.memory_space<hbm>> -> memref<512xi32, #tpu.memory_space<hbm>>
      %dma_start3A_51 = tpu.memref_slice %arg3[%mul3A_49] : memref<204800xi32, #tpu.memory_space<hbm>> -> memref<512xi32, #tpu.memory_space<hbm>>
      tpu.enqueue_dma source(%dma_start3A_51 : memref<512xi32, #tpu.memory_space<hbm>>) target(%arg6 : memref<512xi32, #tpu.memory_space<vmem>>) target_semaphore(%arg11 : memref<!tpu.dma_semaphore, #tpu.memory_space<semaphore_mem>>)
      %iota3A = tpu.iota {dimensions = array<i32: 0>} : vector<16xi32>
      %scan3A = arith.constant 0 : i32
      %scan3A_52 = arith.constant 0 : i32
      %scan3A_53 = arith.constant 64 : i32
      %scan3A_54 = arith.addi %scan3A_52, %scan3A_53 : i32
      %scan3A_55 = arith.constant 1 : i32
      scf.for %scan3A_433 = %scan3A_52 to %scan3A_54 step %scan3A_55  : i32 {
        %mul3A_434 = arith.constant 8 : i32
        %mul3A_435 = arith.muli %scan3A_433, %mul3A_434 : i32
        %add3A_436 = arith.constant 0 : i32
        %add3A_437 = arith.addi %mul3A_435, %add3A_436 : i32
        %broadcast_in_dim3A = vector.broadcast %add3A_437 : i32 to vector<16xi32>
        %get3A = arith.index_cast %add3A_437 : i32 to index
        %get3A_438 = arith.constant 0 : index
        %get3A_439 = tpu.vector_load %arg8[%get3A, %get3A_438] {strides = array<i32>} : memref<512x32xf32, #tpu.memory_space<vmem>>, vector<16xf32>,
        %get3A_440 = arith.index_cast %add3A_437 : i32 to index
        %get3A_441 = arith.constant 16 : index
        %get3A_442 = tpu.vector_load %arg8[%get3A_440, %get3A_441] {strides = array<i32>} : memref<512x32xf32, #tpu.memory_space<vmem>>, vector<16xf32>,
        tpu.vector_store_idx %arg10[%iota3A, %broadcast_in_dim3A], %get3A_439 : memref<32x513xf32, #tpu.memory_space<vmem>>[vector<16xi32>, vector<16xi32>], vector<16xf32>,
        %add3A_443 = arith.constant 16 : i32
        %add3A_444 = vector.broadcast %add3A_443 : i32 to vector<16xi32>
        %add3A_445 = arith.addi %iota3A, %add3A_444 : vector<16xi32>
        tpu.vector_store_idx %arg10[%add3A_445, %broadcast_in_dim3A], %get3A_442 : memref<32x513xf32, #tpu.memory_space<vmem>>[vector<16xi32>, vector<16xi32>], vector<16xf32>,
        %add3A_446 = arith.constant 1 : i32
        %add3A_447 = arith.addi %mul3A_435, %add3A_446 : i32
        %broadcast_in_dim3A_448 = vector.broadcast %add3A_447 : i32 to vector<16xi32>
        %get3A_449 = arith.index_cast %add3A_447 : i32 to index
        %get3A_450 = arith.constant 0 : index
        %get3A_451 = tpu.vector_load %arg8[%get3A_449, %get3A_450] {strides = array<i32>} : memref<512x32xf32, #tpu.memory_space<vmem>>, vector<16xf32>,
        %get3A_452 = arith.index_cast %add3A_447 : i32 to index
        %get3A_453 = arith.constant 16 : index
        %get3A_454 = tpu.vector_load %arg8[%get3A_452, %get3A_453] {strides = array<i32>} : memref<512x32xf32, #tpu.memory_space<vmem>>, vector<16xf32>,
        tpu.vector_store_idx %arg10[%iota3A, %broadcast_in_dim3A_448], %get3A_451 : memref<32x513xf32, #tpu.memory_space<vmem>>[vector<16xi32>, vector<16xi32>], vector<16xf32>,
        %add3A_455 = arith.constant 16 : i32
        %add3A_456 = vector.broadcast %add3A_455 : i32 to vector<16xi32>
        %add3A_457 = arith.addi %iota3A, %add3A_456 : vector<16xi32>
        tpu.vector_store_idx %arg10[%add3A_457, %broadcast_in_dim3A_448], %get3A_454 : memref<32x513xf32, #tpu.memory_space<vmem>>[vector<16xi32>, vector<16xi32>], vector<16xf32>,
        %add3A_458 = arith.constant 2 : i32
        %add3A_459 = arith.addi %mul3A_435, %add3A_458 : i32
        %broadcast_in_dim3A_460 = vector.broadcast %add3A_459 : i32 to vector<16xi32>
        %get3A_461 = arith.index_cast %add3A_459 : i32 to index
        %get3A_462 = arith.constant 0 : index
        %get3A_463 = tpu.vector_load %arg8[%get3A_461, %get3A_462] {strides = array<i32>} : memref<512x32xf32, #tpu.memory_space<vmem>>, vector<16xf32>,
        %get3A_464 = arith.index_cast %add3A_459 : i32 to index
        %get3A_465 = arith.constant 16 : index
        %get3A_466 = tpu.vector_load %arg8[%get3A_464, %get3A_465] {strides = array<i32>} : memref<512x32xf32, #tpu.memory_space<vmem>>, vector<16xf32>,
        tpu.vector_store_idx %arg10[%iota3A, %broadcast_in_dim3A_460], %get3A_463 : memref<32x513xf32, #tpu.memory_space<vmem>>[vector<16xi32>, vector<16xi32>], vector<16xf32>,
        %add3A_467 = arith.constant 16 : i32
        %add3A_468 = vector.broadcast %add3A_467 : i32 to vector<16xi32>
        %add3A_469 = arith.addi %iota3A, %add3A_468 : vector<16xi32>
        tpu.vector_store_idx %arg10[%add3A_469, %broadcast_in_dim3A_460], %get3A_466 : memref<32x513xf32, #tpu.memory_space<vmem>>[vector<16xi32>, vector<16xi32>], vector<16xf32>,
        %add3A_470 = arith.constant 3 : i32
        %add3A_471 = arith.addi %mul3A_435, %add3A_470 : i32
        %broadcast_in_dim3A_472 = vector.broadcast %add3A_471 : i32 to vector<16xi32>
        %get3A_473 = arith.index_cast %add3A_471 : i32 to index
        %get3A_474 = arith.constant 0 : index
        %get3A_475 = tpu.vector_load %arg8[%get3A_473, %get3A_474] {strides = array<i32>} : memref<512x32xf32, #tpu.memory_space<vmem>>, vector<16xf32>,
        %get3A_476 = arith.index_cast %add3A_471 : i32 to index
        %get3A_477 = arith.constant 16 : index
        %get3A_478 = tpu.vector_load %arg8[%get3A_476, %get3A_477] {strides = array<i32>} : memref<512x32xf32, #tpu.memory_space<vmem>>, vector<16xf32>,
        tpu.vector_store_idx %arg10[%iota3A, %broadcast_in_dim3A_472], %get3A_475 : memref<32x513xf32, #tpu.memory_space<vmem>>[vector<16xi32>, vector<16xi32>], vector<16xf32>,
        %add3A_479 = arith.constant 16 : i32
        %add3A_480 = vector.broadcast %add3A_479 : i32 to vector<16xi32>
        %add3A_481 = arith.addi %iota3A, %add3A_480 : vector<16xi32>
        tpu.vector_store_idx %arg10[%add3A_481, %broadcast_in_dim3A_472], %get3A_478 : memref<32x513xf32, #tpu.memory_space<vmem>>[vector<16xi32>, vector<16xi32>], vector<16xf32>,
        %add3A_482 = arith.constant 4 : i32
        %add3A_483 = arith.addi %mul3A_435, %add3A_482 : i32
        %broadcast_in_dim3A_484 = vector.broadcast %add3A_483 : i32 to vector<16xi32>
        %get3A_485 = arith.index_cast %add3A_483 : i32 to index
        %get3A_486 = arith.constant 0 : index
        %get3A_487 = tpu.vector_load %arg8[%get3A_485, %get3A_486] {strides = array<i32>} : memref<512x32xf32, #tpu.memory_space<vmem>>, vector<16xf32>,
        %get3A_488 = arith.index_cast %add3A_483 : i32 to index
        %get3A_489 = arith.constant 16 : index
        %get3A_490 = tpu.vector_load %arg8[%get3A_488, %get3A_489] {strides = array<i32>} : memref<512x32xf32, #tpu.memory_space<vmem>>, vector<16xf32>,
        tpu.vector_store_idx %arg10[%iota3A, %broadcast_in_dim3A_484], %get3A_487 : memref<32x513xf32, #tpu.memory_space<vmem>>[vector<16xi32>, vector<16xi32>], vector<16xf32>,
        %add3A_491 = arith.constant 16 : i32
        %add3A_492 = vector.broadcast %add3A_491 : i32 to vector<16xi32>
        %add3A_493 = arith.addi %iota3A, %add3A_492 : vector<16xi32>
        tpu.vector_store_idx %arg10[%add3A_493, %broadcast_in_dim3A_484], %get3A_490 : memref<32x513xf32, #tpu.memory_space<vmem>>[vector<16xi32>, vector<16xi32>], vector<16xf32>,
        %add3A_494 = arith.constant 5 : i32
        %add3A_495 = arith.addi %mul3A_435, %add3A_494 : i32
        %broadcast_in_dim3A_496 = vector.broadcast %add3A_495 : i32 to vector<16xi32>
        %get3A_497 = arith.index_cast %add3A_495 : i32 to index
        %get3A_498 = arith.constant 0 : index
        %get3A_499 = tpu.vector_load %arg8[%get3A_497, %get3A_498] {strides = array<i32>} : memref<512x32xf32, #tpu.memory_space<vmem>>, vector<16xf32>,
        %get3A_500 = arith.index_cast %add3A_495 : i32 to index
        %get3A_501 = arith.constant 16 : index
        %get3A_502 = tpu.vector_load %arg8[%get3A_500, %get3A_501] {strides = array<i32>} : memref<512x32xf32, #tpu.memory_space<vmem>>, vector<16xf32>,
        tpu.vector_store_idx %arg10[%iota3A, %broadcast_in_dim3A_496], %get3A_499 : memref<32x513xf32, #tpu.memory_space<vmem>>[vector<16xi32>, vector<16xi32>], vector<16xf32>,
        %add3A_503 = arith.constant 16 : i32
        %add3A_504 = vector.broadcast %add3A_503 : i32 to vector<16xi32>
        %add3A_505 = arith.addi %iota3A, %add3A_504 : vector<16xi32>
        tpu.vector_store_idx %arg10[%add3A_505, %broadcast_in_dim3A_496], %get3A_502 : memref<32x513xf32, #tpu.memory_space<vmem>>[vector<16xi32>, vector<16xi32>], vector<16xf32>,
        %add3A_506 = arith.constant 6 : i32
        %add3A_507 = arith.addi %mul3A_435, %add3A_506 : i32
        %broadcast_in_dim3A_508 = vector.broadcast %add3A_507 : i32 to vector<16xi32>
        %get3A_509 = arith.index_cast %add3A_507 : i32 to index
        %get3A_510 = arith.constant 0 : index
        %get3A_511 = tpu.vector_load %arg8[%get3A_509, %get3A_510] {strides = array<i32>} : memref<512x32xf32, #tpu.memory_space<vmem>>, vector<16xf32>,
        %get3A_512 = arith.index_cast %add3A_507 : i32 to index
        %get3A_513 = arith.constant 16 : index
        %get3A_514 = tpu.vector_load %arg8[%get3A_512, %get3A_513] {strides = array<i32>} : memref<512x32xf32, #tpu.memory_space<vmem>>, vector<16xf32>,
        tpu.vector_store_idx %arg10[%iota3A, %broadcast_in_dim3A_508], %get3A_511 : memref<32x513xf32, #tpu.memory_space<vmem>>[vector<16xi32>, vector<16xi32>], vector<16xf32>,
        %add3A_515 = arith.constant 16 : i32
        %add3A_516 = vector.broadcast %add3A_515 : i32 to vector<16xi32>
        %add3A_517 = arith.addi %iota3A, %add3A_516 : vector<16xi32>
        tpu.vector_store_idx %arg10[%add3A_517, %broadcast_in_dim3A_508], %get3A_514 : memref<32x513xf32, #tpu.memory_space<vmem>>[vector<16xi32>, vector<16xi32>], vector<16xf32>,
        %add3A_518 = arith.constant 7 : i32
        %add3A_519 = arith.addi %mul3A_435, %add3A_518 : i32
        %broadcast_in_dim3A_520 = vector.broadcast %add3A_519 : i32 to vector<16xi32>
        %get3A_521 = arith.index_cast %add3A_519 : i32 to index
        %get3A_522 = arith.constant 0 : index
        %get3A_523 = tpu.vector_load %arg8[%get3A_521, %get3A_522] {strides = array<i32>} : memref<512x32xf32, #tpu.memory_space<vmem>>, vector<16xf32>,
        %get3A_524 = arith.index_cast %add3A_519 : i32 to index
        %get3A_525 = arith.constant 16 : index
        %get3A_526 = tpu.vector_load %arg8[%get3A_524, %get3A_525] {strides = array<i32>} : memref<512x32xf32, #tpu.memory_space<vmem>>, vector<16xf32>,
        tpu.vector_store_idx %arg10[%iota3A, %broadcast_in_dim3A_520], %get3A_523 : memref<32x513xf32, #tpu.memory_space<vmem>>[vector<16xi32>, vector<16xi32>], vector<16xf32>,
        %add3A_527 = arith.constant 16 : i32
        %add3A_528 = vector.broadcast %add3A_527 : i32 to vector<16xi32>
        %add3A_529 = arith.addi %iota3A, %add3A_528 : vector<16xi32>
        tpu.vector_store_idx %arg10[%add3A_529, %broadcast_in_dim3A_520], %get3A_526 : memref<32x513xf32, #tpu.memory_space<vmem>>[vector<16xi32>, vector<16xi32>], vector<16xf32>,
      }
      %scan3A_56 = arith.constant 64 : i32
      %mul3A_57 = arith.constant 25 : i32
      %mul3A_58 = arith.muli %arg1, %mul3A_57 : i32
      %add3A_59 = arith.constant 0 : i32
      %add3A_60 = arith.addi %mul3A_58, %add3A_59 : i32
      %jit3A = arith.constant 8 : i32
      %div3A = arith.divsi %add3A_60, %jit3A : i32
      %sign3A = arith.constant 0 : i32
      %sign3A_61 = arith.cmpi sgt, %add3A_60, %sign3A : i32
      %sign3A_62 = arith.extui %sign3A_61 : i1 to i32
      %sign3A_63 = arith.constant 0 : i32
      %sign3A_64 = arith.cmpi slt, %add3A_60, %sign3A_63 : i32
      %sign3A_65 = arith.extui %sign3A_64 : i1 to i32
      %sign3A_66 = arith.subi %sign3A_62, %sign3A_65 : i32
      %sign3A_67 = arith.constant 0 : i32
      %sign3A_68 = arith.cmpi sgt, %jit3A, %sign3A_67 : i32
      %sign3A_69 = arith.extui %sign3A_68 : i1 to i32
      %sign3A_70 = arith.constant 0 : i32
      %sign3A_71 = arith.cmpi slt, %jit3A, %sign3A_70 : i32
      %sign3A_72 = arith.extui %sign3A_71 : i1 to i32
      %sign3A_73 = arith.subi %sign3A_69, %sign3A_72 : i32
      %ne3A = arith.cmpi ne, %sign3A_66, %sign3A_73 : i32
      %rem3A = arith.remsi %add3A_60, %jit3A : i32
      %ne3A_74 = arith.constant 0 : i32
      %ne3A_75 = arith.cmpi ne, %rem3A, %ne3A_74 : i32
      %and3A = arith.andi %ne3A, %ne3A_75 : i1
      %sub3A = arith.constant 1 : i32
      %sub3A_76 = arith.subi %div3A, %sub3A : i32
      %select_n3A = arith.select %and3A, %sub3A_76, %div3A : i32
      %jit3A_77 = arith.constant 8 : i32
      %eq3A_78 = arith.constant 0 : i32
      %eq3A_79 = arith.cmpi eq, %jit3A_77, %eq3A_78 : i32
      %jit3A_80 = arith.constant 1 : i32
      %select_n3A_81 = arith.select %eq3A_79, %jit3A_80, %jit3A_77 : i32
      %rem3A_82 = arith.remsi %add3A_60, %select_n3A_81 : i32
      %ne3A_83 = arith.constant 0 : i32
      %ne3A_84 = arith.cmpi ne, %rem3A_82, %ne3A_83 : i32
      %lt3A = arith.constant 0 : i32
      %lt3A_85 = arith.cmpi slt, %rem3A_82, %lt3A : i32
      %lt3A_86 = arith.constant 0 : i32
      %lt3A_87 = arith.cmpi slt, %select_n3A_81, %lt3A_86 : i32
      %ne3A_88 = arith.xori %lt3A_85, %lt3A_87 : i1
      %and3A_89 = arith.andi %ne3A_88, %ne3A_84 : i1
      %add3A_90 = arith.addi %rem3A_82, %select_n3A_81 : i32
      %select_n3A_91 = arith.select %and3A_89, %add3A_90, %rem3A_82 : i32
      %mul3A_92 = arith.constant 512 : i32
      %mul3A_93 = arith.muli %select_n3A_91, %mul3A_92 : i32
      %dma_start3A_94 = arith.constant 0 : i32
      %dma_start3A_95 = arith.constant 0 : i32
      %dma_start3A_96 = tpu.memref_slice %arg10[%dma_start3A_94, %dma_start3A_95] : memref<32x513xf32, #tpu.memory_space<vmem>> -> memref<32x512xf32, #tpu.memory_space<vmem>>
      %dma_start3A_97 = arith.constant 0 : i32
      %dma_start3A_98 = tpu.memref_slice %arg5[%arg0, %select_n3A, %dma_start3A_97, %mul3A_93] : memref<2x50x32x4096xf32, #tpu.memory_space<hbm>> -> memref<1x1x32x512xf32, #tpu.memory_space<hbm>>
      %dma_start3A_99 = tpu.memref_squeeze %dma_start3A_98 : memref<1x1x32x512xf32, #tpu.memory_space<hbm>> -> memref<32x512xf32, #tpu.memory_space<hbm>>
      %dma_start3A_100 = arith.constant 0 : i32
      %dma_start3A_101 = tpu.memref_slice %arg5[%arg0, %select_n3A, %dma_start3A_100, %mul3A_93] : memref<2x50x32x4096xf32, #tpu.memory_space<hbm>> -> memref<1x1x32x512xf32, #tpu.memory_space<hbm>>
      %dma_start3A_102 = tpu.memref_squeeze %dma_start3A_101 : memref<1x1x32x512xf32, #tpu.memory_space<hbm>> -> memref<32x512xf32, #tpu.memory_space<hbm>>
      %dma_start3A_103 = arith.constant 0 : i32
      %dma_start3A_104 = arith.constant 0 : i32
      %dma_start3A_105 = tpu.memref_slice %arg10[%dma_start3A_103, %dma_start3A_104] : memref<32x513xf32, #tpu.memory_space<vmem>> -> memref<32x512xf32, #tpu.memory_space<vmem>>
      tpu.enqueue_dma source(%dma_start3A_105 : memref<32x512xf32, #tpu.memory_space<vmem>>) target(%dma_start3A_102 : memref<32x512xf32, #tpu.memory_space<hbm>>) target_semaphore(%arg15 : memref<!tpu.dma_semaphore, #tpu.memory_space<semaphore_mem>>)
      %scan3A_106 = arith.constant 0 : i32
      %scan3A_107 = arith.constant 0 : i32
      %scan3A_108 = arith.constant 11 : i32
      %scan3A_109 = arith.addi %scan3A_107, %scan3A_108 : i32
      %scan3A_110 = arith.constant 1 : i32
      scf.for %scan3A_433 = %scan3A_107 to %scan3A_109 step %scan3A_110  : i32 {
        %mul3A_434 = arith.constant 2 : i32
        %mul3A_435 = arith.muli %mul3A_434, %scan3A_433 : i32
        %add3A_436 = arith.constant 1 : i32
        %add3A_437 = arith.addi %mul3A_435, %add3A_436 : i32
        %dma_wait3A_438 = arith.constant 0 : i32
        %dma_wait3A_439 = arith.constant 0 : i32
        %dma_wait3A_440 = tpu.memref_slice %arg2[%dma_wait3A_438, %dma_wait3A_439] : memref<1007616x32xf32, #tpu.memory_space<hbm>> -> memref<1007616x32xf32, #tpu.memory_space<hbm>>
        tpu.wait_indirect_dma semaphore(%arg14 : memref<!tpu.dma_semaphore, #tpu.memory_space<semaphore_mem>>) src(%dma_wait3A_440 : memref<1007616x32xf32, #tpu.memory_space<hbm>>) dst(%arg9 : memref<512x32xf32, #tpu.memory_space<vmem>>)
        %add3A_441 = arith.constant 1 : i32
        %add3A_442 = arith.addi %add3A_437, %add3A_441 : i32
        %mul3A_443 = arith.constant 25 : i32
        %mul3A_444 = arith.muli %arg1, %mul3A_443 : i32
        %add3A_445 = arith.addi %mul3A_444, %add3A_442 : i32
        %mul3A_446 = arith.constant 512 : i32
        %mul3A_447 = arith.muli %add3A_445, %mul3A_446 : i32
        %dma_wait3A_448 = tpu.memref_slice %arg3[%mul3A_447] : memref<204800xi32, #tpu.memory_space<hbm>> -> memref<512xi32, #tpu.memory_space<hbm>>
        %dma_wait3A_449 = tpu.memref_slice %arg3[%mul3A_447] : memref<204800xi32, #tpu.memory_space<hbm>> -> memref<512xi32, #tpu.memory_space<hbm>>
        tpu.wait_dma2 semaphore(%arg11 : memref<!tpu.dma_semaphore, #tpu.memory_space<semaphore_mem>>) src(%dma_wait3A_449 : memref<512xi32, #tpu.memory_space<hbm>>) dst(%arg6 : memref<512xi32, #tpu.memory_space<vmem>>)
        %dma_start3A_450 = arith.constant 0 : i32
        %dma_start3A_451 = arith.constant 0 : i32
        %dma_start3A_452 = tpu.memref_slice %arg2[%dma_start3A_450, %dma_start3A_451] : memref<1007616x32xf32, #tpu.memory_space<hbm>> -> memref<1007616x32xf32, #tpu.memory_space<hbm>>
        tpu.enqueue_indirect_dma source(%dma_start3A_452 : memref<1007616x32xf32, #tpu.memory_space<hbm>>) target(%arg8 : memref<512x32xf32, #tpu.memory_space<vmem>>) offsets(%arg6 : memref<512xi32, #tpu.memory_space<vmem>>) semaphore(%arg13 : memref<!tpu.dma_semaphore, #tpu.memory_space<semaphore_mem>>)
        %add3A_453 = arith.constant 2 : i32
        %add3A_454 = arith.addi %add3A_437, %add3A_453 : i32
        %mul3A_455 = arith.constant 25 : i32
        %mul3A_456 = arith.muli %arg1, %mul3A_455 : i32
        %add3A_457 = arith.addi %mul3A_456, %add3A_454 : i32
        %mul3A_458 = arith.constant 512 : i32
        %mul3A_459 = arith.muli %add3A_457, %mul3A_458 : i32
        %dma_start3A_460 = tpu.memref_slice %arg3[%mul3A_459] : memref<204800xi32, #tpu.memory_space<hbm>> -> memref<512xi32, #tpu.memory_space<hbm>>
        %dma_start3A_461 = tpu.memref_slice %arg3[%mul3A_459] : memref<204800xi32, #tpu.memory_space<hbm>> -> memref<512xi32, #tpu.memory_space<hbm>>
        tpu.enqueue_dma source(%dma_start3A_461 : memref<512xi32, #tpu.memory_space<hbm>>) target(%arg7 : memref<512xi32, #tpu.memory_space<vmem>>) target_semaphore(%arg12 : memref<!tpu.dma_semaphore, #tpu.memory_space<semaphore_mem>>)
        %sub3A_462 = arith.constant 1 : i32
        %sub3A_463 = arith.subi %add3A_437, %sub3A_462 : i32
        %mul3A_464 = arith.constant 25 : i32
        %mul3A_465 = arith.muli %arg1, %mul3A_464 : i32
        %add3A_466 = arith.addi %mul3A_465, %sub3A_463 : i32
        %jit3A_467 = arith.constant 8 : i32
        %div3A_468 = arith.divsi %add3A_466, %jit3A_467 : i32
        %sign3A_469 = arith.constant 0 : i32
        %sign3A_470 = arith.cmpi sgt, %add3A_466, %sign3A_469 : i32
        %sign3A_471 = arith.extui %sign3A_470 : i1 to i32
        %sign3A_472 = arith.constant 0 : i32
        %sign3A_473 = arith.cmpi slt, %add3A_466, %sign3A_472 : i32
        %sign3A_474 = arith.extui %sign3A_473 : i1 to i32
        %sign3A_475 = arith.subi %sign3A_471, %sign3A_474 : i32
        %sign3A_476 = arith.constant 0 : i32
        %sign3A_477 = arith.cmpi sgt, %jit3A_467, %sign3A_476 : i32
        %sign3A_478 = arith.extui %sign3A_477 : i1 to i32
        %sign3A_479 = arith.constant 0 : i32
        %sign3A_480 = arith.cmpi slt, %jit3A_467, %sign3A_479 : i32
        %sign3A_481 = arith.extui %sign3A_480 : i1 to i32
        %sign3A_482 = arith.subi %sign3A_478, %sign3A_481 : i32
        %ne3A_483 = arith.cmpi ne, %sign3A_475, %sign3A_482 : i32
        %rem3A_484 = arith.remsi %add3A_466, %jit3A_467 : i32
        %ne3A_485 = arith.constant 0 : i32
        %ne3A_486 = arith.cmpi ne, %rem3A_484, %ne3A_485 : i32
        %and3A_487 = arith.andi %ne3A_483, %ne3A_486 : i1
        %sub3A_488 = arith.constant 1 : i32
        %sub3A_489 = arith.subi %div3A_468, %sub3A_488 : i32
        %select_n3A_490 = arith.select %and3A_487, %sub3A_489, %div3A_468 : i32
        %jit3A_491 = arith.constant 8 : i32
        %eq3A_492 = arith.constant 0 : i32
        %eq3A_493 = arith.cmpi eq, %jit3A_491, %eq3A_492 : i32
        %jit3A_494 = arith.constant 1 : i32
        %select_n3A_495 = arith.select %eq3A_493, %jit3A_494, %jit3A_491 : i32
        %rem3A_496 = arith.remsi %add3A_466, %select_n3A_495 : i32
        %ne3A_497 = arith.constant 0 : i32
        %ne3A_498 = arith.cmpi ne, %rem3A_496, %ne3A_497 : i32
        %lt3A_499 = arith.constant 0 : i32
        %lt3A_500 = arith.cmpi slt, %rem3A_496, %lt3A_499 : i32
        %lt3A_501 = arith.constant 0 : i32
        %lt3A_502 = arith.cmpi slt, %select_n3A_495, %lt3A_501 : i32
        %ne3A_503 = arith.xori %lt3A_500, %lt3A_502 : i1
        %and3A_504 = arith.andi %ne3A_503, %ne3A_498 : i1
        %add3A_505 = arith.addi %rem3A_496, %select_n3A_495 : i32
        %select_n3A_506 = arith.select %and3A_504, %add3A_505, %rem3A_496 : i32
        %mul3A_507 = arith.constant 512 : i32
        %mul3A_508 = arith.muli %select_n3A_506, %mul3A_507 : i32
        %dma_wait3A_509 = arith.constant 0 : i32
        %dma_wait3A_510 = arith.constant 0 : i32
        %dma_wait3A_511 = tpu.memref_slice %arg10[%dma_wait3A_509, %dma_wait3A_510] : memref<32x513xf32, #tpu.memory_space<vmem>> -> memref<32x512xf32, #tpu.memory_space<vmem>>
        %dma_wait3A_512 = arith.constant 0 : i32
        %dma_wait3A_513 = tpu.memref_slice %arg5[%arg0, %select_n3A_490, %dma_wait3A_512, %mul3A_508] : memref<2x50x32x4096xf32, #tpu.memory_space<hbm>> -> memref<1x1x32x512xf32, #tpu.memory_space<hbm>>
        %dma_wait3A_514 = tpu.memref_squeeze %dma_wait3A_513 : memref<1x1x32x512xf32, #tpu.memory_space<hbm>> -> memref<32x512xf32, #tpu.memory_space<hbm>>
        %dma_wait3A_515 = arith.constant 0 : i32
        %dma_wait3A_516 = tpu.memref_slice %arg5[%arg0, %select_n3A_490, %dma_wait3A_515, %mul3A_508] : memref<2x50x32x4096xf32, #tpu.memory_space<hbm>> -> memref<1x1x32x512xf32, #tpu.memory_space<hbm>>
        %dma_wait3A_517 = tpu.memref_squeeze %dma_wait3A_516 : memref<1x1x32x512xf32, #tpu.memory_space<hbm>> -> memref<32x512xf32, #tpu.memory_space<hbm>>
        %dma_wait3A_518 = arith.constant 0 : i32
        %dma_wait3A_519 = arith.constant 0 : i32
        %dma_wait3A_520 = tpu.memref_slice %arg10[%dma_wait3A_518, %dma_wait3A_519] : memref<32x513xf32, #tpu.memory_space<vmem>> -> memref<32x512xf32, #tpu.memory_space<vmem>>
        tpu.wait_dma2 semaphore(%arg15 : memref<!tpu.dma_semaphore, #tpu.memory_space<semaphore_mem>>) src(%dma_wait3A_520 : memref<32x512xf32, #tpu.memory_space<vmem>>) dst(%dma_wait3A_517 : memref<32x512xf32, #tpu.memory_space<hbm>>)
        %iota3A_521 = tpu.iota {dimensions = array<i32: 0>} : vector<16xi32>
        %scan3A_522 = arith.constant 0 : i32
        %scan3A_523 = arith.constant 0 : i32
        %scan3A_524 = arith.constant 64 : i32
        %scan3A_525 = arith.addi %scan3A_523, %scan3A_524 : i32
        %scan3A_526 = arith.constant 1 : i32
        scf.for %scan3A_736 = %scan3A_523 to %scan3A_525 step %scan3A_526  : i32 {
          %mul3A_737 = arith.constant 8 : i32
          %mul3A_738 = arith.muli %scan3A_736, %mul3A_737 : i32
          %add3A_739 = arith.constant 0 : i32
          %add3A_740 = arith.addi %mul3A_738, %add3A_739 : i32
          %broadcast_in_dim3A = vector.broadcast %add3A_740 : i32 to vector<16xi32>
          %get3A = arith.index_cast %add3A_740 : i32 to index
          %get3A_741 = arith.constant 0 : index
          %get3A_742 = tpu.vector_load %arg9[%get3A, %get3A_741] {strides = array<i32>} : memref<512x32xf32, #tpu.memory_space<vmem>>, vector<16xf32>,
          %get3A_743 = arith.index_cast %add3A_740 : i32 to index
          %get3A_744 = arith.constant 16 : index
          %get3A_745 = tpu.vector_load %arg9[%get3A_743, %get3A_744] {strides = array<i32>} : memref<512x32xf32, #tpu.memory_space<vmem>>, vector<16xf32>,
          tpu.vector_store_idx %arg10[%iota3A_521, %broadcast_in_dim3A], %get3A_742 : memref<32x513xf32, #tpu.memory_space<vmem>>[vector<16xi32>, vector<16xi32>], vector<16xf32>,
          %add3A_746 = arith.constant 16 : i32
          %add3A_747 = vector.broadcast %add3A_746 : i32 to vector<16xi32>
          %add3A_748 = arith.addi %iota3A_521, %add3A_747 : vector<16xi32>
          tpu.vector_store_idx %arg10[%add3A_748, %broadcast_in_dim3A], %get3A_745 : memref<32x513xf32, #tpu.memory_space<vmem>>[vector<16xi32>, vector<16xi32>], vector<16xf32>,
          %add3A_749 = arith.constant 1 : i32
          %add3A_750 = arith.addi %mul3A_738, %add3A_749 : i32
          %broadcast_in_dim3A_751 = vector.broadcast %add3A_750 : i32 to vector<16xi32>
          %get3A_752 = arith.index_cast %add3A_750 : i32 to index
          %get3A_753 = arith.constant 0 : index
          %get3A_754 = tpu.vector_load %arg9[%get3A_752, %get3A_753] {strides = array<i32>} : memref<512x32xf32, #tpu.memory_space<vmem>>, vector<16xf32>,
          %get3A_755 = arith.index_cast %add3A_750 : i32 to index
          %get3A_756 = arith.constant 16 : index
          %get3A_757 = tpu.vector_load %arg9[%get3A_755, %get3A_756] {strides = array<i32>} : memref<512x32xf32, #tpu.memory_space<vmem>>, vector<16xf32>,
          tpu.vector_store_idx %arg10[%iota3A_521, %broadcast_in_dim3A_751], %get3A_754 : memref<32x513xf32, #tpu.memory_space<vmem>>[vector<16xi32>, vector<16xi32>], vector<16xf32>,
          %add3A_758 = arith.constant 16 : i32
          %add3A_759 = vector.broadcast %add3A_758 : i32 to vector<16xi32>
          %add3A_760 = arith.addi %iota3A_521, %add3A_759 : vector<16xi32>
          tpu.vector_store_idx %arg10[%add3A_760, %broadcast_in_dim3A_751], %get3A_757 : memref<32x513xf32, #tpu.memory_space<vmem>>[vector<16xi32>, vector<16xi32>], vector<16xf32>,
          %add3A_761 = arith.constant 2 : i32
          %add3A_762 = arith.addi %mul3A_738, %add3A_761 : i32
          %broadcast_in_dim3A_763 = vector.broadcast %add3A_762 : i32 to vector<16xi32>
          %get3A_764 = arith.index_cast %add3A_762 : i32 to index
          %get3A_765 = arith.constant 0 : index
          %get3A_766 = tpu.vector_load %arg9[%get3A_764, %get3A_765] {strides = array<i32>} : memref<512x32xf32, #tpu.memory_space<vmem>>, vector<16xf32>,
          %get3A_767 = arith.index_cast %add3A_762 : i32 to index
          %get3A_768 = arith.constant 16 : index
          %get3A_769 = tpu.vector_load %arg9[%get3A_767, %get3A_768] {strides = array<i32>} : memref<512x32xf32, #tpu.memory_space<vmem>>, vector<16xf32>,
          tpu.vector_store_idx %arg10[%iota3A_521, %broadcast_in_dim3A_763], %get3A_766 : memref<32x513xf32, #tpu.memory_space<vmem>>[vector<16xi32>, vector<16xi32>], vector<16xf32>,
          %add3A_770 = arith.constant 16 : i32
          %add3A_771 = vector.broadcast %add3A_770 : i32 to vector<16xi32>
          %add3A_772 = arith.addi %iota3A_521, %add3A_771 : vector<16xi32>
          tpu.vector_store_idx %arg10[%add3A_772, %broadcast_in_dim3A_763], %get3A_769 : memref<32x513xf32, #tpu.memory_space<vmem>>[vector<16xi32>, vector<16xi32>], vector<16xf32>,
          %add3A_773 = arith.constant 3 : i32
          %add3A_774 = arith.addi %mul3A_738, %add3A_773 : i32
          %broadcast_in_dim3A_775 = vector.broadcast %add3A_774 : i32 to vector<16xi32>
          %get3A_776 = arith.index_cast %add3A_774 : i32 to index
          %get3A_777 = arith.constant 0 : index
          %get3A_778 = tpu.vector_load %arg9[%get3A_776, %get3A_777] {strides = array<i32>} : memref<512x32xf32, #tpu.memory_space<vmem>>, vector<16xf32>,
          %get3A_779 = arith.index_cast %add3A_774 : i32 to index
          %get3A_780 = arith.constant 16 : index
          %get3A_781 = tpu.vector_load %arg9[%get3A_779, %get3A_780] {strides = array<i32>} : memref<512x32xf32, #tpu.memory_space<vmem>>, vector<16xf32>,
          tpu.vector_store_idx %arg10[%iota3A_521, %broadcast_in_dim3A_775], %get3A_778 : memref<32x513xf32, #tpu.memory_space<vmem>>[vector<16xi32>, vector<16xi32>], vector<16xf32>,
          %add3A_782 = arith.constant 16 : i32
          %add3A_783 = vector.broadcast %add3A_782 : i32 to vector<16xi32>
          %add3A_784 = arith.addi %iota3A_521, %add3A_783 : vector<16xi32>
          tpu.vector_store_idx %arg10[%add3A_784, %broadcast_in_dim3A_775], %get3A_781 : memref<32x513xf32, #tpu.memory_space<vmem>>[vector<16xi32>, vector<16xi32>], vector<16xf32>,
          %add3A_785 = arith.constant 4 : i32
          %add3A_786 = arith.addi %mul3A_738, %add3A_785 : i32
          %broadcast_in_dim3A_787 = vector.broadcast %add3A_786 : i32 to vector<16xi32>
          %get3A_788 = arith.index_cast %add3A_786 : i32 to index
          %get3A_789 = arith.constant 0 : index
          %get3A_790 = tpu.vector_load %arg9[%get3A_788, %get3A_789] {strides = array<i32>} : memref<512x32xf32, #tpu.memory_space<vmem>>, vector<16xf32>,
          %get3A_791 = arith.index_cast %add3A_786 : i32 to index
          %get3A_792 = arith.constant 16 : index
          %get3A_793 = tpu.vector_load %arg9[%get3A_791, %get3A_792] {strides = array<i32>} : memref<512x32xf32, #tpu.memory_space<vmem>>, vector<16xf32>,
          tpu.vector_store_idx %arg10[%iota3A_521, %broadcast_in_dim3A_787], %get3A_790 : memref<32x513xf32, #tpu.memory_space<vmem>>[vector<16xi32>, vector<16xi32>], vector<16xf32>,
          %add3A_794 = arith.constant 16 : i32
          %add3A_795 = vector.broadcast %add3A_794 : i32 to vector<16xi32>
          %add3A_796 = arith.addi %iota3A_521, %add3A_795 : vector<16xi32>
          tpu.vector_store_idx %arg10[%add3A_796, %broadcast_in_dim3A_787], %get3A_793 : memref<32x513xf32, #tpu.memory_space<vmem>>[vector<16xi32>, vector<16xi32>], vector<16xf32>,
          %add3A_797 = arith.constant 5 : i32
          %add3A_798 = arith.addi %mul3A_738, %add3A_797 : i32
          %broadcast_in_dim3A_799 = vector.broadcast %add3A_798 : i32 to vector<16xi32>
          %get3A_800 = arith.index_cast %add3A_798 : i32 to index
          %get3A_801 = arith.constant 0 : index
          %get3A_802 = tpu.vector_load %arg9[%get3A_800, %get3A_801] {strides = array<i32>} : memref<512x32xf32, #tpu.memory_space<vmem>>, vector<16xf32>,
          %get3A_803 = arith.index_cast %add3A_798 : i32 to index
          %get3A_804 = arith.constant 16 : index
          %get3A_805 = tpu.vector_load %arg9[%get3A_803, %get3A_804] {strides = array<i32>} : memref<512x32xf32, #tpu.memory_space<vmem>>, vector<16xf32>,
          tpu.vector_store_idx %arg10[%iota3A_521, %broadcast_in_dim3A_799], %get3A_802 : memref<32x513xf32, #tpu.memory_space<vmem>>[vector<16xi32>, vector<16xi32>], vector<16xf32>,
          %add3A_806 = arith.constant 16 : i32
          %add3A_807 = vector.broadcast %add3A_806 : i32 to vector<16xi32>
          %add3A_808 = arith.addi %iota3A_521, %add3A_807 : vector<16xi32>
          tpu.vector_store_idx %arg10[%add3A_808, %broadcast_in_dim3A_799], %get3A_805 : memref<32x513xf32, #tpu.memory_space<vmem>>[vector<16xi32>, vector<16xi32>], vector<16xf32>,
          %add3A_809 = arith.constant 6 : i32
          %add3A_810 = arith.addi %mul3A_738, %add3A_809 : i32
          %broadcast_in_dim3A_811 = vector.broadcast %add3A_810 : i32 to vector<16xi32>
          %get3A_812 = arith.index_cast %add3A_810 : i32 to index
          %get3A_813 = arith.constant 0 : index
          %get3A_814 = tpu.vector_load %arg9[%get3A_812, %get3A_813] {strides = array<i32>} : memref<512x32xf32, #tpu.memory_space<vmem>>, vector<16xf32>,
          %get3A_815 = arith.index_cast %add3A_810 : i32 to index
          %get3A_816 = arith.constant 16 : index
          %get3A_817 = tpu.vector_load %arg9[%get3A_815, %get3A_816] {strides = array<i32>} : memref<512x32xf32, #tpu.memory_space<vmem>>, vector<16xf32>,
          tpu.vector_store_idx %arg10[%iota3A_521, %broadcast_in_dim3A_811], %get3A_814 : memref<32x513xf32, #tpu.memory_space<vmem>>[vector<16xi32>, vector<16xi32>], vector<16xf32>,
          %add3A_818 = arith.constant 16 : i32
          %add3A_819 = vector.broadcast %add3A_818 : i32 to vector<16xi32>
          %add3A_820 = arith.addi %iota3A_521, %add3A_819 : vector<16xi32>
          tpu.vector_store_idx %arg10[%add3A_820, %broadcast_in_dim3A_811], %get3A_817 : memref<32x513xf32, #tpu.memory_space<vmem>>[vector<16xi32>, vector<16xi32>], vector<16xf32>,
          %add3A_821 = arith.constant 7 : i32
          %add3A_822 = arith.addi %mul3A_738, %add3A_821 : i32
          %broadcast_in_dim3A_823 = vector.broadcast %add3A_822 : i32 to vector<16xi32>
          %get3A_824 = arith.index_cast %add3A_822 : i32 to index
          %get3A_825 = arith.constant 0 : index
          %get3A_826 = tpu.vector_load %arg9[%get3A_824, %get3A_825] {strides = array<i32>} : memref<512x32xf32, #tpu.memory_space<vmem>>, vector<16xf32>,
          %get3A_827 = arith.index_cast %add3A_822 : i32 to index
          %get3A_828 = arith.constant 16 : index
          %get3A_829 = tpu.vector_load %arg9[%get3A_827, %get3A_828] {strides = array<i32>} : memref<512x32xf32, #tpu.memory_space<vmem>>, vector<16xf32>,
          tpu.vector_store_idx %arg10[%iota3A_521, %broadcast_in_dim3A_823], %get3A_826 : memref<32x513xf32, #tpu.memory_space<vmem>>[vector<16xi32>, vector<16xi32>], vector<16xf32>,
          %add3A_830 = arith.constant 16 : i32
          %add3A_831 = vector.broadcast %add3A_830 : i32 to vector<16xi32>
          %add3A_832 = arith.addi %iota3A_521, %add3A_831 : vector<16xi32>
          tpu.vector_store_idx %arg10[%add3A_832, %broadcast_in_dim3A_823], %get3A_829 : memref<32x513xf32, #tpu.memory_space<vmem>>[vector<16xi32>, vector<16xi32>], vector<16xf32>,
        }
        %scan3A_527 = arith.constant 64 : i32
        %mul3A_528 = arith.constant 25 : i32
        %mul3A_529 = arith.muli %arg1, %mul3A_528 : i32
        %add3A_530 = arith.addi %mul3A_529, %add3A_437 : i32
        %jit3A_531 = arith.constant 8 : i32
        %div3A_532 = arith.divsi %add3A_530, %jit3A_531 : i32
        %sign3A_533 = arith.constant 0 : i32
        %sign3A_534 = arith.cmpi sgt, %add3A_530, %sign3A_533 : i32
        %sign3A_535 = arith.extui %sign3A_534 : i1 to i32
        %sign3A_536 = arith.constant 0 : i32
        %sign3A_537 = arith.cmpi slt, %add3A_530, %sign3A_536 : i32
        %sign3A_538 = arith.extui %sign3A_537 : i1 to i32
        %sign3A_539 = arith.subi %sign3A_535, %sign3A_538 : i32
        %sign3A_540 = arith.constant 0 : i32
        %sign3A_541 = arith.cmpi sgt, %jit3A_531, %sign3A_540 : i32
        %sign3A_542 = arith.extui %sign3A_541 : i1 to i32
        %sign3A_543 = arith.constant 0 : i32
        %sign3A_544 = arith.cmpi slt, %jit3A_531, %sign3A_543 : i32
        %sign3A_545 = arith.extui %sign3A_544 : i1 to i32
        %sign3A_546 = arith.subi %sign3A_542, %sign3A_545 : i32
        %ne3A_547 = arith.cmpi ne, %sign3A_539, %sign3A_546 : i32
        %rem3A_548 = arith.remsi %add3A_530, %jit3A_531 : i32
        %ne3A_549 = arith.constant 0 : i32
        %ne3A_550 = arith.cmpi ne, %rem3A_548, %ne3A_549 : i32
        %and3A_551 = arith.andi %ne3A_547, %ne3A_550 : i1
        %sub3A_552 = arith.constant 1 : i32
        %sub3A_553 = arith.subi %div3A_532, %sub3A_552 : i32
        %select_n3A_554 = arith.select %and3A_551, %sub3A_553, %div3A_532 : i32
        %jit3A_555 = arith.constant 8 : i32
        %eq3A_556 = arith.constant 0 : i32
        %eq3A_557 = arith.cmpi eq, %jit3A_555, %eq3A_556 : i32
        %jit3A_558 = arith.constant 1 : i32
        %select_n3A_559 = arith.select %eq3A_557, %jit3A_558, %jit3A_555 : i32
        %rem3A_560 = arith.remsi %add3A_530, %select_n3A_559 : i32
        %ne3A_561 = arith.constant 0 : i32
        %ne3A_562 = arith.cmpi ne, %rem3A_560, %ne3A_561 : i32
        %lt3A_563 = arith.constant 0 : i32
        %lt3A_564 = arith.cmpi slt, %rem3A_560, %lt3A_563 : i32
        %lt3A_565 = arith.constant 0 : i32
        %lt3A_566 = arith.cmpi slt, %select_n3A_559, %lt3A_565 : i32
        %ne3A_567 = arith.xori %lt3A_564, %lt3A_566 : i1
        %and3A_568 = arith.andi %ne3A_567, %ne3A_562 : i1
        %add3A_569 = arith.addi %rem3A_560, %select_n3A_559 : i32
        %select_n3A_570 = arith.select %and3A_568, %add3A_569, %rem3A_560 : i32
        %mul3A_571 = arith.constant 512 : i32
        %mul3A_572 = arith.muli %select_n3A_570, %mul3A_571 : i32
        %dma_start3A_573 = arith.constant 0 : i32
        %dma_start3A_574 = arith.constant 0 : i32
        %dma_start3A_575 = tpu.memref_slice %arg10[%dma_start3A_573, %dma_start3A_574] : memref<32x513xf32, #tpu.memory_space<vmem>> -> memref<32x512xf32, #tpu.memory_space<vmem>>
        %dma_start3A_576 = arith.constant 0 : i32
        %dma_start3A_577 = tpu.memref_slice %arg5[%arg0, %select_n3A_554, %dma_start3A_576, %mul3A_572] : memref<2x50x32x4096xf32, #tpu.memory_space<hbm>> -> memref<1x1x32x512xf32, #tpu.memory_space<hbm>>
        %dma_start3A_578 = tpu.memref_squeeze %dma_start3A_577 : memref<1x1x32x512xf32, #tpu.memory_space<hbm>> -> memref<32x512xf32, #tpu.memory_space<hbm>>
        %dma_start3A_579 = arith.constant 0 : i32
        %dma_start3A_580 = tpu.memref_slice %arg5[%arg0, %select_n3A_554, %dma_start3A_579, %mul3A_572] : memref<2x50x32x4096xf32, #tpu.memory_space<hbm>> -> memref<1x1x32x512xf32, #tpu.memory_space<hbm>>
        %dma_start3A_581 = tpu.memref_squeeze %dma_start3A_580 : memref<1x1x32x512xf32, #tpu.memory_space<hbm>> -> memref<32x512xf32, #tpu.memory_space<hbm>>
        %dma_start3A_582 = arith.constant 0 : i32
        %dma_start3A_583 = arith.constant 0 : i32
        %dma_start3A_584 = tpu.memref_slice %arg10[%dma_start3A_582, %dma_start3A_583] : memref<32x513xf32, #tpu.memory_space<vmem>> -> memref<32x512xf32, #tpu.memory_space<vmem>>
        tpu.enqueue_dma source(%dma_start3A_584 : memref<32x512xf32, #tpu.memory_space<vmem>>) target(%dma_start3A_581 : memref<32x512xf32, #tpu.memory_space<hbm>>) target_semaphore(%arg15 : memref<!tpu.dma_semaphore, #tpu.memory_space<semaphore_mem>>)
        %mul3A_585 = arith.constant 2 : i32
        %mul3A_586 = arith.muli %mul3A_585, %scan3A_433 : i32
        %add3A_587 = arith.constant 2 : i32
        %add3A_588 = arith.addi %mul3A_586, %add3A_587 : i32
        %dma_wait3A_589 = arith.constant 0 : i32
        %dma_wait3A_590 = arith.constant 0 : i32
        %dma_wait3A_591 = tpu.memref_slice %arg2[%dma_wait3A_589, %dma_wait3A_590] : memref<1007616x32xf32, #tpu.memory_space<hbm>> -> memref<1007616x32xf32, #tpu.memory_space<hbm>>
        tpu.wait_indirect_dma semaphore(%arg13 : memref<!tpu.dma_semaphore, #tpu.memory_space<semaphore_mem>>) src(%dma_wait3A_591 : memref<1007616x32xf32, #tpu.memory_space<hbm>>) dst(%arg8 : memref<512x32xf32, #tpu.memory_space<vmem>>)
        %add3A_592 = arith.constant 1 : i32
        %add3A_593 = arith.addi %add3A_588, %add3A_592 : i32
        %mul3A_594 = arith.constant 25 : i32
        %mul3A_595 = arith.muli %arg1, %mul3A_594 : i32
        %add3A_596 = arith.addi %mul3A_595, %add3A_593 : i32
        %mul3A_597 = arith.constant 512 : i32
        %mul3A_598 = arith.muli %add3A_596, %mul3A_597 : i32
        %dma_wait3A_599 = tpu.memref_slice %arg3[%mul3A_598] : memref<204800xi32, #tpu.memory_space<hbm>> -> memref<512xi32, #tpu.memory_space<hbm>>
        %dma_wait3A_600 = tpu.memref_slice %arg3[%mul3A_598] : memref<204800xi32, #tpu.memory_space<hbm>> -> memref<512xi32, #tpu.memory_space<hbm>>
        tpu.wait_dma2 semaphore(%arg12 : memref<!tpu.dma_semaphore, #tpu.memory_space<semaphore_mem>>) src(%dma_wait3A_600 : memref<512xi32, #tpu.memory_space<hbm>>) dst(%arg7 : memref<512xi32, #tpu.memory_space<vmem>>)
        %dma_start3A_601 = arith.constant 0 : i32
        %dma_start3A_602 = arith.constant 0 : i32
        %dma_start3A_603 = tpu.memref_slice %arg2[%dma_start3A_601, %dma_start3A_602] : memref<1007616x32xf32, #tpu.memory_space<hbm>> -> memref<1007616x32xf32, #tpu.memory_space<hbm>>
        tpu.enqueue_indirect_dma source(%dma_start3A_603 : memref<1007616x32xf32, #tpu.memory_space<hbm>>) target(%arg9 : memref<512x32xf32, #tpu.memory_space<vmem>>) offsets(%arg7 : memref<512xi32, #tpu.memory_space<vmem>>) semaphore(%arg14 : memref<!tpu.dma_semaphore, #tpu.memory_space<semaphore_mem>>)
        %add3A_604 = arith.constant 2 : i32
        %add3A_605 = arith.addi %add3A_588, %add3A_604 : i32
        %mul3A_606 = arith.constant 25 : i32
        %mul3A_607 = arith.muli %arg1, %mul3A_606 : i32
        %add3A_608 = arith.addi %mul3A_607, %add3A_605 : i32
        %mul3A_609 = arith.constant 512 : i32
        %mul3A_610 = arith.muli %add3A_608, %mul3A_609 : i32
        %dma_start3A_611 = tpu.memref_slice %arg3[%mul3A_610] : memref<204800xi32, #tpu.memory_space<hbm>> -> memref<512xi32, #tpu.memory_space<hbm>>
        %dma_start3A_612 = tpu.memref_slice %arg3[%mul3A_610] : memref<204800xi32, #tpu.memory_space<hbm>> -> memref<512xi32, #tpu.memory_space<hbm>>
        tpu.enqueue_dma source(%dma_start3A_612 : memref<512xi32, #tpu.memory_space<hbm>>) target(%arg6 : memref<512xi32, #tpu.memory_space<vmem>>) target_semaphore(%arg11 : memref<!tpu.dma_semaphore, #tpu.memory_space<semaphore_mem>>)
        %sub3A_613 = arith.constant 1 : i32
        %sub3A_614 = arith.subi %add3A_588, %sub3A_613 : i32
        %mul3A_615 = arith.constant 25 : i32
        %mul3A_616 = arith.muli %arg1, %mul3A_615 : i32
        %add3A_617 = arith.addi %mul3A_616, %sub3A_614 : i32
        %jit3A_618 = arith.constant 8 : i32
        %div3A_619 = arith.divsi %add3A_617, %jit3A_618 : i32
        %sign3A_620 = arith.constant 0 : i32
        %sign3A_621 = arith.cmpi sgt, %add3A_617, %sign3A_620 : i32
        %sign3A_622 = arith.extui %sign3A_621 : i1 to i32
        %sign3A_623 = arith.constant 0 : i32
        %sign3A_624 = arith.cmpi slt, %add3A_617, %sign3A_623 : i32
        %sign3A_625 = arith.extui %sign3A_624 : i1 to i32
        %sign3A_626 = arith.subi %sign3A_622, %sign3A_625 : i32
        %sign3A_627 = arith.constant 0 : i32
        %sign3A_628 = arith.cmpi sgt, %jit3A_618, %sign3A_627 : i32
        %sign3A_629 = arith.extui %sign3A_628 : i1 to i32
        %sign3A_630 = arith.constant 0 : i32
        %sign3A_631 = arith.cmpi slt, %jit3A_618, %sign3A_630 : i32
        %sign3A_632 = arith.extui %sign3A_631 : i1 to i32
        %sign3A_633 = arith.subi %sign3A_629, %sign3A_632 : i32
        %ne3A_634 = arith.cmpi ne, %sign3A_626, %sign3A_633 : i32
        %rem3A_635 = arith.remsi %add3A_617, %jit3A_618 : i32
        %ne3A_636 = arith.constant 0 : i32
        %ne3A_637 = arith.cmpi ne, %rem3A_635, %ne3A_636 : i32
        %and3A_638 = arith.andi %ne3A_634, %ne3A_637 : i1
        %sub3A_639 = arith.constant 1 : i32
        %sub3A_640 = arith.subi %div3A_619, %sub3A_639 : i32
        %select_n3A_641 = arith.select %and3A_638, %sub3A_640, %div3A_619 : i32
        %jit3A_642 = arith.constant 8 : i32
        %eq3A_643 = arith.constant 0 : i32
        %eq3A_644 = arith.cmpi eq, %jit3A_642, %eq3A_643 : i32
        %jit3A_645 = arith.constant 1 : i32
        %select_n3A_646 = arith.select %eq3A_644, %jit3A_645, %jit3A_642 : i32
        %rem3A_647 = arith.remsi %add3A_617, %select_n3A_646 : i32
        %ne3A_648 = arith.constant 0 : i32
        %ne3A_649 = arith.cmpi ne, %rem3A_647, %ne3A_648 : i32
        %lt3A_650 = arith.constant 0 : i32
        %lt3A_651 = arith.cmpi slt, %rem3A_647, %lt3A_650 : i32
        %lt3A_652 = arith.constant 0 : i32
        %lt3A_653 = arith.cmpi slt, %select_n3A_646, %lt3A_652 : i32
        %ne3A_654 = arith.xori %lt3A_651, %lt3A_653 : i1
        %and3A_655 = arith.andi %ne3A_654, %ne3A_649 : i1
        %add3A_656 = arith.addi %rem3A_647, %select_n3A_646 : i32
        %select_n3A_657 = arith.select %and3A_655, %add3A_656, %rem3A_647 : i32
        %mul3A_658 = arith.constant 512 : i32
        %mul3A_659 = arith.muli %select_n3A_657, %mul3A_658 : i32
        %dma_wait3A_660 = arith.constant 0 : i32
        %dma_wait3A_661 = arith.constant 0 : i32
        %dma_wait3A_662 = tpu.memref_slice %arg10[%dma_wait3A_660, %dma_wait3A_661] : memref<32x513xf32, #tpu.memory_space<vmem>> -> memref<32x512xf32, #tpu.memory_space<vmem>>
        %dma_wait3A_663 = arith.constant 0 : i32
        %dma_wait3A_664 = tpu.memref_slice %arg5[%arg0, %select_n3A_641, %dma_wait3A_663, %mul3A_659] : memref<2x50x32x4096xf32, #tpu.memory_space<hbm>> -> memref<1x1x32x512xf32, #tpu.memory_space<hbm>>
        %dma_wait3A_665 = tpu.memref_squeeze %dma_wait3A_664 : memref<1x1x32x512xf32, #tpu.memory_space<hbm>> -> memref<32x512xf32, #tpu.memory_space<hbm>>
        %dma_wait3A_666 = arith.constant 0 : i32
        %dma_wait3A_667 = tpu.memref_slice %arg5[%arg0, %select_n3A_641, %dma_wait3A_666, %mul3A_659] : memref<2x50x32x4096xf32, #tpu.memory_space<hbm>> -> memref<1x1x32x512xf32, #tpu.memory_space<hbm>>
        %dma_wait3A_668 = tpu.memref_squeeze %dma_wait3A_667 : memref<1x1x32x512xf32, #tpu.memory_space<hbm>> -> memref<32x512xf32, #tpu.memory_space<hbm>>
        %dma_wait3A_669 = arith.constant 0 : i32
        %dma_wait3A_670 = arith.constant 0 : i32
        %dma_wait3A_671 = tpu.memref_slice %arg10[%dma_wait3A_669, %dma_wait3A_670] : memref<32x513xf32, #tpu.memory_space<vmem>> -> memref<32x512xf32, #tpu.memory_space<vmem>>
        tpu.wait_dma2 semaphore(%arg15 : memref<!tpu.dma_semaphore, #tpu.memory_space<semaphore_mem>>) src(%dma_wait3A_671 : memref<32x512xf32, #tpu.memory_space<vmem>>) dst(%dma_wait3A_668 : memref<32x512xf32, #tpu.memory_space<hbm>>)
        %iota3A_672 = tpu.iota {dimensions = array<i32: 0>} : vector<16xi32>
        %scan3A_673 = arith.constant 0 : i32
        %scan3A_674 = arith.constant 0 : i32
        %scan3A_675 = arith.constant 64 : i32
        %scan3A_676 = arith.addi %scan3A_674, %scan3A_675 : i32
        %scan3A_677 = arith.constant 1 : i32
        scf.for %scan3A_736 = %scan3A_674 to %scan3A_676 step %scan3A_677  : i32 {
          %mul3A_737 = arith.constant 8 : i32
          %mul3A_738 = arith.muli %scan3A_736, %mul3A_737 : i32
          %add3A_739 = arith.constant 0 : i32
          %add3A_740 = arith.addi %mul3A_738, %add3A_739 : i32
          %broadcast_in_dim3A = vector.broadcast %add3A_740 : i32 to vector<16xi32>
          %get3A = arith.index_cast %add3A_740 : i32 to index
          %get3A_741 = arith.constant 0 : index
          %get3A_742 = tpu.vector_load %arg8[%get3A, %get3A_741] {strides = array<i32>} : memref<512x32xf32, #tpu.memory_space<vmem>>, vector<16xf32>,
          %get3A_743 = arith.index_cast %add3A_740 : i32 to index
          %get3A_744 = arith.constant 16 : index
          %get3A_745 = tpu.vector_load %arg8[%get3A_743, %get3A_744] {strides = array<i32>} : memref<512x32xf32, #tpu.memory_space<vmem>>, vector<16xf32>,
          tpu.vector_store_idx %arg10[%iota3A_672, %broadcast_in_dim3A], %get3A_742 : memref<32x513xf32, #tpu.memory_space<vmem>>[vector<16xi32>, vector<16xi32>], vector<16xf32>,
          %add3A_746 = arith.constant 16 : i32
          %add3A_747 = vector.broadcast %add3A_746 : i32 to vector<16xi32>
          %add3A_748 = arith.addi %iota3A_672, %add3A_747 : vector<16xi32>
          tpu.vector_store_idx %arg10[%add3A_748, %broadcast_in_dim3A], %get3A_745 : memref<32x513xf32, #tpu.memory_space<vmem>>[vector<16xi32>, vector<16xi32>], vector<16xf32>,
          %add3A_749 = arith.constant 1 : i32
          %add3A_750 = arith.addi %mul3A_738, %add3A_749 : i32
          %broadcast_in_dim3A_751 = vector.broadcast %add3A_750 : i32 to vector<16xi32>
          %get3A_752 = arith.index_cast %add3A_750 : i32 to index
          %get3A_753 = arith.constant 0 : index
          %get3A_754 = tpu.vector_load %arg8[%get3A_752, %get3A_753] {strides = array<i32>} : memref<512x32xf32, #tpu.memory_space<vmem>>, vector<16xf32>,
          %get3A_755 = arith.index_cast %add3A_750 : i32 to index
          %get3A_756 = arith.constant 16 : index
          %get3A_757 = tpu.vector_load %arg8[%get3A_755, %get3A_756] {strides = array<i32>} : memref<512x32xf32, #tpu.memory_space<vmem>>, vector<16xf32>,
          tpu.vector_store_idx %arg10[%iota3A_672, %broadcast_in_dim3A_751], %get3A_754 : memref<32x513xf32, #tpu.memory_space<vmem>>[vector<16xi32>, vector<16xi32>], vector<16xf32>,
          %add3A_758 = arith.constant 16 : i32
          %add3A_759 = vector.broadcast %add3A_758 : i32 to vector<16xi32>
          %add3A_760 = arith.addi %iota3A_672, %add3A_759 : vector<16xi32>
          tpu.vector_store_idx %arg10[%add3A_760, %broadcast_in_dim3A_751], %get3A_757 : memref<32x513xf32, #tpu.memory_space<vmem>>[vector<16xi32>, vector<16xi32>], vector<16xf32>,
          %add3A_761 = arith.constant 2 : i32
          %add3A_762 = arith.addi %mul3A_738, %add3A_761 : i32
          %broadcast_in_dim3A_763 = vector.broadcast %add3A_762 : i32 to vector<16xi32>
          %get3A_764 = arith.index_cast %add3A_762 : i32 to index
          %get3A_765 = arith.constant 0 : index
          %get3A_766 = tpu.vector_load %arg8[%get3A_764, %get3A_765] {strides = array<i32>} : memref<512x32xf32, #tpu.memory_space<vmem>>, vector<16xf32>,
          %get3A_767 = arith.index_cast %add3A_762 : i32 to index
          %get3A_768 = arith.constant 16 : index
          %get3A_769 = tpu.vector_load %arg8[%get3A_767, %get3A_768] {strides = array<i32>} : memref<512x32xf32, #tpu.memory_space<vmem>>, vector<16xf32>,
          tpu.vector_store_idx %arg10[%iota3A_672, %broadcast_in_dim3A_763], %get3A_766 : memref<32x513xf32, #tpu.memory_space<vmem>>[vector<16xi32>, vector<16xi32>], vector<16xf32>,
          %add3A_770 = arith.constant 16 : i32
          %add3A_771 = vector.broadcast %add3A_770 : i32 to vector<16xi32>
          %add3A_772 = arith.addi %iota3A_672, %add3A_771 : vector<16xi32>
          tpu.vector_store_idx %arg10[%add3A_772, %broadcast_in_dim3A_763], %get3A_769 : memref<32x513xf32, #tpu.memory_space<vmem>>[vector<16xi32>, vector<16xi32>], vector<16xf32>,
          %add3A_773 = arith.constant 3 : i32
          %add3A_774 = arith.addi %mul3A_738, %add3A_773 : i32
          %broadcast_in_dim3A_775 = vector.broadcast %add3A_774 : i32 to vector<16xi32>
          %get3A_776 = arith.index_cast %add3A_774 : i32 to index
          %get3A_777 = arith.constant 0 : index
          %get3A_778 = tpu.vector_load %arg8[%get3A_776, %get3A_777] {strides = array<i32>} : memref<512x32xf32, #tpu.memory_space<vmem>>, vector<16xf32>,
          %get3A_779 = arith.index_cast %add3A_774 : i32 to index
          %get3A_780 = arith.constant 16 : index
          %get3A_781 = tpu.vector_load %arg8[%get3A_779, %get3A_780] {strides = array<i32>} : memref<512x32xf32, #tpu.memory_space<vmem>>, vector<16xf32>,
          tpu.vector_store_idx %arg10[%iota3A_672, %broadcast_in_dim3A_775], %get3A_778 : memref<32x513xf32, #tpu.memory_space<vmem>>[vector<16xi32>, vector<16xi32>], vector<16xf32>,
          %add3A_782 = arith.constant 16 : i32
          %add3A_783 = vector.broadcast %add3A_782 : i32 to vector<16xi32>
          %add3A_784 = arith.addi %iota3A_672, %add3A_783 : vector<16xi32>
          tpu.vector_store_idx %arg10[%add3A_784, %broadcast_in_dim3A_775], %get3A_781 : memref<32x513xf32, #tpu.memory_space<vmem>>[vector<16xi32>, vector<16xi32>], vector<16xf32>,
          %add3A_785 = arith.constant 4 : i32
          %add3A_786 = arith.addi %mul3A_738, %add3A_785 : i32
          %broadcast_in_dim3A_787 = vector.broadcast %add3A_786 : i32 to vector<16xi32>
          %get3A_788 = arith.index_cast %add3A_786 : i32 to index
          %get3A_789 = arith.constant 0 : index
          %get3A_790 = tpu.vector_load %arg8[%get3A_788, %get3A_789] {strides = array<i32>} : memref<512x32xf32, #tpu.memory_space<vmem>>, vector<16xf32>,
          %get3A_791 = arith.index_cast %add3A_786 : i32 to index
          %get3A_792 = arith.constant 16 : index
          %get3A_793 = tpu.vector_load %arg8[%get3A_791, %get3A_792] {strides = array<i32>} : memref<512x32xf32, #tpu.memory_space<vmem>>, vector<16xf32>,
          tpu.vector_store_idx %arg10[%iota3A_672, %broadcast_in_dim3A_787], %get3A_790 : memref<32x513xf32, #tpu.memory_space<vmem>>[vector<16xi32>, vector<16xi32>], vector<16xf32>,
          %add3A_794 = arith.constant 16 : i32
          %add3A_795 = vector.broadcast %add3A_794 : i32 to vector<16xi32>
          %add3A_796 = arith.addi %iota3A_672, %add3A_795 : vector<16xi32>
          tpu.vector_store_idx %arg10[%add3A_796, %broadcast_in_dim3A_787], %get3A_793 : memref<32x513xf32, #tpu.memory_space<vmem>>[vector<16xi32>, vector<16xi32>], vector<16xf32>,
          %add3A_797 = arith.constant 5 : i32
          %add3A_798 = arith.addi %mul3A_738, %add3A_797 : i32
          %broadcast_in_dim3A_799 = vector.broadcast %add3A_798 : i32 to vector<16xi32>
          %get3A_800 = arith.index_cast %add3A_798 : i32 to index
          %get3A_801 = arith.constant 0 : index
          %get3A_802 = tpu.vector_load %arg8[%get3A_800, %get3A_801] {strides = array<i32>} : memref<512x32xf32, #tpu.memory_space<vmem>>, vector<16xf32>,
          %get3A_803 = arith.index_cast %add3A_798 : i32 to index
          %get3A_804 = arith.constant 16 : index
          %get3A_805 = tpu.vector_load %arg8[%get3A_803, %get3A_804] {strides = array<i32>} : memref<512x32xf32, #tpu.memory_space<vmem>>, vector<16xf32>,
          tpu.vector_store_idx %arg10[%iota3A_672, %broadcast_in_dim3A_799], %get3A_802 : memref<32x513xf32, #tpu.memory_space<vmem>>[vector<16xi32>, vector<16xi32>], vector<16xf32>,
          %add3A_806 = arith.constant 16 : i32
          %add3A_807 = vector.broadcast %add3A_806 : i32 to vector<16xi32>
          %add3A_808 = arith.addi %iota3A_672, %add3A_807 : vector<16xi32>
          tpu.vector_store_idx %arg10[%add3A_808, %broadcast_in_dim3A_799], %get3A_805 : memref<32x513xf32, #tpu.memory_space<vmem>>[vector<16xi32>, vector<16xi32>], vector<16xf32>,
          %add3A_809 = arith.constant 6 : i32
          %add3A_810 = arith.addi %mul3A_738, %add3A_809 : i32
          %broadcast_in_dim3A_811 = vector.broadcast %add3A_810 : i32 to vector<16xi32>
          %get3A_812 = arith.index_cast %add3A_810 : i32 to index
          %get3A_813 = arith.constant 0 : index
          %get3A_814 = tpu.vector_load %arg8[%get3A_812, %get3A_813] {strides = array<i32>} : memref<512x32xf32, #tpu.memory_space<vmem>>, vector<16xf32>,
          %get3A_815 = arith.index_cast %add3A_810 : i32 to index
          %get3A_816 = arith.constant 16 : index
          %get3A_817 = tpu.vector_load %arg8[%get3A_815, %get3A_816] {strides = array<i32>} : memref<512x32xf32, #tpu.memory_space<vmem>>, vector<16xf32>,
          tpu.vector_store_idx %arg10[%iota3A_672, %broadcast_in_dim3A_811], %get3A_814 : memref<32x513xf32, #tpu.memory_space<vmem>>[vector<16xi32>, vector<16xi32>], vector<16xf32>,
          %add3A_818 = arith.constant 16 : i32
          %add3A_819 = vector.broadcast %add3A_818 : i32 to vector<16xi32>
          %add3A_820 = arith.addi %iota3A_672, %add3A_819 : vector<16xi32>
          tpu.vector_store_idx %arg10[%add3A_820, %broadcast_in_dim3A_811], %get3A_817 : memref<32x513xf32, #tpu.memory_space<vmem>>[vector<16xi32>, vector<16xi32>], vector<16xf32>,
          %add3A_821 = arith.constant 7 : i32
          %add3A_822 = arith.addi %mul3A_738, %add3A_821 : i32
          %broadcast_in_dim3A_823 = vector.broadcast %add3A_822 : i32 to vector<16xi32>
          %get3A_824 = arith.index_cast %add3A_822 : i32 to index
          %get3A_825 = arith.constant 0 : index
          %get3A_826 = tpu.vector_load %arg8[%get3A_824, %get3A_825] {strides = array<i32>} : memref<512x32xf32, #tpu.memory_space<vmem>>, vector<16xf32>,
          %get3A_827 = arith.index_cast %add3A_822 : i32 to index
          %get3A_828 = arith.constant 16 : index
          %get3A_829 = tpu.vector_load %arg8[%get3A_827, %get3A_828] {strides = array<i32>} : memref<512x32xf32, #tpu.memory_space<vmem>>, vector<16xf32>,
          tpu.vector_store_idx %arg10[%iota3A_672, %broadcast_in_dim3A_823], %get3A_826 : memref<32x513xf32, #tpu.memory_space<vmem>>[vector<16xi32>, vector<16xi32>], vector<16xf32>,
          %add3A_830 = arith.constant 16 : i32
          %add3A_831 = vector.broadcast %add3A_830 : i32 to vector<16xi32>
          %add3A_832 = arith.addi %iota3A_672, %add3A_831 : vector<16xi32>
          tpu.vector_store_idx %arg10[%add3A_832, %broadcast_in_dim3A_823], %get3A_829 : memref<32x513xf32, #tpu.memory_space<vmem>>[vector<16xi32>, vector<16xi32>], vector<16xf32>,
        }
        %scan3A_678 = arith.constant 64 : i32
        %mul3A_679 = arith.constant 25 : i32
        %mul3A_680 = arith.muli %arg1, %mul3A_679 : i32
        %add3A_681 = arith.addi %mul3A_680, %add3A_588 : i32
        %jit3A_682 = arith.constant 8 : i32
        %div3A_683 = arith.divsi %add3A_681, %jit3A_682 : i32
        %sign3A_684 = arith.constant 0 : i32
        %sign3A_685 = arith.cmpi sgt, %add3A_681, %sign3A_684 : i32
        %sign3A_686 = arith.extui %sign3A_685 : i1 to i32
        %sign3A_687 = arith.constant 0 : i32
        %sign3A_688 = arith.cmpi slt, %add3A_681, %sign3A_687 : i32
        %sign3A_689 = arith.extui %sign3A_688 : i1 to i32
        %sign3A_690 = arith.subi %sign3A_686, %sign3A_689 : i32
        %sign3A_691 = arith.constant 0 : i32
        %sign3A_692 = arith.cmpi sgt, %jit3A_682, %sign3A_691 : i32
        %sign3A_693 = arith.extui %sign3A_692 : i1 to i32
        %sign3A_694 = arith.constant 0 : i32
        %sign3A_695 = arith.cmpi slt, %jit3A_682, %sign3A_694 : i32
        %sign3A_696 = arith.extui %sign3A_695 : i1 to i32
        %sign3A_697 = arith.subi %sign3A_693, %sign3A_696 : i32
        %ne3A_698 = arith.cmpi ne, %sign3A_690, %sign3A_697 : i32
        %rem3A_699 = arith.remsi %add3A_681, %jit3A_682 : i32
        %ne3A_700 = arith.constant 0 : i32
        %ne3A_701 = arith.cmpi ne, %rem3A_699, %ne3A_700 : i32
        %and3A_702 = arith.andi %ne3A_698, %ne3A_701 : i1
        %sub3A_703 = arith.constant 1 : i32
        %sub3A_704 = arith.subi %div3A_683, %sub3A_703 : i32
        %select_n3A_705 = arith.select %and3A_702, %sub3A_704, %div3A_683 : i32
        %jit3A_706 = arith.constant 8 : i32
        %eq3A_707 = arith.constant 0 : i32
        %eq3A_708 = arith.cmpi eq, %jit3A_706, %eq3A_707 : i32
        %jit3A_709 = arith.constant 1 : i32
        %select_n3A_710 = arith.select %eq3A_708, %jit3A_709, %jit3A_706 : i32
        %rem3A_711 = arith.remsi %add3A_681, %select_n3A_710 : i32
        %ne3A_712 = arith.constant 0 : i32
        %ne3A_713 = arith.cmpi ne, %rem3A_711, %ne3A_712 : i32
        %lt3A_714 = arith.constant 0 : i32
        %lt3A_715 = arith.cmpi slt, %rem3A_711, %lt3A_714 : i32
        %lt3A_716 = arith.constant 0 : i32
        %lt3A_717 = arith.cmpi slt, %select_n3A_710, %lt3A_716 : i32
        %ne3A_718 = arith.xori %lt3A_715, %lt3A_717 : i1
        %and3A_719 = arith.andi %ne3A_718, %ne3A_713 : i1
        %add3A_720 = arith.addi %rem3A_711, %select_n3A_710 : i32
        %select_n3A_721 = arith.select %and3A_719, %add3A_720, %rem3A_711 : i32
        %mul3A_722 = arith.constant 512 : i32
        %mul3A_723 = arith.muli %select_n3A_721, %mul3A_722 : i32
        %dma_start3A_724 = arith.constant 0 : i32
        %dma_start3A_725 = arith.constant 0 : i32
        %dma_start3A_726 = tpu.memref_slice %arg10[%dma_start3A_724, %dma_start3A_725] : memref<32x513xf32, #tpu.memory_space<vmem>> -> memref<32x512xf32, #tpu.memory_space<vmem>>
        %dma_start3A_727 = arith.constant 0 : i32
        %dma_start3A_728 = tpu.memref_slice %arg5[%arg0, %select_n3A_705, %dma_start3A_727, %mul3A_723] : memref<2x50x32x4096xf32, #tpu.memory_space<hbm>> -> memref<1x1x32x512xf32, #tpu.memory_space<hbm>>
        %dma_start3A_729 = tpu.memref_squeeze %dma_start3A_728 : memref<1x1x32x512xf32, #tpu.memory_space<hbm>> -> memref<32x512xf32, #tpu.memory_space<hbm>>
        %dma_start3A_730 = arith.constant 0 : i32
        %dma_start3A_731 = tpu.memref_slice %arg5[%arg0, %select_n3A_705, %dma_start3A_730, %mul3A_723] : memref<2x50x32x4096xf32, #tpu.memory_space<hbm>> -> memref<1x1x32x512xf32, #tpu.memory_space<hbm>>
        %dma_start3A_732 = tpu.memref_squeeze %dma_start3A_731 : memref<1x1x32x512xf32, #tpu.memory_space<hbm>> -> memref<32x512xf32, #tpu.memory_space<hbm>>
        %dma_start3A_733 = arith.constant 0 : i32
        %dma_start3A_734 = arith.constant 0 : i32
        %dma_start3A_735 = tpu.memref_slice %arg10[%dma_start3A_733, %dma_start3A_734] : memref<32x513xf32, #tpu.memory_space<vmem>> -> memref<32x512xf32, #tpu.memory_space<vmem>>
        tpu.enqueue_dma source(%dma_start3A_735 : memref<32x512xf32, #tpu.memory_space<vmem>>) target(%dma_start3A_732 : memref<32x512xf32, #tpu.memory_space<hbm>>) target_semaphore(%arg15 : memref<!tpu.dma_semaphore, #tpu.memory_space<semaphore_mem>>)
      }
      %scan3A_111 = arith.constant 11 : i32
      %dma_wait3A_112 = arith.constant 0 : i32
      %dma_wait3A_113 = arith.constant 0 : i32
      %dma_wait3A_114 = tpu.memref_slice %arg2[%dma_wait3A_112, %dma_wait3A_113] : memref<1007616x32xf32, #tpu.memory_space<hbm>> -> memref<1007616x32xf32, #tpu.memory_space<hbm>>
      tpu.wait_indirect_dma semaphore(%arg14 : memref<!tpu.dma_semaphore, #tpu.memory_space<semaphore_mem>>) src(%dma_wait3A_114 : memref<1007616x32xf32, #tpu.memory_space<hbm>>) dst(%arg9 : memref<512x32xf32, #tpu.memory_space<vmem>>)
      %mul3A_115 = arith.constant 25 : i32
      %mul3A_116 = arith.muli %arg1, %mul3A_115 : i32
      %add3A_117 = arith.constant 24 : i32
      %add3A_118 = arith.addi %mul3A_116, %add3A_117 : i32
      %mul3A_119 = arith.constant 512 : i32
      %mul3A_120 = arith.muli %add3A_118, %mul3A_119 : i32
      %dma_wait3A_121 = tpu.memref_slice %arg3[%mul3A_120] : memref<204800xi32, #tpu.memory_space<hbm>> -> memref<512xi32, #tpu.memory_space<hbm>>
      %dma_wait3A_122 = tpu.memref_slice %arg3[%mul3A_120] : memref<204800xi32, #tpu.memory_space<hbm>> -> memref<512xi32, #tpu.memory_space<hbm>>
      tpu.wait_dma2 semaphore(%arg11 : memref<!tpu.dma_semaphore, #tpu.memory_space<semaphore_mem>>) src(%dma_wait3A_122 : memref<512xi32, #tpu.memory_space<hbm>>) dst(%arg6 : memref<512xi32, #tpu.memory_space<vmem>>)
      %dma_start3A_123 = arith.constant 0 : i32
      %dma_start3A_124 = arith.constant 0 : i32
      %dma_start3A_125 = tpu.memref_slice %arg2[%dma_start3A_123, %dma_start3A_124] : memref<1007616x32xf32, #tpu.memory_space<hbm>> -> memref<1007616x32xf32, #tpu.memory_space<hbm>>
      tpu.enqueue_indirect_dma source(%dma_start3A_125 : memref<1007616x32xf32, #tpu.memory_space<hbm>>) target(%arg8 : memref<512x32xf32, #tpu.memory_space<vmem>>) offsets(%arg6 : memref<512xi32, #tpu.memory_space<vmem>>) semaphore(%arg13 : memref<!tpu.dma_semaphore, #tpu.memory_space<semaphore_mem>>)
      %mul3A_126 = arith.constant 25 : i32
      %mul3A_127 = arith.muli %arg1, %mul3A_126 : i32
      %add3A_128 = arith.constant 22 : i32
      %add3A_129 = arith.addi %mul3A_127, %add3A_128 : i32
      %jit3A_130 = arith.constant 8 : i32
      %div3A_131 = arith.divsi %add3A_129, %jit3A_130 : i32
      %sign3A_132 = arith.constant 0 : i32
      %sign3A_133 = arith.cmpi sgt, %add3A_129, %sign3A_132 : i32
      %sign3A_134 = arith.extui %sign3A_133 : i1 to i32
      %sign3A_135 = arith.constant 0 : i32
      %sign3A_136 = arith.cmpi slt, %add3A_129, %sign3A_135 : i32
      %sign3A_137 = arith.extui %sign3A_136 : i1 to i32
      %sign3A_138 = arith.subi %sign3A_134, %sign3A_137 : i32
      %sign3A_139 = arith.constant 0 : i32
      %sign3A_140 = arith.cmpi sgt, %jit3A_130, %sign3A_139 : i32
      %sign3A_141 = arith.extui %sign3A_140 : i1 to i32
      %sign3A_142 = arith.constant 0 : i32
      %sign3A_143 = arith.cmpi slt, %jit3A_130, %sign3A_142 : i32
      %sign3A_144 = arith.extui %sign3A_143 : i1 to i32
      %sign3A_145 = arith.subi %sign3A_141, %sign3A_144 : i32
      %ne3A_146 = arith.cmpi ne, %sign3A_138, %sign3A_145 : i32
      %rem3A_147 = arith.remsi %add3A_129, %jit3A_130 : i32
      %ne3A_148 = arith.constant 0 : i32
      %ne3A_149 = arith.cmpi ne, %rem3A_147, %ne3A_148 : i32
      %and3A_150 = arith.andi %ne3A_146, %ne3A_149 : i1
      %sub3A_151 = arith.constant 1 : i32
      %sub3A_152 = arith.subi %div3A_131, %sub3A_151 : i32
      %select_n3A_153 = arith.select %and3A_150, %sub3A_152, %div3A_131 : i32
      %jit3A_154 = arith.constant 8 : i32
      %eq3A_155 = arith.constant 0 : i32
      %eq3A_156 = arith.cmpi eq, %jit3A_154, %eq3A_155 : i32
      %jit3A_157 = arith.constant 1 : i32
      %select_n3A_158 = arith.select %eq3A_156, %jit3A_157, %jit3A_154 : i32
      %rem3A_159 = arith.remsi %add3A_129, %select_n3A_158 : i32
      %ne3A_160 = arith.constant 0 : i32
      %ne3A_161 = arith.cmpi ne, %rem3A_159, %ne3A_160 : i32
      %lt3A_162 = arith.constant 0 : i32
      %lt3A_163 = arith.cmpi slt, %rem3A_159, %lt3A_162 : i32
      %lt3A_164 = arith.constant 0 : i32
      %lt3A_165 = arith.cmpi slt, %select_n3A_158, %lt3A_164 : i32
      %ne3A_166 = arith.xori %lt3A_163, %lt3A_165 : i1
      %and3A_167 = arith.andi %ne3A_166, %ne3A_161 : i1
      %add3A_168 = arith.addi %rem3A_159, %select_n3A_158 : i32
      %select_n3A_169 = arith.select %and3A_167, %add3A_168, %rem3A_159 : i32
      %mul3A_170 = arith.constant 512 : i32
      %mul3A_171 = arith.muli %select_n3A_169, %mul3A_170 : i32
      %dma_wait3A_172 = arith.constant 0 : i32
      %dma_wait3A_173 = arith.constant 0 : i32
      %dma_wait3A_174 = tpu.memref_slice %arg10[%dma_wait3A_172, %dma_wait3A_173] : memref<32x513xf32, #tpu.memory_space<vmem>> -> memref<32x512xf32, #tpu.memory_space<vmem>>
      %dma_wait3A_175 = arith.constant 0 : i32
      %dma_wait3A_176 = tpu.memref_slice %arg5[%arg0, %select_n3A_153, %dma_wait3A_175, %mul3A_171] : memref<2x50x32x4096xf32, #tpu.memory_space<hbm>> -> memref<1x1x32x512xf32, #tpu.memory_space<hbm>>
      %dma_wait3A_177 = tpu.memref_squeeze %dma_wait3A_176 : memref<1x1x32x512xf32, #tpu.memory_space<hbm>> -> memref<32x512xf32, #tpu.memory_space<hbm>>
      %dma_wait3A_178 = arith.constant 0 : i32
      %dma_wait3A_179 = tpu.memref_slice %arg5[%arg0, %select_n3A_153, %dma_wait3A_178, %mul3A_171] : memref<2x50x32x4096xf32, #tpu.memory_space<hbm>> -> memref<1x1x32x512xf32, #tpu.memory_space<hbm>>
      %dma_wait3A_180 = tpu.memref_squeeze %dma_wait3A_179 : memref<1x1x32x512xf32, #tpu.memory_space<hbm>> -> memref<32x512xf32, #tpu.memory_space<hbm>>
      %dma_wait3A_181 = arith.constant 0 : i32
      %dma_wait3A_182 = arith.constant 0 : i32
      %dma_wait3A_183 = tpu.memref_slice %arg10[%dma_wait3A_181, %dma_wait3A_182] : memref<32x513xf32, #tpu.memory_space<vmem>> -> memref<32x512xf32, #tpu.memory_space<vmem>>
      tpu.wait_dma2 semaphore(%arg15 : memref<!tpu.dma_semaphore, #tpu.memory_space<semaphore_mem>>) src(%dma_wait3A_183 : memref<32x512xf32, #tpu.memory_space<vmem>>) dst(%dma_wait3A_180 : memref<32x512xf32, #tpu.memory_space<hbm>>)
      %iota3A_184 = tpu.iota {dimensions = array<i32: 0>} : vector<16xi32>
      %scan3A_185 = arith.constant 0 : i32
      %scan3A_186 = arith.constant 0 : i32
      %scan3A_187 = arith.constant 64 : i32
      %scan3A_188 = arith.addi %scan3A_186, %scan3A_187 : i32
      %scan3A_189 = arith.constant 1 : i32
      scf.for %scan3A_433 = %scan3A_186 to %scan3A_188 step %scan3A_189  : i32 {
        %mul3A_434 = arith.constant 8 : i32
        %mul3A_435 = arith.muli %scan3A_433, %mul3A_434 : i32
        %add3A_436 = arith.constant 0 : i32
        %add3A_437 = arith.addi %mul3A_435, %add3A_436 : i32
        %broadcast_in_dim3A = vector.broadcast %add3A_437 : i32 to vector<16xi32>
        %get3A = arith.index_cast %add3A_437 : i32 to index
        %get3A_438 = arith.constant 0 : index
        %get3A_439 = tpu.vector_load %arg9[%get3A, %get3A_438] {strides = array<i32>} : memref<512x32xf32, #tpu.memory_space<vmem>>, vector<16xf32>,
        %get3A_440 = arith.index_cast %add3A_437 : i32 to index
        %get3A_441 = arith.constant 16 : index
        %get3A_442 = tpu.vector_load %arg9[%get3A_440, %get3A_441] {strides = array<i32>} : memref<512x32xf32, #tpu.memory_space<vmem>>, vector<16xf32>,
        tpu.vector_store_idx %arg10[%iota3A_184, %broadcast_in_dim3A], %get3A_439 : memref<32x513xf32, #tpu.memory_space<vmem>>[vector<16xi32>, vector<16xi32>], vector<16xf32>,
        %add3A_443 = arith.constant 16 : i32
        %add3A_444 = vector.broadcast %add3A_443 : i32 to vector<16xi32>
        %add3A_445 = arith.addi %iota3A_184, %add3A_444 : vector<16xi32>
        tpu.vector_store_idx %arg10[%add3A_445, %broadcast_in_dim3A], %get3A_442 : memref<32x513xf32, #tpu.memory_space<vmem>>[vector<16xi32>, vector<16xi32>], vector<16xf32>,
        %add3A_446 = arith.constant 1 : i32
        %add3A_447 = arith.addi %mul3A_435, %add3A_446 : i32
        %broadcast_in_dim3A_448 = vector.broadcast %add3A_447 : i32 to vector<16xi32>
        %get3A_449 = arith.index_cast %add3A_447 : i32 to index
        %get3A_450 = arith.constant 0 : index
        %get3A_451 = tpu.vector_load %arg9[%get3A_449, %get3A_450] {strides = array<i32>} : memref<512x32xf32, #tpu.memory_space<vmem>>, vector<16xf32>,
        %get3A_452 = arith.index_cast %add3A_447 : i32 to index
        %get3A_453 = arith.constant 16 : index
        %get3A_454 = tpu.vector_load %arg9[%get3A_452, %get3A_453] {strides = array<i32>} : memref<512x32xf32, #tpu.memory_space<vmem>>, vector<16xf32>,
        tpu.vector_store_idx %arg10[%iota3A_184, %broadcast_in_dim3A_448], %get3A_451 : memref<32x513xf32, #tpu.memory_space<vmem>>[vector<16xi32>, vector<16xi32>], vector<16xf32>,
        %add3A_455 = arith.constant 16 : i32
        %add3A_456 = vector.broadcast %add3A_455 : i32 to vector<16xi32>
        %add3A_457 = arith.addi %iota3A_184, %add3A_456 : vector<16xi32>
        tpu.vector_store_idx %arg10[%add3A_457, %broadcast_in_dim3A_448], %get3A_454 : memref<32x513xf32, #tpu.memory_space<vmem>>[vector<16xi32>, vector<16xi32>], vector<16xf32>,
        %add3A_458 = arith.constant 2 : i32
        %add3A_459 = arith.addi %mul3A_435, %add3A_458 : i32
        %broadcast_in_dim3A_460 = vector.broadcast %add3A_459 : i32 to vector<16xi32>
        %get3A_461 = arith.index_cast %add3A_459 : i32 to index
        %get3A_462 = arith.constant 0 : index
        %get3A_463 = tpu.vector_load %arg9[%get3A_461, %get3A_462] {strides = array<i32>} : memref<512x32xf32, #tpu.memory_space<vmem>>, vector<16xf32>,
        %get3A_464 = arith.index_cast %add3A_459 : i32 to index
        %get3A_465 = arith.constant 16 : index
        %get3A_466 = tpu.vector_load %arg9[%get3A_464, %get3A_465] {strides = array<i32>} : memref<512x32xf32, #tpu.memory_space<vmem>>, vector<16xf32>,
        tpu.vector_store_idx %arg10[%iota3A_184, %broadcast_in_dim3A_460], %get3A_463 : memref<32x513xf32, #tpu.memory_space<vmem>>[vector<16xi32>, vector<16xi32>], vector<16xf32>,
        %add3A_467 = arith.constant 16 : i32
        %add3A_468 = vector.broadcast %add3A_467 : i32 to vector<16xi32>
        %add3A_469 = arith.addi %iota3A_184, %add3A_468 : vector<16xi32>
        tpu.vector_store_idx %arg10[%add3A_469, %broadcast_in_dim3A_460], %get3A_466 : memref<32x513xf32, #tpu.memory_space<vmem>>[vector<16xi32>, vector<16xi32>], vector<16xf32>,
        %add3A_470 = arith.constant 3 : i32
        %add3A_471 = arith.addi %mul3A_435, %add3A_470 : i32
        %broadcast_in_dim3A_472 = vector.broadcast %add3A_471 : i32 to vector<16xi32>
        %get3A_473 = arith.index_cast %add3A_471 : i32 to index
        %get3A_474 = arith.constant 0 : index
        %get3A_475 = tpu.vector_load %arg9[%get3A_473, %get3A_474] {strides = array<i32>} : memref<512x32xf32, #tpu.memory_space<vmem>>, vector<16xf32>,
        %get3A_476 = arith.index_cast %add3A_471 : i32 to index
        %get3A_477 = arith.constant 16 : index
        %get3A_478 = tpu.vector_load %arg9[%get3A_476, %get3A_477] {strides = array<i32>} : memref<512x32xf32, #tpu.memory_space<vmem>>, vector<16xf32>,
        tpu.vector_store_idx %arg10[%iota3A_184, %broadcast_in_dim3A_472], %get3A_475 : memref<32x513xf32, #tpu.memory_space<vmem>>[vector<16xi32>, vector<16xi32>], vector<16xf32>,
        %add3A_479 = arith.constant 16 : i32
        %add3A_480 = vector.broadcast %add3A_479 : i32 to vector<16xi32>
        %add3A_481 = arith.addi %iota3A_184, %add3A_480 : vector<16xi32>
        tpu.vector_store_idx %arg10[%add3A_481, %broadcast_in_dim3A_472], %get3A_478 : memref<32x513xf32, #tpu.memory_space<vmem>>[vector<16xi32>, vector<16xi32>], vector<16xf32>,
        %add3A_482 = arith.constant 4 : i32
        %add3A_483 = arith.addi %mul3A_435, %add3A_482 : i32
        %broadcast_in_dim3A_484 = vector.broadcast %add3A_483 : i32 to vector<16xi32>
        %get3A_485 = arith.index_cast %add3A_483 : i32 to index
        %get3A_486 = arith.constant 0 : index
        %get3A_487 = tpu.vector_load %arg9[%get3A_485, %get3A_486] {strides = array<i32>} : memref<512x32xf32, #tpu.memory_space<vmem>>, vector<16xf32>,
        %get3A_488 = arith.index_cast %add3A_483 : i32 to index
        %get3A_489 = arith.constant 16 : index
        %get3A_490 = tpu.vector_load %arg9[%get3A_488, %get3A_489] {strides = array<i32>} : memref<512x32xf32, #tpu.memory_space<vmem>>, vector<16xf32>,
        tpu.vector_store_idx %arg10[%iota3A_184, %broadcast_in_dim3A_484], %get3A_487 : memref<32x513xf32, #tpu.memory_space<vmem>>[vector<16xi32>, vector<16xi32>], vector<16xf32>,
        %add3A_491 = arith.constant 16 : i32
        %add3A_492 = vector.broadcast %add3A_491 : i32 to vector<16xi32>
        %add3A_493 = arith.addi %iota3A_184, %add3A_492 : vector<16xi32>
        tpu.vector_store_idx %arg10[%add3A_493, %broadcast_in_dim3A_484], %get3A_490 : memref<32x513xf32, #tpu.memory_space<vmem>>[vector<16xi32>, vector<16xi32>], vector<16xf32>,
        %add3A_494 = arith.constant 5 : i32
        %add3A_495 = arith.addi %mul3A_435, %add3A_494 : i32
        %broadcast_in_dim3A_496 = vector.broadcast %add3A_495 : i32 to vector<16xi32>
        %get3A_497 = arith.index_cast %add3A_495 : i32 to index
        %get3A_498 = arith.constant 0 : index
        %get3A_499 = tpu.vector_load %arg9[%get3A_497, %get3A_498] {strides = array<i32>} : memref<512x32xf32, #tpu.memory_space<vmem>>, vector<16xf32>,
        %get3A_500 = arith.index_cast %add3A_495 : i32 to index
        %get3A_501 = arith.constant 16 : index
        %get3A_502 = tpu.vector_load %arg9[%get3A_500, %get3A_501] {strides = array<i32>} : memref<512x32xf32, #tpu.memory_space<vmem>>, vector<16xf32>,
        tpu.vector_store_idx %arg10[%iota3A_184, %broadcast_in_dim3A_496], %get3A_499 : memref<32x513xf32, #tpu.memory_space<vmem>>[vector<16xi32>, vector<16xi32>], vector<16xf32>,
        %add3A_503 = arith.constant 16 : i32
        %add3A_504 = vector.broadcast %add3A_503 : i32 to vector<16xi32>
        %add3A_505 = arith.addi %iota3A_184, %add3A_504 : vector<16xi32>
        tpu.vector_store_idx %arg10[%add3A_505, %broadcast_in_dim3A_496], %get3A_502 : memref<32x513xf32, #tpu.memory_space<vmem>>[vector<16xi32>, vector<16xi32>], vector<16xf32>,
        %add3A_506 = arith.constant 6 : i32
        %add3A_507 = arith.addi %mul3A_435, %add3A_506 : i32
        %broadcast_in_dim3A_508 = vector.broadcast %add3A_507 : i32 to vector<16xi32>
        %get3A_509 = arith.index_cast %add3A_507 : i32 to index
        %get3A_510 = arith.constant 0 : index
        %get3A_511 = tpu.vector_load %arg9[%get3A_509, %get3A_510] {strides = array<i32>} : memref<512x32xf32, #tpu.memory_space<vmem>>, vector<16xf32>,
        %get3A_512 = arith.index_cast %add3A_507 : i32 to index
        %get3A_513 = arith.constant 16 : index
        %get3A_514 = tpu.vector_load %arg9[%get3A_512, %get3A_513] {strides = array<i32>} : memref<512x32xf32, #tpu.memory_space<vmem>>, vector<16xf32>,
        tpu.vector_store_idx %arg10[%iota3A_184, %broadcast_in_dim3A_508], %get3A_511 : memref<32x513xf32, #tpu.memory_space<vmem>>[vector<16xi32>, vector<16xi32>], vector<16xf32>,
        %add3A_515 = arith.constant 16 : i32
        %add3A_516 = vector.broadcast %add3A_515 : i32 to vector<16xi32>
        %add3A_517 = arith.addi %iota3A_184, %add3A_516 : vector<16xi32>
        tpu.vector_store_idx %arg10[%add3A_517, %broadcast_in_dim3A_508], %get3A_514 : memref<32x513xf32, #tpu.memory_space<vmem>>[vector<16xi32>, vector<16xi32>], vector<16xf32>,
        %add3A_518 = arith.constant 7 : i32
        %add3A_519 = arith.addi %mul3A_435, %add3A_518 : i32
        %broadcast_in_dim3A_520 = vector.broadcast %add3A_519 : i32 to vector<16xi32>
        %get3A_521 = arith.index_cast %add3A_519 : i32 to index
        %get3A_522 = arith.constant 0 : index
        %get3A_523 = tpu.vector_load %arg9[%get3A_521, %get3A_522] {strides = array<i32>} : memref<512x32xf32, #tpu.memory_space<vmem>>, vector<16xf32>,
        %get3A_524 = arith.index_cast %add3A_519 : i32 to index
        %get3A_525 = arith.constant 16 : index
        %get3A_526 = tpu.vector_load %arg9[%get3A_524, %get3A_525] {strides = array<i32>} : memref<512x32xf32, #tpu.memory_space<vmem>>, vector<16xf32>,
        tpu.vector_store_idx %arg10[%iota3A_184, %broadcast_in_dim3A_520], %get3A_523 : memref<32x513xf32, #tpu.memory_space<vmem>>[vector<16xi32>, vector<16xi32>], vector<16xf32>,
        %add3A_527 = arith.constant 16 : i32
        %add3A_528 = vector.broadcast %add3A_527 : i32 to vector<16xi32>
        %add3A_529 = arith.addi %iota3A_184, %add3A_528 : vector<16xi32>
        tpu.vector_store_idx %arg10[%add3A_529, %broadcast_in_dim3A_520], %get3A_526 : memref<32x513xf32, #tpu.memory_space<vmem>>[vector<16xi32>, vector<16xi32>], vector<16xf32>,
      }
      %scan3A_190 = arith.constant 64 : i32
      %mul3A_191 = arith.constant 25 : i32
      %mul3A_192 = arith.muli %arg1, %mul3A_191 : i32
      %add3A_193 = arith.constant 23 : i32
      %add3A_194 = arith.addi %mul3A_192, %add3A_193 : i32
      %jit3A_195 = arith.constant 8 : i32
      %div3A_196 = arith.divsi %add3A_194, %jit3A_195 : i32
      %sign3A_197 = arith.constant 0 : i32
      %sign3A_198 = arith.cmpi sgt, %add3A_194, %sign3A_197 : i32
      %sign3A_199 = arith.extui %sign3A_198 : i1 to i32
      %sign3A_200 = arith.constant 0 : i32
      %sign3A_201 = arith.cmpi slt, %add3A_194, %sign3A_200 : i32
      %sign3A_202 = arith.extui %sign3A_201 : i1 to i32
      %sign3A_203 = arith.subi %sign3A_199, %sign3A_202 : i32
      %sign3A_204 = arith.constant 0 : i32
      %sign3A_205 = arith.cmpi sgt, %jit3A_195, %sign3A_204 : i32
      %sign3A_206 = arith.extui %sign3A_205 : i1 to i32
      %sign3A_207 = arith.constant 0 : i32
      %sign3A_208 = arith.cmpi slt, %jit3A_195, %sign3A_207 : i32
      %sign3A_209 = arith.extui %sign3A_208 : i1 to i32
      %sign3A_210 = arith.subi %sign3A_206, %sign3A_209 : i32
      %ne3A_211 = arith.cmpi ne, %sign3A_203, %sign3A_210 : i32
      %rem3A_212 = arith.remsi %add3A_194, %jit3A_195 : i32
      %ne3A_213 = arith.constant 0 : i32
      %ne3A_214 = arith.cmpi ne, %rem3A_212, %ne3A_213 : i32
      %and3A_215 = arith.andi %ne3A_211, %ne3A_214 : i1
      %sub3A_216 = arith.constant 1 : i32
      %sub3A_217 = arith.subi %div3A_196, %sub3A_216 : i32
      %select_n3A_218 = arith.select %and3A_215, %sub3A_217, %div3A_196 : i32
      %jit3A_219 = arith.constant 8 : i32
      %eq3A_220 = arith.constant 0 : i32
      %eq3A_221 = arith.cmpi eq, %jit3A_219, %eq3A_220 : i32
      %jit3A_222 = arith.constant 1 : i32
      %select_n3A_223 = arith.select %eq3A_221, %jit3A_222, %jit3A_219 : i32
      %rem3A_224 = arith.remsi %add3A_194, %select_n3A_223 : i32
      %ne3A_225 = arith.constant 0 : i32
      %ne3A_226 = arith.cmpi ne, %rem3A_224, %ne3A_225 : i32
      %lt3A_227 = arith.constant 0 : i32
      %lt3A_228 = arith.cmpi slt, %rem3A_224, %lt3A_227 : i32
      %lt3A_229 = arith.constant 0 : i32
      %lt3A_230 = arith.cmpi slt, %select_n3A_223, %lt3A_229 : i32
      %ne3A_231 = arith.xori %lt3A_228, %lt3A_230 : i1
      %and3A_232 = arith.andi %ne3A_231, %ne3A_226 : i1
      %add3A_233 = arith.addi %rem3A_224, %select_n3A_223 : i32
      %select_n3A_234 = arith.select %and3A_232, %add3A_233, %rem3A_224 : i32
      %mul3A_235 = arith.constant 512 : i32
      %mul3A_236 = arith.muli %select_n3A_234, %mul3A_235 : i32
      %dma_start3A_237 = arith.constant 0 : i32
      %dma_start3A_238 = arith.constant 0 : i32
      %dma_start3A_239 = tpu.memref_slice %arg10[%dma_start3A_237, %dma_start3A_238] : memref<32x513xf32, #tpu.memory_space<vmem>> -> memref<32x512xf32, #tpu.memory_space<vmem>>
      %dma_start3A_240 = arith.constant 0 : i32
      %dma_start3A_241 = tpu.memref_slice %arg5[%arg0, %select_n3A_218, %dma_start3A_240, %mul3A_236] : memref<2x50x32x4096xf32, #tpu.memory_space<hbm>> -> memref<1x1x32x512xf32, #tpu.memory_space<hbm>>
      %dma_start3A_242 = tpu.memref_squeeze %dma_start3A_241 : memref<1x1x32x512xf32, #tpu.memory_space<hbm>> -> memref<32x512xf32, #tpu.memory_space<hbm>>
      %dma_start3A_243 = arith.constant 0 : i32
      %dma_start3A_244 = tpu.memref_slice %arg5[%arg0, %select_n3A_218, %dma_start3A_243, %mul3A_236] : memref<2x50x32x4096xf32, #tpu.memory_space<hbm>> -> memref<1x1x32x512xf32, #tpu.memory_space<hbm>>
      %dma_start3A_245 = tpu.memref_squeeze %dma_start3A_244 : memref<1x1x32x512xf32, #tpu.memory_space<hbm>> -> memref<32x512xf32, #tpu.memory_space<hbm>>
      %dma_start3A_246 = arith.constant 0 : i32
      %dma_start3A_247 = arith.constant 0 : i32
      %dma_start3A_248 = tpu.memref_slice %arg10[%dma_start3A_246, %dma_start3A_247] : memref<32x513xf32, #tpu.memory_space<vmem>> -> memref<32x512xf32, #tpu.memory_space<vmem>>
      tpu.enqueue_dma source(%dma_start3A_248 : memref<32x512xf32, #tpu.memory_space<vmem>>) target(%dma_start3A_245 : memref<32x512xf32, #tpu.memory_space<hbm>>) target_semaphore(%arg15 : memref<!tpu.dma_semaphore, #tpu.memory_space<semaphore_mem>>)
      %dma_wait3A_249 = arith.constant 0 : i32
      %dma_wait3A_250 = arith.constant 0 : i32
      %dma_wait3A_251 = tpu.memref_slice %arg2[%dma_wait3A_249, %dma_wait3A_250] : memref<1007616x32xf32, #tpu.memory_space<hbm>> -> memref<1007616x32xf32, #tpu.memory_space<hbm>>
      tpu.wait_indirect_dma semaphore(%arg13 : memref<!tpu.dma_semaphore, #tpu.memory_space<semaphore_mem>>) src(%dma_wait3A_251 : memref<1007616x32xf32, #tpu.memory_space<hbm>>) dst(%arg8 : memref<512x32xf32, #tpu.memory_space<vmem>>)
      %mul3A_252 = arith.constant 25 : i32
      %mul3A_253 = arith.muli %arg1, %mul3A_252 : i32
      %add3A_254 = arith.constant 23 : i32
      %add3A_255 = arith.addi %mul3A_253, %add3A_254 : i32
      %jit3A_256 = arith.constant 8 : i32
      %div3A_257 = arith.divsi %add3A_255, %jit3A_256 : i32
      %sign3A_258 = arith.constant 0 : i32
      %sign3A_259 = arith.cmpi sgt, %add3A_255, %sign3A_258 : i32
      %sign3A_260 = arith.extui %sign3A_259 : i1 to i32
      %sign3A_261 = arith.constant 0 : i32
      %sign3A_262 = arith.cmpi slt, %add3A_255, %sign3A_261 : i32
      %sign3A_263 = arith.extui %sign3A_262 : i1 to i32
      %sign3A_264 = arith.subi %sign3A_260, %sign3A_263 : i32
      %sign3A_265 = arith.constant 0 : i32
      %sign3A_266 = arith.cmpi sgt, %jit3A_256, %sign3A_265 : i32
      %sign3A_267 = arith.extui %sign3A_266 : i1 to i32
      %sign3A_268 = arith.constant 0 : i32
      %sign3A_269 = arith.cmpi slt, %jit3A_256, %sign3A_268 : i32
      %sign3A_270 = arith.extui %sign3A_269 : i1 to i32
      %sign3A_271 = arith.subi %sign3A_267, %sign3A_270 : i32
      %ne3A_272 = arith.cmpi ne, %sign3A_264, %sign3A_271 : i32
      %rem3A_273 = arith.remsi %add3A_255, %jit3A_256 : i32
      %ne3A_274 = arith.constant 0 : i32
      %ne3A_275 = arith.cmpi ne, %rem3A_273, %ne3A_274 : i32
      %and3A_276 = arith.andi %ne3A_272, %ne3A_275 : i1
      %sub3A_277 = arith.constant 1 : i32
      %sub3A_278 = arith.subi %div3A_257, %sub3A_277 : i32
      %select_n3A_279 = arith.select %and3A_276, %sub3A_278, %div3A_257 : i32
      %jit3A_280 = arith.constant 8 : i32
      %eq3A_281 = arith.constant 0 : i32
      %eq3A_282 = arith.cmpi eq, %jit3A_280, %eq3A_281 : i32
      %jit3A_283 = arith.constant 1 : i32
      %select_n3A_284 = arith.select %eq3A_282, %jit3A_283, %jit3A_280 : i32
      %rem3A_285 = arith.remsi %add3A_255, %select_n3A_284 : i32
      %ne3A_286 = arith.constant 0 : i32
      %ne3A_287 = arith.cmpi ne, %rem3A_285, %ne3A_286 : i32
      %lt3A_288 = arith.constant 0 : i32
      %lt3A_289 = arith.cmpi slt, %rem3A_285, %lt3A_288 : i32
      %lt3A_290 = arith.constant 0 : i32
      %lt3A_291 = arith.cmpi slt, %select_n3A_284, %lt3A_290 : i32
      %ne3A_292 = arith.xori %lt3A_289, %lt3A_291 : i1
      %and3A_293 = arith.andi %ne3A_292, %ne3A_287 : i1
      %add3A_294 = arith.addi %rem3A_285, %select_n3A_284 : i32
      %select_n3A_295 = arith.select %and3A_293, %add3A_294, %rem3A_285 : i32
      %mul3A_296 = arith.constant 512 : i32
      %mul3A_297 = arith.muli %select_n3A_295, %mul3A_296 : i32
      %dma_wait3A_298 = arith.constant 0 : i32
      %dma_wait3A_299 = arith.constant 0 : i32
      %dma_wait3A_300 = tpu.memref_slice %arg10[%dma_wait3A_298, %dma_wait3A_299] : memref<32x513xf32, #tpu.memory_space<vmem>> -> memref<32x512xf32, #tpu.memory_space<vmem>>
      %dma_wait3A_301 = arith.constant 0 : i32
      %dma_wait3A_302 = tpu.memref_slice %arg5[%arg0, %select_n3A_279, %dma_wait3A_301, %mul3A_297] : memref<2x50x32x4096xf32, #tpu.memory_space<hbm>> -> memref<1x1x32x512xf32, #tpu.memory_space<hbm>>
      %dma_wait3A_303 = tpu.memref_squeeze %dma_wait3A_302 : memref<1x1x32x512xf32, #tpu.memory_space<hbm>> -> memref<32x512xf32, #tpu.memory_space<hbm>>
      %dma_wait3A_304 = arith.constant 0 : i32
      %dma_wait3A_305 = tpu.memref_slice %arg5[%arg0, %select_n3A_279, %dma_wait3A_304, %mul3A_297] : memref<2x50x32x4096xf32, #tpu.memory_space<hbm>> -> memref<1x1x32x512xf32, #tpu.memory_space<hbm>>
      %dma_wait3A_306 = tpu.memref_squeeze %dma_wait3A_305 : memref<1x1x32x512xf32, #tpu.memory_space<hbm>> -> memref<32x512xf32, #tpu.memory_space<hbm>>
      %dma_wait3A_307 = arith.constant 0 : i32
      %dma_wait3A_308 = arith.constant 0 : i32
      %dma_wait3A_309 = tpu.memref_slice %arg10[%dma_wait3A_307, %dma_wait3A_308] : memref<32x513xf32, #tpu.memory_space<vmem>> -> memref<32x512xf32, #tpu.memory_space<vmem>>
      tpu.wait_dma2 semaphore(%arg15 : memref<!tpu.dma_semaphore, #tpu.memory_space<semaphore_mem>>) src(%dma_wait3A_309 : memref<32x512xf32, #tpu.memory_space<vmem>>) dst(%dma_wait3A_306 : memref<32x512xf32, #tpu.memory_space<hbm>>)
      %iota3A_310 = tpu.iota {dimensions = array<i32: 0>} : vector<16xi32>
      %scan3A_311 = arith.constant 0 : i32
      %scan3A_312 = arith.constant 0 : i32
      %scan3A_313 = arith.constant 64 : i32
      %scan3A_314 = arith.addi %scan3A_312, %scan3A_313 : i32
      %scan3A_315 = arith.constant 1 : i32
      scf.for %scan3A_433 = %scan3A_312 to %scan3A_314 step %scan3A_315  : i32 {
        %mul3A_434 = arith.constant 8 : i32
        %mul3A_435 = arith.muli %scan3A_433, %mul3A_434 : i32
        %add3A_436 = arith.constant 0 : i32
        %add3A_437 = arith.addi %mul3A_435, %add3A_436 : i32
        %broadcast_in_dim3A = vector.broadcast %add3A_437 : i32 to vector<16xi32>
        %get3A = arith.index_cast %add3A_437 : i32 to index
        %get3A_438 = arith.constant 0 : index
        %get3A_439 = tpu.vector_load %arg8[%get3A, %get3A_438] {strides = array<i32>} : memref<512x32xf32, #tpu.memory_space<vmem>>, vector<16xf32>,
        %get3A_440 = arith.index_cast %add3A_437 : i32 to index
        %get3A_441 = arith.constant 16 : index
        %get3A_442 = tpu.vector_load %arg8[%get3A_440, %get3A_441] {strides = array<i32>} : memref<512x32xf32, #tpu.memory_space<vmem>>, vector<16xf32>,
        tpu.vector_store_idx %arg10[%iota3A_310, %broadcast_in_dim3A], %get3A_439 : memref<32x513xf32, #tpu.memory_space<vmem>>[vector<16xi32>, vector<16xi32>], vector<16xf32>,
        %add3A_443 = arith.constant 16 : i32
        %add3A_444 = vector.broadcast %add3A_443 : i32 to vector<16xi32>
        %add3A_445 = arith.addi %iota3A_310, %add3A_444 : vector<16xi32>
        tpu.vector_store_idx %arg10[%add3A_445, %broadcast_in_dim3A], %get3A_442 : memref<32x513xf32, #tpu.memory_space<vmem>>[vector<16xi32>, vector<16xi32>], vector<16xf32>,
        %add3A_446 = arith.constant 1 : i32
        %add3A_447 = arith.addi %mul3A_435, %add3A_446 : i32
        %broadcast_in_dim3A_448 = vector.broadcast %add3A_447 : i32 to vector<16xi32>
        %get3A_449 = arith.index_cast %add3A_447 : i32 to index
        %get3A_450 = arith.constant 0 : index
        %get3A_451 = tpu.vector_load %arg8[%get3A_449, %get3A_450] {strides = array<i32>} : memref<512x32xf32, #tpu.memory_space<vmem>>, vector<16xf32>,
        %get3A_452 = arith.index_cast %add3A_447 : i32 to index
        %get3A_453 = arith.constant 16 : index
        %get3A_454 = tpu.vector_load %arg8[%get3A_452, %get3A_453] {strides = array<i32>} : memref<512x32xf32, #tpu.memory_space<vmem>>, vector<16xf32>,
        tpu.vector_store_idx %arg10[%iota3A_310, %broadcast_in_dim3A_448], %get3A_451 : memref<32x513xf32, #tpu.memory_space<vmem>>[vector<16xi32>, vector<16xi32>], vector<16xf32>,
        %add3A_455 = arith.constant 16 : i32
        %add3A_456 = vector.broadcast %add3A_455 : i32 to vector<16xi32>
        %add3A_457 = arith.addi %iota3A_310, %add3A_456 : vector<16xi32>
        tpu.vector_store_idx %arg10[%add3A_457, %broadcast_in_dim3A_448], %get3A_454 : memref<32x513xf32, #tpu.memory_space<vmem>>[vector<16xi32>, vector<16xi32>], vector<16xf32>,
        %add3A_458 = arith.constant 2 : i32
        %add3A_459 = arith.addi %mul3A_435, %add3A_458 : i32
        %broadcast_in_dim3A_460 = vector.broadcast %add3A_459 : i32 to vector<16xi32>
        %get3A_461 = arith.index_cast %add3A_459 : i32 to index
        %get3A_462 = arith.constant 0 : index
        %get3A_463 = tpu.vector_load %arg8[%get3A_461, %get3A_462] {strides = array<i32>} : memref<512x32xf32, #tpu.memory_space<vmem>>, vector<16xf32>,
        %get3A_464 = arith.index_cast %add3A_459 : i32 to index
        %get3A_465 = arith.constant 16 : index
        %get3A_466 = tpu.vector_load %arg8[%get3A_464, %get3A_465] {strides = array<i32>} : memref<512x32xf32, #tpu.memory_space<vmem>>, vector<16xf32>,
        tpu.vector_store_idx %arg10[%iota3A_310, %broadcast_in_dim3A_460], %get3A_463 : memref<32x513xf32, #tpu.memory_space<vmem>>[vector<16xi32>, vector<16xi32>], vector<16xf32>,
        %add3A_467 = arith.constant 16 : i32
        %add3A_468 = vector.broadcast %add3A_467 : i32 to vector<16xi32>
        %add3A_469 = arith.addi %iota3A_310, %add3A_468 : vector<16xi32>
        tpu.vector_store_idx %arg10[%add3A_469, %broadcast_in_dim3A_460], %get3A_466 : memref<32x513xf32, #tpu.memory_space<vmem>>[vector<16xi32>, vector<16xi32>], vector<16xf32>,
        %add3A_470 = arith.constant 3 : i32
        %add3A_471 = arith.addi %mul3A_435, %add3A_470 : i32
        %broadcast_in_dim3A_472 = vector.broadcast %add3A_471 : i32 to vector<16xi32>
        %get3A_473 = arith.index_cast %add3A_471 : i32 to index
        %get3A_474 = arith.constant 0 : index
        %get3A_475 = tpu.vector_load %arg8[%get3A_473, %get3A_474] {strides = array<i32>} : memref<512x32xf32, #tpu.memory_space<vmem>>, vector<16xf32>,
        %get3A_476 = arith.index_cast %add3A_471 : i32 to index
        %get3A_477 = arith.constant 16 : index
        %get3A_478 = tpu.vector_load %arg8[%get3A_476, %get3A_477] {strides = array<i32>} : memref<512x32xf32, #tpu.memory_space<vmem>>, vector<16xf32>,
        tpu.vector_store_idx %arg10[%iota3A_310, %broadcast_in_dim3A_472], %get3A_475 : memref<32x513xf32, #tpu.memory_space<vmem>>[vector<16xi32>, vector<16xi32>], vector<16xf32>,
        %add3A_479 = arith.constant 16 : i32
        %add3A_480 = vector.broadcast %add3A_479 : i32 to vector<16xi32>
        %add3A_481 = arith.addi %iota3A_310, %add3A_480 : vector<16xi32>
        tpu.vector_store_idx %arg10[%add3A_481, %broadcast_in_dim3A_472], %get3A_478 : memref<32x513xf32, #tpu.memory_space<vmem>>[vector<16xi32>, vector<16xi32>], vector<16xf32>,
        %add3A_482 = arith.constant 4 : i32
        %add3A_483 = arith.addi %mul3A_435, %add3A_482 : i32
        %broadcast_in_dim3A_484 = vector.broadcast %add3A_483 : i32 to vector<16xi32>
        %get3A_485 = arith.index_cast %add3A_483 : i32 to index
        %get3A_486 = arith.constant 0 : index
        %get3A_487 = tpu.vector_load %arg8[%get3A_485, %get3A_486] {strides = array<i32>} : memref<512x32xf32, #tpu.memory_space<vmem>>, vector<16xf32>,
        %get3A_488 = arith.index_cast %add3A_483 : i32 to index
        %get3A_489 = arith.constant 16 : index
        %get3A_490 = tpu.vector_load %arg8[%get3A_488, %get3A_489] {strides = array<i32>} : memref<512x32xf32, #tpu.memory_space<vmem>>, vector<16xf32>,
        tpu.vector_store_idx %arg10[%iota3A_310, %broadcast_in_dim3A_484], %get3A_487 : memref<32x513xf32, #tpu.memory_space<vmem>>[vector<16xi32>, vector<16xi32>], vector<16xf32>,
        %add3A_491 = arith.constant 16 : i32
        %add3A_492 = vector.broadcast %add3A_491 : i32 to vector<16xi32>
        %add3A_493 = arith.addi %iota3A_310, %add3A_492 : vector<16xi32>
        tpu.vector_store_idx %arg10[%add3A_493, %broadcast_in_dim3A_484], %get3A_490 : memref<32x513xf32, #tpu.memory_space<vmem>>[vector<16xi32>, vector<16xi32>], vector<16xf32>,
        %add3A_494 = arith.constant 5 : i32
        %add3A_495 = arith.addi %mul3A_435, %add3A_494 : i32
        %broadcast_in_dim3A_496 = vector.broadcast %add3A_495 : i32 to vector<16xi32>
        %get3A_497 = arith.index_cast %add3A_495 : i32 to index
        %get3A_498 = arith.constant 0 : index
        %get3A_499 = tpu.vector_load %arg8[%get3A_497, %get3A_498] {strides = array<i32>} : memref<512x32xf32, #tpu.memory_space<vmem>>, vector<16xf32>,
        %get3A_500 = arith.index_cast %add3A_495 : i32 to index
        %get3A_501 = arith.constant 16 : index
        %get3A_502 = tpu.vector_load %arg8[%get3A_500, %get3A_501] {strides = array<i32>} : memref<512x32xf32, #tpu.memory_space<vmem>>, vector<16xf32>,
        tpu.vector_store_idx %arg10[%iota3A_310, %broadcast_in_dim3A_496], %get3A_499 : memref<32x513xf32, #tpu.memory_space<vmem>>[vector<16xi32>, vector<16xi32>], vector<16xf32>,
        %add3A_503 = arith.constant 16 : i32
        %add3A_504 = vector.broadcast %add3A_503 : i32 to vector<16xi32>
        %add3A_505 = arith.addi %iota3A_310, %add3A_504 : vector<16xi32>
        tpu.vector_store_idx %arg10[%add3A_505, %broadcast_in_dim3A_496], %get3A_502 : memref<32x513xf32, #tpu.memory_space<vmem>>[vector<16xi32>, vector<16xi32>], vector<16xf32>,
        %add3A_506 = arith.constant 6 : i32
        %add3A_507 = arith.addi %mul3A_435, %add3A_506 : i32
        %broadcast_in_dim3A_508 = vector.broadcast %add3A_507 : i32 to vector<16xi32>
        %get3A_509 = arith.index_cast %add3A_507 : i32 to index
        %get3A_510 = arith.constant 0 : index
        %get3A_511 = tpu.vector_load %arg8[%get3A_509, %get3A_510] {strides = array<i32>} : memref<512x32xf32, #tpu.memory_space<vmem>>, vector<16xf32>,
        %get3A_512 = arith.index_cast %add3A_507 : i32 to index
        %get3A_513 = arith.constant 16 : index
        %get3A_514 = tpu.vector_load %arg8[%get3A_512, %get3A_513] {strides = array<i32>} : memref<512x32xf32, #tpu.memory_space<vmem>>, vector<16xf32>,
        tpu.vector_store_idx %arg10[%iota3A_310, %broadcast_in_dim3A_508], %get3A_511 : memref<32x513xf32, #tpu.memory_space<vmem>>[vector<16xi32>, vector<16xi32>], vector<16xf32>,
        %add3A_515 = arith.constant 16 : i32
        %add3A_516 = vector.broadcast %add3A_515 : i32 to vector<16xi32>
        %add3A_517 = arith.addi %iota3A_310, %add3A_516 : vector<16xi32>
        tpu.vector_store_idx %arg10[%add3A_517, %broadcast_in_dim3A_508], %get3A_514 : memref<32x513xf32, #tpu.memory_space<vmem>>[vector<16xi32>, vector<16xi32>], vector<16xf32>,
        %add3A_518 = arith.constant 7 : i32
        %add3A_519 = arith.addi %mul3A_435, %add3A_518 : i32
        %broadcast_in_dim3A_520 = vector.broadcast %add3A_519 : i32 to vector<16xi32>
        %get3A_521 = arith.index_cast %add3A_519 : i32 to index
        %get3A_522 = arith.constant 0 : index
        %get3A_523 = tpu.vector_load %arg8[%get3A_521, %get3A_522] {strides = array<i32>} : memref<512x32xf32, #tpu.memory_space<vmem>>, vector<16xf32>,
        %get3A_524 = arith.index_cast %add3A_519 : i32 to index
        %get3A_525 = arith.constant 16 : index
        %get3A_526 = tpu.vector_load %arg8[%get3A_524, %get3A_525] {strides = array<i32>} : memref<512x32xf32, #tpu.memory_space<vmem>>, vector<16xf32>,
        tpu.vector_store_idx %arg10[%iota3A_310, %broadcast_in_dim3A_520], %get3A_523 : memref<32x513xf32, #tpu.memory_space<vmem>>[vector<16xi32>, vector<16xi32>], vector<16xf32>,
        %add3A_527 = arith.constant 16 : i32
        %add3A_528 = vector.broadcast %add3A_527 : i32 to vector<16xi32>
        %add3A_529 = arith.addi %iota3A_310, %add3A_528 : vector<16xi32>
        tpu.vector_store_idx %arg10[%add3A_529, %broadcast_in_dim3A_520], %get3A_526 : memref<32x513xf32, #tpu.memory_space<vmem>>[vector<16xi32>, vector<16xi32>], vector<16xf32>,
      }
      %scan3A_316 = arith.constant 64 : i32
      %mul3A_317 = arith.constant 25 : i32
      %mul3A_318 = arith.muli %arg1, %mul3A_317 : i32
      %add3A_319 = arith.constant 24 : i32
      %add3A_320 = arith.addi %mul3A_318, %add3A_319 : i32
      %jit3A_321 = arith.constant 8 : i32
      %div3A_322 = arith.divsi %add3A_320, %jit3A_321 : i32
      %sign3A_323 = arith.constant 0 : i32
      %sign3A_324 = arith.cmpi sgt, %add3A_320, %sign3A_323 : i32
      %sign3A_325 = arith.extui %sign3A_324 : i1 to i32
      %sign3A_326 = arith.constant 0 : i32
      %sign3A_327 = arith.cmpi slt, %add3A_320, %sign3A_326 : i32
      %sign3A_328 = arith.extui %sign3A_327 : i1 to i32
      %sign3A_329 = arith.subi %sign3A_325, %sign3A_328 : i32
      %sign3A_330 = arith.constant 0 : i32
      %sign3A_331 = arith.cmpi sgt, %jit3A_321, %sign3A_330 : i32
      %sign3A_332 = arith.extui %sign3A_331 : i1 to i32
      %sign3A_333 = arith.constant 0 : i32
      %sign3A_334 = arith.cmpi slt, %jit3A_321, %sign3A_333 : i32
      %sign3A_335 = arith.extui %sign3A_334 : i1 to i32
      %sign3A_336 = arith.subi %sign3A_332, %sign3A_335 : i32
      %ne3A_337 = arith.cmpi ne, %sign3A_329, %sign3A_336 : i32
      %rem3A_338 = arith.remsi %add3A_320, %jit3A_321 : i32
      %ne3A_339 = arith.constant 0 : i32
      %ne3A_340 = arith.cmpi ne, %rem3A_338, %ne3A_339 : i32
      %and3A_341 = arith.andi %ne3A_337, %ne3A_340 : i1
      %sub3A_342 = arith.constant 1 : i32
      %sub3A_343 = arith.subi %div3A_322, %sub3A_342 : i32
      %select_n3A_344 = arith.select %and3A_341, %sub3A_343, %div3A_322 : i32
      %jit3A_345 = arith.constant 8 : i32
      %eq3A_346 = arith.constant 0 : i32
      %eq3A_347 = arith.cmpi eq, %jit3A_345, %eq3A_346 : i32
      %jit3A_348 = arith.constant 1 : i32
      %select_n3A_349 = arith.select %eq3A_347, %jit3A_348, %jit3A_345 : i32
      %rem3A_350 = arith.remsi %add3A_320, %select_n3A_349 : i32
      %ne3A_351 = arith.constant 0 : i32
      %ne3A_352 = arith.cmpi ne, %rem3A_350, %ne3A_351 : i32
      %lt3A_353 = arith.constant 0 : i32
      %lt3A_354 = arith.cmpi slt, %rem3A_350, %lt3A_353 : i32
      %lt3A_355 = arith.constant 0 : i32
      %lt3A_356 = arith.cmpi slt, %select_n3A_349, %lt3A_355 : i32
      %ne3A_357 = arith.xori %lt3A_354, %lt3A_356 : i1
      %and3A_358 = arith.andi %ne3A_357, %ne3A_352 : i1
      %add3A_359 = arith.addi %rem3A_350, %select_n3A_349 : i32
      %select_n3A_360 = arith.select %and3A_358, %add3A_359, %rem3A_350 : i32
      %mul3A_361 = arith.constant 512 : i32
      %mul3A_362 = arith.muli %select_n3A_360, %mul3A_361 : i32
      %dma_start3A_363 = arith.constant 0 : i32
      %dma_start3A_364 = arith.constant 0 : i32
      %dma_start3A_365 = tpu.memref_slice %arg10[%dma_start3A_363, %dma_start3A_364] : memref<32x513xf32, #tpu.memory_space<vmem>> -> memref<32x512xf32, #tpu.memory_space<vmem>>
      %dma_start3A_366 = arith.constant 0 : i32
      %dma_start3A_367 = tpu.memref_slice %arg5[%arg0, %select_n3A_344, %dma_start3A_366, %mul3A_362] : memref<2x50x32x4096xf32, #tpu.memory_space<hbm>> -> memref<1x1x32x512xf32, #tpu.memory_space<hbm>>
      %dma_start3A_368 = tpu.memref_squeeze %dma_start3A_367 : memref<1x1x32x512xf32, #tpu.memory_space<hbm>> -> memref<32x512xf32, #tpu.memory_space<hbm>>
      %dma_start3A_369 = arith.constant 0 : i32
      %dma_start3A_370 = tpu.memref_slice %arg5[%arg0, %select_n3A_344, %dma_start3A_369, %mul3A_362] : memref<2x50x32x4096xf32, #tpu.memory_space<hbm>> -> memref<1x1x32x512xf32, #tpu.memory_space<hbm>>
      %dma_start3A_371 = tpu.memref_squeeze %dma_start3A_370 : memref<1x1x32x512xf32, #tpu.memory_space<hbm>> -> memref<32x512xf32, #tpu.memory_space<hbm>>
      %dma_start3A_372 = arith.constant 0 : i32
      %dma_start3A_373 = arith.constant 0 : i32
      %dma_start3A_374 = tpu.memref_slice %arg10[%dma_start3A_372, %dma_start3A_373] : memref<32x513xf32, #tpu.memory_space<vmem>> -> memref<32x512xf32, #tpu.memory_space<vmem>>
      tpu.enqueue_dma source(%dma_start3A_374 : memref<32x512xf32, #tpu.memory_space<vmem>>) target(%dma_start3A_371 : memref<32x512xf32, #tpu.memory_space<hbm>>) target_semaphore(%arg15 : memref<!tpu.dma_semaphore, #tpu.memory_space<semaphore_mem>>)
      %mul3A_375 = arith.constant 25 : i32
      %mul3A_376 = arith.muli %arg1, %mul3A_375 : i32
      %add3A_377 = arith.constant 24 : i32
      %add3A_378 = arith.addi %mul3A_376, %add3A_377 : i32
      %jit3A_379 = arith.constant 8 : i32
      %div3A_380 = arith.divsi %add3A_378, %jit3A_379 : i32
      %sign3A_381 = arith.constant 0 : i32
      %sign3A_382 = arith.cmpi sgt, %add3A_378, %sign3A_381 : i32
      %sign3A_383 = arith.extui %sign3A_382 : i1 to i32
      %sign3A_384 = arith.constant 0 : i32
      %sign3A_385 = arith.cmpi slt, %add3A_378, %sign3A_384 : i32
      %sign3A_386 = arith.extui %sign3A_385 : i1 to i32
      %sign3A_387 = arith.subi %sign3A_383, %sign3A_386 : i32
      %sign3A_388 = arith.constant 0 : i32
      %sign3A_389 = arith.cmpi sgt, %jit3A_379, %sign3A_388 : i32
      %sign3A_390 = arith.extui %sign3A_389 : i1 to i32
      %sign3A_391 = arith.constant 0 : i32
      %sign3A_392 = arith.cmpi slt, %jit3A_379, %sign3A_391 : i32
      %sign3A_393 = arith.extui %sign3A_392 : i1 to i32
      %sign3A_394 = arith.subi %sign3A_390, %sign3A_393 : i32
      %ne3A_395 = arith.cmpi ne, %sign3A_387, %sign3A_394 : i32
      %rem3A_396 = arith.remsi %add3A_378, %jit3A_379 : i32
      %ne3A_397 = arith.constant 0 : i32
      %ne3A_398 = arith.cmpi ne, %rem3A_396, %ne3A_397 : i32
      %and3A_399 = arith.andi %ne3A_395, %ne3A_398 : i1
      %sub3A_400 = arith.constant 1 : i32
      %sub3A_401 = arith.subi %div3A_380, %sub3A_400 : i32
      %select_n3A_402 = arith.select %and3A_399, %sub3A_401, %div3A_380 : i32
      %jit3A_403 = arith.constant 8 : i32
      %eq3A_404 = arith.constant 0 : i32
      %eq3A_405 = arith.cmpi eq, %jit3A_403, %eq3A_404 : i32
      %jit3A_406 = arith.constant 1 : i32
      %select_n3A_407 = arith.select %eq3A_405, %jit3A_406, %jit3A_403 : i32
      %rem3A_408 = arith.remsi %add3A_378, %select_n3A_407 : i32
      %ne3A_409 = arith.constant 0 : i32
      %ne3A_410 = arith.cmpi ne, %rem3A_408, %ne3A_409 : i32
      %lt3A_411 = arith.constant 0 : i32
      %lt3A_412 = arith.cmpi slt, %rem3A_408, %lt3A_411 : i32
      %lt3A_413 = arith.constant 0 : i32
      %lt3A_414 = arith.cmpi slt, %select_n3A_407, %lt3A_413 : i32
      %ne3A_415 = arith.xori %lt3A_412, %lt3A_414 : i1
      %and3A_416 = arith.andi %ne3A_415, %ne3A_410 : i1
      %add3A_417 = arith.addi %rem3A_408, %select_n3A_407 : i32
      %select_n3A_418 = arith.select %and3A_416, %add3A_417, %rem3A_408 : i32
      %mul3A_419 = arith.constant 512 : i32
      %mul3A_420 = arith.muli %select_n3A_418, %mul3A_419 : i32
      %dma_wait3A_421 = arith.constant 0 : i32
      %dma_wait3A_422 = arith.constant 0 : i32
      %dma_wait3A_423 = tpu.memref_slice %arg10[%dma_wait3A_421, %dma_wait3A_422] : memref<32x513xf32, #tpu.memory_space<vmem>> -> memref<32x512xf32, #tpu.memory_space<vmem>>
      %dma_wait3A_424 = arith.constant 0 : i32
      %dma_wait3A_425 = tpu.memref_slice %arg5[%arg0, %select_n3A_402, %dma_wait3A_424, %mul3A_420] : memref<2x50x32x4096xf32, #tpu.memory_space<hbm>> -> memref<1x1x32x512xf32, #tpu.memory_space<hbm>>
      %dma_wait3A_426 = tpu.memref_squeeze %dma_wait3A_425 : memref<1x1x32x512xf32, #tpu.memory_space<hbm>> -> memref<32x512xf32, #tpu.memory_space<hbm>>
      %dma_wait3A_427 = arith.constant 0 : i32
      %dma_wait3A_428 = tpu.memref_slice %arg5[%arg0, %select_n3A_402, %dma_wait3A_427, %mul3A_420] : memref<2x50x32x4096xf32, #tpu.memory_space<hbm>> -> memref<1x1x32x512xf32, #tpu.memory_space<hbm>>
      %dma_wait3A_429 = tpu.memref_squeeze %dma_wait3A_428 : memref<1x1x32x512xf32, #tpu.memory_space<hbm>> -> memref<32x512xf32, #tpu.memory_space<hbm>>
      %dma_wait3A_430 = arith.constant 0 : i32
      %dma_wait3A_431 = arith.constant 0 : i32
      %dma_wait3A_432 = tpu.memref_slice %arg10[%dma_wait3A_430, %dma_wait3A_431] : memref<32x513xf32, #tpu.memory_space<vmem>> -> memref<32x512xf32, #tpu.memory_space<vmem>>
      tpu.wait_dma2 semaphore(%arg15 : memref<!tpu.dma_semaphore, #tpu.memory_space<semaphore_mem>>) src(%dma_wait3A_432 : memref<32x512xf32, #tpu.memory_space<vmem>>) dst(%dma_wait3A_429 : memref<32x512xf32, #tpu.memory_space<hbm>>)
    } else {
    }
    %eq3A_2 = arith.constant 1 : i32
    %eq3A_3 = arith.cmpi eq, %arg0, %eq3A_2 : i32
    %convert_element_type3A_4 = arith.extui %eq3A_3 : i1 to i32
    %cond3A_5 = arith.constant 0 : i32
    %cond3A_6 = arith.cmpi ne, %convert_element_type3A_4, %cond3A_5 : i32
    scf.if %cond3A_6 {
      %mul3A = arith.constant 25 : i32
      %mul3A_7 = arith.muli %arg1, %mul3A : i32
      %add3A = arith.constant 0 : i32
      %add3A_8 = arith.addi %mul3A_7, %add3A : i32
      %mul3A_9 = arith.constant 512 : i32
      %mul3A_10 = arith.muli %add3A_8, %mul3A_9 : i32
      %dma_start3A = tpu.memref_slice %arg4[%mul3A_10] : memref<204800xi32, #tpu.memory_space<hbm>> -> memref<512xi32, #tpu.memory_space<hbm>>
      %dma_start3A_11 = tpu.memref_slice %arg4[%mul3A_10] : memref<204800xi32, #tpu.memory_space<hbm>> -> memref<512xi32, #tpu.memory_space<hbm>>
      tpu.enqueue_dma source(%dma_start3A_11 : memref<512xi32, #tpu.memory_space<hbm>>) target(%arg6 : memref<512xi32, #tpu.memory_space<vmem>>) target_semaphore(%arg11 : memref<!tpu.dma_semaphore, #tpu.memory_space<semaphore_mem>>)
      %mul3A_12 = arith.constant 25 : i32
      %mul3A_13 = arith.muli %arg1, %mul3A_12 : i32
      %add3A_14 = arith.constant 1 : i32
      %add3A_15 = arith.addi %mul3A_13, %add3A_14 : i32
      %mul3A_16 = arith.constant 512 : i32
      %mul3A_17 = arith.muli %add3A_15, %mul3A_16 : i32
      %dma_start3A_18 = tpu.memref_slice %arg4[%mul3A_17] : memref<204800xi32, #tpu.memory_space<hbm>> -> memref<512xi32, #tpu.memory_space<hbm>>
      %dma_start3A_19 = tpu.memref_slice %arg4[%mul3A_17] : memref<204800xi32, #tpu.memory_space<hbm>> -> memref<512xi32, #tpu.memory_space<hbm>>
      tpu.enqueue_dma source(%dma_start3A_19 : memref<512xi32, #tpu.memory_space<hbm>>) target(%arg7 : memref<512xi32, #tpu.memory_space<vmem>>) target_semaphore(%arg12 : memref<!tpu.dma_semaphore, #tpu.memory_space<semaphore_mem>>)
      %mul3A_20 = arith.constant 25 : i32
      %mul3A_21 = arith.muli %arg1, %mul3A_20 : i32
      %add3A_22 = arith.constant 0 : i32
      %add3A_23 = arith.addi %mul3A_21, %add3A_22 : i32
      %mul3A_24 = arith.constant 512 : i32
      %mul3A_25 = arith.muli %add3A_23, %mul3A_24 : i32
      %dma_wait3A = tpu.memref_slice %arg4[%mul3A_25] : memref<204800xi32, #tpu.memory_space<hbm>> -> memref<512xi32, #tpu.memory_space<hbm>>
      %dma_wait3A_26 = tpu.memref_slice %arg4[%mul3A_25] : memref<204800xi32, #tpu.memory_space<hbm>> -> memref<512xi32, #tpu.memory_space<hbm>>
      tpu.wait_dma2 semaphore(%arg11 : memref<!tpu.dma_semaphore, #tpu.memory_space<semaphore_mem>>) src(%dma_wait3A_26 : memref<512xi32, #tpu.memory_space<hbm>>) dst(%arg6 : memref<512xi32, #tpu.memory_space<vmem>>)
      %dma_start3A_27 = arith.constant 0 : i32
      %dma_start3A_28 = arith.constant 0 : i32
      %dma_start3A_29 = tpu.memref_slice %arg2[%dma_start3A_27, %dma_start3A_28] : memref<1007616x32xf32, #tpu.memory_space<hbm>> -> memref<1007616x32xf32, #tpu.memory_space<hbm>>
      tpu.enqueue_indirect_dma source(%dma_start3A_29 : memref<1007616x32xf32, #tpu.memory_space<hbm>>) target(%arg8 : memref<512x32xf32, #tpu.memory_space<vmem>>) offsets(%arg6 : memref<512xi32, #tpu.memory_space<vmem>>) semaphore(%arg13 : memref<!tpu.dma_semaphore, #tpu.memory_space<semaphore_mem>>)
      %dma_wait3A_30 = arith.constant 0 : i32
      %dma_wait3A_31 = arith.constant 0 : i32
      %dma_wait3A_32 = tpu.memref_slice %arg2[%dma_wait3A_30, %dma_wait3A_31] : memref<1007616x32xf32, #tpu.memory_space<hbm>> -> memref<1007616x32xf32, #tpu.memory_space<hbm>>
      tpu.wait_indirect_dma semaphore(%arg13 : memref<!tpu.dma_semaphore, #tpu.memory_space<semaphore_mem>>) src(%dma_wait3A_32 : memref<1007616x32xf32, #tpu.memory_space<hbm>>) dst(%arg8 : memref<512x32xf32, #tpu.memory_space<vmem>>)
      %mul3A_33 = arith.constant 25 : i32
      %mul3A_34 = arith.muli %arg1, %mul3A_33 : i32
      %add3A_35 = arith.constant 1 : i32
      %add3A_36 = arith.addi %mul3A_34, %add3A_35 : i32
      %mul3A_37 = arith.constant 512 : i32
      %mul3A_38 = arith.muli %add3A_36, %mul3A_37 : i32
      %dma_wait3A_39 = tpu.memref_slice %arg4[%mul3A_38] : memref<204800xi32, #tpu.memory_space<hbm>> -> memref<512xi32, #tpu.memory_space<hbm>>
      %dma_wait3A_40 = tpu.memref_slice %arg4[%mul3A_38] : memref<204800xi32, #tpu.memory_space<hbm>> -> memref<512xi32, #tpu.memory_space<hbm>>
      tpu.wait_dma2 semaphore(%arg12 : memref<!tpu.dma_semaphore, #tpu.memory_space<semaphore_mem>>) src(%dma_wait3A_40 : memref<512xi32, #tpu.memory_space<hbm>>) dst(%arg7 : memref<512xi32, #tpu.memory_space<vmem>>)
      %dma_start3A_41 = arith.constant 0 : i32
      %dma_start3A_42 = arith.constant 0 : i32
      %dma_start3A_43 = tpu.memref_slice %arg2[%dma_start3A_41, %dma_start3A_42] : memref<1007616x32xf32, #tpu.memory_space<hbm>> -> memref<1007616x32xf32, #tpu.memory_space<hbm>>
      tpu.enqueue_indirect_dma source(%dma_start3A_43 : memref<1007616x32xf32, #tpu.memory_space<hbm>>) target(%arg9 : memref<512x32xf32, #tpu.memory_space<vmem>>) offsets(%arg7 : memref<512xi32, #tpu.memory_space<vmem>>) semaphore(%arg14 : memref<!tpu.dma_semaphore, #tpu.memory_space<semaphore_mem>>)
      %mul3A_44 = arith.constant 25 : i32
      %mul3A_45 = arith.muli %arg1, %mul3A_44 : i32
      %add3A_46 = arith.constant 2 : i32
      %add3A_47 = arith.addi %mul3A_45, %add3A_46 : i32
      %mul3A_48 = arith.constant 512 : i32
      %mul3A_49 = arith.muli %add3A_47, %mul3A_48 : i32
      %dma_start3A_50 = tpu.memref_slice %arg4[%mul3A_49] : memref<204800xi32, #tpu.memory_space<hbm>> -> memref<512xi32, #tpu.memory_space<hbm>>
      %dma_start3A_51 = tpu.memref_slice %arg4[%mul3A_49] : memref<204800xi32, #tpu.memory_space<hbm>> -> memref<512xi32, #tpu.memory_space<hbm>>
      tpu.enqueue_dma source(%dma_start3A_51 : memref<512xi32, #tpu.memory_space<hbm>>) target(%arg6 : memref<512xi32, #tpu.memory_space<vmem>>) target_semaphore(%arg11 : memref<!tpu.dma_semaphore, #tpu.memory_space<semaphore_mem>>)
      %iota3A = tpu.iota {dimensions = array<i32: 0>} : vector<16xi32>
      %scan3A = arith.constant 0 : i32
      %scan3A_52 = arith.constant 0 : i32
      %scan3A_53 = arith.constant 64 : i32
      %scan3A_54 = arith.addi %scan3A_52, %scan3A_53 : i32
      %scan3A_55 = arith.constant 1 : i32
      scf.for %scan3A_433 = %scan3A_52 to %scan3A_54 step %scan3A_55  : i32 {
        %mul3A_434 = arith.constant 8 : i32
        %mul3A_435 = arith.muli %scan3A_433, %mul3A_434 : i32
        %add3A_436 = arith.constant 0 : i32
        %add3A_437 = arith.addi %mul3A_435, %add3A_436 : i32
        %broadcast_in_dim3A = vector.broadcast %add3A_437 : i32 to vector<16xi32>
        %get3A = arith.index_cast %add3A_437 : i32 to index
        %get3A_438 = arith.constant 0 : index
        %get3A_439 = tpu.vector_load %arg8[%get3A, %get3A_438] {strides = array<i32>} : memref<512x32xf32, #tpu.memory_space<vmem>>, vector<16xf32>,
        %get3A_440 = arith.index_cast %add3A_437 : i32 to index
        %get3A_441 = arith.constant 16 : index
        %get3A_442 = tpu.vector_load %arg8[%get3A_440, %get3A_441] {strides = array<i32>} : memref<512x32xf32, #tpu.memory_space<vmem>>, vector<16xf32>,
        tpu.vector_store_idx %arg10[%iota3A, %broadcast_in_dim3A], %get3A_439 : memref<32x513xf32, #tpu.memory_space<vmem>>[vector<16xi32>, vector<16xi32>], vector<16xf32>,
        %add3A_443 = arith.constant 16 : i32
        %add3A_444 = vector.broadcast %add3A_443 : i32 to vector<16xi32>
        %add3A_445 = arith.addi %iota3A, %add3A_444 : vector<16xi32>
        tpu.vector_store_idx %arg10[%add3A_445, %broadcast_in_dim3A], %get3A_442 : memref<32x513xf32, #tpu.memory_space<vmem>>[vector<16xi32>, vector<16xi32>], vector<16xf32>,
        %add3A_446 = arith.constant 1 : i32
        %add3A_447 = arith.addi %mul3A_435, %add3A_446 : i32
        %broadcast_in_dim3A_448 = vector.broadcast %add3A_447 : i32 to vector<16xi32>
        %get3A_449 = arith.index_cast %add3A_447 : i32 to index
        %get3A_450 = arith.constant 0 : index
        %get3A_451 = tpu.vector_load %arg8[%get3A_449, %get3A_450] {strides = array<i32>} : memref<512x32xf32, #tpu.memory_space<vmem>>, vector<16xf32>,
        %get3A_452 = arith.index_cast %add3A_447 : i32 to index
        %get3A_453 = arith.constant 16 : index
        %get3A_454 = tpu.vector_load %arg8[%get3A_452, %get3A_453] {strides = array<i32>} : memref<512x32xf32, #tpu.memory_space<vmem>>, vector<16xf32>,
        tpu.vector_store_idx %arg10[%iota3A, %broadcast_in_dim3A_448], %get3A_451 : memref<32x513xf32, #tpu.memory_space<vmem>>[vector<16xi32>, vector<16xi32>], vector<16xf32>,
        %add3A_455 = arith.constant 16 : i32
        %add3A_456 = vector.broadcast %add3A_455 : i32 to vector<16xi32>
        %add3A_457 = arith.addi %iota3A, %add3A_456 : vector<16xi32>
        tpu.vector_store_idx %arg10[%add3A_457, %broadcast_in_dim3A_448], %get3A_454 : memref<32x513xf32, #tpu.memory_space<vmem>>[vector<16xi32>, vector<16xi32>], vector<16xf32>,
        %add3A_458 = arith.constant 2 : i32
        %add3A_459 = arith.addi %mul3A_435, %add3A_458 : i32
        %broadcast_in_dim3A_460 = vector.broadcast %add3A_459 : i32 to vector<16xi32>
        %get3A_461 = arith.index_cast %add3A_459 : i32 to index
        %get3A_462 = arith.constant 0 : index
        %get3A_463 = tpu.vector_load %arg8[%get3A_461, %get3A_462] {strides = array<i32>} : memref<512x32xf32, #tpu.memory_space<vmem>>, vector<16xf32>,
        %get3A_464 = arith.index_cast %add3A_459 : i32 to index
        %get3A_465 = arith.constant 16 : index
        %get3A_466 = tpu.vector_load %arg8[%get3A_464, %get3A_465] {strides = array<i32>} : memref<512x32xf32, #tpu.memory_space<vmem>>, vector<16xf32>,
        tpu.vector_store_idx %arg10[%iota3A, %broadcast_in_dim3A_460], %get3A_463 : memref<32x513xf32, #tpu.memory_space<vmem>>[vector<16xi32>, vector<16xi32>], vector<16xf32>,
        %add3A_467 = arith.constant 16 : i32
        %add3A_468 = vector.broadcast %add3A_467 : i32 to vector<16xi32>
        %add3A_469 = arith.addi %iota3A, %add3A_468 : vector<16xi32>
        tpu.vector_store_idx %arg10[%add3A_469, %broadcast_in_dim3A_460], %get3A_466 : memref<32x513xf32, #tpu.memory_space<vmem>>[vector<16xi32>, vector<16xi32>], vector<16xf32>,
        %add3A_470 = arith.constant 3 : i32
        %add3A_471 = arith.addi %mul3A_435, %add3A_470 : i32
        %broadcast_in_dim3A_472 = vector.broadcast %add3A_471 : i32 to vector<16xi32>
        %get3A_473 = arith.index_cast %add3A_471 : i32 to index
        %get3A_474 = arith.constant 0 : index
        %get3A_475 = tpu.vector_load %arg8[%get3A_473, %get3A_474] {strides = array<i32>} : memref<512x32xf32, #tpu.memory_space<vmem>>, vector<16xf32>,
        %get3A_476 = arith.index_cast %add3A_471 : i32 to index
        %get3A_477 = arith.constant 16 : index
        %get3A_478 = tpu.vector_load %arg8[%get3A_476, %get3A_477] {strides = array<i32>} : memref<512x32xf32, #tpu.memory_space<vmem>>, vector<16xf32>,
        tpu.vector_store_idx %arg10[%iota3A, %broadcast_in_dim3A_472], %get3A_475 : memref<32x513xf32, #tpu.memory_space<vmem>>[vector<16xi32>, vector<16xi32>], vector<16xf32>,
        %add3A_479 = arith.constant 16 : i32
        %add3A_480 = vector.broadcast %add3A_479 : i32 to vector<16xi32>
        %add3A_481 = arith.addi %iota3A, %add3A_480 : vector<16xi32>
        tpu.vector_store_idx %arg10[%add3A_481, %broadcast_in_dim3A_472], %get3A_478 : memref<32x513xf32, #tpu.memory_space<vmem>>[vector<16xi32>, vector<16xi32>], vector<16xf32>,
        %add3A_482 = arith.constant 4 : i32
        %add3A_483 = arith.addi %mul3A_435, %add3A_482 : i32
        %broadcast_in_dim3A_484 = vector.broadcast %add3A_483 : i32 to vector<16xi32>
        %get3A_485 = arith.index_cast %add3A_483 : i32 to index
        %get3A_486 = arith.constant 0 : index
        %get3A_487 = tpu.vector_load %arg8[%get3A_485, %get3A_486] {strides = array<i32>} : memref<512x32xf32, #tpu.memory_space<vmem>>, vector<16xf32>,
        %get3A_488 = arith.index_cast %add3A_483 : i32 to index
        %get3A_489 = arith.constant 16 : index
        %get3A_490 = tpu.vector_load %arg8[%get3A_488, %get3A_489] {strides = array<i32>} : memref<512x32xf32, #tpu.memory_space<vmem>>, vector<16xf32>,
        tpu.vector_store_idx %arg10[%iota3A, %broadcast_in_dim3A_484], %get3A_487 : memref<32x513xf32, #tpu.memory_space<vmem>>[vector<16xi32>, vector<16xi32>], vector<16xf32>,
        %add3A_491 = arith.constant 16 : i32
        %add3A_492 = vector.broadcast %add3A_491 : i32 to vector<16xi32>
        %add3A_493 = arith.addi %iota3A, %add3A_492 : vector<16xi32>
        tpu.vector_store_idx %arg10[%add3A_493, %broadcast_in_dim3A_484], %get3A_490 : memref<32x513xf32, #tpu.memory_space<vmem>>[vector<16xi32>, vector<16xi32>], vector<16xf32>,
        %add3A_494 = arith.constant 5 : i32
        %add3A_495 = arith.addi %mul3A_435, %add3A_494 : i32
        %broadcast_in_dim3A_496 = vector.broadcast %add3A_495 : i32 to vector<16xi32>
        %get3A_497 = arith.index_cast %add3A_495 : i32 to index
        %get3A_498 = arith.constant 0 : index
        %get3A_499 = tpu.vector_load %arg8[%get3A_497, %get3A_498] {strides = array<i32>} : memref<512x32xf32, #tpu.memory_space<vmem>>, vector<16xf32>,
        %get3A_500 = arith.index_cast %add3A_495 : i32 to index
        %get3A_501 = arith.constant 16 : index
        %get3A_502 = tpu.vector_load %arg8[%get3A_500, %get3A_501] {strides = array<i32>} : memref<512x32xf32, #tpu.memory_space<vmem>>, vector<16xf32>,
        tpu.vector_store_idx %arg10[%iota3A, %broadcast_in_dim3A_496], %get3A_499 : memref<32x513xf32, #tpu.memory_space<vmem>>[vector<16xi32>, vector<16xi32>], vector<16xf32>,
        %add3A_503 = arith.constant 16 : i32
        %add3A_504 = vector.broadcast %add3A_503 : i32 to vector<16xi32>
        %add3A_505 = arith.addi %iota3A, %add3A_504 : vector<16xi32>
        tpu.vector_store_idx %arg10[%add3A_505, %broadcast_in_dim3A_496], %get3A_502 : memref<32x513xf32, #tpu.memory_space<vmem>>[vector<16xi32>, vector<16xi32>], vector<16xf32>,
        %add3A_506 = arith.constant 6 : i32
        %add3A_507 = arith.addi %mul3A_435, %add3A_506 : i32
        %broadcast_in_dim3A_508 = vector.broadcast %add3A_507 : i32 to vector<16xi32>
        %get3A_509 = arith.index_cast %add3A_507 : i32 to index
        %get3A_510 = arith.constant 0 : index
        %get3A_511 = tpu.vector_load %arg8[%get3A_509, %get3A_510] {strides = array<i32>} : memref<512x32xf32, #tpu.memory_space<vmem>>, vector<16xf32>,
        %get3A_512 = arith.index_cast %add3A_507 : i32 to index
        %get3A_513 = arith.constant 16 : index
        %get3A_514 = tpu.vector_load %arg8[%get3A_512, %get3A_513] {strides = array<i32>} : memref<512x32xf32, #tpu.memory_space<vmem>>, vector<16xf32>,
        tpu.vector_store_idx %arg10[%iota3A, %broadcast_in_dim3A_508], %get3A_511 : memref<32x513xf32, #tpu.memory_space<vmem>>[vector<16xi32>, vector<16xi32>], vector<16xf32>,
        %add3A_515 = arith.constant 16 : i32
        %add3A_516 = vector.broadcast %add3A_515 : i32 to vector<16xi32>
        %add3A_517 = arith.addi %iota3A, %add3A_516 : vector<16xi32>
        tpu.vector_store_idx %arg10[%add3A_517, %broadcast_in_dim3A_508], %get3A_514 : memref<32x513xf32, #tpu.memory_space<vmem>>[vector<16xi32>, vector<16xi32>], vector<16xf32>,
        %add3A_518 = arith.constant 7 : i32
        %add3A_519 = arith.addi %mul3A_435, %add3A_518 : i32
        %broadcast_in_dim3A_520 = vector.broadcast %add3A_519 : i32 to vector<16xi32>
        %get3A_521 = arith.index_cast %add3A_519 : i32 to index
        %get3A_522 = arith.constant 0 : index
        %get3A_523 = tpu.vector_load %arg8[%get3A_521, %get3A_522] {strides = array<i32>} : memref<512x32xf32, #tpu.memory_space<vmem>>, vector<16xf32>,
        %get3A_524 = arith.index_cast %add3A_519 : i32 to index
        %get3A_525 = arith.constant 16 : index
        %get3A_526 = tpu.vector_load %arg8[%get3A_524, %get3A_525] {strides = array<i32>} : memref<512x32xf32, #tpu.memory_space<vmem>>, vector<16xf32>,
        tpu.vector_store_idx %arg10[%iota3A, %broadcast_in_dim3A_520], %get3A_523 : memref<32x513xf32, #tpu.memory_space<vmem>>[vector<16xi32>, vector<16xi32>], vector<16xf32>,
        %add3A_527 = arith.constant 16 : i32
        %add3A_528 = vector.broadcast %add3A_527 : i32 to vector<16xi32>
        %add3A_529 = arith.addi %iota3A, %add3A_528 : vector<16xi32>
        tpu.vector_store_idx %arg10[%add3A_529, %broadcast_in_dim3A_520], %get3A_526 : memref<32x513xf32, #tpu.memory_space<vmem>>[vector<16xi32>, vector<16xi32>], vector<16xf32>,
      }
      %scan3A_56 = arith.constant 64 : i32
      %mul3A_57 = arith.constant 25 : i32
      %mul3A_58 = arith.muli %arg1, %mul3A_57 : i32
      %add3A_59 = arith.constant 0 : i32
      %add3A_60 = arith.addi %mul3A_58, %add3A_59 : i32
      %jit3A = arith.constant 8 : i32
      %div3A = arith.divsi %add3A_60, %jit3A : i32
      %sign3A = arith.constant 0 : i32
      %sign3A_61 = arith.cmpi sgt, %add3A_60, %sign3A : i32
      %sign3A_62 = arith.extui %sign3A_61 : i1 to i32
      %sign3A_63 = arith.constant 0 : i32
      %sign3A_64 = arith.cmpi slt, %add3A_60, %sign3A_63 : i32
      %sign3A_65 = arith.extui %sign3A_64 : i1 to i32
      %sign3A_66 = arith.subi %sign3A_62, %sign3A_65 : i32
      %sign3A_67 = arith.constant 0 : i32
      %sign3A_68 = arith.cmpi sgt, %jit3A, %sign3A_67 : i32
      %sign3A_69 = arith.extui %sign3A_68 : i1 to i32
      %sign3A_70 = arith.constant 0 : i32
      %sign3A_71 = arith.cmpi slt, %jit3A, %sign3A_70 : i32
      %sign3A_72 = arith.extui %sign3A_71 : i1 to i32
      %sign3A_73 = arith.subi %sign3A_69, %sign3A_72 : i32
      %ne3A = arith.cmpi ne, %sign3A_66, %sign3A_73 : i32
      %rem3A = arith.remsi %add3A_60, %jit3A : i32
      %ne3A_74 = arith.constant 0 : i32
      %ne3A_75 = arith.cmpi ne, %rem3A, %ne3A_74 : i32
      %and3A = arith.andi %ne3A, %ne3A_75 : i1
      %sub3A = arith.constant 1 : i32
      %sub3A_76 = arith.subi %div3A, %sub3A : i32
      %select_n3A = arith.select %and3A, %sub3A_76, %div3A : i32
      %jit3A_77 = arith.constant 8 : i32
      %eq3A_78 = arith.constant 0 : i32
      %eq3A_79 = arith.cmpi eq, %jit3A_77, %eq3A_78 : i32
      %jit3A_80 = arith.constant 1 : i32
      %select_n3A_81 = arith.select %eq3A_79, %jit3A_80, %jit3A_77 : i32
      %rem3A_82 = arith.remsi %add3A_60, %select_n3A_81 : i32
      %ne3A_83 = arith.constant 0 : i32
      %ne3A_84 = arith.cmpi ne, %rem3A_82, %ne3A_83 : i32
      %lt3A = arith.constant 0 : i32
      %lt3A_85 = arith.cmpi slt, %rem3A_82, %lt3A : i32
      %lt3A_86 = arith.constant 0 : i32
      %lt3A_87 = arith.cmpi slt, %select_n3A_81, %lt3A_86 : i32
      %ne3A_88 = arith.xori %lt3A_85, %lt3A_87 : i1
      %and3A_89 = arith.andi %ne3A_88, %ne3A_84 : i1
      %add3A_90 = arith.addi %rem3A_82, %select_n3A_81 : i32
      %select_n3A_91 = arith.select %and3A_89, %add3A_90, %rem3A_82 : i32
      %mul3A_92 = arith.constant 512 : i32
      %mul3A_93 = arith.muli %select_n3A_91, %mul3A_92 : i32
      %dma_start3A_94 = arith.constant 0 : i32
      %dma_start3A_95 = arith.constant 0 : i32
      %dma_start3A_96 = tpu.memref_slice %arg10[%dma_start3A_94, %dma_start3A_95] : memref<32x513xf32, #tpu.memory_space<vmem>> -> memref<32x512xf32, #tpu.memory_space<vmem>>
      %dma_start3A_97 = arith.constant 0 : i32
      %dma_start3A_98 = tpu.memref_slice %arg5[%arg0, %select_n3A, %dma_start3A_97, %mul3A_93] : memref<2x50x32x4096xf32, #tpu.memory_space<hbm>> -> memref<1x1x32x512xf32, #tpu.memory_space<hbm>>
      %dma_start3A_99 = tpu.memref_squeeze %dma_start3A_98 : memref<1x1x32x512xf32, #tpu.memory_space<hbm>> -> memref<32x512xf32, #tpu.memory_space<hbm>>
      %dma_start3A_100 = arith.constant 0 : i32
      %dma_start3A_101 = tpu.memref_slice %arg5[%arg0, %select_n3A, %dma_start3A_100, %mul3A_93] : memref<2x50x32x4096xf32, #tpu.memory_space<hbm>> -> memref<1x1x32x512xf32, #tpu.memory_space<hbm>>
      %dma_start3A_102 = tpu.memref_squeeze %dma_start3A_101 : memref<1x1x32x512xf32, #tpu.memory_space<hbm>> -> memref<32x512xf32, #tpu.memory_space<hbm>>
      %dma_start3A_103 = arith.constant 0 : i32
      %dma_start3A_104 = arith.constant 0 : i32
      %dma_start3A_105 = tpu.memref_slice %arg10[%dma_start3A_103, %dma_start3A_104] : memref<32x513xf32, #tpu.memory_space<vmem>> -> memref<32x512xf32, #tpu.memory_space<vmem>>
      tpu.enqueue_dma source(%dma_start3A_105 : memref<32x512xf32, #tpu.memory_space<vmem>>) target(%dma_start3A_102 : memref<32x512xf32, #tpu.memory_space<hbm>>) target_semaphore(%arg15 : memref<!tpu.dma_semaphore, #tpu.memory_space<semaphore_mem>>)
      %scan3A_106 = arith.constant 0 : i32
      %scan3A_107 = arith.constant 0 : i32
      %scan3A_108 = arith.constant 11 : i32
      %scan3A_109 = arith.addi %scan3A_107, %scan3A_108 : i32
      %scan3A_110 = arith.constant 1 : i32
      scf.for %scan3A_433 = %scan3A_107 to %scan3A_109 step %scan3A_110  : i32 {
        %mul3A_434 = arith.constant 2 : i32
        %mul3A_435 = arith.muli %mul3A_434, %scan3A_433 : i32
        %add3A_436 = arith.constant 1 : i32
        %add3A_437 = arith.addi %mul3A_435, %add3A_436 : i32
        %dma_wait3A_438 = arith.constant 0 : i32
        %dma_wait3A_439 = arith.constant 0 : i32
        %dma_wait3A_440 = tpu.memref_slice %arg2[%dma_wait3A_438, %dma_wait3A_439] : memref<1007616x32xf32, #tpu.memory_space<hbm>> -> memref<1007616x32xf32, #tpu.memory_space<hbm>>
        tpu.wait_indirect_dma semaphore(%arg14 : memref<!tpu.dma_semaphore, #tpu.memory_space<semaphore_mem>>) src(%dma_wait3A_440 : memref<1007616x32xf32, #tpu.memory_space<hbm>>) dst(%arg9 : memref<512x32xf32, #tpu.memory_space<vmem>>)
        %add3A_441 = arith.constant 1 : i32
        %add3A_442 = arith.addi %add3A_437, %add3A_441 : i32
        %mul3A_443 = arith.constant 25 : i32
        %mul3A_444 = arith.muli %arg1, %mul3A_443 : i32
        %add3A_445 = arith.addi %mul3A_444, %add3A_442 : i32
        %mul3A_446 = arith.constant 512 : i32
        %mul3A_447 = arith.muli %add3A_445, %mul3A_446 : i32
        %dma_wait3A_448 = tpu.memref_slice %arg4[%mul3A_447] : memref<204800xi32, #tpu.memory_space<hbm>> -> memref<512xi32, #tpu.memory_space<hbm>>
        %dma_wait3A_449 = tpu.memref_slice %arg4[%mul3A_447] : memref<204800xi32, #tpu.memory_space<hbm>> -> memref<512xi32, #tpu.memory_space<hbm>>
        tpu.wait_dma2 semaphore(%arg11 : memref<!tpu.dma_semaphore, #tpu.memory_space<semaphore_mem>>) src(%dma_wait3A_449 : memref<512xi32, #tpu.memory_space<hbm>>) dst(%arg6 : memref<512xi32, #tpu.memory_space<vmem>>)
        %dma_start3A_450 = arith.constant 0 : i32
        %dma_start3A_451 = arith.constant 0 : i32
        %dma_start3A_452 = tpu.memref_slice %arg2[%dma_start3A_450, %dma_start3A_451] : memref<1007616x32xf32, #tpu.memory_space<hbm>> -> memref<1007616x32xf32, #tpu.memory_space<hbm>>
        tpu.enqueue_indirect_dma source(%dma_start3A_452 : memref<1007616x32xf32, #tpu.memory_space<hbm>>) target(%arg8 : memref<512x32xf32, #tpu.memory_space<vmem>>) offsets(%arg6 : memref<512xi32, #tpu.memory_space<vmem>>) semaphore(%arg13 : memref<!tpu.dma_semaphore, #tpu.memory_space<semaphore_mem>>)
        %add3A_453 = arith.constant 2 : i32
        %add3A_454 = arith.addi %add3A_437, %add3A_453 : i32
        %mul3A_455 = arith.constant 25 : i32
        %mul3A_456 = arith.muli %arg1, %mul3A_455 : i32
        %add3A_457 = arith.addi %mul3A_456, %add3A_454 : i32
        %mul3A_458 = arith.constant 512 : i32
        %mul3A_459 = arith.muli %add3A_457, %mul3A_458 : i32
        %dma_start3A_460 = tpu.memref_slice %arg4[%mul3A_459] : memref<204800xi32, #tpu.memory_space<hbm>> -> memref<512xi32, #tpu.memory_space<hbm>>
        %dma_start3A_461 = tpu.memref_slice %arg4[%mul3A_459] : memref<204800xi32, #tpu.memory_space<hbm>> -> memref<512xi32, #tpu.memory_space<hbm>>
        tpu.enqueue_dma source(%dma_start3A_461 : memref<512xi32, #tpu.memory_space<hbm>>) target(%arg7 : memref<512xi32, #tpu.memory_space<vmem>>) target_semaphore(%arg12 : memref<!tpu.dma_semaphore, #tpu.memory_space<semaphore_mem>>)
        %sub3A_462 = arith.constant 1 : i32
        %sub3A_463 = arith.subi %add3A_437, %sub3A_462 : i32
        %mul3A_464 = arith.constant 25 : i32
        %mul3A_465 = arith.muli %arg1, %mul3A_464 : i32
        %add3A_466 = arith.addi %mul3A_465, %sub3A_463 : i32
        %jit3A_467 = arith.constant 8 : i32
        %div3A_468 = arith.divsi %add3A_466, %jit3A_467 : i32
        %sign3A_469 = arith.constant 0 : i32
        %sign3A_470 = arith.cmpi sgt, %add3A_466, %sign3A_469 : i32
        %sign3A_471 = arith.extui %sign3A_470 : i1 to i32
        %sign3A_472 = arith.constant 0 : i32
        %sign3A_473 = arith.cmpi slt, %add3A_466, %sign3A_472 : i32
        %sign3A_474 = arith.extui %sign3A_473 : i1 to i32
        %sign3A_475 = arith.subi %sign3A_471, %sign3A_474 : i32
        %sign3A_476 = arith.constant 0 : i32
        %sign3A_477 = arith.cmpi sgt, %jit3A_467, %sign3A_476 : i32
        %sign3A_478 = arith.extui %sign3A_477 : i1 to i32
        %sign3A_479 = arith.constant 0 : i32
        %sign3A_480 = arith.cmpi slt, %jit3A_467, %sign3A_479 : i32
        %sign3A_481 = arith.extui %sign3A_480 : i1 to i32
        %sign3A_482 = arith.subi %sign3A_478, %sign3A_481 : i32
        %ne3A_483 = arith.cmpi ne, %sign3A_475, %sign3A_482 : i32
        %rem3A_484 = arith.remsi %add3A_466, %jit3A_467 : i32
        %ne3A_485 = arith.constant 0 : i32
        %ne3A_486 = arith.cmpi ne, %rem3A_484, %ne3A_485 : i32
        %and3A_487 = arith.andi %ne3A_483, %ne3A_486 : i1
        %sub3A_488 = arith.constant 1 : i32
        %sub3A_489 = arith.subi %div3A_468, %sub3A_488 : i32
        %select_n3A_490 = arith.select %and3A_487, %sub3A_489, %div3A_468 : i32
        %jit3A_491 = arith.constant 8 : i32
        %eq3A_492 = arith.constant 0 : i32
        %eq3A_493 = arith.cmpi eq, %jit3A_491, %eq3A_492 : i32
        %jit3A_494 = arith.constant 1 : i32
        %select_n3A_495 = arith.select %eq3A_493, %jit3A_494, %jit3A_491 : i32
        %rem3A_496 = arith.remsi %add3A_466, %select_n3A_495 : i32
        %ne3A_497 = arith.constant 0 : i32
        %ne3A_498 = arith.cmpi ne, %rem3A_496, %ne3A_497 : i32
        %lt3A_499 = arith.constant 0 : i32
        %lt3A_500 = arith.cmpi slt, %rem3A_496, %lt3A_499 : i32
        %lt3A_501 = arith.constant 0 : i32
        %lt3A_502 = arith.cmpi slt, %select_n3A_495, %lt3A_501 : i32
        %ne3A_503 = arith.xori %lt3A_500, %lt3A_502 : i1
        %and3A_504 = arith.andi %ne3A_503, %ne3A_498 : i1
        %add3A_505 = arith.addi %rem3A_496, %select_n3A_495 : i32
        %select_n3A_506 = arith.select %and3A_504, %add3A_505, %rem3A_496 : i32
        %mul3A_507 = arith.constant 512 : i32
        %mul3A_508 = arith.muli %select_n3A_506, %mul3A_507 : i32
        %dma_wait3A_509 = arith.constant 0 : i32
        %dma_wait3A_510 = arith.constant 0 : i32
        %dma_wait3A_511 = tpu.memref_slice %arg10[%dma_wait3A_509, %dma_wait3A_510] : memref<32x513xf32, #tpu.memory_space<vmem>> -> memref<32x512xf32, #tpu.memory_space<vmem>>
        %dma_wait3A_512 = arith.constant 0 : i32
        %dma_wait3A_513 = tpu.memref_slice %arg5[%arg0, %select_n3A_490, %dma_wait3A_512, %mul3A_508] : memref<2x50x32x4096xf32, #tpu.memory_space<hbm>> -> memref<1x1x32x512xf32, #tpu.memory_space<hbm>>
        %dma_wait3A_514 = tpu.memref_squeeze %dma_wait3A_513 : memref<1x1x32x512xf32, #tpu.memory_space<hbm>> -> memref<32x512xf32, #tpu.memory_space<hbm>>
        %dma_wait3A_515 = arith.constant 0 : i32
        %dma_wait3A_516 = tpu.memref_slice %arg5[%arg0, %select_n3A_490, %dma_wait3A_515, %mul3A_508] : memref<2x50x32x4096xf32, #tpu.memory_space<hbm>> -> memref<1x1x32x512xf32, #tpu.memory_space<hbm>>
        %dma_wait3A_517 = tpu.memref_squeeze %dma_wait3A_516 : memref<1x1x32x512xf32, #tpu.memory_space<hbm>> -> memref<32x512xf32, #tpu.memory_space<hbm>>
        %dma_wait3A_518 = arith.constant 0 : i32
        %dma_wait3A_519 = arith.constant 0 : i32
        %dma_wait3A_520 = tpu.memref_slice %arg10[%dma_wait3A_518, %dma_wait3A_519] : memref<32x513xf32, #tpu.memory_space<vmem>> -> memref<32x512xf32, #tpu.memory_space<vmem>>
        tpu.wait_dma2 semaphore(%arg15 : memref<!tpu.dma_semaphore, #tpu.memory_space<semaphore_mem>>) src(%dma_wait3A_520 : memref<32x512xf32, #tpu.memory_space<vmem>>) dst(%dma_wait3A_517 : memref<32x512xf32, #tpu.memory_space<hbm>>)
        %iota3A_521 = tpu.iota {dimensions = array<i32: 0>} : vector<16xi32>
        %scan3A_522 = arith.constant 0 : i32
        %scan3A_523 = arith.constant 0 : i32
        %scan3A_524 = arith.constant 64 : i32
        %scan3A_525 = arith.addi %scan3A_523, %scan3A_524 : i32
        %scan3A_526 = arith.constant 1 : i32
        scf.for %scan3A_736 = %scan3A_523 to %scan3A_525 step %scan3A_526  : i32 {
          %mul3A_737 = arith.constant 8 : i32
          %mul3A_738 = arith.muli %scan3A_736, %mul3A_737 : i32
          %add3A_739 = arith.constant 0 : i32
          %add3A_740 = arith.addi %mul3A_738, %add3A_739 : i32
          %broadcast_in_dim3A = vector.broadcast %add3A_740 : i32 to vector<16xi32>
          %get3A = arith.index_cast %add3A_740 : i32 to index
          %get3A_741 = arith.constant 0 : index
          %get3A_742 = tpu.vector_load %arg9[%get3A, %get3A_741] {strides = array<i32>} : memref<512x32xf32, #tpu.memory_space<vmem>>, vector<16xf32>,
          %get3A_743 = arith.index_cast %add3A_740 : i32 to index
          %get3A_744 = arith.constant 16 : index
          %get3A_745 = tpu.vector_load %arg9[%get3A_743, %get3A_744] {strides = array<i32>} : memref<512x32xf32, #tpu.memory_space<vmem>>, vector<16xf32>,
          tpu.vector_store_idx %arg10[%iota3A_521, %broadcast_in_dim3A], %get3A_742 : memref<32x513xf32, #tpu.memory_space<vmem>>[vector<16xi32>, vector<16xi32>], vector<16xf32>,
          %add3A_746 = arith.constant 16 : i32
          %add3A_747 = vector.broadcast %add3A_746 : i32 to vector<16xi32>
          %add3A_748 = arith.addi %iota3A_521, %add3A_747 : vector<16xi32>
          tpu.vector_store_idx %arg10[%add3A_748, %broadcast_in_dim3A], %get3A_745 : memref<32x513xf32, #tpu.memory_space<vmem>>[vector<16xi32>, vector<16xi32>], vector<16xf32>,
          %add3A_749 = arith.constant 1 : i32
          %add3A_750 = arith.addi %mul3A_738, %add3A_749 : i32
          %broadcast_in_dim3A_751 = vector.broadcast %add3A_750 : i32 to vector<16xi32>
          %get3A_752 = arith.index_cast %add3A_750 : i32 to index
          %get3A_753 = arith.constant 0 : index
          %get3A_754 = tpu.vector_load %arg9[%get3A_752, %get3A_753] {strides = array<i32>} : memref<512x32xf32, #tpu.memory_space<vmem>>, vector<16xf32>,
          %get3A_755 = arith.index_cast %add3A_750 : i32 to index
          %get3A_756 = arith.constant 16 : index
          %get3A_757 = tpu.vector_load %arg9[%get3A_755, %get3A_756] {strides = array<i32>} : memref<512x32xf32, #tpu.memory_space<vmem>>, vector<16xf32>,
          tpu.vector_store_idx %arg10[%iota3A_521, %broadcast_in_dim3A_751], %get3A_754 : memref<32x513xf32, #tpu.memory_space<vmem>>[vector<16xi32>, vector<16xi32>], vector<16xf32>,
          %add3A_758 = arith.constant 16 : i32
          %add3A_759 = vector.broadcast %add3A_758 : i32 to vector<16xi32>
          %add3A_760 = arith.addi %iota3A_521, %add3A_759 : vector<16xi32>
          tpu.vector_store_idx %arg10[%add3A_760, %broadcast_in_dim3A_751], %get3A_757 : memref<32x513xf32, #tpu.memory_space<vmem>>[vector<16xi32>, vector<16xi32>], vector<16xf32>,
          %add3A_761 = arith.constant 2 : i32
          %add3A_762 = arith.addi %mul3A_738, %add3A_761 : i32
          %broadcast_in_dim3A_763 = vector.broadcast %add3A_762 : i32 to vector<16xi32>
          %get3A_764 = arith.index_cast %add3A_762 : i32 to index
          %get3A_765 = arith.constant 0 : index
          %get3A_766 = tpu.vector_load %arg9[%get3A_764, %get3A_765] {strides = array<i32>} : memref<512x32xf32, #tpu.memory_space<vmem>>, vector<16xf32>,
          %get3A_767 = arith.index_cast %add3A_762 : i32 to index
          %get3A_768 = arith.constant 16 : index
          %get3A_769 = tpu.vector_load %arg9[%get3A_767, %get3A_768] {strides = array<i32>} : memref<512x32xf32, #tpu.memory_space<vmem>>, vector<16xf32>,
          tpu.vector_store_idx %arg10[%iota3A_521, %broadcast_in_dim3A_763], %get3A_766 : memref<32x513xf32, #tpu.memory_space<vmem>>[vector<16xi32>, vector<16xi32>], vector<16xf32>,
          %add3A_770 = arith.constant 16 : i32
          %add3A_771 = vector.broadcast %add3A_770 : i32 to vector<16xi32>
          %add3A_772 = arith.addi %iota3A_521, %add3A_771 : vector<16xi32>
          tpu.vector_store_idx %arg10[%add3A_772, %broadcast_in_dim3A_763], %get3A_769 : memref<32x513xf32, #tpu.memory_space<vmem>>[vector<16xi32>, vector<16xi32>], vector<16xf32>,
          %add3A_773 = arith.constant 3 : i32
          %add3A_774 = arith.addi %mul3A_738, %add3A_773 : i32
          %broadcast_in_dim3A_775 = vector.broadcast %add3A_774 : i32 to vector<16xi32>
          %get3A_776 = arith.index_cast %add3A_774 : i32 to index
          %get3A_777 = arith.constant 0 : index
          %get3A_778 = tpu.vector_load %arg9[%get3A_776, %get3A_777] {strides = array<i32>} : memref<512x32xf32, #tpu.memory_space<vmem>>, vector<16xf32>,
          %get3A_779 = arith.index_cast %add3A_774 : i32 to index
          %get3A_780 = arith.constant 16 : index
          %get3A_781 = tpu.vector_load %arg9[%get3A_779, %get3A_780] {strides = array<i32>} : memref<512x32xf32, #tpu.memory_space<vmem>>, vector<16xf32>,
          tpu.vector_store_idx %arg10[%iota3A_521, %broadcast_in_dim3A_775], %get3A_778 : memref<32x513xf32, #tpu.memory_space<vmem>>[vector<16xi32>, vector<16xi32>], vector<16xf32>,
          %add3A_782 = arith.constant 16 : i32
          %add3A_783 = vector.broadcast %add3A_782 : i32 to vector<16xi32>
          %add3A_784 = arith.addi %iota3A_521, %add3A_783 : vector<16xi32>
          tpu.vector_store_idx %arg10[%add3A_784, %broadcast_in_dim3A_775], %get3A_781 : memref<32x513xf32, #tpu.memory_space<vmem>>[vector<16xi32>, vector<16xi32>], vector<16xf32>,
          %add3A_785 = arith.constant 4 : i32
          %add3A_786 = arith.addi %mul3A_738, %add3A_785 : i32
          %broadcast_in_dim3A_787 = vector.broadcast %add3A_786 : i32 to vector<16xi32>
          %get3A_788 = arith.index_cast %add3A_786 : i32 to index
          %get3A_789 = arith.constant 0 : index
          %get3A_790 = tpu.vector_load %arg9[%get3A_788, %get3A_789] {strides = array<i32>} : memref<512x32xf32, #tpu.memory_space<vmem>>, vector<16xf32>,
          %get3A_791 = arith.index_cast %add3A_786 : i32 to index
          %get3A_792 = arith.constant 16 : index
          %get3A_793 = tpu.vector_load %arg9[%get3A_791, %get3A_792] {strides = array<i32>} : memref<512x32xf32, #tpu.memory_space<vmem>>, vector<16xf32>,
          tpu.vector_store_idx %arg10[%iota3A_521, %broadcast_in_dim3A_787], %get3A_790 : memref<32x513xf32, #tpu.memory_space<vmem>>[vector<16xi32>, vector<16xi32>], vector<16xf32>,
          %add3A_794 = arith.constant 16 : i32
          %add3A_795 = vector.broadcast %add3A_794 : i32 to vector<16xi32>
          %add3A_796 = arith.addi %iota3A_521, %add3A_795 : vector<16xi32>
          tpu.vector_store_idx %arg10[%add3A_796, %broadcast_in_dim3A_787], %get3A_793 : memref<32x513xf32, #tpu.memory_space<vmem>>[vector<16xi32>, vector<16xi32>], vector<16xf32>,
          %add3A_797 = arith.constant 5 : i32
          %add3A_798 = arith.addi %mul3A_738, %add3A_797 : i32
          %broadcast_in_dim3A_799 = vector.broadcast %add3A_798 : i32 to vector<16xi32>
          %get3A_800 = arith.index_cast %add3A_798 : i32 to index
          %get3A_801 = arith.constant 0 : index
          %get3A_802 = tpu.vector_load %arg9[%get3A_800, %get3A_801] {strides = array<i32>} : memref<512x32xf32, #tpu.memory_space<vmem>>, vector<16xf32>,
          %get3A_803 = arith.index_cast %add3A_798 : i32 to index
          %get3A_804 = arith.constant 16 : index
          %get3A_805 = tpu.vector_load %arg9[%get3A_803, %get3A_804] {strides = array<i32>} : memref<512x32xf32, #tpu.memory_space<vmem>>, vector<16xf32>,
          tpu.vector_store_idx %arg10[%iota3A_521, %broadcast_in_dim3A_799], %get3A_802 : memref<32x513xf32, #tpu.memory_space<vmem>>[vector<16xi32>, vector<16xi32>], vector<16xf32>,
          %add3A_806 = arith.constant 16 : i32
          %add3A_807 = vector.broadcast %add3A_806 : i32 to vector<16xi32>
          %add3A_808 = arith.addi %iota3A_521, %add3A_807 : vector<16xi32>
          tpu.vector_store_idx %arg10[%add3A_808, %broadcast_in_dim3A_799], %get3A_805 : memref<32x513xf32, #tpu.memory_space<vmem>>[vector<16xi32>, vector<16xi32>], vector<16xf32>,
          %add3A_809 = arith.constant 6 : i32
          %add3A_810 = arith.addi %mul3A_738, %add3A_809 : i32
          %broadcast_in_dim3A_811 = vector.broadcast %add3A_810 : i32 to vector<16xi32>
          %get3A_812 = arith.index_cast %add3A_810 : i32 to index
          %get3A_813 = arith.constant 0 : index
          %get3A_814 = tpu.vector_load %arg9[%get3A_812, %get3A_813] {strides = array<i32>} : memref<512x32xf32, #tpu.memory_space<vmem>>, vector<16xf32>,
          %get3A_815 = arith.index_cast %add3A_810 : i32 to index
          %get3A_816 = arith.constant 16 : index
          %get3A_817 = tpu.vector_load %arg9[%get3A_815, %get3A_816] {strides = array<i32>} : memref<512x32xf32, #tpu.memory_space<vmem>>, vector<16xf32>,
          tpu.vector_store_idx %arg10[%iota3A_521, %broadcast_in_dim3A_811], %get3A_814 : memref<32x513xf32, #tpu.memory_space<vmem>>[vector<16xi32>, vector<16xi32>], vector<16xf32>,
          %add3A_818 = arith.constant 16 : i32
          %add3A_819 = vector.broadcast %add3A_818 : i32 to vector<16xi32>
          %add3A_820 = arith.addi %iota3A_521, %add3A_819 : vector<16xi32>
          tpu.vector_store_idx %arg10[%add3A_820, %broadcast_in_dim3A_811], %get3A_817 : memref<32x513xf32, #tpu.memory_space<vmem>>[vector<16xi32>, vector<16xi32>], vector<16xf32>,
          %add3A_821 = arith.constant 7 : i32
          %add3A_822 = arith.addi %mul3A_738, %add3A_821 : i32
          %broadcast_in_dim3A_823 = vector.broadcast %add3A_822 : i32 to vector<16xi32>
          %get3A_824 = arith.index_cast %add3A_822 : i32 to index
          %get3A_825 = arith.constant 0 : index
          %get3A_826 = tpu.vector_load %arg9[%get3A_824, %get3A_825] {strides = array<i32>} : memref<512x32xf32, #tpu.memory_space<vmem>>, vector<16xf32>,
          %get3A_827 = arith.index_cast %add3A_822 : i32 to index
          %get3A_828 = arith.constant 16 : index
          %get3A_829 = tpu.vector_load %arg9[%get3A_827, %get3A_828] {strides = array<i32>} : memref<512x32xf32, #tpu.memory_space<vmem>>, vector<16xf32>,
          tpu.vector_store_idx %arg10[%iota3A_521, %broadcast_in_dim3A_823], %get3A_826 : memref<32x513xf32, #tpu.memory_space<vmem>>[vector<16xi32>, vector<16xi32>], vector<16xf32>,
          %add3A_830 = arith.constant 16 : i32
          %add3A_831 = vector.broadcast %add3A_830 : i32 to vector<16xi32>
          %add3A_832 = arith.addi %iota3A_521, %add3A_831 : vector<16xi32>
          tpu.vector_store_idx %arg10[%add3A_832, %broadcast_in_dim3A_823], %get3A_829 : memref<32x513xf32, #tpu.memory_space<vmem>>[vector<16xi32>, vector<16xi32>], vector<16xf32>,
        }
        %scan3A_527 = arith.constant 64 : i32
        %mul3A_528 = arith.constant 25 : i32
        %mul3A_529 = arith.muli %arg1, %mul3A_528 : i32
        %add3A_530 = arith.addi %mul3A_529, %add3A_437 : i32
        %jit3A_531 = arith.constant 8 : i32
        %div3A_532 = arith.divsi %add3A_530, %jit3A_531 : i32
        %sign3A_533 = arith.constant 0 : i32
        %sign3A_534 = arith.cmpi sgt, %add3A_530, %sign3A_533 : i32
        %sign3A_535 = arith.extui %sign3A_534 : i1 to i32
        %sign3A_536 = arith.constant 0 : i32
        %sign3A_537 = arith.cmpi slt, %add3A_530, %sign3A_536 : i32
        %sign3A_538 = arith.extui %sign3A_537 : i1 to i32
        %sign3A_539 = arith.subi %sign3A_535, %sign3A_538 : i32
        %sign3A_540 = arith.constant 0 : i32
        %sign3A_541 = arith.cmpi sgt, %jit3A_531, %sign3A_540 : i32
        %sign3A_542 = arith.extui %sign3A_541 : i1 to i32
        %sign3A_543 = arith.constant 0 : i32
        %sign3A_544 = arith.cmpi slt, %jit3A_531, %sign3A_543 : i32
        %sign3A_545 = arith.extui %sign3A_544 : i1 to i32
        %sign3A_546 = arith.subi %sign3A_542, %sign3A_545 : i32
        %ne3A_547 = arith.cmpi ne, %sign3A_539, %sign3A_546 : i32
        %rem3A_548 = arith.remsi %add3A_530, %jit3A_531 : i32
        %ne3A_549 = arith.constant 0 : i32
        %ne3A_550 = arith.cmpi ne, %rem3A_548, %ne3A_549 : i32
        %and3A_551 = arith.andi %ne3A_547, %ne3A_550 : i1
        %sub3A_552 = arith.constant 1 : i32
        %sub3A_553 = arith.subi %div3A_532, %sub3A_552 : i32
        %select_n3A_554 = arith.select %and3A_551, %sub3A_553, %div3A_532 : i32
        %jit3A_555 = arith.constant 8 : i32
        %eq3A_556 = arith.constant 0 : i32
        %eq3A_557 = arith.cmpi eq, %jit3A_555, %eq3A_556 : i32
        %jit3A_558 = arith.constant 1 : i32
        %select_n3A_559 = arith.select %eq3A_557, %jit3A_558, %jit3A_555 : i32
        %rem3A_560 = arith.remsi %add3A_530, %select_n3A_559 : i32
        %ne3A_561 = arith.constant 0 : i32
        %ne3A_562 = arith.cmpi ne, %rem3A_560, %ne3A_561 : i32
        %lt3A_563 = arith.constant 0 : i32
        %lt3A_564 = arith.cmpi slt, %rem3A_560, %lt3A_563 : i32
        %lt3A_565 = arith.constant 0 : i32
        %lt3A_566 = arith.cmpi slt, %select_n3A_559, %lt3A_565 : i32
        %ne3A_567 = arith.xori %lt3A_564, %lt3A_566 : i1
        %and3A_568 = arith.andi %ne3A_567, %ne3A_562 : i1
        %add3A_569 = arith.addi %rem3A_560, %select_n3A_559 : i32
        %select_n3A_570 = arith.select %and3A_568, %add3A_569, %rem3A_560 : i32
        %mul3A_571 = arith.constant 512 : i32
        %mul3A_572 = arith.muli %select_n3A_570, %mul3A_571 : i32
        %dma_start3A_573 = arith.constant 0 : i32
        %dma_start3A_574 = arith.constant 0 : i32
        %dma_start3A_575 = tpu.memref_slice %arg10[%dma_start3A_573, %dma_start3A_574] : memref<32x513xf32, #tpu.memory_space<vmem>> -> memref<32x512xf32, #tpu.memory_space<vmem>>
        %dma_start3A_576 = arith.constant 0 : i32
        %dma_start3A_577 = tpu.memref_slice %arg5[%arg0, %select_n3A_554, %dma_start3A_576, %mul3A_572] : memref<2x50x32x4096xf32, #tpu.memory_space<hbm>> -> memref<1x1x32x512xf32, #tpu.memory_space<hbm>>
        %dma_start3A_578 = tpu.memref_squeeze %dma_start3A_577 : memref<1x1x32x512xf32, #tpu.memory_space<hbm>> -> memref<32x512xf32, #tpu.memory_space<hbm>>
        %dma_start3A_579 = arith.constant 0 : i32
        %dma_start3A_580 = tpu.memref_slice %arg5[%arg0, %select_n3A_554, %dma_start3A_579, %mul3A_572] : memref<2x50x32x4096xf32, #tpu.memory_space<hbm>> -> memref<1x1x32x512xf32, #tpu.memory_space<hbm>>
        %dma_start3A_581 = tpu.memref_squeeze %dma_start3A_580 : memref<1x1x32x512xf32, #tpu.memory_space<hbm>> -> memref<32x512xf32, #tpu.memory_space<hbm>>
        %dma_start3A_582 = arith.constant 0 : i32
        %dma_start3A_583 = arith.constant 0 : i32
        %dma_start3A_584 = tpu.memref_slice %arg10[%dma_start3A_582, %dma_start3A_583] : memref<32x513xf32, #tpu.memory_space<vmem>> -> memref<32x512xf32, #tpu.memory_space<vmem>>
        tpu.enqueue_dma source(%dma_start3A_584 : memref<32x512xf32, #tpu.memory_space<vmem>>) target(%dma_start3A_581 : memref<32x512xf32, #tpu.memory_space<hbm>>) target_semaphore(%arg15 : memref<!tpu.dma_semaphore, #tpu.memory_space<semaphore_mem>>)
        %mul3A_585 = arith.constant 2 : i32
        %mul3A_586 = arith.muli %mul3A_585, %scan3A_433 : i32
        %add3A_587 = arith.constant 2 : i32
        %add3A_588 = arith.addi %mul3A_586, %add3A_587 : i32
        %dma_wait3A_589 = arith.constant 0 : i32
        %dma_wait3A_590 = arith.constant 0 : i32
        %dma_wait3A_591 = tpu.memref_slice %arg2[%dma_wait3A_589, %dma_wait3A_590] : memref<1007616x32xf32, #tpu.memory_space<hbm>> -> memref<1007616x32xf32, #tpu.memory_space<hbm>>
        tpu.wait_indirect_dma semaphore(%arg13 : memref<!tpu.dma_semaphore, #tpu.memory_space<semaphore_mem>>) src(%dma_wait3A_591 : memref<1007616x32xf32, #tpu.memory_space<hbm>>) dst(%arg8 : memref<512x32xf32, #tpu.memory_space<vmem>>)
        %add3A_592 = arith.constant 1 : i32
        %add3A_593 = arith.addi %add3A_588, %add3A_592 : i32
        %mul3A_594 = arith.constant 25 : i32
        %mul3A_595 = arith.muli %arg1, %mul3A_594 : i32
        %add3A_596 = arith.addi %mul3A_595, %add3A_593 : i32
        %mul3A_597 = arith.constant 512 : i32
        %mul3A_598 = arith.muli %add3A_596, %mul3A_597 : i32
        %dma_wait3A_599 = tpu.memref_slice %arg4[%mul3A_598] : memref<204800xi32, #tpu.memory_space<hbm>> -> memref<512xi32, #tpu.memory_space<hbm>>
        %dma_wait3A_600 = tpu.memref_slice %arg4[%mul3A_598] : memref<204800xi32, #tpu.memory_space<hbm>> -> memref<512xi32, #tpu.memory_space<hbm>>
        tpu.wait_dma2 semaphore(%arg12 : memref<!tpu.dma_semaphore, #tpu.memory_space<semaphore_mem>>) src(%dma_wait3A_600 : memref<512xi32, #tpu.memory_space<hbm>>) dst(%arg7 : memref<512xi32, #tpu.memory_space<vmem>>)
        %dma_start3A_601 = arith.constant 0 : i32
        %dma_start3A_602 = arith.constant 0 : i32
        %dma_start3A_603 = tpu.memref_slice %arg2[%dma_start3A_601, %dma_start3A_602] : memref<1007616x32xf32, #tpu.memory_space<hbm>> -> memref<1007616x32xf32, #tpu.memory_space<hbm>>
        tpu.enqueue_indirect_dma source(%dma_start3A_603 : memref<1007616x32xf32, #tpu.memory_space<hbm>>) target(%arg9 : memref<512x32xf32, #tpu.memory_space<vmem>>) offsets(%arg7 : memref<512xi32, #tpu.memory_space<vmem>>) semaphore(%arg14 : memref<!tpu.dma_semaphore, #tpu.memory_space<semaphore_mem>>)
        %add3A_604 = arith.constant 2 : i32
        %add3A_605 = arith.addi %add3A_588, %add3A_604 : i32
        %mul3A_606 = arith.constant 25 : i32
        %mul3A_607 = arith.muli %arg1, %mul3A_606 : i32
        %add3A_608 = arith.addi %mul3A_607, %add3A_605 : i32
        %mul3A_609 = arith.constant 512 : i32
        %mul3A_610 = arith.muli %add3A_608, %mul3A_609 : i32
        %dma_start3A_611 = tpu.memref_slice %arg4[%mul3A_610] : memref<204800xi32, #tpu.memory_space<hbm>> -> memref<512xi32, #tpu.memory_space<hbm>>
        %dma_start3A_612 = tpu.memref_slice %arg4[%mul3A_610] : memref<204800xi32, #tpu.memory_space<hbm>> -> memref<512xi32, #tpu.memory_space<hbm>>
        tpu.enqueue_dma source(%dma_start3A_612 : memref<512xi32, #tpu.memory_space<hbm>>) target(%arg6 : memref<512xi32, #tpu.memory_space<vmem>>) target_semaphore(%arg11 : memref<!tpu.dma_semaphore, #tpu.memory_space<semaphore_mem>>)
        %sub3A_613 = arith.constant 1 : i32
        %sub3A_614 = arith.subi %add3A_588, %sub3A_613 : i32
        %mul3A_615 = arith.constant 25 : i32
        %mul3A_616 = arith.muli %arg1, %mul3A_615 : i32
        %add3A_617 = arith.addi %mul3A_616, %sub3A_614 : i32
        %jit3A_618 = arith.constant 8 : i32
        %div3A_619 = arith.divsi %add3A_617, %jit3A_618 : i32
        %sign3A_620 = arith.constant 0 : i32
        %sign3A_621 = arith.cmpi sgt, %add3A_617, %sign3A_620 : i32
        %sign3A_622 = arith.extui %sign3A_621 : i1 to i32
        %sign3A_623 = arith.constant 0 : i32
        %sign3A_624 = arith.cmpi slt, %add3A_617, %sign3A_623 : i32
        %sign3A_625 = arith.extui %sign3A_624 : i1 to i32
        %sign3A_626 = arith.subi %sign3A_622, %sign3A_625 : i32
        %sign3A_627 = arith.constant 0 : i32
        %sign3A_628 = arith.cmpi sgt, %jit3A_618, %sign3A_627 : i32
        %sign3A_629 = arith.extui %sign3A_628 : i1 to i32
        %sign3A_630 = arith.constant 0 : i32
        %sign3A_631 = arith.cmpi slt, %jit3A_618, %sign3A_630 : i32
        %sign3A_632 = arith.extui %sign3A_631 : i1 to i32
        %sign3A_633 = arith.subi %sign3A_629, %sign3A_632 : i32
        %ne3A_634 = arith.cmpi ne, %sign3A_626, %sign3A_633 : i32
        %rem3A_635 = arith.remsi %add3A_617, %jit3A_618 : i32
        %ne3A_636 = arith.constant 0 : i32
        %ne3A_637 = arith.cmpi ne, %rem3A_635, %ne3A_636 : i32
        %and3A_638 = arith.andi %ne3A_634, %ne3A_637 : i1
        %sub3A_639 = arith.constant 1 : i32
        %sub3A_640 = arith.subi %div3A_619, %sub3A_639 : i32
        %select_n3A_641 = arith.select %and3A_638, %sub3A_640, %div3A_619 : i32
        %jit3A_642 = arith.constant 8 : i32
        %eq3A_643 = arith.constant 0 : i32
        %eq3A_644 = arith.cmpi eq, %jit3A_642, %eq3A_643 : i32
        %jit3A_645 = arith.constant 1 : i32
        %select_n3A_646 = arith.select %eq3A_644, %jit3A_645, %jit3A_642 : i32
        %rem3A_647 = arith.remsi %add3A_617, %select_n3A_646 : i32
        %ne3A_648 = arith.constant 0 : i32
        %ne3A_649 = arith.cmpi ne, %rem3A_647, %ne3A_648 : i32
        %lt3A_650 = arith.constant 0 : i32
        %lt3A_651 = arith.cmpi slt, %rem3A_647, %lt3A_650 : i32
        %lt3A_652 = arith.constant 0 : i32
        %lt3A_653 = arith.cmpi slt, %select_n3A_646, %lt3A_652 : i32
        %ne3A_654 = arith.xori %lt3A_651, %lt3A_653 : i1
        %and3A_655 = arith.andi %ne3A_654, %ne3A_649 : i1
        %add3A_656 = arith.addi %rem3A_647, %select_n3A_646 : i32
        %select_n3A_657 = arith.select %and3A_655, %add3A_656, %rem3A_647 : i32
        %mul3A_658 = arith.constant 512 : i32
        %mul3A_659 = arith.muli %select_n3A_657, %mul3A_658 : i32
        %dma_wait3A_660 = arith.constant 0 : i32
        %dma_wait3A_661 = arith.constant 0 : i32
        %dma_wait3A_662 = tpu.memref_slice %arg10[%dma_wait3A_660, %dma_wait3A_661] : memref<32x513xf32, #tpu.memory_space<vmem>> -> memref<32x512xf32, #tpu.memory_space<vmem>>
        %dma_wait3A_663 = arith.constant 0 : i32
        %dma_wait3A_664 = tpu.memref_slice %arg5[%arg0, %select_n3A_641, %dma_wait3A_663, %mul3A_659] : memref<2x50x32x4096xf32, #tpu.memory_space<hbm>> -> memref<1x1x32x512xf32, #tpu.memory_space<hbm>>
        %dma_wait3A_665 = tpu.memref_squeeze %dma_wait3A_664 : memref<1x1x32x512xf32, #tpu.memory_space<hbm>> -> memref<32x512xf32, #tpu.memory_space<hbm>>
        %dma_wait3A_666 = arith.constant 0 : i32
        %dma_wait3A_667 = tpu.memref_slice %arg5[%arg0, %select_n3A_641, %dma_wait3A_666, %mul3A_659] : memref<2x50x32x4096xf32, #tpu.memory_space<hbm>> -> memref<1x1x32x512xf32, #tpu.memory_space<hbm>>
        %dma_wait3A_668 = tpu.memref_squeeze %dma_wait3A_667 : memref<1x1x32x512xf32, #tpu.memory_space<hbm>> -> memref<32x512xf32, #tpu.memory_space<hbm>>
        %dma_wait3A_669 = arith.constant 0 : i32
        %dma_wait3A_670 = arith.constant 0 : i32
        %dma_wait3A_671 = tpu.memref_slice %arg10[%dma_wait3A_669, %dma_wait3A_670] : memref<32x513xf32, #tpu.memory_space<vmem>> -> memref<32x512xf32, #tpu.memory_space<vmem>>
        tpu.wait_dma2 semaphore(%arg15 : memref<!tpu.dma_semaphore, #tpu.memory_space<semaphore_mem>>) src(%dma_wait3A_671 : memref<32x512xf32, #tpu.memory_space<vmem>>) dst(%dma_wait3A_668 : memref<32x512xf32, #tpu.memory_space<hbm>>)
        %iota3A_672 = tpu.iota {dimensions = array<i32: 0>} : vector<16xi32>
        %scan3A_673 = arith.constant 0 : i32
        %scan3A_674 = arith.constant 0 : i32
        %scan3A_675 = arith.constant 64 : i32
        %scan3A_676 = arith.addi %scan3A_674, %scan3A_675 : i32
        %scan3A_677 = arith.constant 1 : i32
        scf.for %scan3A_736 = %scan3A_674 to %scan3A_676 step %scan3A_677  : i32 {
          %mul3A_737 = arith.constant 8 : i32
          %mul3A_738 = arith.muli %scan3A_736, %mul3A_737 : i32
          %add3A_739 = arith.constant 0 : i32
          %add3A_740 = arith.addi %mul3A_738, %add3A_739 : i32
          %broadcast_in_dim3A = vector.broadcast %add3A_740 : i32 to vector<16xi32>
          %get3A = arith.index_cast %add3A_740 : i32 to index
          %get3A_741 = arith.constant 0 : index
          %get3A_742 = tpu.vector_load %arg8[%get3A, %get3A_741] {strides = array<i32>} : memref<512x32xf32, #tpu.memory_space<vmem>>, vector<16xf32>,
          %get3A_743 = arith.index_cast %add3A_740 : i32 to index
          %get3A_744 = arith.constant 16 : index
          %get3A_745 = tpu.vector_load %arg8[%get3A_743, %get3A_744] {strides = array<i32>} : memref<512x32xf32, #tpu.memory_space<vmem>>, vector<16xf32>,
          tpu.vector_store_idx %arg10[%iota3A_672, %broadcast_in_dim3A], %get3A_742 : memref<32x513xf32, #tpu.memory_space<vmem>>[vector<16xi32>, vector<16xi32>], vector<16xf32>,
          %add3A_746 = arith.constant 16 : i32
          %add3A_747 = vector.broadcast %add3A_746 : i32 to vector<16xi32>
          %add3A_748 = arith.addi %iota3A_672, %add3A_747 : vector<16xi32>
          tpu.vector_store_idx %arg10[%add3A_748, %broadcast_in_dim3A], %get3A_745 : memref<32x513xf32, #tpu.memory_space<vmem>>[vector<16xi32>, vector<16xi32>], vector<16xf32>,
          %add3A_749 = arith.constant 1 : i32
          %add3A_750 = arith.addi %mul3A_738, %add3A_749 : i32
          %broadcast_in_dim3A_751 = vector.broadcast %add3A_750 : i32 to vector<16xi32>
          %get3A_752 = arith.index_cast %add3A_750 : i32 to index
          %get3A_753 = arith.constant 0 : index
          %get3A_754 = tpu.vector_load %arg8[%get3A_752, %get3A_753] {strides = array<i32>} : memref<512x32xf32, #tpu.memory_space<vmem>>, vector<16xf32>,
          %get3A_755 = arith.index_cast %add3A_750 : i32 to index
          %get3A_756 = arith.constant 16 : index
          %get3A_757 = tpu.vector_load %arg8[%get3A_755, %get3A_756] {strides = array<i32>} : memref<512x32xf32, #tpu.memory_space<vmem>>, vector<16xf32>,
          tpu.vector_store_idx %arg10[%iota3A_672, %broadcast_in_dim3A_751], %get3A_754 : memref<32x513xf32, #tpu.memory_space<vmem>>[vector<16xi32>, vector<16xi32>], vector<16xf32>,
          %add3A_758 = arith.constant 16 : i32
          %add3A_759 = vector.broadcast %add3A_758 : i32 to vector<16xi32>
          %add3A_760 = arith.addi %iota3A_672, %add3A_759 : vector<16xi32>
          tpu.vector_store_idx %arg10[%add3A_760, %broadcast_in_dim3A_751], %get3A_757 : memref<32x513xf32, #tpu.memory_space<vmem>>[vector<16xi32>, vector<16xi32>], vector<16xf32>,
          %add3A_761 = arith.constant 2 : i32
          %add3A_762 = arith.addi %mul3A_738, %add3A_761 : i32
          %broadcast_in_dim3A_763 = vector.broadcast %add3A_762 : i32 to vector<16xi32>
          %get3A_764 = arith.index_cast %add3A_762 : i32 to index
          %get3A_765 = arith.constant 0 : index
          %get3A_766 = tpu.vector_load %arg8[%get3A_764, %get3A_765] {strides = array<i32>} : memref<512x32xf32, #tpu.memory_space<vmem>>, vector<16xf32>,
          %get3A_767 = arith.index_cast %add3A_762 : i32 to index
          %get3A_768 = arith.constant 16 : index
          %get3A_769 = tpu.vector_load %arg8[%get3A_767, %get3A_768] {strides = array<i32>} : memref<512x32xf32, #tpu.memory_space<vmem>>, vector<16xf32>,
          tpu.vector_store_idx %arg10[%iota3A_672, %broadcast_in_dim3A_763], %get3A_766 : memref<32x513xf32, #tpu.memory_space<vmem>>[vector<16xi32>, vector<16xi32>], vector<16xf32>,
          %add3A_770 = arith.constant 16 : i32
          %add3A_771 = vector.broadcast %add3A_770 : i32 to vector<16xi32>
          %add3A_772 = arith.addi %iota3A_672, %add3A_771 : vector<16xi32>
          tpu.vector_store_idx %arg10[%add3A_772, %broadcast_in_dim3A_763], %get3A_769 : memref<32x513xf32, #tpu.memory_space<vmem>>[vector<16xi32>, vector<16xi32>], vector<16xf32>,
          %add3A_773 = arith.constant 3 : i32
          %add3A_774 = arith.addi %mul3A_738, %add3A_773 : i32
          %broadcast_in_dim3A_775 = vector.broadcast %add3A_774 : i32 to vector<16xi32>
          %get3A_776 = arith.index_cast %add3A_774 : i32 to index
          %get3A_777 = arith.constant 0 : index
          %get3A_778 = tpu.vector_load %arg8[%get3A_776, %get3A_777] {strides = array<i32>} : memref<512x32xf32, #tpu.memory_space<vmem>>, vector<16xf32>,
          %get3A_779 = arith.index_cast %add3A_774 : i32 to index
          %get3A_780 = arith.constant 16 : index
          %get3A_781 = tpu.vector_load %arg8[%get3A_779, %get3A_780] {strides = array<i32>} : memref<512x32xf32, #tpu.memory_space<vmem>>, vector<16xf32>,
          tpu.vector_store_idx %arg10[%iota3A_672, %broadcast_in_dim3A_775], %get3A_778 : memref<32x513xf32, #tpu.memory_space<vmem>>[vector<16xi32>, vector<16xi32>], vector<16xf32>,
          %add3A_782 = arith.constant 16 : i32
          %add3A_783 = vector.broadcast %add3A_782 : i32 to vector<16xi32>
          %add3A_784 = arith.addi %iota3A_672, %add3A_783 : vector<16xi32>
          tpu.vector_store_idx %arg10[%add3A_784, %broadcast_in_dim3A_775], %get3A_781 : memref<32x513xf32, #tpu.memory_space<vmem>>[vector<16xi32>, vector<16xi32>], vector<16xf32>,
          %add3A_785 = arith.constant 4 : i32
          %add3A_786 = arith.addi %mul3A_738, %add3A_785 : i32
          %broadcast_in_dim3A_787 = vector.broadcast %add3A_786 : i32 to vector<16xi32>
          %get3A_788 = arith.index_cast %add3A_786 : i32 to index
          %get3A_789 = arith.constant 0 : index
          %get3A_790 = tpu.vector_load %arg8[%get3A_788, %get3A_789] {strides = array<i32>} : memref<512x32xf32, #tpu.memory_space<vmem>>, vector<16xf32>,
          %get3A_791 = arith.index_cast %add3A_786 : i32 to index
          %get3A_792 = arith.constant 16 : index
          %get3A_793 = tpu.vector_load %arg8[%get3A_791, %get3A_792] {strides = array<i32>} : memref<512x32xf32, #tpu.memory_space<vmem>>, vector<16xf32>,
          tpu.vector_store_idx %arg10[%iota3A_672, %broadcast_in_dim3A_787], %get3A_790 : memref<32x513xf32, #tpu.memory_space<vmem>>[vector<16xi32>, vector<16xi32>], vector<16xf32>,
          %add3A_794 = arith.constant 16 : i32
          %add3A_795 = vector.broadcast %add3A_794 : i32 to vector<16xi32>
          %add3A_796 = arith.addi %iota3A_672, %add3A_795 : vector<16xi32>
          tpu.vector_store_idx %arg10[%add3A_796, %broadcast_in_dim3A_787], %get3A_793 : memref<32x513xf32, #tpu.memory_space<vmem>>[vector<16xi32>, vector<16xi32>], vector<16xf32>,
          %add3A_797 = arith.constant 5 : i32
          %add3A_798 = arith.addi %mul3A_738, %add3A_797 : i32
          %broadcast_in_dim3A_799 = vector.broadcast %add3A_798 : i32 to vector<16xi32>
          %get3A_800 = arith.index_cast %add3A_798 : i32 to index
          %get3A_801 = arith.constant 0 : index
          %get3A_802 = tpu.vector_load %arg8[%get3A_800, %get3A_801] {strides = array<i32>} : memref<512x32xf32, #tpu.memory_space<vmem>>, vector<16xf32>,
          %get3A_803 = arith.index_cast %add3A_798 : i32 to index
          %get3A_804 = arith.constant 16 : index
          %get3A_805 = tpu.vector_load %arg8[%get3A_803, %get3A_804] {strides = array<i32>} : memref<512x32xf32, #tpu.memory_space<vmem>>, vector<16xf32>,
          tpu.vector_store_idx %arg10[%iota3A_672, %broadcast_in_dim3A_799], %get3A_802 : memref<32x513xf32, #tpu.memory_space<vmem>>[vector<16xi32>, vector<16xi32>], vector<16xf32>,
          %add3A_806 = arith.constant 16 : i32
          %add3A_807 = vector.broadcast %add3A_806 : i32 to vector<16xi32>
          %add3A_808 = arith.addi %iota3A_672, %add3A_807 : vector<16xi32>
          tpu.vector_store_idx %arg10[%add3A_808, %broadcast_in_dim3A_799], %get3A_805 : memref<32x513xf32, #tpu.memory_space<vmem>>[vector<16xi32>, vector<16xi32>], vector<16xf32>,
          %add3A_809 = arith.constant 6 : i32
          %add3A_810 = arith.addi %mul3A_738, %add3A_809 : i32
          %broadcast_in_dim3A_811 = vector.broadcast %add3A_810 : i32 to vector<16xi32>
          %get3A_812 = arith.index_cast %add3A_810 : i32 to index
          %get3A_813 = arith.constant 0 : index
          %get3A_814 = tpu.vector_load %arg8[%get3A_812, %get3A_813] {strides = array<i32>} : memref<512x32xf32, #tpu.memory_space<vmem>>, vector<16xf32>,
          %get3A_815 = arith.index_cast %add3A_810 : i32 to index
          %get3A_816 = arith.constant 16 : index
          %get3A_817 = tpu.vector_load %arg8[%get3A_815, %get3A_816] {strides = array<i32>} : memref<512x32xf32, #tpu.memory_space<vmem>>, vector<16xf32>,
          tpu.vector_store_idx %arg10[%iota3A_672, %broadcast_in_dim3A_811], %get3A_814 : memref<32x513xf32, #tpu.memory_space<vmem>>[vector<16xi32>, vector<16xi32>], vector<16xf32>,
          %add3A_818 = arith.constant 16 : i32
          %add3A_819 = vector.broadcast %add3A_818 : i32 to vector<16xi32>
          %add3A_820 = arith.addi %iota3A_672, %add3A_819 : vector<16xi32>
          tpu.vector_store_idx %arg10[%add3A_820, %broadcast_in_dim3A_811], %get3A_817 : memref<32x513xf32, #tpu.memory_space<vmem>>[vector<16xi32>, vector<16xi32>], vector<16xf32>,
          %add3A_821 = arith.constant 7 : i32
          %add3A_822 = arith.addi %mul3A_738, %add3A_821 : i32
          %broadcast_in_dim3A_823 = vector.broadcast %add3A_822 : i32 to vector<16xi32>
          %get3A_824 = arith.index_cast %add3A_822 : i32 to index
          %get3A_825 = arith.constant 0 : index
          %get3A_826 = tpu.vector_load %arg8[%get3A_824, %get3A_825] {strides = array<i32>} : memref<512x32xf32, #tpu.memory_space<vmem>>, vector<16xf32>,
          %get3A_827 = arith.index_cast %add3A_822 : i32 to index
          %get3A_828 = arith.constant 16 : index
          %get3A_829 = tpu.vector_load %arg8[%get3A_827, %get3A_828] {strides = array<i32>} : memref<512x32xf32, #tpu.memory_space<vmem>>, vector<16xf32>,
          tpu.vector_store_idx %arg10[%iota3A_672, %broadcast_in_dim3A_823], %get3A_826 : memref<32x513xf32, #tpu.memory_space<vmem>>[vector<16xi32>, vector<16xi32>], vector<16xf32>,
          %add3A_830 = arith.constant 16 : i32
          %add3A_831 = vector.broadcast %add3A_830 : i32 to vector<16xi32>
          %add3A_832 = arith.addi %iota3A_672, %add3A_831 : vector<16xi32>
          tpu.vector_store_idx %arg10[%add3A_832, %broadcast_in_dim3A_823], %get3A_829 : memref<32x513xf32, #tpu.memory_space<vmem>>[vector<16xi32>, vector<16xi32>], vector<16xf32>,
        }
        %scan3A_678 = arith.constant 64 : i32
        %mul3A_679 = arith.constant 25 : i32
        %mul3A_680 = arith.muli %arg1, %mul3A_679 : i32
        %add3A_681 = arith.addi %mul3A_680, %add3A_588 : i32
        %jit3A_682 = arith.constant 8 : i32
        %div3A_683 = arith.divsi %add3A_681, %jit3A_682 : i32
        %sign3A_684 = arith.constant 0 : i32
        %sign3A_685 = arith.cmpi sgt, %add3A_681, %sign3A_684 : i32
        %sign3A_686 = arith.extui %sign3A_685 : i1 to i32
        %sign3A_687 = arith.constant 0 : i32
        %sign3A_688 = arith.cmpi slt, %add3A_681, %sign3A_687 : i32
        %sign3A_689 = arith.extui %sign3A_688 : i1 to i32
        %sign3A_690 = arith.subi %sign3A_686, %sign3A_689 : i32
        %sign3A_691 = arith.constant 0 : i32
        %sign3A_692 = arith.cmpi sgt, %jit3A_682, %sign3A_691 : i32
        %sign3A_693 = arith.extui %sign3A_692 : i1 to i32
        %sign3A_694 = arith.constant 0 : i32
        %sign3A_695 = arith.cmpi slt, %jit3A_682, %sign3A_694 : i32
        %sign3A_696 = arith.extui %sign3A_695 : i1 to i32
        %sign3A_697 = arith.subi %sign3A_693, %sign3A_696 : i32
        %ne3A_698 = arith.cmpi ne, %sign3A_690, %sign3A_697 : i32
        %rem3A_699 = arith.remsi %add3A_681, %jit3A_682 : i32
        %ne3A_700 = arith.constant 0 : i32
        %ne3A_701 = arith.cmpi ne, %rem3A_699, %ne3A_700 : i32
        %and3A_702 = arith.andi %ne3A_698, %ne3A_701 : i1
        %sub3A_703 = arith.constant 1 : i32
        %sub3A_704 = arith.subi %div3A_683, %sub3A_703 : i32
        %select_n3A_705 = arith.select %and3A_702, %sub3A_704, %div3A_683 : i32
        %jit3A_706 = arith.constant 8 : i32
        %eq3A_707 = arith.constant 0 : i32
        %eq3A_708 = arith.cmpi eq, %jit3A_706, %eq3A_707 : i32
        %jit3A_709 = arith.constant 1 : i32
        %select_n3A_710 = arith.select %eq3A_708, %jit3A_709, %jit3A_706 : i32
        %rem3A_711 = arith.remsi %add3A_681, %select_n3A_710 : i32
        %ne3A_712 = arith.constant 0 : i32
        %ne3A_713 = arith.cmpi ne, %rem3A_711, %ne3A_712 : i32
        %lt3A_714 = arith.constant 0 : i32
        %lt3A_715 = arith.cmpi slt, %rem3A_711, %lt3A_714 : i32
        %lt3A_716 = arith.constant 0 : i32
        %lt3A_717 = arith.cmpi slt, %select_n3A_710, %lt3A_716 : i32
        %ne3A_718 = arith.xori %lt3A_715, %lt3A_717 : i1
        %and3A_719 = arith.andi %ne3A_718, %ne3A_713 : i1
        %add3A_720 = arith.addi %rem3A_711, %select_n3A_710 : i32
        %select_n3A_721 = arith.select %and3A_719, %add3A_720, %rem3A_711 : i32
        %mul3A_722 = arith.constant 512 : i32
        %mul3A_723 = arith.muli %select_n3A_721, %mul3A_722 : i32
        %dma_start3A_724 = arith.constant 0 : i32
        %dma_start3A_725 = arith.constant 0 : i32
        %dma_start3A_726 = tpu.memref_slice %arg10[%dma_start3A_724, %dma_start3A_725] : memref<32x513xf32, #tpu.memory_space<vmem>> -> memref<32x512xf32, #tpu.memory_space<vmem>>
        %dma_start3A_727 = arith.constant 0 : i32
        %dma_start3A_728 = tpu.memref_slice %arg5[%arg0, %select_n3A_705, %dma_start3A_727, %mul3A_723] : memref<2x50x32x4096xf32, #tpu.memory_space<hbm>> -> memref<1x1x32x512xf32, #tpu.memory_space<hbm>>
        %dma_start3A_729 = tpu.memref_squeeze %dma_start3A_728 : memref<1x1x32x512xf32, #tpu.memory_space<hbm>> -> memref<32x512xf32, #tpu.memory_space<hbm>>
        %dma_start3A_730 = arith.constant 0 : i32
        %dma_start3A_731 = tpu.memref_slice %arg5[%arg0, %select_n3A_705, %dma_start3A_730, %mul3A_723] : memref<2x50x32x4096xf32, #tpu.memory_space<hbm>> -> memref<1x1x32x512xf32, #tpu.memory_space<hbm>>
        %dma_start3A_732 = tpu.memref_squeeze %dma_start3A_731 : memref<1x1x32x512xf32, #tpu.memory_space<hbm>> -> memref<32x512xf32, #tpu.memory_space<hbm>>
        %dma_start3A_733 = arith.constant 0 : i32
        %dma_start3A_734 = arith.constant 0 : i32
        %dma_start3A_735 = tpu.memref_slice %arg10[%dma_start3A_733, %dma_start3A_734] : memref<32x513xf32, #tpu.memory_space<vmem>> -> memref<32x512xf32, #tpu.memory_space<vmem>>
        tpu.enqueue_dma source(%dma_start3A_735 : memref<32x512xf32, #tpu.memory_space<vmem>>) target(%dma_start3A_732 : memref<32x512xf32, #tpu.memory_space<hbm>>) target_semaphore(%arg15 : memref<!tpu.dma_semaphore, #tpu.memory_space<semaphore_mem>>)
      }
      %scan3A_111 = arith.constant 11 : i32
      %dma_wait3A_112 = arith.constant 0 : i32
      %dma_wait3A_113 = arith.constant 0 : i32
      %dma_wait3A_114 = tpu.memref_slice %arg2[%dma_wait3A_112, %dma_wait3A_113] : memref<1007616x32xf32, #tpu.memory_space<hbm>> -> memref<1007616x32xf32, #tpu.memory_space<hbm>>
      tpu.wait_indirect_dma semaphore(%arg14 : memref<!tpu.dma_semaphore, #tpu.memory_space<semaphore_mem>>) src(%dma_wait3A_114 : memref<1007616x32xf32, #tpu.memory_space<hbm>>) dst(%arg9 : memref<512x32xf32, #tpu.memory_space<vmem>>)
      %mul3A_115 = arith.constant 25 : i32
      %mul3A_116 = arith.muli %arg1, %mul3A_115 : i32
      %add3A_117 = arith.constant 24 : i32
      %add3A_118 = arith.addi %mul3A_116, %add3A_117 : i32
      %mul3A_119 = arith.constant 512 : i32
      %mul3A_120 = arith.muli %add3A_118, %mul3A_119 : i32
      %dma_wait3A_121 = tpu.memref_slice %arg4[%mul3A_120] : memref<204800xi32, #tpu.memory_space<hbm>> -> memref<512xi32, #tpu.memory_space<hbm>>
      %dma_wait3A_122 = tpu.memref_slice %arg4[%mul3A_120] : memref<204800xi32, #tpu.memory_space<hbm>> -> memref<512xi32, #tpu.memory_space<hbm>>
      tpu.wait_dma2 semaphore(%arg11 : memref<!tpu.dma_semaphore, #tpu.memory_space<semaphore_mem>>) src(%dma_wait3A_122 : memref<512xi32, #tpu.memory_space<hbm>>) dst(%arg6 : memref<512xi32, #tpu.memory_space<vmem>>)
      %dma_start3A_123 = arith.constant 0 : i32
      %dma_start3A_124 = arith.constant 0 : i32
      %dma_start3A_125 = tpu.memref_slice %arg2[%dma_start3A_123, %dma_start3A_124] : memref<1007616x32xf32, #tpu.memory_space<hbm>> -> memref<1007616x32xf32, #tpu.memory_space<hbm>>
      tpu.enqueue_indirect_dma source(%dma_start3A_125 : memref<1007616x32xf32, #tpu.memory_space<hbm>>) target(%arg8 : memref<512x32xf32, #tpu.memory_space<vmem>>) offsets(%arg6 : memref<512xi32, #tpu.memory_space<vmem>>) semaphore(%arg13 : memref<!tpu.dma_semaphore, #tpu.memory_space<semaphore_mem>>)
      %mul3A_126 = arith.constant 25 : i32
      %mul3A_127 = arith.muli %arg1, %mul3A_126 : i32
      %add3A_128 = arith.constant 22 : i32
      %add3A_129 = arith.addi %mul3A_127, %add3A_128 : i32
      %jit3A_130 = arith.constant 8 : i32
      %div3A_131 = arith.divsi %add3A_129, %jit3A_130 : i32
      %sign3A_132 = arith.constant 0 : i32
      %sign3A_133 = arith.cmpi sgt, %add3A_129, %sign3A_132 : i32
      %sign3A_134 = arith.extui %sign3A_133 : i1 to i32
      %sign3A_135 = arith.constant 0 : i32
      %sign3A_136 = arith.cmpi slt, %add3A_129, %sign3A_135 : i32
      %sign3A_137 = arith.extui %sign3A_136 : i1 to i32
      %sign3A_138 = arith.subi %sign3A_134, %sign3A_137 : i32
      %sign3A_139 = arith.constant 0 : i32
      %sign3A_140 = arith.cmpi sgt, %jit3A_130, %sign3A_139 : i32
      %sign3A_141 = arith.extui %sign3A_140 : i1 to i32
      %sign3A_142 = arith.constant 0 : i32
      %sign3A_143 = arith.cmpi slt, %jit3A_130, %sign3A_142 : i32
      %sign3A_144 = arith.extui %sign3A_143 : i1 to i32
      %sign3A_145 = arith.subi %sign3A_141, %sign3A_144 : i32
      %ne3A_146 = arith.cmpi ne, %sign3A_138, %sign3A_145 : i32
      %rem3A_147 = arith.remsi %add3A_129, %jit3A_130 : i32
      %ne3A_148 = arith.constant 0 : i32
      %ne3A_149 = arith.cmpi ne, %rem3A_147, %ne3A_148 : i32
      %and3A_150 = arith.andi %ne3A_146, %ne3A_149 : i1
      %sub3A_151 = arith.constant 1 : i32
      %sub3A_152 = arith.subi %div3A_131, %sub3A_151 : i32
      %select_n3A_153 = arith.select %and3A_150, %sub3A_152, %div3A_131 : i32
      %jit3A_154 = arith.constant 8 : i32
      %eq3A_155 = arith.constant 0 : i32
      %eq3A_156 = arith.cmpi eq, %jit3A_154, %eq3A_155 : i32
      %jit3A_157 = arith.constant 1 : i32
      %select_n3A_158 = arith.select %eq3A_156, %jit3A_157, %jit3A_154 : i32
      %rem3A_159 = arith.remsi %add3A_129, %select_n3A_158 : i32
      %ne3A_160 = arith.constant 0 : i32
      %ne3A_161 = arith.cmpi ne, %rem3A_159, %ne3A_160 : i32
      %lt3A_162 = arith.constant 0 : i32
      %lt3A_163 = arith.cmpi slt, %rem3A_159, %lt3A_162 : i32
      %lt3A_164 = arith.constant 0 : i32
      %lt3A_165 = arith.cmpi slt, %select_n3A_158, %lt3A_164 : i32
      %ne3A_166 = arith.xori %lt3A_163, %lt3A_165 : i1
      %and3A_167 = arith.andi %ne3A_166, %ne3A_161 : i1
      %add3A_168 = arith.addi %rem3A_159, %select_n3A_158 : i32
      %select_n3A_169 = arith.select %and3A_167, %add3A_168, %rem3A_159 : i32
      %mul3A_170 = arith.constant 512 : i32
      %mul3A_171 = arith.muli %select_n3A_169, %mul3A_170 : i32
      %dma_wait3A_172 = arith.constant 0 : i32
      %dma_wait3A_173 = arith.constant 0 : i32
      %dma_wait3A_174 = tpu.memref_slice %arg10[%dma_wait3A_172, %dma_wait3A_173] : memref<32x513xf32, #tpu.memory_space<vmem>> -> memref<32x512xf32, #tpu.memory_space<vmem>>
      %dma_wait3A_175 = arith.constant 0 : i32
      %dma_wait3A_176 = tpu.memref_slice %arg5[%arg0, %select_n3A_153, %dma_wait3A_175, %mul3A_171] : memref<2x50x32x4096xf32, #tpu.memory_space<hbm>> -> memref<1x1x32x512xf32, #tpu.memory_space<hbm>>
      %dma_wait3A_177 = tpu.memref_squeeze %dma_wait3A_176 : memref<1x1x32x512xf32, #tpu.memory_space<hbm>> -> memref<32x512xf32, #tpu.memory_space<hbm>>
      %dma_wait3A_178 = arith.constant 0 : i32
      %dma_wait3A_179 = tpu.memref_slice %arg5[%arg0, %select_n3A_153, %dma_wait3A_178, %mul3A_171] : memref<2x50x32x4096xf32, #tpu.memory_space<hbm>> -> memref<1x1x32x512xf32, #tpu.memory_space<hbm>>
      %dma_wait3A_180 = tpu.memref_squeeze %dma_wait3A_179 : memref<1x1x32x512xf32, #tpu.memory_space<hbm>> -> memref<32x512xf32, #tpu.memory_space<hbm>>
      %dma_wait3A_181 = arith.constant 0 : i32
      %dma_wait3A_182 = arith.constant 0 : i32
      %dma_wait3A_183 = tpu.memref_slice %arg10[%dma_wait3A_181, %dma_wait3A_182] : memref<32x513xf32, #tpu.memory_space<vmem>> -> memref<32x512xf32, #tpu.memory_space<vmem>>
      tpu.wait_dma2 semaphore(%arg15 : memref<!tpu.dma_semaphore, #tpu.memory_space<semaphore_mem>>) src(%dma_wait3A_183 : memref<32x512xf32, #tpu.memory_space<vmem>>) dst(%dma_wait3A_180 : memref<32x512xf32, #tpu.memory_space<hbm>>)
      %iota3A_184 = tpu.iota {dimensions = array<i32: 0>} : vector<16xi32>
      %scan3A_185 = arith.constant 0 : i32
      %scan3A_186 = arith.constant 0 : i32
      %scan3A_187 = arith.constant 64 : i32
      %scan3A_188 = arith.addi %scan3A_186, %scan3A_187 : i32
      %scan3A_189 = arith.constant 1 : i32
      scf.for %scan3A_433 = %scan3A_186 to %scan3A_188 step %scan3A_189  : i32 {
        %mul3A_434 = arith.constant 8 : i32
        %mul3A_435 = arith.muli %scan3A_433, %mul3A_434 : i32
        %add3A_436 = arith.constant 0 : i32
        %add3A_437 = arith.addi %mul3A_435, %add3A_436 : i32
        %broadcast_in_dim3A = vector.broadcast %add3A_437 : i32 to vector<16xi32>
        %get3A = arith.index_cast %add3A_437 : i32 to index
        %get3A_438 = arith.constant 0 : index
        %get3A_439 = tpu.vector_load %arg9[%get3A, %get3A_438] {strides = array<i32>} : memref<512x32xf32, #tpu.memory_space<vmem>>, vector<16xf32>,
        %get3A_440 = arith.index_cast %add3A_437 : i32 to index
        %get3A_441 = arith.constant 16 : index
        %get3A_442 = tpu.vector_load %arg9[%get3A_440, %get3A_441] {strides = array<i32>} : memref<512x32xf32, #tpu.memory_space<vmem>>, vector<16xf32>,
        tpu.vector_store_idx %arg10[%iota3A_184, %broadcast_in_dim3A], %get3A_439 : memref<32x513xf32, #tpu.memory_space<vmem>>[vector<16xi32>, vector<16xi32>], vector<16xf32>,
        %add3A_443 = arith.constant 16 : i32
        %add3A_444 = vector.broadcast %add3A_443 : i32 to vector<16xi32>
        %add3A_445 = arith.addi %iota3A_184, %add3A_444 : vector<16xi32>
        tpu.vector_store_idx %arg10[%add3A_445, %broadcast_in_dim3A], %get3A_442 : memref<32x513xf32, #tpu.memory_space<vmem>>[vector<16xi32>, vector<16xi32>], vector<16xf32>,
        %add3A_446 = arith.constant 1 : i32
        %add3A_447 = arith.addi %mul3A_435, %add3A_446 : i32
        %broadcast_in_dim3A_448 = vector.broadcast %add3A_447 : i32 to vector<16xi32>
        %get3A_449 = arith.index_cast %add3A_447 : i32 to index
        %get3A_450 = arith.constant 0 : index
        %get3A_451 = tpu.vector_load %arg9[%get3A_449, %get3A_450] {strides = array<i32>} : memref<512x32xf32, #tpu.memory_space<vmem>>, vector<16xf32>,
        %get3A_452 = arith.index_cast %add3A_447 : i32 to index
        %get3A_453 = arith.constant 16 : index
        %get3A_454 = tpu.vector_load %arg9[%get3A_452, %get3A_453] {strides = array<i32>} : memref<512x32xf32, #tpu.memory_space<vmem>>, vector<16xf32>,
        tpu.vector_store_idx %arg10[%iota3A_184, %broadcast_in_dim3A_448], %get3A_451 : memref<32x513xf32, #tpu.memory_space<vmem>>[vector<16xi32>, vector<16xi32>], vector<16xf32>,
        %add3A_455 = arith.constant 16 : i32
        %add3A_456 = vector.broadcast %add3A_455 : i32 to vector<16xi32>
        %add3A_457 = arith.addi %iota3A_184, %add3A_456 : vector<16xi32>
        tpu.vector_store_idx %arg10[%add3A_457, %broadcast_in_dim3A_448], %get3A_454 : memref<32x513xf32, #tpu.memory_space<vmem>>[vector<16xi32>, vector<16xi32>], vector<16xf32>,
        %add3A_458 = arith.constant 2 : i32
        %add3A_459 = arith.addi %mul3A_435, %add3A_458 : i32
        %broadcast_in_dim3A_460 = vector.broadcast %add3A_459 : i32 to vector<16xi32>
        %get3A_461 = arith.index_cast %add3A_459 : i32 to index
        %get3A_462 = arith.constant 0 : index
        %get3A_463 = tpu.vector_load %arg9[%get3A_461, %get3A_462] {strides = array<i32>} : memref<512x32xf32, #tpu.memory_space<vmem>>, vector<16xf32>,
        %get3A_464 = arith.index_cast %add3A_459 : i32 to index
        %get3A_465 = arith.constant 16 : index
        %get3A_466 = tpu.vector_load %arg9[%get3A_464, %get3A_465] {strides = array<i32>} : memref<512x32xf32, #tpu.memory_space<vmem>>, vector<16xf32>,
        tpu.vector_store_idx %arg10[%iota3A_184, %broadcast_in_dim3A_460], %get3A_463 : memref<32x513xf32, #tpu.memory_space<vmem>>[vector<16xi32>, vector<16xi32>], vector<16xf32>,
        %add3A_467 = arith.constant 16 : i32
        %add3A_468 = vector.broadcast %add3A_467 : i32 to vector<16xi32>
        %add3A_469 = arith.addi %iota3A_184, %add3A_468 : vector<16xi32>
        tpu.vector_store_idx %arg10[%add3A_469, %broadcast_in_dim3A_460], %get3A_466 : memref<32x513xf32, #tpu.memory_space<vmem>>[vector<16xi32>, vector<16xi32>], vector<16xf32>,
        %add3A_470 = arith.constant 3 : i32
        %add3A_471 = arith.addi %mul3A_435, %add3A_470 : i32
        %broadcast_in_dim3A_472 = vector.broadcast %add3A_471 : i32 to vector<16xi32>
        %get3A_473 = arith.index_cast %add3A_471 : i32 to index
        %get3A_474 = arith.constant 0 : index
        %get3A_475 = tpu.vector_load %arg9[%get3A_473, %get3A_474] {strides = array<i32>} : memref<512x32xf32, #tpu.memory_space<vmem>>, vector<16xf32>,
        %get3A_476 = arith.index_cast %add3A_471 : i32 to index
        %get3A_477 = arith.constant 16 : index
        %get3A_478 = tpu.vector_load %arg9[%get3A_476, %get3A_477] {strides = array<i32>} : memref<512x32xf32, #tpu.memory_space<vmem>>, vector<16xf32>,
        tpu.vector_store_idx %arg10[%iota3A_184, %broadcast_in_dim3A_472], %get3A_475 : memref<32x513xf32, #tpu.memory_space<vmem>>[vector<16xi32>, vector<16xi32>], vector<16xf32>,
        %add3A_479 = arith.constant 16 : i32
        %add3A_480 = vector.broadcast %add3A_479 : i32 to vector<16xi32>
        %add3A_481 = arith.addi %iota3A_184, %add3A_480 : vector<16xi32>
        tpu.vector_store_idx %arg10[%add3A_481, %broadcast_in_dim3A_472], %get3A_478 : memref<32x513xf32, #tpu.memory_space<vmem>>[vector<16xi32>, vector<16xi32>], vector<16xf32>,
        %add3A_482 = arith.constant 4 : i32
        %add3A_483 = arith.addi %mul3A_435, %add3A_482 : i32
        %broadcast_in_dim3A_484 = vector.broadcast %add3A_483 : i32 to vector<16xi32>
        %get3A_485 = arith.index_cast %add3A_483 : i32 to index
        %get3A_486 = arith.constant 0 : index
        %get3A_487 = tpu.vector_load %arg9[%get3A_485, %get3A_486] {strides = array<i32>} : memref<512x32xf32, #tpu.memory_space<vmem>>, vector<16xf32>,
        %get3A_488 = arith.index_cast %add3A_483 : i32 to index
        %get3A_489 = arith.constant 16 : index
        %get3A_490 = tpu.vector_load %arg9[%get3A_488, %get3A_489] {strides = array<i32>} : memref<512x32xf32, #tpu.memory_space<vmem>>, vector<16xf32>,
        tpu.vector_store_idx %arg10[%iota3A_184, %broadcast_in_dim3A_484], %get3A_487 : memref<32x513xf32, #tpu.memory_space<vmem>>[vector<16xi32>, vector<16xi32>], vector<16xf32>,
        %add3A_491 = arith.constant 16 : i32
        %add3A_492 = vector.broadcast %add3A_491 : i32 to vector<16xi32>
        %add3A_493 = arith.addi %iota3A_184, %add3A_492 : vector<16xi32>
        tpu.vector_store_idx %arg10[%add3A_493, %broadcast_in_dim3A_484], %get3A_490 : memref<32x513xf32, #tpu.memory_space<vmem>>[vector<16xi32>, vector<16xi32>], vector<16xf32>,
        %add3A_494 = arith.constant 5 : i32
        %add3A_495 = arith.addi %mul3A_435, %add3A_494 : i32
        %broadcast_in_dim3A_496 = vector.broadcast %add3A_495 : i32 to vector<16xi32>
        %get3A_497 = arith.index_cast %add3A_495 : i32 to index
        %get3A_498 = arith.constant 0 : index
        %get3A_499 = tpu.vector_load %arg9[%get3A_497, %get3A_498] {strides = array<i32>} : memref<512x32xf32, #tpu.memory_space<vmem>>, vector<16xf32>,
        %get3A_500 = arith.index_cast %add3A_495 : i32 to index
        %get3A_501 = arith.constant 16 : index
        %get3A_502 = tpu.vector_load %arg9[%get3A_500, %get3A_501] {strides = array<i32>} : memref<512x32xf32, #tpu.memory_space<vmem>>, vector<16xf32>,
        tpu.vector_store_idx %arg10[%iota3A_184, %broadcast_in_dim3A_496], %get3A_499 : memref<32x513xf32, #tpu.memory_space<vmem>>[vector<16xi32>, vector<16xi32>], vector<16xf32>,
        %add3A_503 = arith.constant 16 : i32
        %add3A_504 = vector.broadcast %add3A_503 : i32 to vector<16xi32>
        %add3A_505 = arith.addi %iota3A_184, %add3A_504 : vector<16xi32>
        tpu.vector_store_idx %arg10[%add3A_505, %broadcast_in_dim3A_496], %get3A_502 : memref<32x513xf32, #tpu.memory_space<vmem>>[vector<16xi32>, vector<16xi32>], vector<16xf32>,
        %add3A_506 = arith.constant 6 : i32
        %add3A_507 = arith.addi %mul3A_435, %add3A_506 : i32
        %broadcast_in_dim3A_508 = vector.broadcast %add3A_507 : i32 to vector<16xi32>
        %get3A_509 = arith.index_cast %add3A_507 : i32 to index
        %get3A_510 = arith.constant 0 : index
        %get3A_511 = tpu.vector_load %arg9[%get3A_509, %get3A_510] {strides = array<i32>} : memref<512x32xf32, #tpu.memory_space<vmem>>, vector<16xf32>,
        %get3A_512 = arith.index_cast %add3A_507 : i32 to index
        %get3A_513 = arith.constant 16 : index
        %get3A_514 = tpu.vector_load %arg9[%get3A_512, %get3A_513] {strides = array<i32>} : memref<512x32xf32, #tpu.memory_space<vmem>>, vector<16xf32>,
        tpu.vector_store_idx %arg10[%iota3A_184, %broadcast_in_dim3A_508], %get3A_511 : memref<32x513xf32, #tpu.memory_space<vmem>>[vector<16xi32>, vector<16xi32>], vector<16xf32>,
        %add3A_515 = arith.constant 16 : i32
        %add3A_516 = vector.broadcast %add3A_515 : i32 to vector<16xi32>
        %add3A_517 = arith.addi %iota3A_184, %add3A_516 : vector<16xi32>
        tpu.vector_store_idx %arg10[%add3A_517, %broadcast_in_dim3A_508], %get3A_514 : memref<32x513xf32, #tpu.memory_space<vmem>>[vector<16xi32>, vector<16xi32>], vector<16xf32>,
        %add3A_518 = arith.constant 7 : i32
        %add3A_519 = arith.addi %mul3A_435, %add3A_518 : i32
        %broadcast_in_dim3A_520 = vector.broadcast %add3A_519 : i32 to vector<16xi32>
        %get3A_521 = arith.index_cast %add3A_519 : i32 to index
        %get3A_522 = arith.constant 0 : index
        %get3A_523 = tpu.vector_load %arg9[%get3A_521, %get3A_522] {strides = array<i32>} : memref<512x32xf32, #tpu.memory_space<vmem>>, vector<16xf32>,
        %get3A_524 = arith.index_cast %add3A_519 : i32 to index
        %get3A_525 = arith.constant 16 : index
        %get3A_526 = tpu.vector_load %arg9[%get3A_524, %get3A_525] {strides = array<i32>} : memref<512x32xf32, #tpu.memory_space<vmem>>, vector<16xf32>,
        tpu.vector_store_idx %arg10[%iota3A_184, %broadcast_in_dim3A_520], %get3A_523 : memref<32x513xf32, #tpu.memory_space<vmem>>[vector<16xi32>, vector<16xi32>], vector<16xf32>,
        %add3A_527 = arith.constant 16 : i32
        %add3A_528 = vector.broadcast %add3A_527 : i32 to vector<16xi32>
        %add3A_529 = arith.addi %iota3A_184, %add3A_528 : vector<16xi32>
        tpu.vector_store_idx %arg10[%add3A_529, %broadcast_in_dim3A_520], %get3A_526 : memref<32x513xf32, #tpu.memory_space<vmem>>[vector<16xi32>, vector<16xi32>], vector<16xf32>,
      }
      %scan3A_190 = arith.constant 64 : i32
      %mul3A_191 = arith.constant 25 : i32
      %mul3A_192 = arith.muli %arg1, %mul3A_191 : i32
      %add3A_193 = arith.constant 23 : i32
      %add3A_194 = arith.addi %mul3A_192, %add3A_193 : i32
      %jit3A_195 = arith.constant 8 : i32
      %div3A_196 = arith.divsi %add3A_194, %jit3A_195 : i32
      %sign3A_197 = arith.constant 0 : i32
      %sign3A_198 = arith.cmpi sgt, %add3A_194, %sign3A_197 : i32
      %sign3A_199 = arith.extui %sign3A_198 : i1 to i32
      %sign3A_200 = arith.constant 0 : i32
      %sign3A_201 = arith.cmpi slt, %add3A_194, %sign3A_200 : i32
      %sign3A_202 = arith.extui %sign3A_201 : i1 to i32
      %sign3A_203 = arith.subi %sign3A_199, %sign3A_202 : i32
      %sign3A_204 = arith.constant 0 : i32
      %sign3A_205 = arith.cmpi sgt, %jit3A_195, %sign3A_204 : i32
      %sign3A_206 = arith.extui %sign3A_205 : i1 to i32
      %sign3A_207 = arith.constant 0 : i32
      %sign3A_208 = arith.cmpi slt, %jit3A_195, %sign3A_207 : i32
      %sign3A_209 = arith.extui %sign3A_208 : i1 to i32
      %sign3A_210 = arith.subi %sign3A_206, %sign3A_209 : i32
      %ne3A_211 = arith.cmpi ne, %sign3A_203, %sign3A_210 : i32
      %rem3A_212 = arith.remsi %add3A_194, %jit3A_195 : i32
      %ne3A_213 = arith.constant 0 : i32
      %ne3A_214 = arith.cmpi ne, %rem3A_212, %ne3A_213 : i32
      %and3A_215 = arith.andi %ne3A_211, %ne3A_214 : i1
      %sub3A_216 = arith.constant 1 : i32
      %sub3A_217 = arith.subi %div3A_196, %sub3A_216 : i32
      %select_n3A_218 = arith.select %and3A_215, %sub3A_217, %div3A_196 : i32
      %jit3A_219 = arith.constant 8 : i32
      %eq3A_220 = arith.constant 0 : i32
      %eq3A_221 = arith.cmpi eq, %jit3A_219, %eq3A_220 : i32
      %jit3A_222 = arith.constant 1 : i32
      %select_n3A_223 = arith.select %eq3A_221, %jit3A_222, %jit3A_219 : i32
      %rem3A_224 = arith.remsi %add3A_194, %select_n3A_223 : i32
      %ne3A_225 = arith.constant 0 : i32
      %ne3A_226 = arith.cmpi ne, %rem3A_224, %ne3A_225 : i32
      %lt3A_227 = arith.constant 0 : i32
      %lt3A_228 = arith.cmpi slt, %rem3A_224, %lt3A_227 : i32
      %lt3A_229 = arith.constant 0 : i32
      %lt3A_230 = arith.cmpi slt, %select_n3A_223, %lt3A_229 : i32
      %ne3A_231 = arith.xori %lt3A_228, %lt3A_230 : i1
      %and3A_232 = arith.andi %ne3A_231, %ne3A_226 : i1
      %add3A_233 = arith.addi %rem3A_224, %select_n3A_223 : i32
      %select_n3A_234 = arith.select %and3A_232, %add3A_233, %rem3A_224 : i32
      %mul3A_235 = arith.constant 512 : i32
      %mul3A_236 = arith.muli %select_n3A_234, %mul3A_235 : i32
      %dma_start3A_237 = arith.constant 0 : i32
      %dma_start3A_238 = arith.constant 0 : i32
      %dma_start3A_239 = tpu.memref_slice %arg10[%dma_start3A_237, %dma_start3A_238] : memref<32x513xf32, #tpu.memory_space<vmem>> -> memref<32x512xf32, #tpu.memory_space<vmem>>
      %dma_start3A_240 = arith.constant 0 : i32
      %dma_start3A_241 = tpu.memref_slice %arg5[%arg0, %select_n3A_218, %dma_start3A_240, %mul3A_236] : memref<2x50x32x4096xf32, #tpu.memory_space<hbm>> -> memref<1x1x32x512xf32, #tpu.memory_space<hbm>>
      %dma_start3A_242 = tpu.memref_squeeze %dma_start3A_241 : memref<1x1x32x512xf32, #tpu.memory_space<hbm>> -> memref<32x512xf32, #tpu.memory_space<hbm>>
      %dma_start3A_243 = arith.constant 0 : i32
      %dma_start3A_244 = tpu.memref_slice %arg5[%arg0, %select_n3A_218, %dma_start3A_243, %mul3A_236] : memref<2x50x32x4096xf32, #tpu.memory_space<hbm>> -> memref<1x1x32x512xf32, #tpu.memory_space<hbm>>
      %dma_start3A_245 = tpu.memref_squeeze %dma_start3A_244 : memref<1x1x32x512xf32, #tpu.memory_space<hbm>> -> memref<32x512xf32, #tpu.memory_space<hbm>>
      %dma_start3A_246 = arith.constant 0 : i32
      %dma_start3A_247 = arith.constant 0 : i32
      %dma_start3A_248 = tpu.memref_slice %arg10[%dma_start3A_246, %dma_start3A_247] : memref<32x513xf32, #tpu.memory_space<vmem>> -> memref<32x512xf32, #tpu.memory_space<vmem>>
      tpu.enqueue_dma source(%dma_start3A_248 : memref<32x512xf32, #tpu.memory_space<vmem>>) target(%dma_start3A_245 : memref<32x512xf32, #tpu.memory_space<hbm>>) target_semaphore(%arg15 : memref<!tpu.dma_semaphore, #tpu.memory_space<semaphore_mem>>)
      %dma_wait3A_249 = arith.constant 0 : i32
      %dma_wait3A_250 = arith.constant 0 : i32
      %dma_wait3A_251 = tpu.memref_slice %arg2[%dma_wait3A_249, %dma_wait3A_250] : memref<1007616x32xf32, #tpu.memory_space<hbm>> -> memref<1007616x32xf32, #tpu.memory_space<hbm>>
      tpu.wait_indirect_dma semaphore(%arg13 : memref<!tpu.dma_semaphore, #tpu.memory_space<semaphore_mem>>) src(%dma_wait3A_251 : memref<1007616x32xf32, #tpu.memory_space<hbm>>) dst(%arg8 : memref<512x32xf32, #tpu.memory_space<vmem>>)
      %mul3A_252 = arith.constant 25 : i32
      %mul3A_253 = arith.muli %arg1, %mul3A_252 : i32
      %add3A_254 = arith.constant 23 : i32
      %add3A_255 = arith.addi %mul3A_253, %add3A_254 : i32
      %jit3A_256 = arith.constant 8 : i32
      %div3A_257 = arith.divsi %add3A_255, %jit3A_256 : i32
      %sign3A_258 = arith.constant 0 : i32
      %sign3A_259 = arith.cmpi sgt, %add3A_255, %sign3A_258 : i32
      %sign3A_260 = arith.extui %sign3A_259 : i1 to i32
      %sign3A_261 = arith.constant 0 : i32
      %sign3A_262 = arith.cmpi slt, %add3A_255, %sign3A_261 : i32
      %sign3A_263 = arith.extui %sign3A_262 : i1 to i32
      %sign3A_264 = arith.subi %sign3A_260, %sign3A_263 : i32
      %sign3A_265 = arith.constant 0 : i32
      %sign3A_266 = arith.cmpi sgt, %jit3A_256, %sign3A_265 : i32
      %sign3A_267 = arith.extui %sign3A_266 : i1 to i32
      %sign3A_268 = arith.constant 0 : i32
      %sign3A_269 = arith.cmpi slt, %jit3A_256, %sign3A_268 : i32
      %sign3A_270 = arith.extui %sign3A_269 : i1 to i32
      %sign3A_271 = arith.subi %sign3A_267, %sign3A_270 : i32
      %ne3A_272 = arith.cmpi ne, %sign3A_264, %sign3A_271 : i32
      %rem3A_273 = arith.remsi %add3A_255, %jit3A_256 : i32
      %ne3A_274 = arith.constant 0 : i32
      %ne3A_275 = arith.cmpi ne, %rem3A_273, %ne3A_274 : i32
      %and3A_276 = arith.andi %ne3A_272, %ne3A_275 : i1
      %sub3A_277 = arith.constant 1 : i32
      %sub3A_278 = arith.subi %div3A_257, %sub3A_277 : i32
      %select_n3A_279 = arith.select %and3A_276, %sub3A_278, %div3A_257 : i32
      %jit3A_280 = arith.constant 8 : i32
      %eq3A_281 = arith.constant 0 : i32
      %eq3A_282 = arith.cmpi eq, %jit3A_280, %eq3A_281 : i32
      %jit3A_283 = arith.constant 1 : i32
      %select_n3A_284 = arith.select %eq3A_282, %jit3A_283, %jit3A_280 : i32
      %rem3A_285 = arith.remsi %add3A_255, %select_n3A_284 : i32
      %ne3A_286 = arith.constant 0 : i32
      %ne3A_287 = arith.cmpi ne, %rem3A_285, %ne3A_286 : i32
      %lt3A_288 = arith.constant 0 : i32
      %lt3A_289 = arith.cmpi slt, %rem3A_285, %lt3A_288 : i32
      %lt3A_290 = arith.constant 0 : i32
      %lt3A_291 = arith.cmpi slt, %select_n3A_284, %lt3A_290 : i32
      %ne3A_292 = arith.xori %lt3A_289, %lt3A_291 : i1
      %and3A_293 = arith.andi %ne3A_292, %ne3A_287 : i1
      %add3A_294 = arith.addi %rem3A_285, %select_n3A_284 : i32
      %select_n3A_295 = arith.select %and3A_293, %add3A_294, %rem3A_285 : i32
      %mul3A_296 = arith.constant 512 : i32
      %mul3A_297 = arith.muli %select_n3A_295, %mul3A_296 : i32
      %dma_wait3A_298 = arith.constant 0 : i32
      %dma_wait3A_299 = arith.constant 0 : i32
      %dma_wait3A_300 = tpu.memref_slice %arg10[%dma_wait3A_298, %dma_wait3A_299] : memref<32x513xf32, #tpu.memory_space<vmem>> -> memref<32x512xf32, #tpu.memory_space<vmem>>
      %dma_wait3A_301 = arith.constant 0 : i32
      %dma_wait3A_302 = tpu.memref_slice %arg5[%arg0, %select_n3A_279, %dma_wait3A_301, %mul3A_297] : memref<2x50x32x4096xf32, #tpu.memory_space<hbm>> -> memref<1x1x32x512xf32, #tpu.memory_space<hbm>>
      %dma_wait3A_303 = tpu.memref_squeeze %dma_wait3A_302 : memref<1x1x32x512xf32, #tpu.memory_space<hbm>> -> memref<32x512xf32, #tpu.memory_space<hbm>>
      %dma_wait3A_304 = arith.constant 0 : i32
      %dma_wait3A_305 = tpu.memref_slice %arg5[%arg0, %select_n3A_279, %dma_wait3A_304, %mul3A_297] : memref<2x50x32x4096xf32, #tpu.memory_space<hbm>> -> memref<1x1x32x512xf32, #tpu.memory_space<hbm>>
      %dma_wait3A_306 = tpu.memref_squeeze %dma_wait3A_305 : memref<1x1x32x512xf32, #tpu.memory_space<hbm>> -> memref<32x512xf32, #tpu.memory_space<hbm>>
      %dma_wait3A_307 = arith.constant 0 : i32
      %dma_wait3A_308 = arith.constant 0 : i32
      %dma_wait3A_309 = tpu.memref_slice %arg10[%dma_wait3A_307, %dma_wait3A_308] : memref<32x513xf32, #tpu.memory_space<vmem>> -> memref<32x512xf32, #tpu.memory_space<vmem>>
      tpu.wait_dma2 semaphore(%arg15 : memref<!tpu.dma_semaphore, #tpu.memory_space<semaphore_mem>>) src(%dma_wait3A_309 : memref<32x512xf32, #tpu.memory_space<vmem>>) dst(%dma_wait3A_306 : memref<32x512xf32, #tpu.memory_space<hbm>>)
      %iota3A_310 = tpu.iota {dimensions = array<i32: 0>} : vector<16xi32>
      %scan3A_311 = arith.constant 0 : i32
      %scan3A_312 = arith.constant 0 : i32
      %scan3A_313 = arith.constant 64 : i32
      %scan3A_314 = arith.addi %scan3A_312, %scan3A_313 : i32
      %scan3A_315 = arith.constant 1 : i32
      scf.for %scan3A_433 = %scan3A_312 to %scan3A_314 step %scan3A_315  : i32 {
        %mul3A_434 = arith.constant 8 : i32
        %mul3A_435 = arith.muli %scan3A_433, %mul3A_434 : i32
        %add3A_436 = arith.constant 0 : i32
        %add3A_437 = arith.addi %mul3A_435, %add3A_436 : i32
        %broadcast_in_dim3A = vector.broadcast %add3A_437 : i32 to vector<16xi32>
        %get3A = arith.index_cast %add3A_437 : i32 to index
        %get3A_438 = arith.constant 0 : index
        %get3A_439 = tpu.vector_load %arg8[%get3A, %get3A_438] {strides = array<i32>} : memref<512x32xf32, #tpu.memory_space<vmem>>, vector<16xf32>,
        %get3A_440 = arith.index_cast %add3A_437 : i32 to index
        %get3A_441 = arith.constant 16 : index
        %get3A_442 = tpu.vector_load %arg8[%get3A_440, %get3A_441] {strides = array<i32>} : memref<512x32xf32, #tpu.memory_space<vmem>>, vector<16xf32>,
        tpu.vector_store_idx %arg10[%iota3A_310, %broadcast_in_dim3A], %get3A_439 : memref<32x513xf32, #tpu.memory_space<vmem>>[vector<16xi32>, vector<16xi32>], vector<16xf32>,
        %add3A_443 = arith.constant 16 : i32
        %add3A_444 = vector.broadcast %add3A_443 : i32 to vector<16xi32>
        %add3A_445 = arith.addi %iota3A_310, %add3A_444 : vector<16xi32>
        tpu.vector_store_idx %arg10[%add3A_445, %broadcast_in_dim3A], %get3A_442 : memref<32x513xf32, #tpu.memory_space<vmem>>[vector<16xi32>, vector<16xi32>], vector<16xf32>,
        %add3A_446 = arith.constant 1 : i32
        %add3A_447 = arith.addi %mul3A_435, %add3A_446 : i32
        %broadcast_in_dim3A_448 = vector.broadcast %add3A_447 : i32 to vector<16xi32>
        %get3A_449 = arith.index_cast %add3A_447 : i32 to index
        %get3A_450 = arith.constant 0 : index
        %get3A_451 = tpu.vector_load %arg8[%get3A_449, %get3A_450] {strides = array<i32>} : memref<512x32xf32, #tpu.memory_space<vmem>>, vector<16xf32>,
        %get3A_452 = arith.index_cast %add3A_447 : i32 to index
        %get3A_453 = arith.constant 16 : index
        %get3A_454 = tpu.vector_load %arg8[%get3A_452, %get3A_453] {strides = array<i32>} : memref<512x32xf32, #tpu.memory_space<vmem>>, vector<16xf32>,
        tpu.vector_store_idx %arg10[%iota3A_310, %broadcast_in_dim3A_448], %get3A_451 : memref<32x513xf32, #tpu.memory_space<vmem>>[vector<16xi32>, vector<16xi32>], vector<16xf32>,
        %add3A_455 = arith.constant 16 : i32
        %add3A_456 = vector.broadcast %add3A_455 : i32 to vector<16xi32>
        %add3A_457 = arith.addi %iota3A_310, %add3A_456 : vector<16xi32>
        tpu.vector_store_idx %arg10[%add3A_457, %broadcast_in_dim3A_448], %get3A_454 : memref<32x513xf32, #tpu.memory_space<vmem>>[vector<16xi32>, vector<16xi32>], vector<16xf32>,
        %add3A_458 = arith.constant 2 : i32
        %add3A_459 = arith.addi %mul3A_435, %add3A_458 : i32
        %broadcast_in_dim3A_460 = vector.broadcast %add3A_459 : i32 to vector<16xi32>
        %get3A_461 = arith.index_cast %add3A_459 : i32 to index
        %get3A_462 = arith.constant 0 : index
        %get3A_463 = tpu.vector_load %arg8[%get3A_461, %get3A_462] {strides = array<i32>} : memref<512x32xf32, #tpu.memory_space<vmem>>, vector<16xf32>,
        %get3A_464 = arith.index_cast %add3A_459 : i32 to index
        %get3A_465 = arith.constant 16 : index
        %get3A_466 = tpu.vector_load %arg8[%get3A_464, %get3A_465] {strides = array<i32>} : memref<512x32xf32, #tpu.memory_space<vmem>>, vector<16xf32>,
        tpu.vector_store_idx %arg10[%iota3A_310, %broadcast_in_dim3A_460], %get3A_463 : memref<32x513xf32, #tpu.memory_space<vmem>>[vector<16xi32>, vector<16xi32>], vector<16xf32>,
        %add3A_467 = arith.constant 16 : i32
        %add3A_468 = vector.broadcast %add3A_467 : i32 to vector<16xi32>
        %add3A_469 = arith.addi %iota3A_310, %add3A_468 : vector<16xi32>
        tpu.vector_store_idx %arg10[%add3A_469, %broadcast_in_dim3A_460], %get3A_466 : memref<32x513xf32, #tpu.memory_space<vmem>>[vector<16xi32>, vector<16xi32>], vector<16xf32>,
        %add3A_470 = arith.constant 3 : i32
        %add3A_471 = arith.addi %mul3A_435, %add3A_470 : i32
        %broadcast_in_dim3A_472 = vector.broadcast %add3A_471 : i32 to vector<16xi32>
        %get3A_473 = arith.index_cast %add3A_471 : i32 to index
        %get3A_474 = arith.constant 0 : index
        %get3A_475 = tpu.vector_load %arg8[%get3A_473, %get3A_474] {strides = array<i32>} : memref<512x32xf32, #tpu.memory_space<vmem>>, vector<16xf32>,
        %get3A_476 = arith.index_cast %add3A_471 : i32 to index
        %get3A_477 = arith.constant 16 : index
        %get3A_478 = tpu.vector_load %arg8[%get3A_476, %get3A_477] {strides = array<i32>} : memref<512x32xf32, #tpu.memory_space<vmem>>, vector<16xf32>,
        tpu.vector_store_idx %arg10[%iota3A_310, %broadcast_in_dim3A_472], %get3A_475 : memref<32x513xf32, #tpu.memory_space<vmem>>[vector<16xi32>, vector<16xi32>], vector<16xf32>,
        %add3A_479 = arith.constant 16 : i32
        %add3A_480 = vector.broadcast %add3A_479 : i32 to vector<16xi32>
        %add3A_481 = arith.addi %iota3A_310, %add3A_480 : vector<16xi32>
        tpu.vector_store_idx %arg10[%add3A_481, %broadcast_in_dim3A_472], %get3A_478 : memref<32x513xf32, #tpu.memory_space<vmem>>[vector<16xi32>, vector<16xi32>], vector<16xf32>,
        %add3A_482 = arith.constant 4 : i32
        %add3A_483 = arith.addi %mul3A_435, %add3A_482 : i32
        %broadcast_in_dim3A_484 = vector.broadcast %add3A_483 : i32 to vector<16xi32>
        %get3A_485 = arith.index_cast %add3A_483 : i32 to index
        %get3A_486 = arith.constant 0 : index
        %get3A_487 = tpu.vector_load %arg8[%get3A_485, %get3A_486] {strides = array<i32>} : memref<512x32xf32, #tpu.memory_space<vmem>>, vector<16xf32>,
        %get3A_488 = arith.index_cast %add3A_483 : i32 to index
        %get3A_489 = arith.constant 16 : index
        %get3A_490 = tpu.vector_load %arg8[%get3A_488, %get3A_489] {strides = array<i32>} : memref<512x32xf32, #tpu.memory_space<vmem>>, vector<16xf32>,
        tpu.vector_store_idx %arg10[%iota3A_310, %broadcast_in_dim3A_484], %get3A_487 : memref<32x513xf32, #tpu.memory_space<vmem>>[vector<16xi32>, vector<16xi32>], vector<16xf32>,
        %add3A_491 = arith.constant 16 : i32
        %add3A_492 = vector.broadcast %add3A_491 : i32 to vector<16xi32>
        %add3A_493 = arith.addi %iota3A_310, %add3A_492 : vector<16xi32>
        tpu.vector_store_idx %arg10[%add3A_493, %broadcast_in_dim3A_484], %get3A_490 : memref<32x513xf32, #tpu.memory_space<vmem>>[vector<16xi32>, vector<16xi32>], vector<16xf32>,
        %add3A_494 = arith.constant 5 : i32
        %add3A_495 = arith.addi %mul3A_435, %add3A_494 : i32
        %broadcast_in_dim3A_496 = vector.broadcast %add3A_495 : i32 to vector<16xi32>
        %get3A_497 = arith.index_cast %add3A_495 : i32 to index
        %get3A_498 = arith.constant 0 : index
        %get3A_499 = tpu.vector_load %arg8[%get3A_497, %get3A_498] {strides = array<i32>} : memref<512x32xf32, #tpu.memory_space<vmem>>, vector<16xf32>,
        %get3A_500 = arith.index_cast %add3A_495 : i32 to index
        %get3A_501 = arith.constant 16 : index
        %get3A_502 = tpu.vector_load %arg8[%get3A_500, %get3A_501] {strides = array<i32>} : memref<512x32xf32, #tpu.memory_space<vmem>>, vector<16xf32>,
        tpu.vector_store_idx %arg10[%iota3A_310, %broadcast_in_dim3A_496], %get3A_499 : memref<32x513xf32, #tpu.memory_space<vmem>>[vector<16xi32>, vector<16xi32>], vector<16xf32>,
        %add3A_503 = arith.constant 16 : i32
        %add3A_504 = vector.broadcast %add3A_503 : i32 to vector<16xi32>
        %add3A_505 = arith.addi %iota3A_310, %add3A_504 : vector<16xi32>
        tpu.vector_store_idx %arg10[%add3A_505, %broadcast_in_dim3A_496], %get3A_502 : memref<32x513xf32, #tpu.memory_space<vmem>>[vector<16xi32>, vector<16xi32>], vector<16xf32>,
        %add3A_506 = arith.constant 6 : i32
        %add3A_507 = arith.addi %mul3A_435, %add3A_506 : i32
        %broadcast_in_dim3A_508 = vector.broadcast %add3A_507 : i32 to vector<16xi32>
        %get3A_509 = arith.index_cast %add3A_507 : i32 to index
        %get3A_510 = arith.constant 0 : index
        %get3A_511 = tpu.vector_load %arg8[%get3A_509, %get3A_510] {strides = array<i32>} : memref<512x32xf32, #tpu.memory_space<vmem>>, vector<16xf32>,
        %get3A_512 = arith.index_cast %add3A_507 : i32 to index
        %get3A_513 = arith.constant 16 : index
        %get3A_514 = tpu.vector_load %arg8[%get3A_512, %get3A_513] {strides = array<i32>} : memref<512x32xf32, #tpu.memory_space<vmem>>, vector<16xf32>,
        tpu.vector_store_idx %arg10[%iota3A_310, %broadcast_in_dim3A_508], %get3A_511 : memref<32x513xf32, #tpu.memory_space<vmem>>[vector<16xi32>, vector<16xi32>], vector<16xf32>,
        %add3A_515 = arith.constant 16 : i32
        %add3A_516 = vector.broadcast %add3A_515 : i32 to vector<16xi32>
        %add3A_517 = arith.addi %iota3A_310, %add3A_516 : vector<16xi32>
        tpu.vector_store_idx %arg10[%add3A_517, %broadcast_in_dim3A_508], %get3A_514 : memref<32x513xf32, #tpu.memory_space<vmem>>[vector<16xi32>, vector<16xi32>], vector<16xf32>,
        %add3A_518 = arith.constant 7 : i32
        %add3A_519 = arith.addi %mul3A_435, %add3A_518 : i32
        %broadcast_in_dim3A_520 = vector.broadcast %add3A_519 : i32 to vector<16xi32>
        %get3A_521 = arith.index_cast %add3A_519 : i32 to index
        %get3A_522 = arith.constant 0 : index
        %get3A_523 = tpu.vector_load %arg8[%get3A_521, %get3A_522] {strides = array<i32>} : memref<512x32xf32, #tpu.memory_space<vmem>>, vector<16xf32>,
        %get3A_524 = arith.index_cast %add3A_519 : i32 to index
        %get3A_525 = arith.constant 16 : index
        %get3A_526 = tpu.vector_load %arg8[%get3A_524, %get3A_525] {strides = array<i32>} : memref<512x32xf32, #tpu.memory_space<vmem>>, vector<16xf32>,
        tpu.vector_store_idx %arg10[%iota3A_310, %broadcast_in_dim3A_520], %get3A_523 : memref<32x513xf32, #tpu.memory_space<vmem>>[vector<16xi32>, vector<16xi32>], vector<16xf32>,
        %add3A_527 = arith.constant 16 : i32
        %add3A_528 = vector.broadcast %add3A_527 : i32 to vector<16xi32>
        %add3A_529 = arith.addi %iota3A_310, %add3A_528 : vector<16xi32>
        tpu.vector_store_idx %arg10[%add3A_529, %broadcast_in_dim3A_520], %get3A_526 : memref<32x513xf32, #tpu.memory_space<vmem>>[vector<16xi32>, vector<16xi32>], vector<16xf32>,
      }
      %scan3A_316 = arith.constant 64 : i32
      %mul3A_317 = arith.constant 25 : i32
      %mul3A_318 = arith.muli %arg1, %mul3A_317 : i32
      %add3A_319 = arith.constant 24 : i32
      %add3A_320 = arith.addi %mul3A_318, %add3A_319 : i32
      %jit3A_321 = arith.constant 8 : i32
      %div3A_322 = arith.divsi %add3A_320, %jit3A_321 : i32
      %sign3A_323 = arith.constant 0 : i32
      %sign3A_324 = arith.cmpi sgt, %add3A_320, %sign3A_323 : i32
      %sign3A_325 = arith.extui %sign3A_324 : i1 to i32
      %sign3A_326 = arith.constant 0 : i32
      %sign3A_327 = arith.cmpi slt, %add3A_320, %sign3A_326 : i32
      %sign3A_328 = arith.extui %sign3A_327 : i1 to i32
      %sign3A_329 = arith.subi %sign3A_325, %sign3A_328 : i32
      %sign3A_330 = arith.constant 0 : i32
      %sign3A_331 = arith.cmpi sgt, %jit3A_321, %sign3A_330 : i32
      %sign3A_332 = arith.extui %sign3A_331 : i1 to i32
      %sign3A_333 = arith.constant 0 : i32
      %sign3A_334 = arith.cmpi slt, %jit3A_321, %sign3A_333 : i32
      %sign3A_335 = arith.extui %sign3A_334 : i1 to i32
      %sign3A_336 = arith.subi %sign3A_332, %sign3A_335 : i32
      %ne3A_337 = arith.cmpi ne, %sign3A_329, %sign3A_336 : i32
      %rem3A_338 = arith.remsi %add3A_320, %jit3A_321 : i32
      %ne3A_339 = arith.constant 0 : i32
      %ne3A_340 = arith.cmpi ne, %rem3A_338, %ne3A_339 : i32
      %and3A_341 = arith.andi %ne3A_337, %ne3A_340 : i1
      %sub3A_342 = arith.constant 1 : i32
      %sub3A_343 = arith.subi %div3A_322, %sub3A_342 : i32
      %select_n3A_344 = arith.select %and3A_341, %sub3A_343, %div3A_322 : i32
      %jit3A_345 = arith.constant 8 : i32
      %eq3A_346 = arith.constant 0 : i32
      %eq3A_347 = arith.cmpi eq, %jit3A_345, %eq3A_346 : i32
      %jit3A_348 = arith.constant 1 : i32
      %select_n3A_349 = arith.select %eq3A_347, %jit3A_348, %jit3A_345 : i32
      %rem3A_350 = arith.remsi %add3A_320, %select_n3A_349 : i32
      %ne3A_351 = arith.constant 0 : i32
      %ne3A_352 = arith.cmpi ne, %rem3A_350, %ne3A_351 : i32
      %lt3A_353 = arith.constant 0 : i32
      %lt3A_354 = arith.cmpi slt, %rem3A_350, %lt3A_353 : i32
      %lt3A_355 = arith.constant 0 : i32
      %lt3A_356 = arith.cmpi slt, %select_n3A_349, %lt3A_355 : i32
      %ne3A_357 = arith.xori %lt3A_354, %lt3A_356 : i1
      %and3A_358 = arith.andi %ne3A_357, %ne3A_352 : i1
      %add3A_359 = arith.addi %rem3A_350, %select_n3A_349 : i32
      %select_n3A_360 = arith.select %and3A_358, %add3A_359, %rem3A_350 : i32
      %mul3A_361 = arith.constant 512 : i32
      %mul3A_362 = arith.muli %select_n3A_360, %mul3A_361 : i32
      %dma_start3A_363 = arith.constant 0 : i32
      %dma_start3A_364 = arith.constant 0 : i32
      %dma_start3A_365 = tpu.memref_slice %arg10[%dma_start3A_363, %dma_start3A_364] : memref<32x513xf32, #tpu.memory_space<vmem>> -> memref<32x512xf32, #tpu.memory_space<vmem>>
      %dma_start3A_366 = arith.constant 0 : i32
      %dma_start3A_367 = tpu.memref_slice %arg5[%arg0, %select_n3A_344, %dma_start3A_366, %mul3A_362] : memref<2x50x32x4096xf32, #tpu.memory_space<hbm>> -> memref<1x1x32x512xf32, #tpu.memory_space<hbm>>
      %dma_start3A_368 = tpu.memref_squeeze %dma_start3A_367 : memref<1x1x32x512xf32, #tpu.memory_space<hbm>> -> memref<32x512xf32, #tpu.memory_space<hbm>>
      %dma_start3A_369 = arith.constant 0 : i32
      %dma_start3A_370 = tpu.memref_slice %arg5[%arg0, %select_n3A_344, %dma_start3A_369, %mul3A_362] : memref<2x50x32x4096xf32, #tpu.memory_space<hbm>> -> memref<1x1x32x512xf32, #tpu.memory_space<hbm>>
      %dma_start3A_371 = tpu.memref_squeeze %dma_start3A_370 : memref<1x1x32x512xf32, #tpu.memory_space<hbm>> -> memref<32x512xf32, #tpu.memory_space<hbm>>
      %dma_start3A_372 = arith.constant 0 : i32
      %dma_start3A_373 = arith.constant 0 : i32
      %dma_start3A_374 = tpu.memref_slice %arg10[%dma_start3A_372, %dma_start3A_373] : memref<32x513xf32, #tpu.memory_space<vmem>> -> memref<32x512xf32, #tpu.memory_space<vmem>>
      tpu.enqueue_dma source(%dma_start3A_374 : memref<32x512xf32, #tpu.memory_space<vmem>>) target(%dma_start3A_371 : memref<32x512xf32, #tpu.memory_space<hbm>>) target_semaphore(%arg15 : memref<!tpu.dma_semaphore, #tpu.memory_space<semaphore_mem>>)
      %mul3A_375 = arith.constant 25 : i32
      %mul3A_376 = arith.muli %arg1, %mul3A_375 : i32
      %add3A_377 = arith.constant 24 : i32
      %add3A_378 = arith.addi %mul3A_376, %add3A_377 : i32
      %jit3A_379 = arith.constant 8 : i32
      %div3A_380 = arith.divsi %add3A_378, %jit3A_379 : i32
      %sign3A_381 = arith.constant 0 : i32
      %sign3A_382 = arith.cmpi sgt, %add3A_378, %sign3A_381 : i32
      %sign3A_383 = arith.extui %sign3A_382 : i1 to i32
      %sign3A_384 = arith.constant 0 : i32
      %sign3A_385 = arith.cmpi slt, %add3A_378, %sign3A_384 : i32
      %sign3A_386 = arith.extui %sign3A_385 : i1 to i32
      %sign3A_387 = arith.subi %sign3A_383, %sign3A_386 : i32
      %sign3A_388 = arith.constant 0 : i32
      %sign3A_389 = arith.cmpi sgt, %jit3A_379, %sign3A_388 : i32
      %sign3A_390 = arith.extui %sign3A_389 : i1 to i32
      %sign3A_391 = arith.constant 0 : i32
      %sign3A_392 = arith.cmpi slt, %jit3A_379, %sign3A_391 : i32
      %sign3A_393 = arith.extui %sign3A_392 : i1 to i32
      %sign3A_394 = arith.subi %sign3A_390, %sign3A_393 : i32
      %ne3A_395 = arith.cmpi ne, %sign3A_387, %sign3A_394 : i32
      %rem3A_396 = arith.remsi %add3A_378, %jit3A_379 : i32
      %ne3A_397 = arith.constant 0 : i32
      %ne3A_398 = arith.cmpi ne, %rem3A_396, %ne3A_397 : i32
      %and3A_399 = arith.andi %ne3A_395, %ne3A_398 : i1
      %sub3A_400 = arith.constant 1 : i32
      %sub3A_401 = arith.subi %div3A_380, %sub3A_400 : i32
      %select_n3A_402 = arith.select %and3A_399, %sub3A_401, %div3A_380 : i32
      %jit3A_403 = arith.constant 8 : i32
      %eq3A_404 = arith.constant 0 : i32
      %eq3A_405 = arith.cmpi eq, %jit3A_403, %eq3A_404 : i32
      %jit3A_406 = arith.constant 1 : i32
      %select_n3A_407 = arith.select %eq3A_405, %jit3A_406, %jit3A_403 : i32
      %rem3A_408 = arith.remsi %add3A_378, %select_n3A_407 : i32
      %ne3A_409 = arith.constant 0 : i32
      %ne3A_410 = arith.cmpi ne, %rem3A_408, %ne3A_409 : i32
      %lt3A_411 = arith.constant 0 : i32
      %lt3A_412 = arith.cmpi slt, %rem3A_408, %lt3A_411 : i32
      %lt3A_413 = arith.constant 0 : i32
      %lt3A_414 = arith.cmpi slt, %select_n3A_407, %lt3A_413 : i32
      %ne3A_415 = arith.xori %lt3A_412, %lt3A_414 : i1
      %and3A_416 = arith.andi %ne3A_415, %ne3A_410 : i1
      %add3A_417 = arith.addi %rem3A_408, %select_n3A_407 : i32
      %select_n3A_418 = arith.select %and3A_416, %add3A_417, %rem3A_408 : i32
      %mul3A_419 = arith.constant 512 : i32
      %mul3A_420 = arith.muli %select_n3A_418, %mul3A_419 : i32
      %dma_wait3A_421 = arith.constant 0 : i32
      %dma_wait3A_422 = arith.constant 0 : i32
      %dma_wait3A_423 = tpu.memref_slice %arg10[%dma_wait3A_421, %dma_wait3A_422] : memref<32x513xf32, #tpu.memory_space<vmem>> -> memref<32x512xf32, #tpu.memory_space<vmem>>
      %dma_wait3A_424 = arith.constant 0 : i32
      %dma_wait3A_425 = tpu.memref_slice %arg5[%arg0, %select_n3A_402, %dma_wait3A_424, %mul3A_420] : memref<2x50x32x4096xf32, #tpu.memory_space<hbm>> -> memref<1x1x32x512xf32, #tpu.memory_space<hbm>>
      %dma_wait3A_426 = tpu.memref_squeeze %dma_wait3A_425 : memref<1x1x32x512xf32, #tpu.memory_space<hbm>> -> memref<32x512xf32, #tpu.memory_space<hbm>>
      %dma_wait3A_427 = arith.constant 0 : i32
      %dma_wait3A_428 = tpu.memref_slice %arg5[%arg0, %select_n3A_402, %dma_wait3A_427, %mul3A_420] : memref<2x50x32x4096xf32, #tpu.memory_space<hbm>> -> memref<1x1x32x512xf32, #tpu.memory_space<hbm>>
      %dma_wait3A_429 = tpu.memref_squeeze %dma_wait3A_428 : memref<1x1x32x512xf32, #tpu.memory_space<hbm>> -> memref<32x512xf32, #tpu.memory_space<hbm>>
      %dma_wait3A_430 = arith.constant 0 : i32
      %dma_wait3A_431 = arith.constant 0 : i32
      %dma_wait3A_432 = tpu.memref_slice %arg10[%dma_wait3A_430, %dma_wait3A_431] : memref<32x513xf32, #tpu.memory_space<vmem>> -> memref<32x512xf32, #tpu.memory_space<vmem>>
      tpu.wait_dma2 semaphore(%arg15 : memref<!tpu.dma_semaphore, #tpu.memory_space<semaphore_mem>>) src(%dma_wait3A_432 : memref<32x512xf32, #tpu.memory_space<vmem>>) dst(%dma_wait3A_429 : memref<32x512xf32, #tpu.memory_space<hbm>>)
    } else {
    }
    return
  }
}

module attributes {stable_mosaic.version = 14 : i64} {
  func.func @_relayout_body(%arg0: i32, %arg1: memref<32x2048xf32, #tpu.memory_space<vmem>>, %arg2: memref<32x2048xf32, #tpu.memory_space<vmem>>, %arg3: memref<32x2048xf32, #tpu.memory_space<vmem>>, %arg4: memref<32x2048xf32, #tpu.memory_space<vmem>>, %arg5: memref<32x2048xf32, #tpu.memory_space<vmem>>, %arg6: memref<2048x128xf32, #tpu.memory_space<vmem>>) attributes {dimension_semantics = [#tpu.dimension_semantics<arbitrary>], iteration_bounds = array<i64: 123>, scalar_prefetch = 0 : i64, scratch_operands = 0 : i64, tpu.core_type = #tpu.core_type<tc>, window_params = [{transform_indices = @transform_0, window_bounds = array<i64: 32, 2048>}, {transform_indices = @transform_1, window_bounds = array<i64: 32, 2048>}, {transform_indices = @transform_2, window_bounds = array<i64: 32, 2048>}, {transform_indices = @transform_3, window_bounds = array<i64: 32, 2048>}, {transform_indices = @transform_4, window_bounds = array<i64: 32, 2048>}, {transform_indices = @transform_5, window_bounds = array<i64: 2048, 128>}]} {
    %ge3A = arith.constant 119 : i32
    %ge3A_0 = arith.cmpi sge, %arg0, %ge3A : i32
    %get3A = arith.constant 0 : index
    %get3A_1 = arith.constant 0 : index
    %get3A_2 = vector.load %arg5[%get3A, %get3A_1] : memref<32x2048xf32, #tpu.memory_space<vmem>>, vector<32x2048xf32>
    %get3A_3 = arith.constant 0 : index
    %get3A_4 = arith.constant 0 : index
    %get3A_5 = vector.load %arg4[%get3A_3, %get3A_4] : memref<32x2048xf32, #tpu.memory_space<vmem>>, vector<32x2048xf32>
    %select_n3A = arith.select %ge3A_0, %get3A_2, %get3A_5 : vector<32x2048xf32>
    %get3A_6 = arith.constant 0 : index
    %get3A_7 = arith.constant 0 : index
    %get3A_8 = vector.load %arg1[%get3A_6, %get3A_7] : memref<32x2048xf32, #tpu.memory_space<vmem>>, vector<32x2048xf32>
    %transpose3A = tpu.transpose %get3A_8, [1, 0] : vector<32x2048xf32> -> vector<2048x32xf32>
    %swap3A = arith.constant 0 : index
    %swap3A_9 = arith.constant 0 : index
    %swap3A_10 = vector.load %arg6[%swap3A, %swap3A_9] : memref<2048x128xf32, #tpu.memory_space<vmem>>, vector<2048x32xf32>
    tpu.vector_store %arg6[%swap3A, %swap3A_9], %transpose3A {strides = array<i32>} : memref<2048x128xf32, #tpu.memory_space<vmem>>, vector<2048x32xf32>,
    %get3A_11 = arith.constant 0 : index
    %get3A_12 = arith.constant 0 : index
    %get3A_13 = vector.load %arg2[%get3A_11, %get3A_12] : memref<32x2048xf32, #tpu.memory_space<vmem>>, vector<32x2048xf32>
    %transpose3A_14 = tpu.transpose %get3A_13, [1, 0] : vector<32x2048xf32> -> vector<2048x32xf32>
    %swap3A_15 = arith.constant 0 : index
    %swap3A_16 = arith.constant 32 : index
    %swap3A_17 = vector.load %arg6[%swap3A_15, %swap3A_16] : memref<2048x128xf32, #tpu.memory_space<vmem>>, vector<2048x32xf32>
    tpu.vector_store %arg6[%swap3A_15, %swap3A_16], %transpose3A_14 {strides = array<i32>} : memref<2048x128xf32, #tpu.memory_space<vmem>>, vector<2048x32xf32>,
    %get3A_18 = arith.constant 0 : index
    %get3A_19 = arith.constant 0 : index
    %get3A_20 = vector.load %arg3[%get3A_18, %get3A_19] : memref<32x2048xf32, #tpu.memory_space<vmem>>, vector<32x2048xf32>
    %transpose3A_21 = tpu.transpose %get3A_20, [1, 0] : vector<32x2048xf32> -> vector<2048x32xf32>
    %swap3A_22 = arith.constant 0 : index
    %swap3A_23 = arith.constant 64 : index
    %swap3A_24 = vector.load %arg6[%swap3A_22, %swap3A_23] : memref<2048x128xf32, #tpu.memory_space<vmem>>, vector<2048x32xf32>
    tpu.vector_store %arg6[%swap3A_22, %swap3A_23], %transpose3A_21 {strides = array<i32>} : memref<2048x128xf32, #tpu.memory_space<vmem>>, vector<2048x32xf32>,
    %transpose3A_25 = tpu.transpose %select_n3A, [1, 0] : vector<32x2048xf32> -> vector<2048x32xf32>
    %swap3A_26 = arith.constant 0 : index
    %swap3A_27 = arith.constant 96 : index
    %swap3A_28 = vector.load %arg6[%swap3A_26, %swap3A_27] : memref<2048x128xf32, #tpu.memory_space<vmem>>, vector<2048x32xf32>
    tpu.vector_store %arg6[%swap3A_26, %swap3A_27], %transpose3A_25 {strides = array<i32>} : memref<2048x128xf32, #tpu.memory_space<vmem>>, vector<2048x32xf32>,
    return
  }
  func.func @transform_0(%arg0: i32) -> (i32, i32) {
    %add3A = arith.constant 0 : i32
    %add3A_0 = arith.addi %add3A, %arg0 : i32
    %c0_i32 = arith.constant 0 : i32
    %c0_i32_1 = arith.constant 0 : i32
    return %c0_i32, %add3A_0 : i32, i32
  }
  func.func @transform_1(%arg0: i32) -> (i32, i32) {
    %add3A = arith.constant 123 : i32
    %add3A_0 = arith.addi %add3A, %arg0 : i32
    %c0_i32 = arith.constant 0 : i32
    %c0_i32_1 = arith.constant 0 : i32
    return %c0_i32, %add3A_0 : i32, i32
  }
  func.func @transform_2(%arg0: i32) -> (i32, i32) {
    %add3A = arith.constant 246 : i32
    %add3A_0 = arith.addi %add3A, %arg0 : i32
    %c0_i32 = arith.constant 0 : i32
    %c0_i32_1 = arith.constant 0 : i32
    return %c0_i32, %add3A_0 : i32, i32
  }
  func.func @transform_3(%arg0: i32) -> (i32, i32) {
    %add3A = arith.constant 369 : i32
    %add3A_0 = arith.addi %add3A, %arg0 : i32
    %min3A = arith.constant 487 : i32
    %min3A_1 = arith.minsi %add3A_0, %min3A : i32
    %c0_i32 = arith.constant 0 : i32
    %c0_i32_2 = arith.constant 0 : i32
    return %c0_i32, %min3A_1 : i32, i32
  }
  func.func @transform_4(%arg0: i32) -> (i32, i32) {
    %sub3A = arith.constant 119 : i32
    %sub3A_0 = arith.subi %arg0, %sub3A : i32
    %max3A = arith.constant 0 : i32
    %max3A_1 = arith.maxsi %sub3A_0, %max3A : i32
    %c0_i32 = arith.constant 0 : i32
    %c0_i32_2 = arith.constant 0 : i32
    return %c0_i32, %max3A_1 : i32, i32
  }
  func.func @transform_5(%arg0: i32) -> (i32, i32) {
    %c0_i32 = arith.constant 0 : i32
    %c0_i32_0 = arith.constant 0 : i32
    return %arg0, %c0_i32 : i32, i32
  }
}

</mosaic_0001>

<sc_bundles>
// kernel: _pointer_embedding.4.cloned.1.call-start
scs
__scs_entry_jumppad:
0x0: {  	(pc) =	sbr.rel $0x88, $3  }
0x1: {  	(tag) =	ssettag $0x0;
	lr =	simm.s32 $0x1  }
0x2: {  	[smem:$0x3F9E] =	sst lr;
	_ =	strace $0xD0000000  }
0x3: {  	_ = 	snop  }
0x4: {  	_ = 	snop  }
0x5: {  	_ = 	snop  }
0x6: {  	_ = 	snop  }
0x7: {  	_ = 	snop  }
__scs_overlays_trampoline_lowered:
0x8: {  	[smem:$0x3FAD] =	sst s0  }
0x9: {  	[smem:$0x3FAE] =	sst s1  }
0xa: {  	[smem:$0x3FAF] =	sst s2  }
0xb: {  	[smem:$0x3FB0] =	sst s3  }
0xc: {  	[smem:$0x3FB1] =	sst s4  }
0xd: {  	[smem:$0x3FB2] =	sst s5  }
0xe: {  	[smem:$0x3FB3] =	sst s6  }
0xf: {  	[smem:$0x3FB4] =	sst s7  }
0x10: {  	[smem:$0x3FB5] =	sst s8  }
0x11: {  	[smem:$0x3FB6] =	sst s9;
	s0 =	simm.s32 @!p0 $0x0  }
0x12: {  	s1 =	sld [smem:$0x3F9C];
	s0 =	simm.s32 @p0 $0x1  }
0x13: {  	[smem:$0x3FB7] =	sst s0;
	s0 =	simm.s32 @!p1 $0x0  }
0x14: {  	s2 =	sld [smem:$0x3F9B];
	s0 =	simm.s32 @p1 $0x1  }
0x15: {  	[smem:$0x3FB8] =	sst s0;
	s0 =	simm.s32 @!p2 $0x0  }
0x16: {  	s3 =	sld [smem:$0x3FDB];
	s0 =	simm.s32 @p2 $0x1  }
0x17: {  	s4 =	simm.s32 $0x1BF5;
	[smem:$0x3FBA] =	sst s0  }
0x18: {  	s0 =	sld [smem:$0x3F9D];
	_ =	swait.ge [sflag:s4], $0x0  }
0x19: {  	s7 =	sld [smem:$0x3F9E]  }
0x1a: {  	s8 =	sadd.s32 $0xFFFFE003, lr  }
0x1b: {  	s9 =	sadd.s32 $0xFFFFFEF7, lr;
	s5 =	simm.s32 $0xFFFFFFFF;
	p2 =	slt.u32 s8, $0xFFFFF086  }
0x1c: {  	p1 =	slt.u32 s9, $0xF7A;
	s5 =	simm.s32 @!p2 $0x0  }
0x1d: {  	s5 =	simm.s32 @p1 $0x1;
	p0 =	seq.s32 s7, s2  }
0x1e: {  	s7 =	smul.u32 @!p0 $0xF7A, s2;
	p2 =	seq.s32 @!p0 s5, $0x0  }
0x1f: {  	s9 =	smul.u32 $0xF7A, s1;
	s8 =	simm.s32 @!p0 $0x1BF5;
	p2 =	por !p2, p0  }
0x20: {  	[sflag:s8] =	ssyncset.s32 @!p0 $0xFFFFF086;
	s6 =	sadd.s32 @!p0 s3, s7;
	s7 =	simm.s32 @!p0 $0x108  }
0x21: {  	s3 =	sadd.s32 s3, s9;
	s6 =	sadd.s32 @!p0 $0x88, s6;
	s7 =	simm.s32 @p2 $0x1082  }
0x22: {  	[simem:s7], [sflag:s8] =	dma.local @!p0 [hbm:s6], $0xF7A  }
0x23: {  	s9 =	sor.u32 $0xD0000000, s2;
	s6 =	simm.s32 $0x108;
	_ =	swait.ge @!p0 [sflag:s8], $0x0  }
0x24: {  	s3 =	sadd.s32 $0x88, s3;
	s6 =	simm.s32 @!p1 $0x1082;
	[sflag:s4] =	ssyncset.s32 $0xFFFFF086  }
0x25: {  	[simem:s6], [sflag:s4] =	dma.local [hbm:s3], $0xF7A  }
0x26: {  	[smem:$0x3F9E] =	sst s1;
	(tag) =	ssettag s2;
	_ =	strace s9  }
0x27: {  	s1 =	sld [smem:$0x3FAE]  }
0x28: {  	s2 =	sld [smem:$0x3FAF]  }
0x29: {  	s4 =	sld [smem:$0x3FB1]  }
0x2a: {  	p0 =	seq.s32 s5, $0x0;
	s5 =	sld [smem:$0x3FB2]  }
0x2b: {  	s6 =	sld [smem:$0x3FB3]  }
0x2c: {  	s7 =	sld [smem:$0x3FB4]  }
0x2d: {  	s3 =	simm.s32 $0x108;
	s8 =	sld [smem:$0x3FB5]  }
0x2e: {  	s3 =	simm.s32 @!p0 $0x1082;
	s9 =	sld [smem:$0x3FB6]  }
0x2f: {  	lr =	sadd.s32 s0, s3;
	s0 =	sld [smem:$0x3FAD]  }
0x30: {  	s3 =	sld [smem:$0x3FB0]  }
0x31: {  	[smem:$0x3FB9] =	sst s10  }
0x32: {  	s10 =	sld [smem:$0x3FB7];
	_ =	sdelay $0x3  }
0x33: {  	p0 =	seq.s32 s10, $0x1;
	s10 =	sld [smem:$0x3FB9];
	_ =	sdelay $0x3  }
0x34: {  	[smem:$0x3FB9] =	sst s10  }
0x35: {  	s10 =	sld [smem:$0x3FB8];
	_ =	sdelay $0x3  }
0x36: {  	p1 =	seq.s32 s10, $0x1;
	s10 =	sld [smem:$0x3FB9];
	_ =	sdelay $0x3  }
0x37: {  	[smem:$0x3FB9] =	sst s10  }
0x38: {  	s10 =	sld [smem:$0x3FBA]  }
0x39: {  	_ = 	snop;
	(pc) =	sbr.ind lr, $3  }
0x3a: {  	_ = 	snop  }
0x3b: {  	_ = 	snop  }
0x3c: {  	p2 =	seq.s32 s10, $0x1;
	s10 =	sld [smem:$0x3FB9]  }
0x3d: {  	_ =	shalt  }
0x3e: {  	_ =	shalt  }
0x3f: {  	_ =	shalt  }
0x40: {  	_ =	shalt  }
0x41: {  	_ =	shalt  }
0x42: {  	_ =	shalt  }
0x43: {  	_ =	shalt  }
0x44: {  	_ =	shalt  }
0x45: {  	_ =	shalt  }
0x46: {  	_ =	shalt  }
0x47: {  	_ =	shalt  }
0x48: {  	_ =	shalt  }
0x49: {  	_ =	shalt  }
0x4a: {  	_ =	shalt  }
0x4b: {  	_ =	shalt  }
0x4c: {  	_ =	shalt  }
0x4d: {  	_ =	shalt  }
0x4e: {  	_ =	shalt  }
0x4f: {  	_ =	shalt  }
0x50: {  	_ =	shalt  }
0x51: {  	_ =	shalt  }
0x52: {  	_ =	shalt  }
0x53: {  	_ =	shalt  }
0x54: {  	_ =	shalt  }
0x55: {  	_ =	shalt  }
0x56: {  	_ =	shalt  }
0x57: {  	_ =	shalt  }
0x58: {  	_ =	shalt  }
0x59: {  	_ =	shalt  }
0x5a: {  	_ =	shalt  }
0x5b: {  	_ =	shalt  }
0x5c: {  	_ =	shalt  }
0x5d: {  	_ =	shalt  }
0x5e: {  	_ =	shalt  }
0x5f: {  	_ =	shalt  }
0x60: {  	_ =	shalt  }
0x61: {  	_ =	shalt  }
0x62: {  	_ =	shalt  }
0x63: {  	_ =	shalt  }
0x64: {  	_ =	shalt  }
0x65: {  	_ =	shalt  }
0x66: {  	_ =	shalt  }
0x67: {  	_ =	shalt  }
0x68: {  	_ =	shalt  }
0x69: {  	_ =	shalt  }
0x6a: {  	_ =	shalt  }
0x6b: {  	_ =	shalt  }
0x6c: {  	_ =	shalt  }
0x6d: {  	_ =	shalt  }
0x6e: {  	_ =	shalt  }
0x6f: {  	_ =	shalt  }
0x70: {  	_ =	shalt  }
0x71: {  	_ =	shalt  }
0x72: {  	_ =	shalt  }
0x73: {  	_ =	shalt  }
0x74: {  	_ =	shalt  }
0x75: {  	_ =	shalt  }
0x76: {  	_ =	shalt  }
0x77: {  	_ =	shalt  }
0x78: {  	_ =	shalt  }
0x79: {  	_ =	shalt  }
0x7a: {  	_ =	shalt  }
0x7b: {  	_ =	shalt  }
0x7c: {  	_ =	shalt  }
0x7d: {  	_ =	shalt  }
0x7e: {  	_ =	shalt  }
0x7f: {  	_ =	shalt  }
0x80: {  	_ =	shalt  }
0x81: {  	_ =	shalt  }
0x82: {  	_ =	shalt  }
0x83: {  	_ =	shalt  }
0x84: {  	_ =	shalt  }
0x85: {  	_ =	shalt  }
0x86: {  	_ =	shalt  }
0x87: {  	_ =	shalt  }
.Lfunc_end0:
.L_simem_size_0:
called_computation_lowered:
.L_overlay_start_0:
0x88: {  	s2 =	sld [smem:$0x3FD9]  }
0x89: {  	s3 =	sld [smem:$0x3FFE];
	_ =	sdelay $0x1  }
0x8a: {  	s1 =	srdreg.scid  }
0x8b: {  	s0 =	sand.u32 $0x1, s1  }
0x8c: {  	s17 =	sshll.u32 s0, $0xA;
	s2 =	sadd.s32 s3, s2  }
0x8d: {  	s2 =	sadd.s32 s2, s17  }
0x8e: {  	[smem:$0x3FC5] =	sst s2  }
0x8f: {  	_ = 	snop  }
0x90: {  	s2 =	sld [smem:$0x3FD0];
	(tm) =	ssettm $0x1  }
0x91: {  	s18 =	sld [smem:$0x3FFB];
	_ =	sdelay $0x3  }
0x92: {  	_ =	strace s18  }
0x93: {  	s3 =	sld [smem:$0x3FFC];
	_ =	sdelay $0x3  }
0x94: {  	_ =	strace s3  }
0x95: {  	s3 =	sld [smem:$0x3FFD];
	_ =	sdelay $0x3  }
0x96: {  	_ =	strace s3  }
0x97: {  	_ =	strace $0x8FFFFFFF  }
0x98: {  	s19 =	sld [smem:$0x3FDB];
	_ =	sdelay $0x1  }
0x99: {  	s4 =	simm.s32 $_scs_section_size  }
0x9a: {  	s5 =	simm.s32 $_size__tile_overlayer_lowered;
	s6 =	simm.s32 $_tile_overlayer_lowered  }
0x9b: {  	s22 =	simm.s32 $0x1BFF;
	s21 =	sshll.u32 s6, $0x1;
	s3 =	sadd.s32 s4, s19  }
0x9c: {  	s7 =	simm.s32 $0x0;
	s20 =	sshll.u32 s5, $0x1;
	s5 =	sadd.s32 s21, s3  }
0x9d: {  	[timem:s7], [sflag:s22] =	dma.local [hbm:s5], s20  }
0x9e: {  	_ =	swait.ge [sflag:s22], s20  }
0x9f: {  	s4 =	ssub.s32 $0x0, s20;
	[sflag:s22] =	ssyncset.done $0x0  }
0xa0: {  	[sflag:s22] =	ssyncadd.s32 s4;
	_ =	sdelay $0x1  }
0xa1: {  	s23 =	simm.s32 $0x1B8B  }
0xa2: {  	_ =	swait.ge [sflag:s23], $0x1  }
0xa3: {  	[sflag:s23] =	ssyncset.done $0x0  }
0xa4: {  	s25 =	simm.s32 $0x1B8E;
	s24 =	sld [smem:$0x3FFE];
	[sflag:s23] =	ssyncadd.s32 $0xFFFFFFFF  }
0xa5: {  	s26 =	simm.s32 $execute0_lowered;
	[smem:$0x3FD2] =	sst s25  }
0xa6: {  	s5 =	sshll.u32 s26, $0x1;
	_ =	strace $0x80000046;
	[dreg:$0x1] =	wrdreg $0xFFFFFFFF  }
0xa7: {  	s28 =	simm.s32 $_size_execute0_lowered;
	s3 =	sadd.s32 s3, s5;
	[dreg:$0x0] =	wrdreg $0x0  }
0xa8: {  	s5 =	sshll.u32 s28, $0x1;
	[dreg:$0x2] =	wrdreg s3  }
0xa9: {  	[dreg:$0x3] =	wrdreg s5  }
0xaa: {  	[dreg:$0x4] =	wrdreg $0xC0  }
0xab: {  	_ =	task [dreg:s7], $0x5FFFF  }
0xac: {  	[dreg:$0x1] =	wrdreg $0xFFFFFFFF  }
0xad: {  	[dreg:$0x0] =	wrdreg $0x60  }
0xae: {  	[dreg:$0x2] =	wrdreg s24  }
0xaf: {  	[dreg:$0x3] =	wrdreg s2  }
0xb0: {  	[dreg:$0x4] =	wrdreg $0x9  }
0xb1: {  	_ =	task.clear_ibuf [dreg:s7], $0x5FFFF;
	_ =	strace $0x90000046  }
0xb2: {  	s29 =	simm.s32 $0x9;
	_ =	strace $0x80000048  }
0xb3: {  	_ =	swait.ge [sflag:s29], $0x1  }
0xb4: {  	[sflag:s29] =	ssyncadd.s32 $0xFFFFFFFF  }
0xb5: {  	_ =	strace $0x90000048  }
0xb6: {  	_ =	sfence  }
0xb7: {  	s30 =	sld [smem:$0x0];
	_ =	sdelay $0x2  }
0xb8: {  	s31 =	sshll.u32 s1, $0xD;
	s1 =	sshrl.u32 s1, $0x2  }
0xb9: {  	s3 =	sand.u32 $0x4000, s31;
	s1 =	sadd.s32 s1, s30  }
0xba: {  	s0 =	sor.u32 s3, s0;
	s1 =	sshll.u32 s1, $0x11  }
0xbb: {  	s0 =	sor.u32 s1, s0  }
0xbc: {  	s0 =	sadd.s32 $0x8F2B, s0  }
0xbd: {  	[sflag:s0] =	ssyncadd.remote.s32 $0x1  }
0xbe: {  	_ =	sfence.sel $0xFFFF  }
0xbf: {  	[dreg:$0x0] =	wrdreg $0xFFFFFFFF;
	(pc) =	sbr.abs _section_cstart, $3  }
0xc0: {  	[dreg:$0x1] =	wrdreg $0xFFFFFFFF  }
0xc1: {  	_ =	task.clear_ibuf [dreg:s7], $0x2FFFF;
	_ =	strace $0x9FFFFFFF  }
0xc2: {  	(tm) =	ssettm $0x7FFFFFFF  }
0xc3: {  	_ =	shalt  }
tec
execute0_lowered:
.L_overlay_start_1:
0x0: {  	(tag) =	ssettag $0x1  }
0x1: {  	s0 =	rddreg [dreg:$0x0]  }
0x2: {  	s11 =	rddreg [dreg:$0x1]  }
0x3: {  	s2 =	simm.s32 $0x0;
	s1 =	srdreg.scid;
	s12 =	stileid.u32  }
0x4: {  	s28 =	simm.s32 $0x400;
	s29 =	simm.s32 $0x3;
	s30 =	simm.s32 $0x2  }
0x5: {  	s31 =	simm.s32 $0x4400;
	[smem:$0x7FF] =	sst s2;
	s7 =	smul.u32 $0x640, s12  }
0x6: {  	s4 =	sadd.s32 $0x6800, s0;
	s1 =	sand.u32 $0x1, s1;
	s9 =	smul.u32 $0x3200, s12  }
0x7: {  	s5 =	sadd.s32 $0x400, s0;
	s6 =	sadd.s32 $0x3DE800, s0;
	s13 =	smul.u32 $0x64000, s12  }
0x8: {  	s10 =	sshll.u32 s12, $0x9;
	_ =	strace $0x80000047;
	s3 =	ssub.s32 $0x2, s1  }
0x9: {  	p0 =	seq.s32 s1, $0x1;
	s8 =	sshrl.u32 s3, $0x1;
	s14 =	sadd.s32 s11, s7  }
0xa: {  	s9 =	sshrl.u32 s9, $0x3;
	s1 =	sor.u32 s10, s13;
	s7 =	sadd.s32 s5, s7  }
0xb: {  	s3 =	ssub.s32 s3, s8;
	[dreg:$0x3] =	wrdreg s14;
	s8 =	smul.u32 $0x19, s12  }
0xc: {  	s17 =	sadd.s32 $0x40, s9;
	s9 =	sadd.s32 $0x80, s9;
	s1 =	sand.u32 $0x7E0E00, s1  }
0xd: {  	[dreg:$0x6] =	wrdreg s7;
	s7 =	simm.s32 $0x5;
	s15 =	sadd.s32 s11, s17  }
0xe: {  	s16 =	sadd.s32 s11, s9;
	s18 =	sshrl.u32 s1, $0x3;
	s20 =	sadd.s32 s5, s17  }
0xf: {  	s21 =	sadd.s32 s5, s9;
	s22 =	sadd.s32 $0x640000, s1;
	s26 =	smax.u32 s3, $0x1  }
0x10: {  	s3 =	simm.s32 $0x4;
	s9 =	simm.s32 $0x0;
	[dreg:$0x4] =	wrdreg s15  }
0x11: {  	[dreg:$0x5] =	wrdreg s16;
	s14 =	sadd.s32 $0x17, s8;
	s11 =	sadd.s32 s6, s18  }
0x12: {  	s12 =	sadd.s32 $0x2, s8;
	s13 =	sadd.s32 $0x3, s8;
	[dreg:$0x7] =	wrdreg s20  }
0x13: {  	v0 =	vlaneseq.u32;
	s16 =	sadd.s32 $0x60000, s1;
	[dreg:$0x8] =	wrdreg s21;
	s20 =	sadd.s32 $0x4A6800, s0  }
0x14: {  	v1 =	vimm.s32 $0x0;
	vm0 =	vcmask $0x300;
	v0 =	vmul.u32 $0x208, v0;
	s23 =	sshrl.u32 s22, $0x3;
	s1 =	sadd.s32 $0x6A0000, s1;
	[dreg:$0x9] =	wrdreg s26  }
0x15: {  	v1 =	vsel vm0, $0x3, v1;
	s26 =	simm.s32 $0x1;
	s0 =	simm.s32 $0x8400;
	s19 =	sshll.u32 s14, $0x6  }
.Ltmp0:
0x16: {  	v2 =	vadd.s32 $0x2080, v0;
	v3 =	vor.u32 $0x1, v0;
	v4 =	vadd.s32 $0x2081, v0;
	s14 =	sshll.u32 s14, $0xB;
	s16 =	sshrl.u32 s16, $0x3;
	(pc) =	sbr.rel .LBB2_1-.Ltmp0, $4  }
0x17: {  	v5 =	vor.u32 $0x2, v0;
	v6 =	vadd.s32 $0x2082, v0;
	v7 =	vor.u32 $0x3, v0;
	s21 =	sadd.s32 s6, s23;
	s25 =	sshrl.u32 s1, $0x3;
	s10 =	sand.u32 $0x1C0, s19  }
0x18: {  	v8 =	vadd.s32 $0x2083, v0;
	v9 =	vor.u32 $0x4, v0;
	v10 =	vadd.s32 $0x2084, v0;
	s18 =	sand.u32 $0x1FC000, s14;
	s14 =	sadd.s32 $0x4, s8;
	s16 =	sadd.s32 s6, s16  }
0x19: {  	v11 =	vor.u32 $0x5, v0;
	v12 =	vadd.s32 $0x2085, v0;
	v13 =	vor.u32 $0x6, v0;
	s23 =	sadd.s32 s6, s25;
	s15 =	sadd.s32 s6, s10;
	s24 =	sadd.s32 s18, s20  }
0x1a: {  	v14 =	vadd.s32 $0x2086, v0;
	v15 =	vor.u32 $0x7, v0;
	v16 =	vadd.s32 $0x2087, v0;
	s25 =	simm.s32 $0x200;
	s15 =	sadd.s32 s18, s15;
	s22 =	sadd.s32 s10, s24  }
.LBB2_48:
0x1b: {  	_ =	swait.ge [sflag:s7], $0x4000  }
0x1c: {  	s9 =	sadd.s32 $0x1, s9;
	s1 =	rddreg [dreg:$0x9]  }
0x1d: {  	p1 =	sne.s32 s9, s1  }
.Ltmp1:
0x1e: {  	_ = 	snop;
	(pc) =	sbr.rel @!p1 .LBB2_49-.Ltmp1, $3  }
0x1f: {  	_ =	sdelay $0x1  }
0x20: {  	[sflag:s7] =	ssyncset.done $0x0  }
0x21: {  	[sflag:s7] =	ssyncadd.s32 $0xFFFFC000  }
.LBB2_1:
.Ltmp2:
0x22: {  	(pc) =	sbr.rel @!p0 .LBB2_2-.Ltmp2, $2  }
0x23: {  	_ =	sdelay $0x2  }
0x24: {  	[dreg:$0xa] =	wrdreg s9  }
0x25: {  	s1 =	rddreg [dreg:$0x6]  }
0x26: {  	[tilespmem:s2], [sflag:$0x1] =	stream.linear.gather [hbm4b:s1+s2], $0x200, $0x38;
	[tilespmem:$0xC500] =	vst v63  }
0x27: {  	s9 =	rddreg [dreg:$0x7]  }
0x28: {  	[tilespmem:s25], [sflag:$0x2] =	stream.linear.gather [hbm4b:s9+s2], $0x200, $0x38;
	[tilespmem:$0xC500] =	vst v63  }
0x29: {  	_ =	swait.ge [sflag:s26], $0x200  }
0x2a: {  	[sflag:s26] =	ssyncset.done $0x0  }
0x2b: {  	[sflag:s26] =	ssyncadd.s32 $0xFFFFFE00  }
0x2c: {  	[tilespmem:s28], [sflag:$0x3] =	stream.indirect.gather [hbm4b:s4+s25], $0x20, s2, s25, $0xb8;
	[tilespmem:$0xC500] =	vst v63  }
0x2d: {  	_ =	swait.ge [sflag:s29], $0x4000  }
0x2e: {  	[sflag:s29] =	ssyncset.done $0x0  }
0x2f: {  	[sflag:s29] =	ssyncadd.s32 $0xFFFFC000  }
0x30: {  	s10 =	simm.s32 $0x0;
	_ =	swait.ge [sflag:s30], $0x200  }
0x31: {  	v17 =	vmov s10;
	[sflag:s30] =	ssyncset.done $0x0  }
0x32: {  	v17 =	vshrl.u32 v17, $0x3;
	[sflag:s30] =	ssyncadd.s32 $0xFFFFFE00  }
0x33: {  	v17 =	vshll.u32 v17, v1;
	[tilespmem:s31], [sflag:$0x4] =	stream.indirect.gather [hbm4b:s4+s25], $0x20, s25, s25, $0xb8;
	[tilespmem:$0xC500] =	vst v63  }
0x34: {  	s10 =	simm.s32 $0x480;
	v17 =	vbroadcast v17, $0x0;
	s17 =	rddreg [dreg:$0x8]  }
0x35: {  	[tilespmem:s2], [sflag:$0x1] =	stream.linear.gather [hbm4b:s17+s2], $0x200, $0x38;
	[tilespmem:$0xC500] =	vst v63  }
0x36: {  	v19 =	vadd.s32 v0, v17;
	v18 =	vld [tilespmem:s10+$0xFFFFFF80]  }
0x37: {  	s18 =	simm.s32 $0x1;
	v17 =	vadd.s32 v2, v17;
	v20 =	vld [tilespmem:s10+$0xFFFFFF90]  }
0x38: {  	v21 =	vmov s18  }
0x39: {  	v21 =	vshrl.u32 v21, $0x3  }
0x3a: {  	v21 =	vshll.u32 v21, v1  }
0x3b: {  	[tilespmem:v19+s0+$0x0] =	vst.idx.msk $0xffff, v18;
	v18 =	vbroadcast v21, $0x0  }
0x3c: {  	[tilespmem:v17+s0+$0x0] =	vst.idx.msk $0xffff, v20  }
0x3d: {  	v17 =	vld [tilespmem:s10+$0xFFFFFFA0];
	v19 =	vadd.s32 v3, v18  }
0x3e: {  	s19 =	simm.s32 $0x2;
	v20 =	vld [tilespmem:s10+$0xFFFFFFB0];
	v18 =	vadd.s32 v4, v18  }
0x3f: {  	v58 =	vmov s19  }
0x40: {  	v21 =	vshrl.u32 v58, $0x3  }
0x41: {  	v21 =	vshll.u32 v21, v1  }
0x42: {  	[tilespmem:v19+s0+$0x0] =	vst.idx.msk $0xffff, v17;
	v17 =	vbroadcast v21, $0x0  }
0x43: {  	[tilespmem:v18+s0+$0x0] =	vst.idx.msk $0xffff, v20  }
0x44: {  	v18 =	vld [tilespmem:s10+$0xFFFFFFC0];
	v19 =	vadd.s32 v5, v17  }
0x45: {  	s24 =	simm.s32 $0x3;
	v20 =	vld [tilespmem:s10+$0xFFFFFFD0];
	v17 =	vadd.s32 v6, v17  }
0x46: {  	v59 =	vmov s24  }
0x47: {  	v21 =	vshrl.u32 v59, $0x3  }
0x48: {  	v21 =	vshll.u32 v21, v1  }
0x49: {  	[tilespmem:v19+s0+$0x0] =	vst.idx.msk $0xffff, v18;
	v18 =	vbroadcast v21, $0x0  }
0x4a: {  	[tilespmem:v17+s0+$0x0] =	vst.idx.msk $0xffff, v20  }
0x4b: {  	v17 =	vld [tilespmem:s10+$0xFFFFFFE0];
	v19 =	vadd.s32 v7, v18  }
0x4c: {  	s9 =	simm.s32 $0x4;
	v20 =	vld [tilespmem:s10+$0xFFFFFFF0];
	v18 =	vadd.s32 v8, v18  }
0x4d: {  	v60 =	vmov s9  }
0x4e: {  	v21 =	vshrl.u32 v60, $0x3  }
0x4f: {  	v21 =	vshll.u32 v21, v1  }
0x50: {  	[tilespmem:v19+s0+$0x0] =	vst.idx.msk $0xffff, v17;
	v17 =	vbroadcast v21, $0x0  }
0x51: {  	[tilespmem:v18+s0+$0x0] =	vst.idx.msk $0xffff, v20  }
0x52: {  	v18 =	vld [tilespmem:s10+$0x0];
	v19 =	vadd.s32 v9, v17  }
0x53: {  	s17 =	simm.s32 $0x5;
	v20 =	vld [tilespmem:s10+$0x10];
	v17 =	vadd.s32 v10, v17  }
0x54: {  	v61 =	vmov s17  }
0x55: {  	v21 =	vshrl.u32 v61, $0x3  }
0x56: {  	v21 =	vshll.u32 v21, v1  }
0x57: {  	[tilespmem:v19+s0+$0x0] =	vst.idx.msk $0xffff, v18;
	v18 =	vbroadcast v21, $0x0  }
0x58: {  	[tilespmem:v17+s0+$0x0] =	vst.idx.msk $0xffff, v20  }
0x59: {  	v17 =	vld [tilespmem:s10+$0x20];
	v19 =	vadd.s32 v11, v18  }
0x5a: {  	s18 =	simm.s32 $0x6;
	v20 =	vld [tilespmem:s10+$0x30];
	v18 =	vadd.s32 v12, v18  }
0x5b: {  	v62 =	vmov s18  }
0x5c: {  	v21 =	vshrl.u32 v62, $0x3  }
0x5d: {  	v21 =	vshll.u32 v21, v1  }
0x5e: {  	[tilespmem:v19+s0+$0x0] =	vst.idx.msk $0xffff, v17;
	v17 =	vbroadcast v21, $0x0  }
0x5f: {  	[tilespmem:v18+s0+$0x0] =	vst.idx.msk $0xffff, v20  }
0x60: {  	v18 =	vld [tilespmem:s10+$0x40];
	v19 =	vadd.s32 v13, v17  }
0x61: {  	s19 =	simm.s32 $0x7;
	v20 =	vld [tilespmem:s10+$0x50];
	v17 =	vadd.s32 v14, v17  }
0x62: {  	v63 =	vmov s19  }
0x63: {  	v21 =	vshrl.u32 v63, $0x3  }
0x64: {  	v21 =	vshll.u32 v21, v1  }
0x65: {  	[tilespmem:v19+s0+$0x0] =	vst.idx.msk $0xffff, v18;
	v18 =	vbroadcast v21, $0x0  }
0x66: {  	s24 =	simm.s32 $0x8;
	[tilespmem:v17+s0+$0x0] =	vst.idx.msk $0xffff, v20  }
0x67: {  	v17 =	vmov s24;
	v20 =	vld [tilespmem:s10+$0x60];
	v21 =	vadd.s32 v15, v18  }
0x68: {  	v19 =	vshrl.u32 v17, $0x3  }
0x69: {  	v17 =	vld [tilespmem:s10+$0x70];
	v22 =	vshll.u32 v19, v1;
	v19 =	vadd.s32 v16, v18;
	_ =	sdelay $0x2  }
0x6a: {  	s18 =	simm.s32 $0x17;
	s17 =	simm.s32 $0xF;
	v18 =	vbroadcast v22, $0x0;
	[tilespmem:v21+s0+$0x0] =	vst.idx.msk $0xffff, v20  }
.LBB2_26:
0x6b: {  	p1 =	sne.s32 s18, $0x1FF  }
0x6c: {  	[tilespmem:v19+s0+$0x0] =	vst.idx.msk $0xffff, v17;
	s10 =	sadd.s32 $0x100, s10;
	s9 =	smov.u32 s18;
	s18 =	sadd.s32 $0x8, s18  }
0x6d: {  	v17 =	vld [tilespmem:s10+$0xFFFFFF80];
	v19 =	vadd.s32 v0, v18  }
0x6e: {  	s1 =	sadd.s32 $0xFFFFFFFA, s17;
	v18 =	vadd.s32 v2, v18;
	v20 =	vld [tilespmem:s10+$0xFFFFFF90]  }
0x6f: {  	v21 =	vmov s1  }
0x70: {  	v21 =	vshrl.u32 v21, $0x3  }
0x71: {  	v21 =	vshll.u32 v21, v1  }
0x72: {  	[tilespmem:v19+s0+$0x0] =	vst.idx.msk $0xffff, v17;
	v17 =	vbroadcast v21, $0x0  }
0x73: {  	[tilespmem:v18+s0+$0x0] =	vst.idx.msk $0xffff, v20  }
0x74: {  	v18 =	vld [tilespmem:s10+$0xFFFFFFA0];
	v19 =	vadd.s32 v3, v17  }
0x75: {  	s1 =	sadd.s32 $0xFFFFFFFB, s17;
	v17 =	vadd.s32 v4, v17;
	v20 =	vld [tilespmem:s10+$0xFFFFFFB0]  }
0x76: {  	v21 =	vmov s1  }
0x77: {  	v21 =	vshrl.u32 v21, $0x3  }
0x78: {  	v21 =	vshll.u32 v21, v1  }
0x79: {  	[tilespmem:v19+s0+$0x0] =	vst.idx.msk $0xffff, v18;
	v18 =	vbroadcast v21, $0x0  }
0x7a: {  	[tilespmem:v17+s0+$0x0] =	vst.idx.msk $0xffff, v20  }
0x7b: {  	v17 =	vld [tilespmem:s10+$0xFFFFFFC0];
	v19 =	vadd.s32 v5, v18  }
0x7c: {  	s1 =	sadd.s32 $0xFFFFFFFC, s17;
	v18 =	vadd.s32 v6, v18;
	v20 =	vld [tilespmem:s10+$0xFFFFFFD0]  }
0x7d: {  	v21 =	vmov s1  }
0x7e: {  	v21 =	vshrl.u32 v21, $0x3  }
0x7f: {  	v21 =	vshll.u32 v21, v1  }
0x80: {  	[tilespmem:v19+s0+$0x0] =	vst.idx.msk $0xffff, v17;
	v17 =	vbroadcast v21, $0x0  }
0x81: {  	[tilespmem:v18+s0+$0x0] =	vst.idx.msk $0xffff, v20  }
0x82: {  	v18 =	vld [tilespmem:s10+$0xFFFFFFE0];
	v19 =	vadd.s32 v7, v17  }
0x83: {  	s1 =	sadd.s32 $0xFFFFFFFD, s17;
	v17 =	vadd.s32 v8, v17;
	v20 =	vld [tilespmem:s10+$0xFFFFFFF0]  }
0x84: {  	v21 =	vmov s1  }
0x85: {  	v21 =	vshrl.u32 v21, $0x3  }
0x86: {  	v21 =	vshll.u32 v21, v1  }
0x87: {  	[tilespmem:v19+s0+$0x0] =	vst.idx.msk $0xffff, v18;
	v18 =	vbroadcast v21, $0x0  }
0x88: {  	[tilespmem:v17+s0+$0x0] =	vst.idx.msk $0xffff, v20  }
0x89: {  	v17 =	vld [tilespmem:s10+$0x0];
	v19 =	vadd.s32 v9, v18  }
0x8a: {  	s1 =	sadd.s32 $0xFFFFFFFE, s17;
	v18 =	vadd.s32 v10, v18;
	v20 =	vld [tilespmem:s10+$0x10]  }
0x8b: {  	v21 =	vmov s1  }
0x8c: {  	v21 =	vshrl.u32 v21, $0x3  }
0x8d: {  	v21 =	vshll.u32 v21, v1  }
0x8e: {  	[tilespmem:v19+s0+$0x0] =	vst.idx.msk $0xffff, v17;
	v17 =	vbroadcast v21, $0x0  }
0x8f: {  	[tilespmem:v18+s0+$0x0] =	vst.idx.msk $0xffff, v20  }
0x90: {  	v18 =	vld [tilespmem:s10+$0x20];
	v19 =	vadd.s32 v11, v17  }
0x91: {  	s1 =	sadd.s32 $0xFFFFFFFF, s17;
	v17 =	vadd.s32 v12, v17;
	v20 =	vld [tilespmem:s10+$0x30]  }
0x92: {  	v21 =	vmov s1  }
0x93: {  	v21 =	vshrl.u32 v21, $0x3  }
0x94: {  	v21 =	vshll.u32 v21, v1  }
0x95: {  	[tilespmem:v19+s0+$0x0] =	vst.idx.msk $0xffff, v18;
	v18 =	vbroadcast v21, $0x0  }
0x96: {  	[tilespmem:v17+s0+$0x0] =	vst.idx.msk $0xffff, v20  }
0x97: {  	v17 =	vld [tilespmem:s10+$0x40];
	v19 =	vadd.s32 v13, v18  }
0x98: {  	v18 =	vadd.s32 v14, v18;
	v20 =	vld [tilespmem:s10+$0x50]  }
0x99: {  	v21 =	vmov s17;
	s17 =	smov.u32 s9  }
0x9a: {  	v21 =	vshrl.u32 v21, $0x3  }
0x9b: {  	v21 =	vshll.u32 v21, v1  }
0x9c: {  	[tilespmem:v19+s0+$0x0] =	vst.idx.msk $0xffff, v17;
	v19 =	vbroadcast v21, $0x0  }
0x9d: {  	[tilespmem:v18+s0+$0x0] =	vst.idx.msk $0xffff, v20  }
0x9e: {  	v20 =	vld [tilespmem:s10+$0x60];
	v21 =	vadd.s32 v15, v19  }
.Ltmp3:
0x9f: {  	s1 =	sadd.s32 $0xFFFFFFF9, s17;
	v19 =	vadd.s32 v16, v19;
	v17 =	vld [tilespmem:s10+$0x70];
	(pc) =	sbr.rel @p1 .LBB2_26-.Ltmp3, $4  }
0xa0: {  	v18 =	vmov s1  }
0xa1: {  	v18 =	vshrl.u32 v18, $0x3  }
0xa2: {  	v18 =	vshll.u32 v18, v1  }
0xa3: {  	v18 =	vbroadcast v18, $0x0;
	[tilespmem:v21+s0+$0x0] =	vst.idx.msk $0xffff, v20  }
0xa4: {  	_ =	sdelay $0x3  }
0xa5: {  	[tilespmem:v19+s0+$0x0] =	vst.idx.msk $0xffff, v17;
	s9 =	sadd.s32 $0x100, s10  }
0xa6: {  	v17 =	vld [tilespmem:s9+$0xFFFFFF80];
	v19 =	vadd.s32 v0, v18  }
0xa7: {  	s1 =	sadd.s32 $0xFFFFFFFA, s17;
	v20 =	vld [tilespmem:s9+$0xFFFFFF90];
	v18 =	vadd.s32 v2, v18  }
0xa8: {  	v21 =	vmov s1  }
0xa9: {  	v21 =	vshrl.u32 v21, $0x3  }
0xaa: {  	v21 =	vshll.u32 v21, v1  }
0xab: {  	[tilespmem:v19+s0+$0x0] =	vst.idx.msk $0xffff, v17;
	v17 =	vbroadcast v21, $0x0  }
0xac: {  	[tilespmem:v18+s0+$0x0] =	vst.idx.msk $0xffff, v20  }
0xad: {  	v18 =	vld [tilespmem:s9+$0xFFFFFFA0];
	v19 =	vadd.s32 v3, v17  }
0xae: {  	s24 =	sadd.s32 $0xFFFFFFFB, s17;
	v20 =	vld [tilespmem:s9+$0xFFFFFFB0];
	v17 =	vadd.s32 v4, v17  }
0xaf: {  	v58 =	vmov s24  }
0xb0: {  	v21 =	vshrl.u32 v58, $0x3  }
0xb1: {  	v21 =	vshll.u32 v21, v1  }
0xb2: {  	[tilespmem:v19+s0+$0x0] =	vst.idx.msk $0xffff, v18;
	v18 =	vbroadcast v21, $0x0  }
0xb3: {  	[tilespmem:v17+s0+$0x0] =	vst.idx.msk $0xffff, v20  }
0xb4: {  	v17 =	vld [tilespmem:s9+$0xFFFFFFC0];
	v19 =	vadd.s32 v5, v18  }
0xb5: {  	s10 =	sadd.s32 $0xFFFFFFFC, s17;
	v20 =	vld [tilespmem:s9+$0xFFFFFFD0];
	v18 =	vadd.s32 v6, v18  }
0xb6: {  	v59 =	vmov s10  }
0xb7: {  	v21 =	vshrl.u32 v59, $0x3  }
0xb8: {  	v21 =	vshll.u32 v21, v1  }
0xb9: {  	[tilespmem:v19+s0+$0x0] =	vst.idx.msk $0xffff, v17;
	v17 =	vbroadcast v21, $0x0  }
0xba: {  	[tilespmem:v18+s0+$0x0] =	vst.idx.msk $0xffff, v20  }
0xbb: {  	v18 =	vld [tilespmem:s9+$0xFFFFFFE0];
	v19 =	vadd.s32 v7, v17  }
0xbc: {  	s18 =	sadd.s32 $0xFFFFFFFD, s17;
	v20 =	vld [tilespmem:s9+$0xFFFFFFF0];
	v17 =	vadd.s32 v8, v17  }
0xbd: {  	v60 =	vmov s18  }
0xbe: {  	v21 =	vshrl.u32 v60, $0x3  }
0xbf: {  	v21 =	vshll.u32 v21, v1  }
0xc0: {  	[tilespmem:v19+s0+$0x0] =	vst.idx.msk $0xffff, v18;
	v18 =	vbroadcast v21, $0x0  }
0xc1: {  	[tilespmem:v17+s0+$0x0] =	vst.idx.msk $0xffff, v20  }
0xc2: {  	v17 =	vld [tilespmem:s9+$0x0];
	v19 =	vadd.s32 v9, v18  }
0xc3: {  	s19 =	sadd.s32 $0xFFFFFFFE, s17;
	v20 =	vld [tilespmem:s9+$0x10];
	v18 =	vadd.s32 v10, v18  }
0xc4: {  	v61 =	vmov s19  }
0xc5: {  	v21 =	vshrl.u32 v61, $0x3  }
0xc6: {  	v21 =	vshll.u32 v21, v1  }
0xc7: {  	[tilespmem:v19+s0+$0x0] =	vst.idx.msk $0xffff, v17;
	v17 =	vbroadcast v21, $0x0  }
0xc8: {  	[tilespmem:v18+s0+$0x0] =	vst.idx.msk $0xffff, v20  }
0xc9: {  	v18 =	vld [tilespmem:s9+$0x20];
	v19 =	vadd.s32 v11, v17  }
0xca: {  	s24 =	sadd.s32 $0xFFFFFFFF, s17;
	v20 =	vld [tilespmem:s9+$0x30];
	v17 =	vadd.s32 v12, v17  }
0xcb: {  	v62 =	vmov s24  }
0xcc: {  	v21 =	vshrl.u32 v62, $0x3  }
0xcd: {  	v21 =	vshll.u32 v21, v1  }
0xce: {  	[tilespmem:v19+s0+$0x0] =	vst.idx.msk $0xffff, v18;
	v18 =	vbroadcast v21, $0x0  }
0xcf: {  	[tilespmem:v17+s0+$0x0] =	vst.idx.msk $0xffff, v20  }
0xd0: {  	v17 =	vld [tilespmem:s9+$0x40];
	v19 =	vadd.s32 v13, v18  }
0xd1: {  	v20 =	vld [tilespmem:s9+$0x50];
	v18 =	vadd.s32 v14, v18  }
0xd2: {  	v63 =	vmov s17  }
0xd3: {  	v21 =	vshrl.u32 v63, $0x3  }
0xd4: {  	v21 =	vshll.u32 v21, v1  }
0xd5: {  	[tilespmem:v19+s0+$0x0] =	vst.idx.msk $0xffff, v17;
	v17 =	vbroadcast v21, $0x0  }
0xd6: {  	[tilespmem:v18+s0+$0x0] =	vst.idx.msk $0xffff, v20  }
0xd7: {  	v18 =	vld [tilespmem:s9+$0x60];
	v19 =	vadd.s32 v15, v17  }
0xd8: {  	v20 =	vld [tilespmem:s9+$0x70];
	v17 =	vadd.s32 v16, v17;
	_ =	sdelay $0x3  }
0xd9: {  	s10 =	simm.s32 $0x0;
	s17 =	simm.s32 $0x200;
	[tilespmem:v19+s0+$0x0] =	vst.idx.msk $0xffff, v18  }
0xda: {  	s1 =	sadd.s32 $0x0, s21;
	s18 =	simm.s32 $0x8608;
	s9 =	simm.s32 $0x8400;
	[tilespmem:v17+s0+$0x0] =	vst.idx.msk $0xffff, v20  }
.LBB2_28:
0xdb: {  	[hbm4b:s1+s10] =	stream.linear.scatter [tilespmem:s9], [sflag:$0x5], $0x200, $0x38;
	[tilespmem:$0xC500] =	vst v63  }
0xdc: {  	s1 =	smov.u32 s17;
	s9 =	smov.u32 s18;
	p1 =	sne.s32 s17, $0x3E00  }
.Ltmp4:
0xdd: {  	s17 =	sadd.s32 $0x200, s17;
	(pc) =	sbr.rel @p1 .LBB2_28-.Ltmp4, $2  }
0xde: {  	_ =	sdelay $0x2  }
0xdf: {  	s18 =	sadd.s32 $0x208, s18;
	s1 =	sadd.s32 s1, s21  }
0xe0: {  	[hbm4b:s1+s10] =	stream.linear.scatter [tilespmem:s9], [sflag:$0x5], $0x200, $0x38;
	[tilespmem:$0xC500] =	vst v63  }
.LBB2_30:
0xe1: {  	_ =	swait.ge [sflag:s3], $0x4000  }
0xe2: {  	[sflag:s3] =	ssyncset.done $0x0  }
0xe3: {  	[sflag:s3] =	ssyncadd.s32 $0xFFFFC000  }
0xe4: {  	s17 =	sshll.u32 s10, $0x1;
	_ =	swait.ge [sflag:s26], $0x200  }
0xe5: {  	s1 =	sadd.s32 s17, s13;
	[sflag:s26] =	ssyncset.done $0x0  }
0xe6: {  	s9 =	simm.s32 $0x0;
	s1 =	sshll.u32 s1, $0x6;
	[sflag:s26] =	ssyncadd.s32 $0xFFFFFE00  }
0xe7: {  	[tilespmem:s28], [sflag:$0x3] =	stream.indirect.gather [hbm4b:s4+s25], $0x20, s2, s25, $0xb8;
	[tilespmem:$0xC500] =	vst v63  }
0xe8: {  	v17 =	vmov s9;
	s1 =	sadd.s32 s5, s1  }
0xe9: {  	v17 =	vshrl.u32 v17, $0x3;
	[tilespmem:s25], [sflag:$0x2] =	stream.linear.gather [hbm4b:s1+s2], $0x200, $0x38;
	[tilespmem:$0xC500] =	vst v63  }
0xea: {  	v17 =	vshll.u32 v17, v1;
	_ =	swait.ge [sflag:s7], $0x4000  }
0xeb: {  	v17 =	vbroadcast v17, $0x0;
	[sflag:s7] =	ssyncset.done $0x0  }
0xec: {  	s18 =	simm.s32 $0x4480;
	[sflag:s7] =	ssyncadd.s32 $0xFFFFC000  }
0xed: {  	v19 =	vadd.s32 v0, v17;
	v18 =	vld [tilespmem:s18+$0xFFFFFF80]  }
0xee: {  	s19 =	simm.s32 $0x1;
	v17 =	vadd.s32 v2, v17;
	v20 =	vld [tilespmem:s18+$0xFFFFFF90]  }
0xef: {  	v21 =	vmov s19  }
0xf0: {  	v21 =	vshrl.u32 v21, $0x3  }
0xf1: {  	v21 =	vshll.u32 v21, v1  }
0xf2: {  	[tilespmem:v19+s0+$0x0] =	vst.idx.msk $0xffff, v18;
	v18 =	vbroadcast v21, $0x0  }
0xf3: {  	[tilespmem:v17+s0+$0x0] =	vst.idx.msk $0xffff, v20  }
0xf4: {  	v17 =	vld [tilespmem:s18+$0xFFFFFFA0];
	v19 =	vadd.s32 v3, v18  }
0xf5: {  	s24 =	simm.s32 $0x2;
	v20 =	vld [tilespmem:s18+$0xFFFFFFB0];
	v18 =	vadd.s32 v4, v18  }
0xf6: {  	v58 =	vmov s24  }
0xf7: {  	v21 =	vshrl.u32 v58, $0x3  }
0xf8: {  	v21 =	vshll.u32 v21, v1  }
0xf9: {  	[tilespmem:v19+s0+$0x0] =	vst.idx.msk $0xffff, v17;
	v17 =	vbroadcast v21, $0x0  }
0xfa: {  	[tilespmem:v18+s0+$0x0] =	vst.idx.msk $0xffff, v20  }
0xfb: {  	v18 =	vld [tilespmem:s18+$0xFFFFFFC0];
	v19 =	vadd.s32 v5, v17  }
0xfc: {  	s9 =	simm.s32 $0x3;
	v20 =	vld [tilespmem:s18+$0xFFFFFFD0];
	v17 =	vadd.s32 v6, v17  }
0xfd: {  	v59 =	vmov s9  }
0xfe: {  	v21 =	vshrl.u32 v59, $0x3  }
0xff: {  	v21 =	vshll.u32 v21, v1  }
0x100: {  	[tilespmem:v19+s0+$0x0] =	vst.idx.msk $0xffff, v18;
	v18 =	vbroadcast v21, $0x0  }
0x101: {  	[tilespmem:v17+s0+$0x0] =	vst.idx.msk $0xffff, v20  }
0x102: {  	v17 =	vld [tilespmem:s18+$0xFFFFFFE0];
	v19 =	vadd.s32 v7, v18  }
0x103: {  	s19 =	simm.s32 $0x4;
	v20 =	vld [tilespmem:s18+$0xFFFFFFF0];
	v18 =	vadd.s32 v8, v18  }
0x104: {  	v60 =	vmov s19  }
0x105: {  	v21 =	vshrl.u32 v60, $0x3  }
0x106: {  	v21 =	vshll.u32 v21, v1  }
0x107: {  	[tilespmem:v19+s0+$0x0] =	vst.idx.msk $0xffff, v17;
	v17 =	vbroadcast v21, $0x0  }
0x108: {  	[tilespmem:v18+s0+$0x0] =	vst.idx.msk $0xffff, v20  }
0x109: {  	v18 =	vld [tilespmem:s18+$0x0];
	v19 =	vadd.s32 v9, v17  }
0x10a: {  	s24 =	simm.s32 $0x5;
	v20 =	vld [tilespmem:s18+$0x10];
	v17 =	vadd.s32 v10, v17  }
0x10b: {  	v61 =	vmov s24  }
0x10c: {  	v21 =	vshrl.u32 v61, $0x3  }
0x10d: {  	v21 =	vshll.u32 v21, v1  }
0x10e: {  	[tilespmem:v19+s0+$0x0] =	vst.idx.msk $0xffff, v18;
	v18 =	vbroadcast v21, $0x0  }
0x10f: {  	[tilespmem:v17+s0+$0x0] =	vst.idx.msk $0xffff, v20  }
0x110: {  	v17 =	vld [tilespmem:s18+$0x20];
	v19 =	vadd.s32 v11, v18  }
0x111: {  	s9 =	simm.s32 $0x6;
	v20 =	vld [tilespmem:s18+$0x30];
	v18 =	vadd.s32 v12, v18  }
0x112: {  	v62 =	vmov s9  }
0x113: {  	v21 =	vshrl.u32 v62, $0x3  }
0x114: {  	v21 =	vshll.u32 v21, v1  }
0x115: {  	[tilespmem:v19+s0+$0x0] =	vst.idx.msk $0xffff, v17;
	v17 =	vbroadcast v21, $0x0  }
0x116: {  	[tilespmem:v18+s0+$0x0] =	vst.idx.msk $0xffff, v20  }
0x117: {  	v18 =	vld [tilespmem:s18+$0x40];
	v19 =	vadd.s32 v13, v17  }
0x118: {  	s19 =	simm.s32 $0x7;
	v20 =	vld [tilespmem:s18+$0x50];
	v17 =	vadd.s32 v14, v17  }
0x119: {  	v63 =	vmov s19  }
0x11a: {  	v21 =	vshrl.u32 v63, $0x3  }
0x11b: {  	v21 =	vshll.u32 v21, v1  }
0x11c: {  	[tilespmem:v19+s0+$0x0] =	vst.idx.msk $0xffff, v18;
	v18 =	vbroadcast v21, $0x0  }
0x11d: {  	s24 =	simm.s32 $0x8;
	[tilespmem:v17+s0+$0x0] =	vst.idx.msk $0xffff, v20  }
0x11e: {  	v17 =	vmov s24;
	v20 =	vld [tilespmem:s18+$0x60];
	v21 =	vadd.s32 v15, v18  }
0x11f: {  	v19 =	vshrl.u32 v17, $0x3  }
0x120: {  	v17 =	vld [tilespmem:s18+$0x70];
	v22 =	vshll.u32 v19, v1;
	v19 =	vadd.s32 v16, v18;
	_ =	sdelay $0x2  }
0x121: {  	s19 =	simm.s32 $0xF;
	s24 =	simm.s32 $0x17;
	v18 =	vbroadcast v22, $0x0;
	[tilespmem:v21+s0+$0x0] =	vst.idx.msk $0xffff, v20  }
.LBB2_31:
0x122: {  	p1 =	sne.s32 s24, $0x1FF  }
0x123: {  	[tilespmem:v19+s0+$0x0] =	vst.idx.msk $0xffff, v17;
	s18 =	sadd.s32 $0x100, s18;
	s9 =	smov.u32 s24;
	s24 =	sadd.s32 $0x8, s24  }
0x124: {  	v17 =	vld [tilespmem:s18+$0xFFFFFF80];
	v19 =	vadd.s32 v0, v18  }
0x125: {  	s1 =	sadd.s32 $0xFFFFFFFA, s19;
	v18 =	vadd.s32 v2, v18;
	v20 =	vld [tilespmem:s18+$0xFFFFFF90]  }
0x126: {  	v21 =	vmov s1  }
0x127: {  	v21 =	vshrl.u32 v21, $0x3  }
0x128: {  	v21 =	vshll.u32 v21, v1  }
0x129: {  	[tilespmem:v19+s0+$0x0] =	vst.idx.msk $0xffff, v17;
	v17 =	vbroadcast v21, $0x0  }
0x12a: {  	[tilespmem:v18+s0+$0x0] =	vst.idx.msk $0xffff, v20  }
0x12b: {  	v18 =	vld [tilespmem:s18+$0xFFFFFFA0];
	v19 =	vadd.s32 v3, v17  }
0x12c: {  	s1 =	sadd.s32 $0xFFFFFFFB, s19;
	v17 =	vadd.s32 v4, v17;
	v20 =	vld [tilespmem:s18+$0xFFFFFFB0]  }
0x12d: {  	v21 =	vmov s1  }
0x12e: {  	v21 =	vshrl.u32 v21, $0x3  }
0x12f: {  	v21 =	vshll.u32 v21, v1  }
0x130: {  	[tilespmem:v19+s0+$0x0] =	vst.idx.msk $0xffff, v18;
	v18 =	vbroadcast v21, $0x0  }
0x131: {  	[tilespmem:v17+s0+$0x0] =	vst.idx.msk $0xffff, v20  }
0x132: {  	v17 =	vld [tilespmem:s18+$0xFFFFFFC0];
	v19 =	vadd.s32 v5, v18  }
0x133: {  	s1 =	sadd.s32 $0xFFFFFFFC, s19;
	v18 =	vadd.s32 v6, v18;
	v20 =	vld [tilespmem:s18+$0xFFFFFFD0]  }
0x134: {  	v21 =	vmov s1  }
0x135: {  	v21 =	vshrl.u32 v21, $0x3  }
0x136: {  	v21 =	vshll.u32 v21, v1  }
0x137: {  	[tilespmem:v19+s0+$0x0] =	vst.idx.msk $0xffff, v17;
	v17 =	vbroadcast v21, $0x0  }
0x138: {  	[tilespmem:v18+s0+$0x0] =	vst.idx.msk $0xffff, v20  }
0x139: {  	v18 =	vld [tilespmem:s18+$0xFFFFFFE0];
	v19 =	vadd.s32 v7, v17  }
0x13a: {  	s1 =	sadd.s32 $0xFFFFFFFD, s19;
	v17 =	vadd.s32 v8, v17;
	v20 =	vld [tilespmem:s18+$0xFFFFFFF0]  }
0x13b: {  	v21 =	vmov s1  }
0x13c: {  	v21 =	vshrl.u32 v21, $0x3  }
0x13d: {  	v21 =	vshll.u32 v21, v1  }
0x13e: {  	[tilespmem:v19+s0+$0x0] =	vst.idx.msk $0xffff, v18;
	v18 =	vbroadcast v21, $0x0  }
0x13f: {  	[tilespmem:v17+s0+$0x0] =	vst.idx.msk $0xffff, v20  }
0x140: {  	v17 =	vld [tilespmem:s18+$0x0];
	v19 =	vadd.s32 v9, v18  }
0x141: {  	s1 =	sadd.s32 $0xFFFFFFFE, s19;
	v18 =	vadd.s32 v10, v18;
	v20 =	vld [tilespmem:s18+$0x10]  }
0x142: {  	v21 =	vmov s1  }
0x143: {  	v21 =	vshrl.u32 v21, $0x3  }
0x144: {  	v21 =	vshll.u32 v21, v1  }
0x145: {  	[tilespmem:v19+s0+$0x0] =	vst.idx.msk $0xffff, v17;
	v17 =	vbroadcast v21, $0x0  }
0x146: {  	[tilespmem:v18+s0+$0x0] =	vst.idx.msk $0xffff, v20  }
0x147: {  	v18 =	vld [tilespmem:s18+$0x20];
	v19 =	vadd.s32 v11, v17  }
0x148: {  	s1 =	sadd.s32 $0xFFFFFFFF, s19;
	v17 =	vadd.s32 v12, v17;
	v20 =	vld [tilespmem:s18+$0x30]  }
0x149: {  	v21 =	vmov s1  }
0x14a: {  	v21 =	vshrl.u32 v21, $0x3  }
0x14b: {  	v21 =	vshll.u32 v21, v1  }
0x14c: {  	[tilespmem:v19+s0+$0x0] =	vst.idx.msk $0xffff, v18;
	v18 =	vbroadcast v21, $0x0  }
0x14d: {  	[tilespmem:v17+s0+$0x0] =	vst.idx.msk $0xffff, v20  }
0x14e: {  	v17 =	vld [tilespmem:s18+$0x40];
	v19 =	vadd.s32 v13, v18  }
0x14f: {  	v18 =	vadd.s32 v14, v18;
	v20 =	vld [tilespmem:s18+$0x50]  }
0x150: {  	v21 =	vmov s19;
	s19 =	smov.u32 s9  }
0x151: {  	v21 =	vshrl.u32 v21, $0x3  }
0x152: {  	v21 =	vshll.u32 v21, v1  }
0x153: {  	[tilespmem:v19+s0+$0x0] =	vst.idx.msk $0xffff, v17;
	v19 =	vbroadcast v21, $0x0  }
0x154: {  	[tilespmem:v18+s0+$0x0] =	vst.idx.msk $0xffff, v20  }
0x155: {  	v20 =	vld [tilespmem:s18+$0x60];
	v21 =	vadd.s32 v15, v19  }
.Ltmp5:
0x156: {  	s1 =	sadd.s32 $0xFFFFFFF9, s19;
	v19 =	vadd.s32 v16, v19;
	v17 =	vld [tilespmem:s18+$0x70];
	(pc) =	sbr.rel @p1 .LBB2_31-.Ltmp5, $4  }
0x157: {  	v18 =	vmov s1  }
0x158: {  	v18 =	vshrl.u32 v18, $0x3  }
0x159: {  	v18 =	vshll.u32 v18, v1  }
0x15a: {  	v18 =	vbroadcast v18, $0x0;
	[tilespmem:v21+s0+$0x0] =	vst.idx.msk $0xffff, v20  }
0x15b: {  	_ =	sdelay $0x3  }
0x15c: {  	[tilespmem:v19+s0+$0x0] =	vst.idx.msk $0xffff, v17;
	s9 =	sadd.s32 $0x100, s18  }
0x15d: {  	v17 =	vld [tilespmem:s9+$0xFFFFFF80];
	v19 =	vadd.s32 v0, v18  }
0x15e: {  	s1 =	sadd.s32 $0xFFFFFFFA, s19;
	v20 =	vld [tilespmem:s9+$0xFFFFFF90];
	v18 =	vadd.s32 v2, v18  }
0x15f: {  	v21 =	vmov s1  }
0x160: {  	v21 =	vshrl.u32 v21, $0x3  }
0x161: {  	v21 =	vshll.u32 v21, v1  }
0x162: {  	[tilespmem:v19+s0+$0x0] =	vst.idx.msk $0xffff, v17;
	v17 =	vbroadcast v21, $0x0  }
0x163: {  	[tilespmem:v18+s0+$0x0] =	vst.idx.msk $0xffff, v20  }
0x164: {  	v18 =	vld [tilespmem:s9+$0xFFFFFFA0];
	v19 =	vadd.s32 v3, v17  }
0x165: {  	s18 =	sadd.s32 $0xFFFFFFFB, s19;
	v20 =	vld [tilespmem:s9+$0xFFFFFFB0];
	v17 =	vadd.s32 v4, v17  }
0x166: {  	v58 =	vmov s18  }
0x167: {  	v21 =	vshrl.u32 v58, $0x3  }
0x168: {  	v21 =	vshll.u32 v21, v1  }
0x169: {  	[tilespmem:v19+s0+$0x0] =	vst.idx.msk $0xffff, v18;
	v18 =	vbroadcast v21, $0x0  }
0x16a: {  	[tilespmem:v17+s0+$0x0] =	vst.idx.msk $0xffff, v20  }
0x16b: {  	v17 =	vld [tilespmem:s9+$0xFFFFFFC0];
	v19 =	vadd.s32 v5, v18  }
0x16c: {  	s24 =	sadd.s32 $0xFFFFFFFC, s19;
	v20 =	vld [tilespmem:s9+$0xFFFFFFD0];
	v18 =	vadd.s32 v6, v18  }
0x16d: {  	v59 =	vmov s24  }
0x16e: {  	v21 =	vshrl.u32 v59, $0x3  }
0x16f: {  	v21 =	vshll.u32 v21, v1  }
0x170: {  	[tilespmem:v19+s0+$0x0] =	vst.idx.msk $0xffff, v17;
	v17 =	vbroadcast v21, $0x0  }
0x171: {  	[tilespmem:v18+s0+$0x0] =	vst.idx.msk $0xffff, v20  }
0x172: {  	v18 =	vld [tilespmem:s9+$0xFFFFFFE0];
	v19 =	vadd.s32 v7, v17  }
0x173: {  	s18 =	sadd.s32 $0xFFFFFFFD, s19;
	v20 =	vld [tilespmem:s9+$0xFFFFFFF0];
	v17 =	vadd.s32 v8, v17  }
0x174: {  	v60 =	vmov s18  }
0x175: {  	v21 =	vshrl.u32 v60, $0x3  }
0x176: {  	v21 =	vshll.u32 v21, v1  }
0x177: {  	[tilespmem:v19+s0+$0x0] =	vst.idx.msk $0xffff, v18;
	v18 =	vbroadcast v21, $0x0  }
0x178: {  	[tilespmem:v17+s0+$0x0] =	vst.idx.msk $0xffff, v20  }
0x179: {  	v17 =	vld [tilespmem:s9+$0x0];
	v19 =	vadd.s32 v9, v18  }
0x17a: {  	s24 =	sadd.s32 $0xFFFFFFFE, s19;
	v20 =	vld [tilespmem:s9+$0x10];
	v18 =	vadd.s32 v10, v18  }
0x17b: {  	v61 =	vmov s24  }
0x17c: {  	v21 =	vshrl.u32 v61, $0x3  }
0x17d: {  	v21 =	vshll.u32 v21, v1  }
0x17e: {  	[tilespmem:v19+s0+$0x0] =	vst.idx.msk $0xffff, v17;
	v17 =	vbroadcast v21, $0x0  }
0x17f: {  	[tilespmem:v18+s0+$0x0] =	vst.idx.msk $0xffff, v20  }
0x180: {  	v18 =	vld [tilespmem:s9+$0x20];
	v19 =	vadd.s32 v11, v17  }
0x181: {  	s18 =	sadd.s32 $0xFFFFFFFF, s19;
	v20 =	vld [tilespmem:s9+$0x30];
	v17 =	vadd.s32 v12, v17  }
0x182: {  	v62 =	vmov s18  }
0x183: {  	v21 =	vshrl.u32 v62, $0x3  }
0x184: {  	v21 =	vshll.u32 v21, v1  }
0x185: {  	[tilespmem:v19+s0+$0x0] =	vst.idx.msk $0xffff, v18;
	v18 =	vbroadcast v21, $0x0  }
0x186: {  	[tilespmem:v17+s0+$0x0] =	vst.idx.msk $0xffff, v20  }
0x187: {  	v17 =	vld [tilespmem:s9+$0x40];
	v19 =	vadd.s32 v13, v18  }
0x188: {  	v20 =	vld [tilespmem:s9+$0x50];
	v18 =	vadd.s32 v14, v18  }
0x189: {  	v63 =	vmov s19  }
0x18a: {  	v21 =	vshrl.u32 v63, $0x3  }
0x18b: {  	v21 =	vshll.u32 v21, v1  }
0x18c: {  	[tilespmem:v19+s0+$0x0] =	vst.idx.msk $0xffff, v17;
	v17 =	vbroadcast v21, $0x0  }
0x18d: {  	[tilespmem:v18+s0+$0x0] =	vst.idx.msk $0xffff, v20  }
0x18e: {  	s19 =	sadd.s32 s17, s8;
	v18 =	vld [tilespmem:s9+$0x60];
	v19 =	vadd.s32 v15, v17  }
0x18f: {  	s1 =	sadd.s32 $0x1, s19;
	v20 =	vld [tilespmem:s9+$0x70];
	v17 =	vadd.s32 v16, v17  }
0x190: {  	s24 =	sshll.u32 s1, $0xB  }
0x191: {  	s1 =	sshll.u32 s1, $0x6;
	s9 =	sand.u32 $0x1FC000, s24  }
0x192: {  	s1 =	sand.u32 $0x1C0, s1;
	s9 =	sadd.s32 s9, s20  }
0x193: {  	s18 =	simm.s32 $0x8400;
	s9 =	sadd.s32 s1, s9;
	[tilespmem:v19+s0+$0x0] =	vst.idx.msk $0xffff, v18  }
0x194: {  	s19 =	simm.s32 $0x200;
	s24 =	simm.s32 $0x8608;
	s1 =	sadd.s32 $0x0, s9;
	[tilespmem:v17+s0+$0x0] =	vst.idx.msk $0xffff, v20  }
.LBB2_33:
0x195: {  	[hbm4b:s1+s2] =	stream.linear.scatter [tilespmem:s18], [sflag:$0x5], $0x200, $0x38;
	[tilespmem:$0xC500] =	vst v63  }
0x196: {  	s1 =	smov.u32 s19;
	s18 =	smov.u32 s24;
	p1 =	sne.s32 s19, $0x3E00  }
.Ltmp6:
0x197: {  	s19 =	sadd.s32 $0x200, s19;
	(pc) =	sbr.rel @p1 .LBB2_33-.Ltmp6, $2  }
0x198: {  	_ =	sdelay $0x2  }
0x199: {  	s24 =	sadd.s32 $0x208, s24;
	s1 =	sadd.s32 s1, s9  }
0x19a: {  	[hbm4b:s1+s2] =	stream.linear.scatter [tilespmem:s18], [sflag:$0x5], $0x200, $0x38;
	[tilespmem:$0xC500] =	vst v63  }
0x19b: {  	_ =	swait.ge [sflag:s29], $0x4000  }
0x19c: {  	[sflag:s29] =	ssyncset.done $0x0  }
0x19d: {  	[sflag:s29] =	ssyncadd.s32 $0xFFFFC000  }
0x19e: {  	_ =	swait.ge [sflag:s30], $0x200  }
0x19f: {  	s18 =	sadd.s32 s17, s14;
	[sflag:s30] =	ssyncset.done $0x0  }
0x1a0: {  	s9 =	simm.s32 $0x0;
	s1 =	sshll.u32 s18, $0x6;
	[sflag:s30] =	ssyncadd.s32 $0xFFFFFE00  }
0x1a1: {  	[tilespmem:s31], [sflag:$0x4] =	stream.indirect.gather [hbm4b:s4+s25], $0x20, s25, s25, $0xb8;
	[tilespmem:$0xC500] =	vst v63  }
0x1a2: {  	v17 =	vmov s9;
	s1 =	sadd.s32 s5, s1  }
0x1a3: {  	v17 =	vshrl.u32 v17, $0x3;
	[tilespmem:s2], [sflag:$0x1] =	stream.linear.gather [hbm4b:s1+s2], $0x200, $0x38;
	[tilespmem:$0xC500] =	vst v63  }
0x1a4: {  	v17 =	vshll.u32 v17, v1;
	_ =	swait.ge [sflag:s7], $0x4000  }
0x1a5: {  	v17 =	vbroadcast v17, $0x0;
	[sflag:s7] =	ssyncset.done $0x0  }
0x1a6: {  	s18 =	simm.s32 $0x480;
	[sflag:s7] =	ssyncadd.s32 $0xFFFFC000  }
0x1a7: {  	v19 =	vadd.s32 v0, v17;
	v18 =	vld [tilespmem:s18+$0xFFFFFF80]  }
0x1a8: {  	s19 =	simm.s32 $0x1;
	v17 =	vadd.s32 v2, v17;
	v20 =	vld [tilespmem:s18+$0xFFFFFF90]  }
0x1a9: {  	v21 =	vmov s19  }
0x1aa: {  	v21 =	vshrl.u32 v21, $0x3  }
0x1ab: {  	v21 =	vshll.u32 v21, v1  }
0x1ac: {  	[tilespmem:v19+s0+$0x0] =	vst.idx.msk $0xffff, v18;
	v18 =	vbroadcast v21, $0x0  }
0x1ad: {  	[tilespmem:v17+s0+$0x0] =	vst.idx.msk $0xffff, v20  }
0x1ae: {  	v17 =	vld [tilespmem:s18+$0xFFFFFFA0];
	v19 =	vadd.s32 v3, v18  }
0x1af: {  	s24 =	simm.s32 $0x2;
	v20 =	vld [tilespmem:s18+$0xFFFFFFB0];
	v18 =	vadd.s32 v4, v18  }
0x1b0: {  	v58 =	vmov s24  }
0x1b1: {  	v21 =	vshrl.u32 v58, $0x3  }
0x1b2: {  	v21 =	vshll.u32 v21, v1  }
0x1b3: {  	[tilespmem:v19+s0+$0x0] =	vst.idx.msk $0xffff, v17;
	v17 =	vbroadcast v21, $0x0  }
0x1b4: {  	[tilespmem:v18+s0+$0x0] =	vst.idx.msk $0xffff, v20  }
0x1b5: {  	v18 =	vld [tilespmem:s18+$0xFFFFFFC0];
	v19 =	vadd.s32 v5, v17  }
0x1b6: {  	s9 =	simm.s32 $0x3;
	v20 =	vld [tilespmem:s18+$0xFFFFFFD0];
	v17 =	vadd.s32 v6, v17  }
0x1b7: {  	v59 =	vmov s9  }
0x1b8: {  	v21 =	vshrl.u32 v59, $0x3  }
0x1b9: {  	v21 =	vshll.u32 v21, v1  }
0x1ba: {  	[tilespmem:v19+s0+$0x0] =	vst.idx.msk $0xffff, v18;
	v18 =	vbroadcast v21, $0x0  }
0x1bb: {  	[tilespmem:v17+s0+$0x0] =	vst.idx.msk $0xffff, v20  }
0x1bc: {  	v17 =	vld [tilespmem:s18+$0xFFFFFFE0];
	v19 =	vadd.s32 v7, v18  }
0x1bd: {  	s19 =	simm.s32 $0x4;
	v20 =	vld [tilespmem:s18+$0xFFFFFFF0];
	v18 =	vadd.s32 v8, v18  }
0x1be: {  	v60 =	vmov s19  }
0x1bf: {  	v21 =	vshrl.u32 v60, $0x3  }
0x1c0: {  	v21 =	vshll.u32 v21, v1  }
0x1c1: {  	[tilespmem:v19+s0+$0x0] =	vst.idx.msk $0xffff, v17;
	v17 =	vbroadcast v21, $0x0  }
0x1c2: {  	[tilespmem:v18+s0+$0x0] =	vst.idx.msk $0xffff, v20  }
0x1c3: {  	v18 =	vld [tilespmem:s18+$0x0];
	v19 =	vadd.s32 v9, v17  }
0x1c4: {  	s24 =	simm.s32 $0x5;
	v20 =	vld [tilespmem:s18+$0x10];
	v17 =	vadd.s32 v10, v17  }
0x1c5: {  	v61 =	vmov s24  }
0x1c6: {  	v21 =	vshrl.u32 v61, $0x3  }
0x1c7: {  	v21 =	vshll.u32 v21, v1  }
0x1c8: {  	[tilespmem:v19+s0+$0x0] =	vst.idx.msk $0xffff, v18;
	v18 =	vbroadcast v21, $0x0  }
0x1c9: {  	[tilespmem:v17+s0+$0x0] =	vst.idx.msk $0xffff, v20  }
0x1ca: {  	v17 =	vld [tilespmem:s18+$0x20];
	v19 =	vadd.s32 v11, v18  }
0x1cb: {  	s9 =	simm.s32 $0x6;
	v20 =	vld [tilespmem:s18+$0x30];
	v18 =	vadd.s32 v12, v18  }
0x1cc: {  	v62 =	vmov s9  }
0x1cd: {  	v21 =	vshrl.u32 v62, $0x3  }
0x1ce: {  	v21 =	vshll.u32 v21, v1  }
0x1cf: {  	[tilespmem:v19+s0+$0x0] =	vst.idx.msk $0xffff, v17;
	v17 =	vbroadcast v21, $0x0  }
0x1d0: {  	[tilespmem:v18+s0+$0x0] =	vst.idx.msk $0xffff, v20  }
0x1d1: {  	v18 =	vld [tilespmem:s18+$0x40];
	v19 =	vadd.s32 v13, v17  }
0x1d2: {  	s19 =	simm.s32 $0x7;
	v20 =	vld [tilespmem:s18+$0x50];
	v17 =	vadd.s32 v14, v17  }
0x1d3: {  	v63 =	vmov s19  }
0x1d4: {  	v21 =	vshrl.u32 v63, $0x3  }
0x1d5: {  	v21 =	vshll.u32 v21, v1  }
0x1d6: {  	[tilespmem:v19+s0+$0x0] =	vst.idx.msk $0xffff, v18;
	v18 =	vbroadcast v21, $0x0  }
0x1d7: {  	s24 =	simm.s32 $0x8;
	[tilespmem:v17+s0+$0x0] =	vst.idx.msk $0xffff, v20  }
0x1d8: {  	v17 =	vmov s24;
	v20 =	vld [tilespmem:s18+$0x60];
	v21 =	vadd.s32 v15, v18  }
0x1d9: {  	v19 =	vshrl.u32 v17, $0x3  }
0x1da: {  	v17 =	vld [tilespmem:s18+$0x70];
	v22 =	vshll.u32 v19, v1;
	v19 =	vadd.s32 v16, v18;
	_ =	sdelay $0x2  }
0x1db: {  	s19 =	simm.s32 $0xF;
	s24 =	simm.s32 $0x17;
	v18 =	vbroadcast v22, $0x0;
	[tilespmem:v21+s0+$0x0] =	vst.idx.msk $0xffff, v20  }
.LBB2_35:
0x1dc: {  	p1 =	sne.s32 s24, $0x1FF  }
0x1dd: {  	[tilespmem:v19+s0+$0x0] =	vst.idx.msk $0xffff, v17;
	s18 =	sadd.s32 $0x100, s18;
	s9 =	smov.u32 s24;
	s24 =	sadd.s32 $0x8, s24  }
0x1de: {  	v17 =	vld [tilespmem:s18+$0xFFFFFF80];
	v19 =	vadd.s32 v0, v18  }
0x1df: {  	s1 =	sadd.s32 $0xFFFFFFFA, s19;
	v18 =	vadd.s32 v2, v18;
	v20 =	vld [tilespmem:s18+$0xFFFFFF90]  }
0x1e0: {  	v21 =	vmov s1  }
0x1e1: {  	v21 =	vshrl.u32 v21, $0x3  }
0x1e2: {  	v21 =	vshll.u32 v21, v1  }
0x1e3: {  	[tilespmem:v19+s0+$0x0] =	vst.idx.msk $0xffff, v17;
	v17 =	vbroadcast v21, $0x0  }
0x1e4: {  	[tilespmem:v18+s0+$0x0] =	vst.idx.msk $0xffff, v20  }
0x1e5: {  	v18 =	vld [tilespmem:s18+$0xFFFFFFA0];
	v19 =	vadd.s32 v3, v17  }
0x1e6: {  	s1 =	sadd.s32 $0xFFFFFFFB, s19;
	v17 =	vadd.s32 v4, v17;
	v20 =	vld [tilespmem:s18+$0xFFFFFFB0]  }
0x1e7: {  	v21 =	vmov s1  }
0x1e8: {  	v21 =	vshrl.u32 v21, $0x3  }
0x1e9: {  	v21 =	vshll.u32 v21, v1  }
0x1ea: {  	[tilespmem:v19+s0+$0x0] =	vst.idx.msk $0xffff, v18;
	v18 =	vbroadcast v21, $0x0  }
0x1eb: {  	[tilespmem:v17+s0+$0x0] =	vst.idx.msk $0xffff, v20  }
0x1ec: {  	v17 =	vld [tilespmem:s18+$0xFFFFFFC0];
	v19 =	vadd.s32 v5, v18  }
0x1ed: {  	s1 =	sadd.s32 $0xFFFFFFFC, s19;
	v18 =	vadd.s32 v6, v18;
	v20 =	vld [tilespmem:s18+$0xFFFFFFD0]  }
0x1ee: {  	v21 =	vmov s1  }
0x1ef: {  	v21 =	vshrl.u32 v21, $0x3  }
0x1f0: {  	v21 =	vshll.u32 v21, v1  }
0x1f1: {  	[tilespmem:v19+s0+$0x0] =	vst.idx.msk $0xffff, v17;
	v17 =	vbroadcast v21, $0x0  }
0x1f2: {  	[tilespmem:v18+s0+$0x0] =	vst.idx.msk $0xffff, v20  }
0x1f3: {  	v18 =	vld [tilespmem:s18+$0xFFFFFFE0];
	v19 =	vadd.s32 v7, v17  }
0x1f4: {  	s1 =	sadd.s32 $0xFFFFFFFD, s19;
	v17 =	vadd.s32 v8, v17;
	v20 =	vld [tilespmem:s18+$0xFFFFFFF0]  }
0x1f5: {  	v21 =	vmov s1  }
0x1f6: {  	v21 =	vshrl.u32 v21, $0x3  }
0x1f7: {  	v21 =	vshll.u32 v21, v1  }
0x1f8: {  	[tilespmem:v19+s0+$0x0] =	vst.idx.msk $0xffff, v18;
	v18 =	vbroadcast v21, $0x0  }
0x1f9: {  	[tilespmem:v17+s0+$0x0] =	vst.idx.msk $0xffff, v20  }
0x1fa: {  	v17 =	vld [tilespmem:s18+$0x0];
	v19 =	vadd.s32 v9, v18  }
0x1fb: {  	s1 =	sadd.s32 $0xFFFFFFFE, s19;
	v18 =	vadd.s32 v10, v18;
	v20 =	vld [tilespmem:s18+$0x10]  }
0x1fc: {  	v21 =	vmov s1  }
0x1fd: {  	v21 =	vshrl.u32 v21, $0x3  }
0x1fe: {  	v21 =	vshll.u32 v21, v1  }
0x1ff: {  	[tilespmem:v19+s0+$0x0] =	vst.idx.msk $0xffff, v17;
	v17 =	vbroadcast v21, $0x0  }
0x200: {  	[tilespmem:v18+s0+$0x0] =	vst.idx.msk $0xffff, v20  }
0x201: {  	v18 =	vld [tilespmem:s18+$0x20];
	v19 =	vadd.s32 v11, v17  }
0x202: {  	s1 =	sadd.s32 $0xFFFFFFFF, s19;
	v17 =	vadd.s32 v12, v17;
	v20 =	vld [tilespmem:s18+$0x30]  }
0x203: {  	v21 =	vmov s1  }
0x204: {  	v21 =	vshrl.u32 v21, $0x3  }
0x205: {  	v21 =	vshll.u32 v21, v1  }
0x206: {  	[tilespmem:v19+s0+$0x0] =	vst.idx.msk $0xffff, v18;
	v18 =	vbroadcast v21, $0x0  }
0x207: {  	[tilespmem:v17+s0+$0x0] =	vst.idx.msk $0xffff, v20  }
0x208: {  	v17 =	vld [tilespmem:s18+$0x40];
	v19 =	vadd.s32 v13, v18  }
0x209: {  	v18 =	vadd.s32 v14, v18;
	v20 =	vld [tilespmem:s18+$0x50]  }
0x20a: {  	v21 =	vmov s19;
	s19 =	smov.u32 s9  }
0x20b: {  	v21 =	vshrl.u32 v21, $0x3  }
0x20c: {  	v21 =	vshll.u32 v21, v1  }
0x20d: {  	[tilespmem:v19+s0+$0x0] =	vst.idx.msk $0xffff, v17;
	v19 =	vbroadcast v21, $0x0  }
0x20e: {  	[tilespmem:v18+s0+$0x0] =	vst.idx.msk $0xffff, v20  }
0x20f: {  	v20 =	vld [tilespmem:s18+$0x60];
	v21 =	vadd.s32 v15, v19  }
.Ltmp7:
0x210: {  	s1 =	sadd.s32 $0xFFFFFFF9, s19;
	v19 =	vadd.s32 v16, v19;
	v17 =	vld [tilespmem:s18+$0x70];
	(pc) =	sbr.rel @p1 .LBB2_35-.Ltmp7, $4  }
0x211: {  	v18 =	vmov s1  }
0x212: {  	v18 =	vshrl.u32 v18, $0x3  }
0x213: {  	v18 =	vshll.u32 v18, v1  }
0x214: {  	v18 =	vbroadcast v18, $0x0;
	[tilespmem:v21+s0+$0x0] =	vst.idx.msk $0xffff, v20  }
0x215: {  	_ =	sdelay $0x3  }
0x216: {  	[tilespmem:v19+s0+$0x0] =	vst.idx.msk $0xffff, v17;
	s9 =	sadd.s32 $0x100, s18  }
0x217: {  	v17 =	vld [tilespmem:s9+$0xFFFFFF80];
	v19 =	vadd.s32 v0, v18  }
0x218: {  	s1 =	sadd.s32 $0xFFFFFFFA, s19;
	v20 =	vld [tilespmem:s9+$0xFFFFFF90];
	v18 =	vadd.s32 v2, v18  }
0x219: {  	v21 =	vmov s1  }
0x21a: {  	v21 =	vshrl.u32 v21, $0x3  }
0x21b: {  	v21 =	vshll.u32 v21, v1  }
0x21c: {  	[tilespmem:v19+s0+$0x0] =	vst.idx.msk $0xffff, v17;
	v17 =	vbroadcast v21, $0x0  }
0x21d: {  	[tilespmem:v18+s0+$0x0] =	vst.idx.msk $0xffff, v20  }
0x21e: {  	v18 =	vld [tilespmem:s9+$0xFFFFFFA0];
	v19 =	vadd.s32 v3, v17  }
0x21f: {  	s18 =	sadd.s32 $0xFFFFFFFB, s19;
	v20 =	vld [tilespmem:s9+$0xFFFFFFB0];
	v17 =	vadd.s32 v4, v17  }
0x220: {  	v58 =	vmov s18  }
0x221: {  	v21 =	vshrl.u32 v58, $0x3  }
0x222: {  	v21 =	vshll.u32 v21, v1  }
0x223: {  	[tilespmem:v19+s0+$0x0] =	vst.idx.msk $0xffff, v18;
	v18 =	vbroadcast v21, $0x0  }
0x224: {  	[tilespmem:v17+s0+$0x0] =	vst.idx.msk $0xffff, v20  }
0x225: {  	v17 =	vld [tilespmem:s9+$0xFFFFFFC0];
	v19 =	vadd.s32 v5, v18  }
0x226: {  	s24 =	sadd.s32 $0xFFFFFFFC, s19;
	v20 =	vld [tilespmem:s9+$0xFFFFFFD0];
	v18 =	vadd.s32 v6, v18  }
0x227: {  	v59 =	vmov s24  }
0x228: {  	v21 =	vshrl.u32 v59, $0x3  }
0x229: {  	v21 =	vshll.u32 v21, v1  }
0x22a: {  	[tilespmem:v19+s0+$0x0] =	vst.idx.msk $0xffff, v17;
	v17 =	vbroadcast v21, $0x0  }
0x22b: {  	[tilespmem:v18+s0+$0x0] =	vst.idx.msk $0xffff, v20  }
0x22c: {  	v18 =	vld [tilespmem:s9+$0xFFFFFFE0];
	v19 =	vadd.s32 v7, v17  }
0x22d: {  	s18 =	sadd.s32 $0xFFFFFFFD, s19;
	v20 =	vld [tilespmem:s9+$0xFFFFFFF0];
	v17 =	vadd.s32 v8, v17  }
0x22e: {  	v60 =	vmov s18  }
0x22f: {  	v21 =	vshrl.u32 v60, $0x3  }
0x230: {  	v21 =	vshll.u32 v21, v1  }
0x231: {  	[tilespmem:v19+s0+$0x0] =	vst.idx.msk $0xffff, v18;
	v18 =	vbroadcast v21, $0x0  }
0x232: {  	[tilespmem:v17+s0+$0x0] =	vst.idx.msk $0xffff, v20  }
0x233: {  	v17 =	vld [tilespmem:s9+$0x0];
	v19 =	vadd.s32 v9, v18  }
0x234: {  	s24 =	sadd.s32 $0xFFFFFFFE, s19;
	v20 =	vld [tilespmem:s9+$0x10];
	v18 =	vadd.s32 v10, v18  }
0x235: {  	v61 =	vmov s24  }
0x236: {  	v21 =	vshrl.u32 v61, $0x3  }
0x237: {  	v21 =	vshll.u32 v21, v1  }
0x238: {  	[tilespmem:v19+s0+$0x0] =	vst.idx.msk $0xffff, v17;
	v17 =	vbroadcast v21, $0x0  }
0x239: {  	[tilespmem:v18+s0+$0x0] =	vst.idx.msk $0xffff, v20  }
0x23a: {  	v18 =	vld [tilespmem:s9+$0x20];
	v19 =	vadd.s32 v11, v17  }
0x23b: {  	s18 =	sadd.s32 $0xFFFFFFFF, s19;
	v20 =	vld [tilespmem:s9+$0x30];
	v17 =	vadd.s32 v12, v17  }
0x23c: {  	v62 =	vmov s18  }
0x23d: {  	v21 =	vshrl.u32 v62, $0x3  }
0x23e: {  	v21 =	vshll.u32 v21, v1  }
0x23f: {  	[tilespmem:v19+s0+$0x0] =	vst.idx.msk $0xffff, v18;
	v18 =	vbroadcast v21, $0x0  }
0x240: {  	[tilespmem:v17+s0+$0x0] =	vst.idx.msk $0xffff, v20  }
0x241: {  	v17 =	vld [tilespmem:s9+$0x40];
	v19 =	vadd.s32 v13, v18  }
0x242: {  	v20 =	vld [tilespmem:s9+$0x50];
	v18 =	vadd.s32 v14, v18  }
0x243: {  	v63 =	vmov s19  }
0x244: {  	v21 =	vshrl.u32 v63, $0x3  }
0x245: {  	v21 =	vshll.u32 v21, v1  }
0x246: {  	[tilespmem:v19+s0+$0x0] =	vst.idx.msk $0xffff, v17;
	v17 =	vbroadcast v21, $0x0  }
0x247: {  	[tilespmem:v18+s0+$0x0] =	vst.idx.msk $0xffff, v20  }
0x248: {  	v18 =	vld [tilespmem:s9+$0x60];
	v19 =	vadd.s32 v15, v17  }
0x249: {  	s19 =	sadd.s32 s17, s12;
	v20 =	vld [tilespmem:s9+$0x70];
	v17 =	vadd.s32 v16, v17  }
0x24a: {  	s24 =	sshll.u32 s19, $0xB  }
0x24b: {  	s1 =	sshll.u32 s19, $0x6;
	s9 =	sand.u32 $0x1FC000, s24  }
0x24c: {  	s1 =	sand.u32 $0x1C0, s1;
	s9 =	sadd.s32 s9, s20  }
0x24d: {  	s17 =	simm.s32 $0x8400;
	s9 =	sadd.s32 s1, s9;
	[tilespmem:v19+s0+$0x0] =	vst.idx.msk $0xffff, v18  }
0x24e: {  	s18 =	simm.s32 $0x200;
	s19 =	simm.s32 $0x8608;
	s1 =	sadd.s32 $0x0, s9;
	[tilespmem:v17+s0+$0x0] =	vst.idx.msk $0xffff, v20  }
.LBB2_37:
0x24f: {  	[hbm4b:s1+s2] =	stream.linear.scatter [tilespmem:s17], [sflag:$0x5], $0x200, $0x38;
	[tilespmem:$0xC500] =	vst v63  }
0x250: {  	s1 =	smov.u32 s18;
	s17 =	smov.u32 s19;
	p1 =	sne.s32 s18, $0x3E00  }
.Ltmp8:
0x251: {  	s18 =	sadd.s32 $0x200, s18;
	(pc) =	sbr.rel @p1 .LBB2_37-.Ltmp8, $2  }
0x252: {  	_ =	sdelay $0x2  }
0x253: {  	s19 =	sadd.s32 $0x208, s19;
	s1 =	sadd.s32 s1, s9  }
0x254: {  	s10 =	sadd.s32 $0x1, s10  }
0x255: {  	p1 =	sne.s32 s10, $0xB  }
.Ltmp9:
0x256: {  	_ = 	snop;
	(pc) =	sbr.rel @p1 .LBB2_30-.Ltmp9, $2  }
0x257: {  	_ =	sdelay $0x2  }
0x258: {  	[hbm4b:s1+s2] =	stream.linear.scatter [tilespmem:s17], [sflag:$0x5], $0x200, $0x38;
	[tilespmem:$0xC500] =	vst v63  }
0x259: {  	_ =	swait.ge [sflag:s3], $0x4000  }
0x25a: {  	[sflag:s3] =	ssyncset.done $0x0  }
0x25b: {  	[sflag:s3] =	ssyncadd.s32 $0xFFFFC000  }
0x25c: {  	_ =	swait.ge [sflag:s26], $0x200  }
0x25d: {  	s1 =	simm.s32 $0x0;
	[sflag:s26] =	ssyncset.done $0x0  }
0x25e: {  	v17 =	vmov s1;
	[sflag:s26] =	ssyncadd.s32 $0xFFFFFE00  }
0x25f: {  	v17 =	vshrl.u32 v17, $0x3;
	[tilespmem:s28], [sflag:$0x3] =	stream.indirect.gather [hbm4b:s4+s25], $0x20, s2, s25, $0xb8;
	[tilespmem:$0xC500] =	vst v63  }
0x260: {  	v17 =	vshll.u32 v17, v1;
	_ =	swait.ge [sflag:s7], $0x4000  }
0x261: {  	v17 =	vbroadcast v17, $0x0;
	[sflag:s7] =	ssyncset.done $0x0  }
0x262: {  	s10 =	simm.s32 $0x4480;
	[sflag:s7] =	ssyncadd.s32 $0xFFFFC000  }
0x263: {  	v19 =	vadd.s32 v0, v17;
	v18 =	vld [tilespmem:s10+$0xFFFFFF80]  }
0x264: {  	s18 =	simm.s32 $0x1;
	v17 =	vadd.s32 v2, v17;
	v20 =	vld [tilespmem:s10+$0xFFFFFF90]  }
0x265: {  	v21 =	vmov s18  }
0x266: {  	v21 =	vshrl.u32 v21, $0x3  }
0x267: {  	v21 =	vshll.u32 v21, v1  }
0x268: {  	[tilespmem:v19+s0+$0x0] =	vst.idx.msk $0xffff, v18;
	v18 =	vbroadcast v21, $0x0  }
0x269: {  	[tilespmem:v17+s0+$0x0] =	vst.idx.msk $0xffff, v20  }
0x26a: {  	v17 =	vld [tilespmem:s10+$0xFFFFFFA0];
	v19 =	vadd.s32 v3, v18  }
0x26b: {  	s19 =	simm.s32 $0x2;
	v20 =	vld [tilespmem:s10+$0xFFFFFFB0];
	v18 =	vadd.s32 v4, v18  }
0x26c: {  	v58 =	vmov s19  }
0x26d: {  	v21 =	vshrl.u32 v58, $0x3  }
0x26e: {  	v21 =	vshll.u32 v21, v1  }
0x26f: {  	[tilespmem:v19+s0+$0x0] =	vst.idx.msk $0xffff, v17;
	v17 =	vbroadcast v21, $0x0  }
0x270: {  	[tilespmem:v18+s0+$0x0] =	vst.idx.msk $0xffff, v20  }
0x271: {  	v18 =	vld [tilespmem:s10+$0xFFFFFFC0];
	v19 =	vadd.s32 v5, v17  }
0x272: {  	s24 =	simm.s32 $0x3;
	v20 =	vld [tilespmem:s10+$0xFFFFFFD0];
	v17 =	vadd.s32 v6, v17  }
0x273: {  	v59 =	vmov s24  }
0x274: {  	v21 =	vshrl.u32 v59, $0x3  }
0x275: {  	v21 =	vshll.u32 v21, v1  }
0x276: {  	[tilespmem:v19+s0+$0x0] =	vst.idx.msk $0xffff, v18;
	v18 =	vbroadcast v21, $0x0  }
0x277: {  	[tilespmem:v17+s0+$0x0] =	vst.idx.msk $0xffff, v20  }
0x278: {  	v17 =	vld [tilespmem:s10+$0xFFFFFFE0];
	v19 =	vadd.s32 v7, v18  }
0x279: {  	s9 =	simm.s32 $0x4;
	v20 =	vld [tilespmem:s10+$0xFFFFFFF0];
	v18 =	vadd.s32 v8, v18  }
0x27a: {  	v60 =	vmov s9  }
0x27b: {  	v21 =	vshrl.u32 v60, $0x3  }
0x27c: {  	v21 =	vshll.u32 v21, v1  }
0x27d: {  	[tilespmem:v19+s0+$0x0] =	vst.idx.msk $0xffff, v17;
	v17 =	vbroadcast v21, $0x0  }
0x27e: {  	[tilespmem:v18+s0+$0x0] =	vst.idx.msk $0xffff, v20  }
0x27f: {  	v18 =	vld [tilespmem:s10+$0x0];
	v19 =	vadd.s32 v9, v17  }
0x280: {  	s17 =	simm.s32 $0x5;
	v20 =	vld [tilespmem:s10+$0x10];
	v17 =	vadd.s32 v10, v17  }
0x281: {  	v61 =	vmov s17  }
0x282: {  	v21 =	vshrl.u32 v61, $0x3  }
0x283: {  	v21 =	vshll.u32 v21, v1  }
0x284: {  	[tilespmem:v19+s0+$0x0] =	vst.idx.msk $0xffff, v18;
	v18 =	vbroadcast v21, $0x0  }
0x285: {  	[tilespmem:v17+s0+$0x0] =	vst.idx.msk $0xffff, v20  }
0x286: {  	v17 =	vld [tilespmem:s10+$0x20];
	v19 =	vadd.s32 v11, v18  }
0x287: {  	s18 =	simm.s32 $0x6;
	v20 =	vld [tilespmem:s10+$0x30];
	v18 =	vadd.s32 v12, v18  }
0x288: {  	v62 =	vmov s18  }
0x289: {  	v21 =	vshrl.u32 v62, $0x3  }
0x28a: {  	v21 =	vshll.u32 v21, v1  }
0x28b: {  	[tilespmem:v19+s0+$0x0] =	vst.idx.msk $0xffff, v17;
	v17 =	vbroadcast v21, $0x0  }
0x28c: {  	[tilespmem:v18+s0+$0x0] =	vst.idx.msk $0xffff, v20  }
0x28d: {  	v18 =	vld [tilespmem:s10+$0x40];
	v19 =	vadd.s32 v13, v17  }
0x28e: {  	s19 =	simm.s32 $0x7;
	v20 =	vld [tilespmem:s10+$0x50];
	v17 =	vadd.s32 v14, v17  }
0x28f: {  	v63 =	vmov s19  }
0x290: {  	v21 =	vshrl.u32 v63, $0x3  }
0x291: {  	v21 =	vshll.u32 v21, v1  }
0x292: {  	[tilespmem:v19+s0+$0x0] =	vst.idx.msk $0xffff, v18;
	v18 =	vbroadcast v21, $0x0  }
0x293: {  	s24 =	simm.s32 $0x8;
	[tilespmem:v17+s0+$0x0] =	vst.idx.msk $0xffff, v20  }
0x294: {  	v17 =	vmov s24;
	v20 =	vld [tilespmem:s10+$0x60];
	v21 =	vadd.s32 v15, v18  }
0x295: {  	v19 =	vshrl.u32 v17, $0x3  }
0x296: {  	v17 =	vld [tilespmem:s10+$0x70];
	v22 =	vshll.u32 v19, v1;
	v19 =	vadd.s32 v16, v18;
	_ =	sdelay $0x2  }
0x297: {  	s17 =	simm.s32 $0xF;
	s18 =	simm.s32 $0x17;
	v18 =	vbroadcast v22, $0x0;
	[tilespmem:v21+s0+$0x0] =	vst.idx.msk $0xffff, v20  }
.LBB2_40:
0x298: {  	p1 =	sne.s32 s18, $0x1FF  }
0x299: {  	[tilespmem:v19+s0+$0x0] =	vst.idx.msk $0xffff, v17;
	s10 =	sadd.s32 $0x100, s10;
	s9 =	smov.u32 s18;
	s18 =	sadd.s32 $0x8, s18  }
0x29a: {  	v17 =	vld [tilespmem:s10+$0xFFFFFF80];
	v19 =	vadd.s32 v0, v18  }
0x29b: {  	s1 =	sadd.s32 $0xFFFFFFFA, s17;
	v18 =	vadd.s32 v2, v18;
	v20 =	vld [tilespmem:s10+$0xFFFFFF90]  }
0x29c: {  	v21 =	vmov s1  }
0x29d: {  	v21 =	vshrl.u32 v21, $0x3  }
0x29e: {  	v21 =	vshll.u32 v21, v1  }
0x29f: {  	[tilespmem:v19+s0+$0x0] =	vst.idx.msk $0xffff, v17;
	v17 =	vbroadcast v21, $0x0  }
0x2a0: {  	[tilespmem:v18+s0+$0x0] =	vst.idx.msk $0xffff, v20  }
0x2a1: {  	v18 =	vld [tilespmem:s10+$0xFFFFFFA0];
	v19 =	vadd.s32 v3, v17  }
0x2a2: {  	s1 =	sadd.s32 $0xFFFFFFFB, s17;
	v17 =	vadd.s32 v4, v17;
	v20 =	vld [tilespmem:s10+$0xFFFFFFB0]  }
0x2a3: {  	v21 =	vmov s1  }
0x2a4: {  	v21 =	vshrl.u32 v21, $0x3  }
0x2a5: {  	v21 =	vshll.u32 v21, v1  }
0x2a6: {  	[tilespmem:v19+s0+$0x0] =	vst.idx.msk $0xffff, v18;
	v18 =	vbroadcast v21, $0x0  }
0x2a7: {  	[tilespmem:v17+s0+$0x0] =	vst.idx.msk $0xffff, v20  }
0x2a8: {  	v17 =	vld [tilespmem:s10+$0xFFFFFFC0];
	v19 =	vadd.s32 v5, v18  }
0x2a9: {  	s1 =	sadd.s32 $0xFFFFFFFC, s17;
	v18 =	vadd.s32 v6, v18;
	v20 =	vld [tilespmem:s10+$0xFFFFFFD0]  }
0x2aa: {  	v21 =	vmov s1  }
0x2ab: {  	v21 =	vshrl.u32 v21, $0x3  }
0x2ac: {  	v21 =	vshll.u32 v21, v1  }
0x2ad: {  	[tilespmem:v19+s0+$0x0] =	vst.idx.msk $0xffff, v17;
	v17 =	vbroadcast v21, $0x0  }
0x2ae: {  	[tilespmem:v18+s0+$0x0] =	vst.idx.msk $0xffff, v20  }
0x2af: {  	v18 =	vld [tilespmem:s10+$0xFFFFFFE0];
	v19 =	vadd.s32 v7, v17  }
0x2b0: {  	s1 =	sadd.s32 $0xFFFFFFFD, s17;
	v17 =	vadd.s32 v8, v17;
	v20 =	vld [tilespmem:s10+$0xFFFFFFF0]  }
0x2b1: {  	v21 =	vmov s1  }
0x2b2: {  	v21 =	vshrl.u32 v21, $0x3  }
0x2b3: {  	v21 =	vshll.u32 v21, v1  }
0x2b4: {  	[tilespmem:v19+s0+$0x0] =	vst.idx.msk $0xffff, v18;
	v18 =	vbroadcast v21, $0x0  }
0x2b5: {  	[tilespmem:v17+s0+$0x0] =	vst.idx.msk $0xffff, v20  }
0x2b6: {  	v17 =	vld [tilespmem:s10+$0x0];
	v19 =	vadd.s32 v9, v18  }
0x2b7: {  	s1 =	sadd.s32 $0xFFFFFFFE, s17;
	v18 =	vadd.s32 v10, v18;
	v20 =	vld [tilespmem:s10+$0x10]  }
0x2b8: {  	v21 =	vmov s1  }
0x2b9: {  	v21 =	vshrl.u32 v21, $0x3  }
0x2ba: {  	v21 =	vshll.u32 v21, v1  }
0x2bb: {  	[tilespmem:v19+s0+$0x0] =	vst.idx.msk $0xffff, v17;
	v17 =	vbroadcast v21, $0x0  }
0x2bc: {  	[tilespmem:v18+s0+$0x0] =	vst.idx.msk $0xffff, v20  }
0x2bd: {  	v18 =	vld [tilespmem:s10+$0x20];
	v19 =	vadd.s32 v11, v17  }
0x2be: {  	s1 =	sadd.s32 $0xFFFFFFFF, s17;
	v17 =	vadd.s32 v12, v17;
	v20 =	vld [tilespmem:s10+$0x30]  }
0x2bf: {  	v21 =	vmov s1  }
0x2c0: {  	v21 =	vshrl.u32 v21, $0x3  }
0x2c1: {  	v21 =	vshll.u32 v21, v1  }
0x2c2: {  	[tilespmem:v19+s0+$0x0] =	vst.idx.msk $0xffff, v18;
	v18 =	vbroadcast v21, $0x0  }
0x2c3: {  	[tilespmem:v17+s0+$0x0] =	vst.idx.msk $0xffff, v20  }
0x2c4: {  	v17 =	vld [tilespmem:s10+$0x40];
	v19 =	vadd.s32 v13, v18  }
0x2c5: {  	v18 =	vadd.s32 v14, v18;
	v20 =	vld [tilespmem:s10+$0x50]  }
0x2c6: {  	v21 =	vmov s17;
	s17 =	smov.u32 s9  }
0x2c7: {  	v21 =	vshrl.u32 v21, $0x3  }
0x2c8: {  	v21 =	vshll.u32 v21, v1  }
0x2c9: {  	[tilespmem:v19+s0+$0x0] =	vst.idx.msk $0xffff, v17;
	v19 =	vbroadcast v21, $0x0  }
0x2ca: {  	[tilespmem:v18+s0+$0x0] =	vst.idx.msk $0xffff, v20  }
0x2cb: {  	v20 =	vld [tilespmem:s10+$0x60];
	v21 =	vadd.s32 v15, v19  }
.Ltmp10:
0x2cc: {  	s1 =	sadd.s32 $0xFFFFFFF9, s17;
	v19 =	vadd.s32 v16, v19;
	v17 =	vld [tilespmem:s10+$0x70];
	(pc) =	sbr.rel @p1 .LBB2_40-.Ltmp10, $4  }
0x2cd: {  	v18 =	vmov s1  }
0x2ce: {  	v18 =	vshrl.u32 v18, $0x3  }
0x2cf: {  	v18 =	vshll.u32 v18, v1  }
0x2d0: {  	v18 =	vbroadcast v18, $0x0;
	[tilespmem:v21+s0+$0x0] =	vst.idx.msk $0xffff, v20  }
0x2d1: {  	_ =	sdelay $0x3  }
0x2d2: {  	[tilespmem:v19+s0+$0x0] =	vst.idx.msk $0xffff, v17;
	s9 =	sadd.s32 $0x100, s10  }
0x2d3: {  	v17 =	vld [tilespmem:s9+$0xFFFFFF80];
	v19 =	vadd.s32 v0, v18  }
0x2d4: {  	s1 =	sadd.s32 $0xFFFFFFFA, s17;
	v20 =	vld [tilespmem:s9+$0xFFFFFF90];
	v18 =	vadd.s32 v2, v18  }
0x2d5: {  	v21 =	vmov s1  }
0x2d6: {  	v21 =	vshrl.u32 v21, $0x3  }
0x2d7: {  	v21 =	vshll.u32 v21, v1  }
0x2d8: {  	[tilespmem:v19+s0+$0x0] =	vst.idx.msk $0xffff, v17;
	v17 =	vbroadcast v21, $0x0  }
0x2d9: {  	[tilespmem:v18+s0+$0x0] =	vst.idx.msk $0xffff, v20  }
0x2da: {  	v18 =	vld [tilespmem:s9+$0xFFFFFFA0];
	v19 =	vadd.s32 v3, v17  }
0x2db: {  	s24 =	sadd.s32 $0xFFFFFFFB, s17;
	v20 =	vld [tilespmem:s9+$0xFFFFFFB0];
	v17 =	vadd.s32 v4, v17  }
0x2dc: {  	v58 =	vmov s24  }
0x2dd: {  	v21 =	vshrl.u32 v58, $0x3  }
0x2de: {  	v21 =	vshll.u32 v21, v1  }
0x2df: {  	[tilespmem:v19+s0+$0x0] =	vst.idx.msk $0xffff, v18;
	v18 =	vbroadcast v21, $0x0  }
0x2e0: {  	[tilespmem:v17+s0+$0x0] =	vst.idx.msk $0xffff, v20  }
0x2e1: {  	v17 =	vld [tilespmem:s9+$0xFFFFFFC0];
	v19 =	vadd.s32 v5, v18  }
0x2e2: {  	s10 =	sadd.s32 $0xFFFFFFFC, s17;
	v20 =	vld [tilespmem:s9+$0xFFFFFFD0];
	v18 =	vadd.s32 v6, v18  }
0x2e3: {  	v59 =	vmov s10  }
0x2e4: {  	v21 =	vshrl.u32 v59, $0x3  }
0x2e5: {  	v21 =	vshll.u32 v21, v1  }
0x2e6: {  	[tilespmem:v19+s0+$0x0] =	vst.idx.msk $0xffff, v17;
	v17 =	vbroadcast v21, $0x0  }
0x2e7: {  	[tilespmem:v18+s0+$0x0] =	vst.idx.msk $0xffff, v20  }
0x2e8: {  	v18 =	vld [tilespmem:s9+$0xFFFFFFE0];
	v19 =	vadd.s32 v7, v17  }
0x2e9: {  	s18 =	sadd.s32 $0xFFFFFFFD, s17;
	v20 =	vld [tilespmem:s9+$0xFFFFFFF0];
	v17 =	vadd.s32 v8, v17  }
0x2ea: {  	v60 =	vmov s18  }
0x2eb: {  	v21 =	vshrl.u32 v60, $0x3  }
0x2ec: {  	v21 =	vshll.u32 v21, v1  }
0x2ed: {  	[tilespmem:v19+s0+$0x0] =	vst.idx.msk $0xffff, v18;
	v18 =	vbroadcast v21, $0x0  }
0x2ee: {  	[tilespmem:v17+s0+$0x0] =	vst.idx.msk $0xffff, v20  }
0x2ef: {  	v17 =	vld [tilespmem:s9+$0x0];
	v19 =	vadd.s32 v9, v18  }
0x2f0: {  	s19 =	sadd.s32 $0xFFFFFFFE, s17;
	v20 =	vld [tilespmem:s9+$0x10];
	v18 =	vadd.s32 v10, v18  }
0x2f1: {  	v61 =	vmov s19  }
0x2f2: {  	v21 =	vshrl.u32 v61, $0x3  }
0x2f3: {  	v21 =	vshll.u32 v21, v1  }
0x2f4: {  	[tilespmem:v19+s0+$0x0] =	vst.idx.msk $0xffff, v17;
	v17 =	vbroadcast v21, $0x0  }
0x2f5: {  	[tilespmem:v18+s0+$0x0] =	vst.idx.msk $0xffff, v20  }
0x2f6: {  	v18 =	vld [tilespmem:s9+$0x20];
	v19 =	vadd.s32 v11, v17  }
0x2f7: {  	s24 =	sadd.s32 $0xFFFFFFFF, s17;
	v20 =	vld [tilespmem:s9+$0x30];
	v17 =	vadd.s32 v12, v17  }
0x2f8: {  	v62 =	vmov s24  }
0x2f9: {  	v21 =	vshrl.u32 v62, $0x3  }
0x2fa: {  	v21 =	vshll.u32 v21, v1  }
0x2fb: {  	[tilespmem:v19+s0+$0x0] =	vst.idx.msk $0xffff, v18;
	v18 =	vbroadcast v21, $0x0  }
0x2fc: {  	[tilespmem:v17+s0+$0x0] =	vst.idx.msk $0xffff, v20  }
0x2fd: {  	v17 =	vld [tilespmem:s9+$0x40];
	v19 =	vadd.s32 v13, v18  }
0x2fe: {  	v20 =	vld [tilespmem:s9+$0x50];
	v18 =	vadd.s32 v14, v18  }
0x2ff: {  	v63 =	vmov s17  }
0x300: {  	v21 =	vshrl.u32 v63, $0x3  }
0x301: {  	v21 =	vshll.u32 v21, v1  }
0x302: {  	[tilespmem:v19+s0+$0x0] =	vst.idx.msk $0xffff, v17;
	v17 =	vbroadcast v21, $0x0  }
0x303: {  	[tilespmem:v18+s0+$0x0] =	vst.idx.msk $0xffff, v20  }
0x304: {  	v18 =	vld [tilespmem:s9+$0x60];
	v19 =	vadd.s32 v15, v17  }
0x305: {  	v20 =	vld [tilespmem:s9+$0x70];
	v17 =	vadd.s32 v16, v17;
	_ =	sdelay $0x3  }
0x306: {  	s10 =	simm.s32 $0x200;
	[tilespmem:v19+s0+$0x0] =	vst.idx.msk $0xffff, v18  }
0x307: {  	s1 =	sadd.s32 $0x0, s22;
	s17 =	simm.s32 $0x8608;
	s9 =	simm.s32 $0x8400;
	[tilespmem:v17+s0+$0x0] =	vst.idx.msk $0xffff, v20  }
.LBB2_42:
0x308: {  	[hbm4b:s1+s2] =	stream.linear.scatter [tilespmem:s9], [sflag:$0x5], $0x200, $0x38;
	[tilespmem:$0xC500] =	vst v63  }
0x309: {  	s1 =	smov.u32 s10;
	s9 =	smov.u32 s17;
	p1 =	sne.s32 s10, $0x3E00  }
.Ltmp11:
0x30a: {  	s10 =	sadd.s32 $0x200, s10;
	(pc) =	sbr.rel @p1 .LBB2_42-.Ltmp11, $2  }
0x30b: {  	_ =	sdelay $0x2  }
0x30c: {  	s17 =	sadd.s32 $0x208, s17;
	s1 =	sadd.s32 s1, s22  }
0x30d: {  	[hbm4b:s1+s2] =	stream.linear.scatter [tilespmem:s9], [sflag:$0x5], $0x200, $0x38;
	[tilespmem:$0xC500] =	vst v63  }
0x30e: {  	s17 =	simm.s32 $0x0;
	_ =	swait.ge [sflag:s29], $0x4000  }
0x30f: {  	v17 =	vmov s17;
	[sflag:s29] =	ssyncset.done $0x0  }
0x310: {  	v17 =	vshrl.u32 v17, $0x3;
	[sflag:s29] =	ssyncadd.s32 $0xFFFFC000  }
0x311: {  	v17 =	vshll.u32 v17, v1;
	_ =	swait.ge [sflag:s7], $0x4000  }
0x312: {  	v17 =	vbroadcast v17, $0x0;
	[sflag:s7] =	ssyncset.done $0x0  }
0x313: {  	s10 =	simm.s32 $0x480;
	[sflag:s7] =	ssyncadd.s32 $0xFFFFC000  }
0x314: {  	v19 =	vadd.s32 v0, v17;
	v18 =	vld [tilespmem:s10+$0xFFFFFF80]  }
0x315: {  	s18 =	simm.s32 $0x1;
	v17 =	vadd.s32 v2, v17;
	v20 =	vld [tilespmem:s10+$0xFFFFFF90]  }
0x316: {  	v21 =	vmov s18  }
0x317: {  	v21 =	vshrl.u32 v21, $0x3  }
0x318: {  	v21 =	vshll.u32 v21, v1  }
0x319: {  	[tilespmem:v19+s0+$0x0] =	vst.idx.msk $0xffff, v18;
	v18 =	vbroadcast v21, $0x0  }
0x31a: {  	[tilespmem:v17+s0+$0x0] =	vst.idx.msk $0xffff, v20  }
0x31b: {  	v17 =	vld [tilespmem:s10+$0xFFFFFFA0];
	v19 =	vadd.s32 v3, v18  }
0x31c: {  	s19 =	simm.s32 $0x2;
	v20 =	vld [tilespmem:s10+$0xFFFFFFB0];
	v18 =	vadd.s32 v4, v18  }
0x31d: {  	v58 =	vmov s19  }
0x31e: {  	v21 =	vshrl.u32 v58, $0x3  }
0x31f: {  	v21 =	vshll.u32 v21, v1  }
0x320: {  	[tilespmem:v19+s0+$0x0] =	vst.idx.msk $0xffff, v17;
	v17 =	vbroadcast v21, $0x0  }
0x321: {  	[tilespmem:v18+s0+$0x0] =	vst.idx.msk $0xffff, v20  }
0x322: {  	v18 =	vld [tilespmem:s10+$0xFFFFFFC0];
	v19 =	vadd.s32 v5, v17  }
0x323: {  	s24 =	simm.s32 $0x3;
	v20 =	vld [tilespmem:s10+$0xFFFFFFD0];
	v17 =	vadd.s32 v6, v17  }
0x324: {  	v59 =	vmov s24  }
0x325: {  	v21 =	vshrl.u32 v59, $0x3  }
0x326: {  	v21 =	vshll.u32 v21, v1  }
0x327: {  	[tilespmem:v19+s0+$0x0] =	vst.idx.msk $0xffff, v18;
	v18 =	vbroadcast v21, $0x0  }
0x328: {  	[tilespmem:v17+s0+$0x0] =	vst.idx.msk $0xffff, v20  }
0x329: {  	v17 =	vld [tilespmem:s10+$0xFFFFFFE0];
	v19 =	vadd.s32 v7, v18  }
0x32a: {  	s9 =	simm.s32 $0x4;
	v20 =	vld [tilespmem:s10+$0xFFFFFFF0];
	v18 =	vadd.s32 v8, v18  }
0x32b: {  	v60 =	vmov s9  }
0x32c: {  	v21 =	vshrl.u32 v60, $0x3  }
0x32d: {  	v21 =	vshll.u32 v21, v1  }
0x32e: {  	[tilespmem:v19+s0+$0x0] =	vst.idx.msk $0xffff, v17;
	v17 =	vbroadcast v21, $0x0  }
0x32f: {  	[tilespmem:v18+s0+$0x0] =	vst.idx.msk $0xffff, v20  }
0x330: {  	v18 =	vld [tilespmem:s10+$0x0];
	v19 =	vadd.s32 v9, v17  }
0x331: {  	s17 =	simm.s32 $0x5;
	v20 =	vld [tilespmem:s10+$0x10];
	v17 =	vadd.s32 v10, v17  }
0x332: {  	v61 =	vmov s17  }
0x333: {  	v21 =	vshrl.u32 v61, $0x3  }
0x334: {  	v21 =	vshll.u32 v21, v1  }
0x335: {  	[tilespmem:v19+s0+$0x0] =	vst.idx.msk $0xffff, v18;
	v18 =	vbroadcast v21, $0x0  }
0x336: {  	[tilespmem:v17+s0+$0x0] =	vst.idx.msk $0xffff, v20  }
0x337: {  	v17 =	vld [tilespmem:s10+$0x20];
	v19 =	vadd.s32 v11, v18  }
0x338: {  	s18 =	simm.s32 $0x6;
	v20 =	vld [tilespmem:s10+$0x30];
	v18 =	vadd.s32 v12, v18  }
0x339: {  	v62 =	vmov s18  }
0x33a: {  	v21 =	vshrl.u32 v62, $0x3  }
0x33b: {  	v21 =	vshll.u32 v21, v1  }
0x33c: {  	[tilespmem:v19+s0+$0x0] =	vst.idx.msk $0xffff, v17;
	v17 =	vbroadcast v21, $0x0  }
0x33d: {  	[tilespmem:v18+s0+$0x0] =	vst.idx.msk $0xffff, v20  }
0x33e: {  	v18 =	vld [tilespmem:s10+$0x40];
	v19 =	vadd.s32 v13, v17  }
0x33f: {  	s19 =	simm.s32 $0x7;
	v20 =	vld [tilespmem:s10+$0x50];
	v17 =	vadd.s32 v14, v17  }
0x340: {  	v63 =	vmov s19  }
0x341: {  	v21 =	vshrl.u32 v63, $0x3  }
0x342: {  	v21 =	vshll.u32 v21, v1  }
0x343: {  	[tilespmem:v19+s0+$0x0] =	vst.idx.msk $0xffff, v18;
	v18 =	vbroadcast v21, $0x0  }
0x344: {  	s24 =	simm.s32 $0x8;
	[tilespmem:v17+s0+$0x0] =	vst.idx.msk $0xffff, v20  }
0x345: {  	v17 =	vmov s24;
	v20 =	vld [tilespmem:s10+$0x60];
	v21 =	vadd.s32 v15, v18  }
0x346: {  	v19 =	vshrl.u32 v17, $0x3  }
0x347: {  	v17 =	vld [tilespmem:s10+$0x70];
	v22 =	vshll.u32 v19, v1;
	v19 =	vadd.s32 v16, v18;
	_ =	sdelay $0x2  }
0x348: {  	s17 =	simm.s32 $0xF;
	s18 =	simm.s32 $0x17;
	v18 =	vbroadcast v22, $0x0;
	[tilespmem:v21+s0+$0x0] =	vst.idx.msk $0xffff, v20  }
.LBB2_44:
0x349: {  	p1 =	sne.s32 s18, $0x1FF  }
0x34a: {  	[tilespmem:v19+s0+$0x0] =	vst.idx.msk $0xffff, v17;
	s10 =	sadd.s32 $0x100, s10;
	s9 =	smov.u32 s18;
	s18 =	sadd.s32 $0x8, s18  }
0x34b: {  	v17 =	vld [tilespmem:s10+$0xFFFFFF80];
	v19 =	vadd.s32 v0, v18  }
0x34c: {  	s1 =	sadd.s32 $0xFFFFFFFA, s17;
	v18 =	vadd.s32 v2, v18;
	v20 =	vld [tilespmem:s10+$0xFFFFFF90]  }
0x34d: {  	v21 =	vmov s1  }
0x34e: {  	v21 =	vshrl.u32 v21, $0x3  }
0x34f: {  	v21 =	vshll.u32 v21, v1  }
0x350: {  	[tilespmem:v19+s0+$0x0] =	vst.idx.msk $0xffff, v17;
	v17 =	vbroadcast v21, $0x0  }
0x351: {  	[tilespmem:v18+s0+$0x0] =	vst.idx.msk $0xffff, v20  }
0x352: {  	v18 =	vld [tilespmem:s10+$0xFFFFFFA0];
	v19 =	vadd.s32 v3, v17  }
0x353: {  	s1 =	sadd.s32 $0xFFFFFFFB, s17;
	v17 =	vadd.s32 v4, v17;
	v20 =	vld [tilespmem:s10+$0xFFFFFFB0]  }
0x354: {  	v21 =	vmov s1  }
0x355: {  	v21 =	vshrl.u32 v21, $0x3  }
0x356: {  	v21 =	vshll.u32 v21, v1  }
0x357: {  	[tilespmem:v19+s0+$0x0] =	vst.idx.msk $0xffff, v18;
	v18 =	vbroadcast v21, $0x0  }
0x358: {  	[tilespmem:v17+s0+$0x0] =	vst.idx.msk $0xffff, v20  }
0x359: {  	v17 =	vld [tilespmem:s10+$0xFFFFFFC0];
	v19 =	vadd.s32 v5, v18  }
0x35a: {  	s1 =	sadd.s32 $0xFFFFFFFC, s17;
	v18 =	vadd.s32 v6, v18;
	v20 =	vld [tilespmem:s10+$0xFFFFFFD0]  }
0x35b: {  	v21 =	vmov s1  }
0x35c: {  	v21 =	vshrl.u32 v21, $0x3  }
0x35d: {  	v21 =	vshll.u32 v21, v1  }
0x35e: {  	[tilespmem:v19+s0+$0x0] =	vst.idx.msk $0xffff, v17;
	v17 =	vbroadcast v21, $0x0  }
0x35f: {  	[tilespmem:v18+s0+$0x0] =	vst.idx.msk $0xffff, v20  }
0x360: {  	v18 =	vld [tilespmem:s10+$0xFFFFFFE0];
	v19 =	vadd.s32 v7, v17  }
0x361: {  	s1 =	sadd.s32 $0xFFFFFFFD, s17;
	v17 =	vadd.s32 v8, v17;
	v20 =	vld [tilespmem:s10+$0xFFFFFFF0]  }
0x362: {  	v21 =	vmov s1  }
0x363: {  	v21 =	vshrl.u32 v21, $0x3  }
0x364: {  	v21 =	vshll.u32 v21, v1  }
0x365: {  	[tilespmem:v19+s0+$0x0] =	vst.idx.msk $0xffff, v18;
	v18 =	vbroadcast v21, $0x0  }
0x366: {  	[tilespmem:v17+s0+$0x0] =	vst.idx.msk $0xffff, v20  }
0x367: {  	v17 =	vld [tilespmem:s10+$0x0];
	v19 =	vadd.s32 v9, v18  }
0x368: {  	s1 =	sadd.s32 $0xFFFFFFFE, s17;
	v18 =	vadd.s32 v10, v18;
	v20 =	vld [tilespmem:s10+$0x10]  }
0x369: {  	v21 =	vmov s1  }
0x36a: {  	v21 =	vshrl.u32 v21, $0x3  }
0x36b: {  	v21 =	vshll.u32 v21, v1  }
0x36c: {  	[tilespmem:v19+s0+$0x0] =	vst.idx.msk $0xffff, v17;
	v17 =	vbroadcast v21, $0x0  }
0x36d: {  	[tilespmem:v18+s0+$0x0] =	vst.idx.msk $0xffff, v20  }
0x36e: {  	v18 =	vld [tilespmem:s10+$0x20];
	v19 =	vadd.s32 v11, v17  }
0x36f: {  	s1 =	sadd.s32 $0xFFFFFFFF, s17;
	v17 =	vadd.s32 v12, v17;
	v20 =	vld [tilespmem:s10+$0x30]  }
0x370: {  	v21 =	vmov s1  }
0x371: {  	v21 =	vshrl.u32 v21, $0x3  }
0x372: {  	v21 =	vshll.u32 v21, v1  }
0x373: {  	[tilespmem:v19+s0+$0x0] =	vst.idx.msk $0xffff, v18;
	v18 =	vbroadcast v21, $0x0  }
0x374: {  	[tilespmem:v17+s0+$0x0] =	vst.idx.msk $0xffff, v20  }
0x375: {  	v17 =	vld [tilespmem:s10+$0x40];
	v19 =	vadd.s32 v13, v18  }
0x376: {  	v18 =	vadd.s32 v14, v18;
	v20 =	vld [tilespmem:s10+$0x50]  }
0x377: {  	v21 =	vmov s17;
	s17 =	smov.u32 s9  }
0x378: {  	v21 =	vshrl.u32 v21, $0x3  }
0x379: {  	v21 =	vshll.u32 v21, v1  }
0x37a: {  	[tilespmem:v19+s0+$0x0] =	vst.idx.msk $0xffff, v17;
	v19 =	vbroadcast v21, $0x0  }
0x37b: {  	[tilespmem:v18+s0+$0x0] =	vst.idx.msk $0xffff, v20  }
0x37c: {  	v20 =	vld [tilespmem:s10+$0x60];
	v21 =	vadd.s32 v15, v19  }
.Ltmp12:
0x37d: {  	s1 =	sadd.s32 $0xFFFFFFF9, s17;
	v19 =	vadd.s32 v16, v19;
	v17 =	vld [tilespmem:s10+$0x70];
	(pc) =	sbr.rel @p1 .LBB2_44-.Ltmp12, $4  }
0x37e: {  	v18 =	vmov s1  }
0x37f: {  	v18 =	vshrl.u32 v18, $0x3  }
0x380: {  	v18 =	vshll.u32 v18, v1  }
0x381: {  	v18 =	vbroadcast v18, $0x0;
	[tilespmem:v21+s0+$0x0] =	vst.idx.msk $0xffff, v20  }
0x382: {  	_ =	sdelay $0x3  }
0x383: {  	[tilespmem:v19+s0+$0x0] =	vst.idx.msk $0xffff, v17;
	s9 =	sadd.s32 $0x100, s10  }
0x384: {  	v17 =	vld [tilespmem:s9+$0xFFFFFF80];
	v19 =	vadd.s32 v0, v18  }
0x385: {  	s1 =	sadd.s32 $0xFFFFFFFA, s17;
	v20 =	vld [tilespmem:s9+$0xFFFFFF90];
	v18 =	vadd.s32 v2, v18  }
0x386: {  	v21 =	vmov s1  }
0x387: {  	v21 =	vshrl.u32 v21, $0x3  }
0x388: {  	v21 =	vshll.u32 v21, v1  }
0x389: {  	[tilespmem:v19+s0+$0x0] =	vst.idx.msk $0xffff, v17;
	v17 =	vbroadcast v21, $0x0  }
0x38a: {  	[tilespmem:v18+s0+$0x0] =	vst.idx.msk $0xffff, v20  }
0x38b: {  	v18 =	vld [tilespmem:s9+$0xFFFFFFA0];
	v19 =	vadd.s32 v3, v17  }
0x38c: {  	s24 =	sadd.s32 $0xFFFFFFFB, s17;
	v20 =	vld [tilespmem:s9+$0xFFFFFFB0];
	v17 =	vadd.s32 v4, v17  }
0x38d: {  	v58 =	vmov s24  }
0x38e: {  	v21 =	vshrl.u32 v58, $0x3  }
0x38f: {  	v21 =	vshll.u32 v21, v1  }
0x390: {  	[tilespmem:v19+s0+$0x0] =	vst.idx.msk $0xffff, v18;
	v18 =	vbroadcast v21, $0x0  }
0x391: {  	[tilespmem:v17+s0+$0x0] =	vst.idx.msk $0xffff, v20  }
0x392: {  	v17 =	vld [tilespmem:s9+$0xFFFFFFC0];
	v19 =	vadd.s32 v5, v18  }
0x393: {  	s10 =	sadd.s32 $0xFFFFFFFC, s17;
	v20 =	vld [tilespmem:s9+$0xFFFFFFD0];
	v18 =	vadd.s32 v6, v18  }
0x394: {  	v59 =	vmov s10  }
0x395: {  	v21 =	vshrl.u32 v59, $0x3  }
0x396: {  	v21 =	vshll.u32 v21, v1  }
0x397: {  	[tilespmem:v19+s0+$0x0] =	vst.idx.msk $0xffff, v17;
	v17 =	vbroadcast v21, $0x0  }
0x398: {  	[tilespmem:v18+s0+$0x0] =	vst.idx.msk $0xffff, v20  }
0x399: {  	v18 =	vld [tilespmem:s9+$0xFFFFFFE0];
	v19 =	vadd.s32 v7, v17  }
0x39a: {  	s18 =	sadd.s32 $0xFFFFFFFD, s17;
	v20 =	vld [tilespmem:s9+$0xFFFFFFF0];
	v17 =	vadd.s32 v8, v17  }
0x39b: {  	v60 =	vmov s18  }
0x39c: {  	v21 =	vshrl.u32 v60, $0x3  }
0x39d: {  	v21 =	vshll.u32 v21, v1  }
0x39e: {  	[tilespmem:v19+s0+$0x0] =	vst.idx.msk $0xffff, v18;
	v18 =	vbroadcast v21, $0x0  }
0x39f: {  	[tilespmem:v17+s0+$0x0] =	vst.idx.msk $0xffff, v20  }
0x3a0: {  	v17 =	vld [tilespmem:s9+$0x0];
	v19 =	vadd.s32 v9, v18  }
0x3a1: {  	s19 =	sadd.s32 $0xFFFFFFFE, s17;
	v20 =	vld [tilespmem:s9+$0x10];
	v18 =	vadd.s32 v10, v18  }
0x3a2: {  	v61 =	vmov s19  }
0x3a3: {  	v21 =	vshrl.u32 v61, $0x3  }
0x3a4: {  	v21 =	vshll.u32 v21, v1  }
0x3a5: {  	[tilespmem:v19+s0+$0x0] =	vst.idx.msk $0xffff, v17;
	v17 =	vbroadcast v21, $0x0  }
0x3a6: {  	[tilespmem:v18+s0+$0x0] =	vst.idx.msk $0xffff, v20  }
0x3a7: {  	v18 =	vld [tilespmem:s9+$0x20];
	v19 =	vadd.s32 v11, v17  }
0x3a8: {  	s24 =	sadd.s32 $0xFFFFFFFF, s17;
	v20 =	vld [tilespmem:s9+$0x30];
	v17 =	vadd.s32 v12, v17  }
0x3a9: {  	v62 =	vmov s24  }
0x3aa: {  	v21 =	vshrl.u32 v62, $0x3  }
0x3ab: {  	v21 =	vshll.u32 v21, v1  }
0x3ac: {  	[tilespmem:v19+s0+$0x0] =	vst.idx.msk $0xffff, v18;
	v18 =	vbroadcast v21, $0x0  }
0x3ad: {  	[tilespmem:v17+s0+$0x0] =	vst.idx.msk $0xffff, v20  }
0x3ae: {  	v17 =	vld [tilespmem:s9+$0x40];
	v19 =	vadd.s32 v13, v18  }
0x3af: {  	v20 =	vld [tilespmem:s9+$0x50];
	v18 =	vadd.s32 v14, v18  }
0x3b0: {  	v63 =	vmov s17  }
0x3b1: {  	v21 =	vshrl.u32 v63, $0x3  }
0x3b2: {  	v21 =	vshll.u32 v21, v1  }
0x3b3: {  	[tilespmem:v19+s0+$0x0] =	vst.idx.msk $0xffff, v17;
	v17 =	vbroadcast v21, $0x0  }
0x3b4: {  	[tilespmem:v18+s0+$0x0] =	vst.idx.msk $0xffff, v20  }
0x3b5: {  	v18 =	vld [tilespmem:s9+$0x60];
	v19 =	vadd.s32 v15, v17  }
0x3b6: {  	v20 =	vld [tilespmem:s9+$0x70];
	v17 =	vadd.s32 v16, v17;
	_ =	sdelay $0x3  }
0x3b7: {  	s10 =	simm.s32 $0x200;
	[tilespmem:v19+s0+$0x0] =	vst.idx.msk $0xffff, v18  }
0x3b8: {  	s1 =	sadd.s32 $0x0, s23;
	s17 =	simm.s32 $0x8608;
	s9 =	simm.s32 $0x8400;
	[tilespmem:v17+s0+$0x0] =	vst.idx.msk $0xffff, v20  }
.LBB2_46:
0x3b9: {  	[hbm4b:s1+s2] =	stream.linear.scatter [tilespmem:s9], [sflag:$0x5], $0x200, $0x38;
	[tilespmem:$0xC500] =	vst v63  }
0x3ba: {  	s1 =	smov.u32 s10;
	s9 =	smov.u32 s17;
	p1 =	sne.s32 s10, $0x3E00  }
.Ltmp13:
0x3bb: {  	s10 =	sadd.s32 $0x200, s10;
	(pc) =	sbr.rel @p1 .LBB2_46-.Ltmp13, $2  }
0x3bc: {  	_ =	sdelay $0x2  }
0x3bd: {  	s17 =	sadd.s32 $0x208, s17;
	s1 =	sadd.s32 s1, s23  }
.Ltmp14:
0x3be: {  	(pc) =	sbr.rel .LBB2_48-.Ltmp14, $3  }
0x3bf: {  	_ =	sdelay $0x1  }
0x3c0: {  	[hbm4b:s1+s2] =	stream.linear.scatter [tilespmem:s9], [sflag:$0x5], $0x200, $0x38;
	[tilespmem:$0xC500] =	vst v63  }
0x3c1: {  	s9 =	rddreg [dreg:$0xa]  }
.LBB2_2:
0x3c2: {  	s1 =	rddreg [dreg:$0x3]  }
0x3c3: {  	[tilespmem:s2], [sflag:$0x1] =	stream.linear.gather [hbm4b:s1+s2], $0x200, $0x38;
	[tilespmem:$0xC500] =	vst v63  }
0x3c4: {  	s9 =	rddreg [dreg:$0x4]  }
0x3c5: {  	[tilespmem:s25], [sflag:$0x2] =	stream.linear.gather [hbm4b:s9+s2], $0x200, $0x38;
	[tilespmem:$0xC500] =	vst v63  }
0x3c6: {  	_ =	swait.ge [sflag:s26], $0x200  }
0x3c7: {  	[sflag:s26] =	ssyncset.done $0x0  }
0x3c8: {  	[sflag:s26] =	ssyncadd.s32 $0xFFFFFE00  }
0x3c9: {  	[tilespmem:s28], [sflag:$0x3] =	stream.indirect.gather [hbm4b:s4+s25], $0x20, s2, s25, $0xb8;
	[tilespmem:$0xC500] =	vst v63  }
0x3ca: {  	_ =	swait.ge [sflag:s29], $0x4000  }
0x3cb: {  	[sflag:s29] =	ssyncset.done $0x0  }
0x3cc: {  	[sflag:s29] =	ssyncadd.s32 $0xFFFFC000  }
0x3cd: {  	s10 =	simm.s32 $0x0;
	_ =	swait.ge [sflag:s30], $0x200  }
0x3ce: {  	v17 =	vmov s10;
	[sflag:s30] =	ssyncset.done $0x0  }
0x3cf: {  	v17 =	vshrl.u32 v17, $0x3;
	[sflag:s30] =	ssyncadd.s32 $0xFFFFFE00  }
0x3d0: {  	v17 =	vshll.u32 v17, v1;
	[tilespmem:s31], [sflag:$0x4] =	stream.indirect.gather [hbm4b:s4+s25], $0x20, s25, s25, $0xb8;
	[tilespmem:$0xC500] =	vst v63  }
0x3d1: {  	s10 =	simm.s32 $0x480;
	v17 =	vbroadcast v17, $0x0;
	s17 =	rddreg [dreg:$0x5]  }
0x3d2: {  	[tilespmem:s2], [sflag:$0x1] =	stream.linear.gather [hbm4b:s17+s2], $0x200, $0x38;
	[tilespmem:$0xC500] =	vst v63  }
0x3d3: {  	v19 =	vadd.s32 v0, v17;
	v18 =	vld [tilespmem:s10+$0xFFFFFF80]  }
0x3d4: {  	s18 =	simm.s32 $0x1;
	v17 =	vadd.s32 v2, v17;
	v20 =	vld [tilespmem:s10+$0xFFFFFF90]  }
0x3d5: {  	v21 =	vmov s18  }
0x3d6: {  	v21 =	vshrl.u32 v21, $0x3  }
0x3d7: {  	v21 =	vshll.u32 v21, v1  }
0x3d8: {  	[tilespmem:v19+s0+$0x0] =	vst.idx.msk $0xffff, v18;
	v18 =	vbroadcast v21, $0x0  }
0x3d9: {  	[tilespmem:v17+s0+$0x0] =	vst.idx.msk $0xffff, v20  }
0x3da: {  	v17 =	vld [tilespmem:s10+$0xFFFFFFA0];
	v19 =	vadd.s32 v3, v18  }
0x3db: {  	s19 =	simm.s32 $0x2;
	v20 =	vld [tilespmem:s10+$0xFFFFFFB0];
	v18 =	vadd.s32 v4, v18  }
0x3dc: {  	v58 =	vmov s19  }
0x3dd: {  	v21 =	vshrl.u32 v58, $0x3  }
0x3de: {  	v21 =	vshll.u32 v21, v1  }
0x3df: {  	[tilespmem:v19+s0+$0x0] =	vst.idx.msk $0xffff, v17;
	v17 =	vbroadcast v21, $0x0  }
0x3e0: {  	[tilespmem:v18+s0+$0x0] =	vst.idx.msk $0xffff, v20  }
0x3e1: {  	v18 =	vld [tilespmem:s10+$0xFFFFFFC0];
	v19 =	vadd.s32 v5, v17  }
0x3e2: {  	s24 =	simm.s32 $0x3;
	v20 =	vld [tilespmem:s10+$0xFFFFFFD0];
	v17 =	vadd.s32 v6, v17  }
0x3e3: {  	v59 =	vmov s24  }
0x3e4: {  	v21 =	vshrl.u32 v59, $0x3  }
0x3e5: {  	v21 =	vshll.u32 v21, v1  }
0x3e6: {  	[tilespmem:v19+s0+$0x0] =	vst.idx.msk $0xffff, v18;
	v18 =	vbroadcast v21, $0x0  }
0x3e7: {  	[tilespmem:v17+s0+$0x0] =	vst.idx.msk $0xffff, v20  }
0x3e8: {  	v17 =	vld [tilespmem:s10+$0xFFFFFFE0];
	v19 =	vadd.s32 v7, v18  }
0x3e9: {  	s9 =	simm.s32 $0x4;
	v20 =	vld [tilespmem:s10+$0xFFFFFFF0];
	v18 =	vadd.s32 v8, v18  }
0x3ea: {  	v60 =	vmov s9  }
0x3eb: {  	v21 =	vshrl.u32 v60, $0x3  }
0x3ec: {  	v21 =	vshll.u32 v21, v1  }
0x3ed: {  	[tilespmem:v19+s0+$0x0] =	vst.idx.msk $0xffff, v17;
	v17 =	vbroadcast v21, $0x0  }
0x3ee: {  	[tilespmem:v18+s0+$0x0] =	vst.idx.msk $0xffff, v20  }
0x3ef: {  	v18 =	vld [tilespmem:s10+$0x0];
	v19 =	vadd.s32 v9, v17  }
0x3f0: {  	s17 =	simm.s32 $0x5;
	v20 =	vld [tilespmem:s10+$0x10];
	v17 =	vadd.s32 v10, v17  }
0x3f1: {  	v61 =	vmov s17  }
0x3f2: {  	v21 =	vshrl.u32 v61, $0x3  }
0x3f3: {  	v21 =	vshll.u32 v21, v1  }
0x3f4: {  	[tilespmem:v19+s0+$0x0] =	vst.idx.msk $0xffff, v18;
	v18 =	vbroadcast v21, $0x0  }
0x3f5: {  	[tilespmem:v17+s0+$0x0] =	vst.idx.msk $0xffff, v20  }
0x3f6: {  	v17 =	vld [tilespmem:s10+$0x20];
	v19 =	vadd.s32 v11, v18  }
0x3f7: {  	s18 =	simm.s32 $0x6;
	v20 =	vld [tilespmem:s10+$0x30];
	v18 =	vadd.s32 v12, v18  }
0x3f8: {  	v62 =	vmov s18  }
0x3f9: {  	v21 =	vshrl.u32 v62, $0x3  }
0x3fa: {  	v21 =	vshll.u32 v21, v1  }
0x3fb: {  	[tilespmem:v19+s0+$0x0] =	vst.idx.msk $0xffff, v17;
	v17 =	vbroadcast v21, $0x0  }
0x3fc: {  	[tilespmem:v18+s0+$0x0] =	vst.idx.msk $0xffff, v20  }
0x3fd: {  	v18 =	vld [tilespmem:s10+$0x40];
	v19 =	vadd.s32 v13, v17  }
0x3fe: {  	s19 =	simm.s32 $0x7;
	v20 =	vld [tilespmem:s10+$0x50];
	v17 =	vadd.s32 v14, v17  }
0x3ff: {  	v63 =	vmov s19  }
0x400: {  	v21 =	vshrl.u32 v63, $0x3  }
0x401: {  	v21 =	vshll.u32 v21, v1  }
0x402: {  	[tilespmem:v19+s0+$0x0] =	vst.idx.msk $0xffff, v18;
	v18 =	vbroadcast v21, $0x0  }
0x403: {  	s24 =	simm.s32 $0x8;
	[tilespmem:v17+s0+$0x0] =	vst.idx.msk $0xffff, v20  }
0x404: {  	v17 =	vmov s24;
	v20 =	vld [tilespmem:s10+$0x60];
	v21 =	vadd.s32 v15, v18  }
0x405: {  	v19 =	vshrl.u32 v17, $0x3  }
0x406: {  	v17 =	vld [tilespmem:s10+$0x70];
	v22 =	vshll.u32 v19, v1;
	v19 =	vadd.s32 v16, v18;
	_ =	sdelay $0x2  }
0x407: {  	s18 =	simm.s32 $0x17;
	s17 =	simm.s32 $0xF;
	v18 =	vbroadcast v22, $0x0;
	[tilespmem:v21+s0+$0x0] =	vst.idx.msk $0xffff, v20  }
.LBB2_3:
0x408: {  	p1 =	sne.s32 s18, $0x1FF  }
0x409: {  	[tilespmem:v19+s0+$0x0] =	vst.idx.msk $0xffff, v17;
	s10 =	sadd.s32 $0x100, s10;
	s19 =	smov.u32 s18;
	s18 =	sadd.s32 $0x8, s18  }
0x40a: {  	v17 =	vld [tilespmem:s10+$0xFFFFFF80];
	v19 =	vadd.s32 v0, v18  }
0x40b: {  	s1 =	sadd.s32 $0xFFFFFFFA, s17;
	v18 =	vadd.s32 v2, v18;
	v20 =	vld [tilespmem:s10+$0xFFFFFF90]  }
0x40c: {  	v21 =	vmov s1  }
0x40d: {  	v21 =	vshrl.u32 v21, $0x3  }
0x40e: {  	v21 =	vshll.u32 v21, v1  }
0x40f: {  	[tilespmem:v19+s0+$0x0] =	vst.idx.msk $0xffff, v17;
	v17 =	vbroadcast v21, $0x0  }
0x410: {  	[tilespmem:v18+s0+$0x0] =	vst.idx.msk $0xffff, v20  }
0x411: {  	v18 =	vld [tilespmem:s10+$0xFFFFFFA0];
	v19 =	vadd.s32 v3, v17  }
0x412: {  	s1 =	sadd.s32 $0xFFFFFFFB, s17;
	v17 =	vadd.s32 v4, v17;
	v20 =	vld [tilespmem:s10+$0xFFFFFFB0]  }
0x413: {  	v21 =	vmov s1  }
0x414: {  	v21 =	vshrl.u32 v21, $0x3  }
0x415: {  	v21 =	vshll.u32 v21, v1  }
0x416: {  	[tilespmem:v19+s0+$0x0] =	vst.idx.msk $0xffff, v18;
	v18 =	vbroadcast v21, $0x0  }
0x417: {  	[tilespmem:v17+s0+$0x0] =	vst.idx.msk $0xffff, v20  }
0x418: {  	v17 =	vld [tilespmem:s10+$0xFFFFFFC0];
	v19 =	vadd.s32 v5, v18  }
0x419: {  	s1 =	sadd.s32 $0xFFFFFFFC, s17;
	v18 =	vadd.s32 v6, v18;
	v20 =	vld [tilespmem:s10+$0xFFFFFFD0]  }
0x41a: {  	v21 =	vmov s1  }
0x41b: {  	v21 =	vshrl.u32 v21, $0x3  }
0x41c: {  	v21 =	vshll.u32 v21, v1  }
0x41d: {  	[tilespmem:v19+s0+$0x0] =	vst.idx.msk $0xffff, v17;
	v17 =	vbroadcast v21, $0x0  }
0x41e: {  	[tilespmem:v18+s0+$0x0] =	vst.idx.msk $0xffff, v20  }
0x41f: {  	v18 =	vld [tilespmem:s10+$0xFFFFFFE0];
	v19 =	vadd.s32 v7, v17  }
0x420: {  	s1 =	sadd.s32 $0xFFFFFFFD, s17;
	v17 =	vadd.s32 v8, v17;
	v20 =	vld [tilespmem:s10+$0xFFFFFFF0]  }
0x421: {  	v21 =	vmov s1  }
0x422: {  	v21 =	vshrl.u32 v21, $0x3  }
0x423: {  	v21 =	vshll.u32 v21, v1  }
0x424: {  	[tilespmem:v19+s0+$0x0] =	vst.idx.msk $0xffff, v18;
	v18 =	vbroadcast v21, $0x0  }
0x425: {  	[tilespmem:v17+s0+$0x0] =	vst.idx.msk $0xffff, v20  }
0x426: {  	v17 =	vld [tilespmem:s10+$0x0];
	v19 =	vadd.s32 v9, v18  }
0x427: {  	s1 =	sadd.s32 $0xFFFFFFFE, s17;
	v18 =	vadd.s32 v10, v18;
	v20 =	vld [tilespmem:s10+$0x10]  }
0x428: {  	v21 =	vmov s1  }
0x429: {  	v21 =	vshrl.u32 v21, $0x3  }
0x42a: {  	v21 =	vshll.u32 v21, v1  }
0x42b: {  	[tilespmem:v19+s0+$0x0] =	vst.idx.msk $0xffff, v17;
	v17 =	vbroadcast v21, $0x0  }
0x42c: {  	[tilespmem:v18+s0+$0x0] =	vst.idx.msk $0xffff, v20  }
0x42d: {  	v18 =	vld [tilespmem:s10+$0x20];
	v19 =	vadd.s32 v11, v17  }
0x42e: {  	s1 =	sadd.s32 $0xFFFFFFFF, s17;
	v17 =	vadd.s32 v12, v17;
	v20 =	vld [tilespmem:s10+$0x30]  }
0x42f: {  	v21 =	vmov s1  }
0x430: {  	v21 =	vshrl.u32 v21, $0x3  }
0x431: {  	v21 =	vshll.u32 v21, v1  }
0x432: {  	[tilespmem:v19+s0+$0x0] =	vst.idx.msk $0xffff, v18;
	v18 =	vbroadcast v21, $0x0  }
0x433: {  	[tilespmem:v17+s0+$0x0] =	vst.idx.msk $0xffff, v20  }
0x434: {  	v17 =	vld [tilespmem:s10+$0x40];
	v19 =	vadd.s32 v13, v18  }
0x435: {  	v18 =	vadd.s32 v14, v18;
	v20 =	vld [tilespmem:s10+$0x50]  }
0x436: {  	v21 =	vmov s17;
	s17 =	smov.u32 s19  }
0x437: {  	v21 =	vshrl.u32 v21, $0x3  }
0x438: {  	v21 =	vshll.u32 v21, v1  }
0x439: {  	[tilespmem:v19+s0+$0x0] =	vst.idx.msk $0xffff, v17;
	v19 =	vbroadcast v21, $0x0  }
0x43a: {  	[tilespmem:v18+s0+$0x0] =	vst.idx.msk $0xffff, v20  }
0x43b: {  	v20 =	vld [tilespmem:s10+$0x60];
	v21 =	vadd.s32 v15, v19  }
.Ltmp15:
0x43c: {  	s1 =	sadd.s32 $0xFFFFFFF9, s17;
	v19 =	vadd.s32 v16, v19;
	v17 =	vld [tilespmem:s10+$0x70];
	(pc) =	sbr.rel @p1 .LBB2_3-.Ltmp15, $4  }
0x43d: {  	v18 =	vmov s1  }
0x43e: {  	v18 =	vshrl.u32 v18, $0x3  }
0x43f: {  	v18 =	vshll.u32 v18, v1  }
0x440: {  	v18 =	vbroadcast v18, $0x0;
	[tilespmem:v21+s0+$0x0] =	vst.idx.msk $0xffff, v20  }
0x441: {  	_ =	sdelay $0x3  }
0x442: {  	[tilespmem:v19+s0+$0x0] =	vst.idx.msk $0xffff, v17;
	s9 =	sadd.s32 $0x100, s10  }
0x443: {  	v17 =	vld [tilespmem:s9+$0xFFFFFF80];
	v19 =	vadd.s32 v0, v18  }
0x444: {  	s1 =	sadd.s32 $0xFFFFFFFA, s17;
	v20 =	vld [tilespmem:s9+$0xFFFFFF90];
	v18 =	vadd.s32 v2, v18  }
0x445: {  	v21 =	vmov s1  }
0x446: {  	v21 =	vshrl.u32 v21, $0x3  }
0x447: {  	v21 =	vshll.u32 v21, v1  }
0x448: {  	[tilespmem:v19+s0+$0x0] =	vst.idx.msk $0xffff, v17;
	v17 =	vbroadcast v21, $0x0  }
0x449: {  	[tilespmem:v18+s0+$0x0] =	vst.idx.msk $0xffff, v20  }
0x44a: {  	v18 =	vld [tilespmem:s9+$0xFFFFFFA0];
	v19 =	vadd.s32 v3, v17  }
0x44b: {  	s24 =	sadd.s32 $0xFFFFFFFB, s17;
	v20 =	vld [tilespmem:s9+$0xFFFFFFB0];
	v17 =	vadd.s32 v4, v17  }
0x44c: {  	v58 =	vmov s24  }
0x44d: {  	v21 =	vshrl.u32 v58, $0x3  }
0x44e: {  	v21 =	vshll.u32 v21, v1  }
0x44f: {  	[tilespmem:v19+s0+$0x0] =	vst.idx.msk $0xffff, v18;
	v18 =	vbroadcast v21, $0x0  }
0x450: {  	[tilespmem:v17+s0+$0x0] =	vst.idx.msk $0xffff, v20  }
0x451: {  	v17 =	vld [tilespmem:s9+$0xFFFFFFC0];
	v19 =	vadd.s32 v5, v18  }
0x452: {  	s10 =	sadd.s32 $0xFFFFFFFC, s17;
	v20 =	vld [tilespmem:s9+$0xFFFFFFD0];
	v18 =	vadd.s32 v6, v18  }
0x453: {  	v59 =	vmov s10  }
0x454: {  	v21 =	vshrl.u32 v59, $0x3  }
0x455: {  	v21 =	vshll.u32 v21, v1  }
0x456: {  	[tilespmem:v19+s0+$0x0] =	vst.idx.msk $0xffff, v17;
	v17 =	vbroadcast v21, $0x0  }
0x457: {  	[tilespmem:v18+s0+$0x0] =	vst.idx.msk $0xffff, v20  }
0x458: {  	v18 =	vld [tilespmem:s9+$0xFFFFFFE0];
	v19 =	vadd.s32 v7, v17  }
0x459: {  	s18 =	sadd.s32 $0xFFFFFFFD, s17;
	v20 =	vld [tilespmem:s9+$0xFFFFFFF0];
	v17 =	vadd.s32 v8, v17  }
0x45a: {  	v60 =	vmov s18  }
0x45b: {  	v21 =	vshrl.u32 v60, $0x3  }
0x45c: {  	v21 =	vshll.u32 v21, v1  }
0x45d: {  	[tilespmem:v19+s0+$0x0] =	vst.idx.msk $0xffff, v18;
	v18 =	vbroadcast v21, $0x0  }
0x45e: {  	[tilespmem:v17+s0+$0x0] =	vst.idx.msk $0xffff, v20  }
0x45f: {  	v17 =	vld [tilespmem:s9+$0x0];
	v19 =	vadd.s32 v9, v18  }
0x460: {  	s19 =	sadd.s32 $0xFFFFFFFE, s17;
	v20 =	vld [tilespmem:s9+$0x10];
	v18 =	vadd.s32 v10, v18  }
0x461: {  	v61 =	vmov s19  }
0x462: {  	v21 =	vshrl.u32 v61, $0x3  }
0x463: {  	v21 =	vshll.u32 v21, v1  }
0x464: {  	[tilespmem:v19+s0+$0x0] =	vst.idx.msk $0xffff, v17;
	v17 =	vbroadcast v21, $0x0  }
0x465: {  	[tilespmem:v18+s0+$0x0] =	vst.idx.msk $0xffff, v20  }
0x466: {  	v18 =	vld [tilespmem:s9+$0x20];
	v19 =	vadd.s32 v11, v17  }
0x467: {  	s24 =	sadd.s32 $0xFFFFFFFF, s17;
	v20 =	vld [tilespmem:s9+$0x30];
	v17 =	vadd.s32 v12, v17  }
0x468: {  	v62 =	vmov s24  }
0x469: {  	v21 =	vshrl.u32 v62, $0x3  }
0x46a: {  	v21 =	vshll.u32 v21, v1  }
0x46b: {  	[tilespmem:v19+s0+$0x0] =	vst.idx.msk $0xffff, v18;
	v18 =	vbroadcast v21, $0x0  }
0x46c: {  	[tilespmem:v17+s0+$0x0] =	vst.idx.msk $0xffff, v20  }
0x46d: {  	v17 =	vld [tilespmem:s9+$0x40];
	v19 =	vadd.s32 v13, v18  }
0x46e: {  	v20 =	vld [tilespmem:s9+$0x50];
	v18 =	vadd.s32 v14, v18  }
0x46f: {  	v63 =	vmov s17  }
0x470: {  	v21 =	vshrl.u32 v63, $0x3  }
0x471: {  	v21 =	vshll.u32 v21, v1  }
0x472: {  	[tilespmem:v19+s0+$0x0] =	vst.idx.msk $0xffff, v17;
	v17 =	vbroadcast v21, $0x0  }
0x473: {  	[tilespmem:v18+s0+$0x0] =	vst.idx.msk $0xffff, v20  }
0x474: {  	v18 =	vld [tilespmem:s9+$0x60];
	v19 =	vadd.s32 v15, v17  }
0x475: {  	v20 =	vld [tilespmem:s9+$0x70];
	v17 =	vadd.s32 v16, v17;
	_ =	sdelay $0x3  }
0x476: {  	s10 =	simm.s32 $0x0;
	s17 =	simm.s32 $0x200;
	[tilespmem:v19+s0+$0x0] =	vst.idx.msk $0xffff, v18  }
0x477: {  	s19 =	sadd.s32 $0x0, s11;
	s18 =	simm.s32 $0x8608;
	s9 =	simm.s32 $0x8400;
	[tilespmem:v17+s0+$0x0] =	vst.idx.msk $0xffff, v20  }
.LBB2_5:
0x478: {  	[hbm4b:s19+s10] =	stream.linear.scatter [tilespmem:s9], [sflag:$0x5], $0x200, $0x38;
	[tilespmem:$0xC500] =	vst v63  }
0x479: {  	s1 =	smov.u32 s17;
	s9 =	smov.u32 s18;
	p1 =	sne.s32 s17, $0x3E00  }
.Ltmp16:
0x47a: {  	s17 =	sadd.s32 $0x200, s17;
	(pc) =	sbr.rel @p1 .LBB2_5-.Ltmp16, $2  }
0x47b: {  	_ =	sdelay $0x2  }
0x47c: {  	s18 =	sadd.s32 $0x208, s18;
	s19 =	sadd.s32 s1, s11  }
0x47d: {  	[hbm4b:s19+s10] =	stream.linear.scatter [tilespmem:s9], [sflag:$0x5], $0x200, $0x38;
	[tilespmem:$0xC500] =	vst v63  }
.LBB2_7:
0x47e: {  	_ =	swait.ge [sflag:s3], $0x4000  }
0x47f: {  	[sflag:s3] =	ssyncset.done $0x0  }
0x480: {  	[sflag:s3] =	ssyncadd.s32 $0xFFFFC000  }
0x481: {  	_ =	swait.ge [sflag:s26], $0x200  }
0x482: {  	s17 =	sshll.u32 s10, $0x1;
	[sflag:s26] =	ssyncset.done $0x0  }
0x483: {  	s1 =	sadd.s32 s17, s13;
	[sflag:s26] =	ssyncadd.s32 $0xFFFFFE00  }
0x484: {  	[tilespmem:s28], [sflag:$0x3] =	stream.indirect.gather [hbm4b:s4+s25], $0x20, s2, s25, $0xb8;
	[tilespmem:$0xC500] =	vst v63  }
0x485: {  	s9 =	simm.s32 $0x0;
	s1 =	sshll.u32 s1, $0x6;
	s18 =	rddreg [dreg:$0x1]  }
0x486: {  	v17 =	vmov s9;
	s1 =	sadd.s32 s18, s1  }
0x487: {  	v17 =	vshrl.u32 v17, $0x3;
	[tilespmem:s25], [sflag:$0x2] =	stream.linear.gather [hbm4b:s1+s2], $0x200, $0x38;
	[tilespmem:$0xC500] =	vst v63  }
0x488: {  	v17 =	vshll.u32 v17, v1;
	_ =	swait.ge [sflag:s7], $0x4000  }
0x489: {  	v17 =	vbroadcast v17, $0x0;
	[sflag:s7] =	ssyncset.done $0x0  }
0x48a: {  	s18 =	simm.s32 $0x4480;
	[sflag:s7] =	ssyncadd.s32 $0xFFFFC000  }
0x48b: {  	v19 =	vadd.s32 v0, v17;
	v18 =	vld [tilespmem:s18+$0xFFFFFF80]  }
0x48c: {  	s19 =	simm.s32 $0x1;
	v17 =	vadd.s32 v2, v17;
	v20 =	vld [tilespmem:s18+$0xFFFFFF90]  }
0x48d: {  	v21 =	vmov s19  }
0x48e: {  	v21 =	vshrl.u32 v21, $0x3  }
0x48f: {  	v21 =	vshll.u32 v21, v1  }
0x490: {  	[tilespmem:v19+s0+$0x0] =	vst.idx.msk $0xffff, v18;
	v18 =	vbroadcast v21, $0x0  }
0x491: {  	[tilespmem:v17+s0+$0x0] =	vst.idx.msk $0xffff, v20  }
0x492: {  	v17 =	vld [tilespmem:s18+$0xFFFFFFA0];
	v19 =	vadd.s32 v3, v18  }
0x493: {  	s24 =	simm.s32 $0x2;
	v20 =	vld [tilespmem:s18+$0xFFFFFFB0];
	v18 =	vadd.s32 v4, v18  }
0x494: {  	v58 =	vmov s24  }
0x495: {  	v21 =	vshrl.u32 v58, $0x3  }
0x496: {  	v21 =	vshll.u32 v21, v1  }
0x497: {  	[tilespmem:v19+s0+$0x0] =	vst.idx.msk $0xffff, v17;
	v17 =	vbroadcast v21, $0x0  }
0x498: {  	[tilespmem:v18+s0+$0x0] =	vst.idx.msk $0xffff, v20  }
0x499: {  	v18 =	vld [tilespmem:s18+$0xFFFFFFC0];
	v19 =	vadd.s32 v5, v17  }
0x49a: {  	s9 =	simm.s32 $0x3;
	v20 =	vld [tilespmem:s18+$0xFFFFFFD0];
	v17 =	vadd.s32 v6, v17  }
0x49b: {  	v59 =	vmov s9  }
0x49c: {  	v21 =	vshrl.u32 v59, $0x3  }
0x49d: {  	v21 =	vshll.u32 v21, v1  }
0x49e: {  	[tilespmem:v19+s0+$0x0] =	vst.idx.msk $0xffff, v18;
	v18 =	vbroadcast v21, $0x0  }
0x49f: {  	[tilespmem:v17+s0+$0x0] =	vst.idx.msk $0xffff, v20  }
0x4a0: {  	v17 =	vld [tilespmem:s18+$0xFFFFFFE0];
	v19 =	vadd.s32 v7, v18  }
0x4a1: {  	s19 =	simm.s32 $0x4;
	v20 =	vld [tilespmem:s18+$0xFFFFFFF0];
	v18 =	vadd.s32 v8, v18  }
0x4a2: {  	v60 =	vmov s19  }
0x4a3: {  	v21 =	vshrl.u32 v60, $0x3  }
0x4a4: {  	v21 =	vshll.u32 v21, v1  }
0x4a5: {  	[tilespmem:v19+s0+$0x0] =	vst.idx.msk $0xffff, v17;
	v17 =	vbroadcast v21, $0x0  }
0x4a6: {  	[tilespmem:v18+s0+$0x0] =	vst.idx.msk $0xffff, v20  }
0x4a7: {  	v18 =	vld [tilespmem:s18+$0x0];
	v19 =	vadd.s32 v9, v17  }
0x4a8: {  	s24 =	simm.s32 $0x5;
	v20 =	vld [tilespmem:s18+$0x10];
	v17 =	vadd.s32 v10, v17  }
0x4a9: {  	v61 =	vmov s24  }
0x4aa: {  	v21 =	vshrl.u32 v61, $0x3  }
0x4ab: {  	v21 =	vshll.u32 v21, v1  }
0x4ac: {  	[tilespmem:v19+s0+$0x0] =	vst.idx.msk $0xffff, v18;
	v18 =	vbroadcast v21, $0x0  }
0x4ad: {  	[tilespmem:v17+s0+$0x0] =	vst.idx.msk $0xffff, v20  }
0x4ae: {  	v17 =	vld [tilespmem:s18+$0x20];
	v19 =	vadd.s32 v11, v18  }
0x4af: {  	s9 =	simm.s32 $0x6;
	v20 =	vld [tilespmem:s18+$0x30];
	v18 =	vadd.s32 v12, v18  }
0x4b0: {  	v62 =	vmov s9  }
0x4b1: {  	v21 =	vshrl.u32 v62, $0x3  }
0x4b2: {  	v21 =	vshll.u32 v21, v1  }
0x4b3: {  	[tilespmem:v19+s0+$0x0] =	vst.idx.msk $0xffff, v17;
	v17 =	vbroadcast v21, $0x0  }
0x4b4: {  	[tilespmem:v18+s0+$0x0] =	vst.idx.msk $0xffff, v20  }
0x4b5: {  	v18 =	vld [tilespmem:s18+$0x40];
	v19 =	vadd.s32 v13, v17  }
0x4b6: {  	s19 =	simm.s32 $0x7;
	v20 =	vld [tilespmem:s18+$0x50];
	v17 =	vadd.s32 v14, v17  }
0x4b7: {  	v63 =	vmov s19  }
0x4b8: {  	v21 =	vshrl.u32 v63, $0x3  }
0x4b9: {  	v21 =	vshll.u32 v21, v1  }
0x4ba: {  	[tilespmem:v19+s0+$0x0] =	vst.idx.msk $0xffff, v18;
	v18 =	vbroadcast v21, $0x0  }
0x4bb: {  	s24 =	simm.s32 $0x8;
	[tilespmem:v17+s0+$0x0] =	vst.idx.msk $0xffff, v20  }
0x4bc: {  	v17 =	vmov s24;
	v20 =	vld [tilespmem:s18+$0x60];
	v21 =	vadd.s32 v15, v18  }
0x4bd: {  	v19 =	vshrl.u32 v17, $0x3  }
0x4be: {  	v17 =	vld [tilespmem:s18+$0x70];
	v22 =	vshll.u32 v19, v1;
	v19 =	vadd.s32 v16, v18;
	_ =	sdelay $0x2  }
0x4bf: {  	s19 =	simm.s32 $0xF;
	s24 =	simm.s32 $0x17;
	v18 =	vbroadcast v22, $0x0;
	[tilespmem:v21+s0+$0x0] =	vst.idx.msk $0xffff, v20  }
.LBB2_8:
0x4c0: {  	p1 =	sne.s32 s24, $0x1FF  }
0x4c1: {  	[tilespmem:v19+s0+$0x0] =	vst.idx.msk $0xffff, v17;
	s18 =	sadd.s32 $0x100, s18;
	s9 =	smov.u32 s24;
	s24 =	sadd.s32 $0x8, s24  }
0x4c2: {  	v17 =	vld [tilespmem:s18+$0xFFFFFF80];
	v19 =	vadd.s32 v0, v18  }
0x4c3: {  	s1 =	sadd.s32 $0xFFFFFFFA, s19;
	v18 =	vadd.s32 v2, v18;
	v20 =	vld [tilespmem:s18+$0xFFFFFF90]  }
0x4c4: {  	v21 =	vmov s1  }
0x4c5: {  	v21 =	vshrl.u32 v21, $0x3  }
0x4c6: {  	v21 =	vshll.u32 v21, v1  }
0x4c7: {  	[tilespmem:v19+s0+$0x0] =	vst.idx.msk $0xffff, v17;
	v17 =	vbroadcast v21, $0x0  }
0x4c8: {  	[tilespmem:v18+s0+$0x0] =	vst.idx.msk $0xffff, v20  }
0x4c9: {  	v18 =	vld [tilespmem:s18+$0xFFFFFFA0];
	v19 =	vadd.s32 v3, v17  }
0x4ca: {  	s1 =	sadd.s32 $0xFFFFFFFB, s19;
	v17 =	vadd.s32 v4, v17;
	v20 =	vld [tilespmem:s18+$0xFFFFFFB0]  }
0x4cb: {  	v21 =	vmov s1  }
0x4cc: {  	v21 =	vshrl.u32 v21, $0x3  }
0x4cd: {  	v21 =	vshll.u32 v21, v1  }
0x4ce: {  	[tilespmem:v19+s0+$0x0] =	vst.idx.msk $0xffff, v18;
	v18 =	vbroadcast v21, $0x0  }
0x4cf: {  	[tilespmem:v17+s0+$0x0] =	vst.idx.msk $0xffff, v20  }
0x4d0: {  	v17 =	vld [tilespmem:s18+$0xFFFFFFC0];
	v19 =	vadd.s32 v5, v18  }
0x4d1: {  	s1 =	sadd.s32 $0xFFFFFFFC, s19;
	v18 =	vadd.s32 v6, v18;
	v20 =	vld [tilespmem:s18+$0xFFFFFFD0]  }
0x4d2: {  	v21 =	vmov s1  }
0x4d3: {  	v21 =	vshrl.u32 v21, $0x3  }
0x4d4: {  	v21 =	vshll.u32 v21, v1  }
0x4d5: {  	[tilespmem:v19+s0+$0x0] =	vst.idx.msk $0xffff, v17;
	v17 =	vbroadcast v21, $0x0  }
0x4d6: {  	[tilespmem:v18+s0+$0x0] =	vst.idx.msk $0xffff, v20  }
0x4d7: {  	v18 =	vld [tilespmem:s18+$0xFFFFFFE0];
	v19 =	vadd.s32 v7, v17  }
0x4d8: {  	s1 =	sadd.s32 $0xFFFFFFFD, s19;
	v17 =	vadd.s32 v8, v17;
	v20 =	vld [tilespmem:s18+$0xFFFFFFF0]  }
0x4d9: {  	v21 =	vmov s1  }
0x4da: {  	v21 =	vshrl.u32 v21, $0x3  }
0x4db: {  	v21 =	vshll.u32 v21, v1  }
0x4dc: {  	[tilespmem:v19+s0+$0x0] =	vst.idx.msk $0xffff, v18;
	v18 =	vbroadcast v21, $0x0  }
0x4dd: {  	[tilespmem:v17+s0+$0x0] =	vst.idx.msk $0xffff, v20  }
0x4de: {  	v17 =	vld [tilespmem:s18+$0x0];
	v19 =	vadd.s32 v9, v18  }
0x4df: {  	s1 =	sadd.s32 $0xFFFFFFFE, s19;
	v18 =	vadd.s32 v10, v18;
	v20 =	vld [tilespmem:s18+$0x10]  }
0x4e0: {  	v21 =	vmov s1  }
0x4e1: {  	v21 =	vshrl.u32 v21, $0x3  }
0x4e2: {  	v21 =	vshll.u32 v21, v1  }
0x4e3: {  	[tilespmem:v19+s0+$0x0] =	vst.idx.msk $0xffff, v17;
	v17 =	vbroadcast v21, $0x0  }
0x4e4: {  	[tilespmem:v18+s0+$0x0] =	vst.idx.msk $0xffff, v20  }
0x4e5: {  	v18 =	vld [tilespmem:s18+$0x20];
	v19 =	vadd.s32 v11, v17  }
0x4e6: {  	s1 =	sadd.s32 $0xFFFFFFFF, s19;
	v17 =	vadd.s32 v12, v17;
	v20 =	vld [tilespmem:s18+$0x30]  }
0x4e7: {  	v21 =	vmov s1  }
0x4e8: {  	v21 =	vshrl.u32 v21, $0x3  }
0x4e9: {  	v21 =	vshll.u32 v21, v1  }
0x4ea: {  	[tilespmem:v19+s0+$0x0] =	vst.idx.msk $0xffff, v18;
	v18 =	vbroadcast v21, $0x0  }
0x4eb: {  	[tilespmem:v17+s0+$0x0] =	vst.idx.msk $0xffff, v20  }
0x4ec: {  	v17 =	vld [tilespmem:s18+$0x40];
	v19 =	vadd.s32 v13, v18  }
0x4ed: {  	v18 =	vadd.s32 v14, v18;
	v20 =	vld [tilespmem:s18+$0x50]  }
0x4ee: {  	v21 =	vmov s19;
	s19 =	smov.u32 s9  }
0x4ef: {  	v21 =	vshrl.u32 v21, $0x3  }
0x4f0: {  	v21 =	vshll.u32 v21, v1  }
0x4f1: {  	[tilespmem:v19+s0+$0x0] =	vst.idx.msk $0xffff, v17;
	v19 =	vbroadcast v21, $0x0  }
0x4f2: {  	[tilespmem:v18+s0+$0x0] =	vst.idx.msk $0xffff, v20  }
0x4f3: {  	v20 =	vld [tilespmem:s18+$0x60];
	v21 =	vadd.s32 v15, v19  }
.Ltmp17:
0x4f4: {  	s1 =	sadd.s32 $0xFFFFFFF9, s19;
	v19 =	vadd.s32 v16, v19;
	v17 =	vld [tilespmem:s18+$0x70];
	(pc) =	sbr.rel @p1 .LBB2_8-.Ltmp17, $4  }
0x4f5: {  	v18 =	vmov s1  }
0x4f6: {  	v18 =	vshrl.u32 v18, $0x3  }
0x4f7: {  	v18 =	vshll.u32 v18, v1  }
0x4f8: {  	v18 =	vbroadcast v18, $0x0;
	[tilespmem:v21+s0+$0x0] =	vst.idx.msk $0xffff, v20  }
0x4f9: {  	_ =	sdelay $0x3  }
0x4fa: {  	[tilespmem:v19+s0+$0x0] =	vst.idx.msk $0xffff, v17;
	s9 =	sadd.s32 $0x100, s18  }
0x4fb: {  	v17 =	vld [tilespmem:s9+$0xFFFFFF80];
	v19 =	vadd.s32 v0, v18  }
0x4fc: {  	s1 =	sadd.s32 $0xFFFFFFFA, s19;
	v20 =	vld [tilespmem:s9+$0xFFFFFF90];
	v18 =	vadd.s32 v2, v18  }
0x4fd: {  	v21 =	vmov s1  }
0x4fe: {  	v21 =	vshrl.u32 v21, $0x3  }
0x4ff: {  	v21 =	vshll.u32 v21, v1  }
0x500: {  	[tilespmem:v19+s0+$0x0] =	vst.idx.msk $0xffff, v17;
	v17 =	vbroadcast v21, $0x0  }
0x501: {  	[tilespmem:v18+s0+$0x0] =	vst.idx.msk $0xffff, v20  }
0x502: {  	v18 =	vld [tilespmem:s9+$0xFFFFFFA0];
	v19 =	vadd.s32 v3, v17  }
0x503: {  	s18 =	sadd.s32 $0xFFFFFFFB, s19;
	v20 =	vld [tilespmem:s9+$0xFFFFFFB0];
	v17 =	vadd.s32 v4, v17  }
0x504: {  	v58 =	vmov s18  }
0x505: {  	v21 =	vshrl.u32 v58, $0x3  }
0x506: {  	v21 =	vshll.u32 v21, v1  }
0x507: {  	[tilespmem:v19+s0+$0x0] =	vst.idx.msk $0xffff, v18;
	v18 =	vbroadcast v21, $0x0  }
0x508: {  	[tilespmem:v17+s0+$0x0] =	vst.idx.msk $0xffff, v20  }
0x509: {  	v17 =	vld [tilespmem:s9+$0xFFFFFFC0];
	v19 =	vadd.s32 v5, v18  }
0x50a: {  	s24 =	sadd.s32 $0xFFFFFFFC, s19;
	v20 =	vld [tilespmem:s9+$0xFFFFFFD0];
	v18 =	vadd.s32 v6, v18  }
0x50b: {  	v59 =	vmov s24  }
0x50c: {  	v21 =	vshrl.u32 v59, $0x3  }
0x50d: {  	v21 =	vshll.u32 v21, v1  }
0x50e: {  	[tilespmem:v19+s0+$0x0] =	vst.idx.msk $0xffff, v17;
	v17 =	vbroadcast v21, $0x0  }
0x50f: {  	[tilespmem:v18+s0+$0x0] =	vst.idx.msk $0xffff, v20  }
0x510: {  	v18 =	vld [tilespmem:s9+$0xFFFFFFE0];
	v19 =	vadd.s32 v7, v17  }
0x511: {  	s18 =	sadd.s32 $0xFFFFFFFD, s19;
	v20 =	vld [tilespmem:s9+$0xFFFFFFF0];
	v17 =	vadd.s32 v8, v17  }
0x512: {  	v60 =	vmov s18  }
0x513: {  	v21 =	vshrl.u32 v60, $0x3  }
0x514: {  	v21 =	vshll.u32 v21, v1  }
0x515: {  	[tilespmem:v19+s0+$0x0] =	vst.idx.msk $0xffff, v18;
	v18 =	vbroadcast v21, $0x0  }
0x516: {  	[tilespmem:v17+s0+$0x0] =	vst.idx.msk $0xffff, v20  }
0x517: {  	v17 =	vld [tilespmem:s9+$0x0];
	v19 =	vadd.s32 v9, v18  }
0x518: {  	s24 =	sadd.s32 $0xFFFFFFFE, s19;
	v20 =	vld [tilespmem:s9+$0x10];
	v18 =	vadd.s32 v10, v18  }
0x519: {  	v61 =	vmov s24  }
0x51a: {  	v21 =	vshrl.u32 v61, $0x3  }
0x51b: {  	v21 =	vshll.u32 v21, v1  }
0x51c: {  	[tilespmem:v19+s0+$0x0] =	vst.idx.msk $0xffff, v17;
	v17 =	vbroadcast v21, $0x0  }
0x51d: {  	[tilespmem:v18+s0+$0x0] =	vst.idx.msk $0xffff, v20  }
0x51e: {  	v18 =	vld [tilespmem:s9+$0x20];
	v19 =	vadd.s32 v11, v17  }
0x51f: {  	s18 =	sadd.s32 $0xFFFFFFFF, s19;
	v20 =	vld [tilespmem:s9+$0x30];
	v17 =	vadd.s32 v12, v17  }
0x520: {  	v62 =	vmov s18  }
0x521: {  	v21 =	vshrl.u32 v62, $0x3  }
0x522: {  	v21 =	vshll.u32 v21, v1  }
0x523: {  	[tilespmem:v19+s0+$0x0] =	vst.idx.msk $0xffff, v18;
	v18 =	vbroadcast v21, $0x0  }
0x524: {  	[tilespmem:v17+s0+$0x0] =	vst.idx.msk $0xffff, v20  }
0x525: {  	v17 =	vld [tilespmem:s9+$0x40];
	v19 =	vadd.s32 v13, v18  }
0x526: {  	v20 =	vld [tilespmem:s9+$0x50];
	v18 =	vadd.s32 v14, v18  }
0x527: {  	v63 =	vmov s19  }
0x528: {  	v21 =	vshrl.u32 v63, $0x3  }
0x529: {  	v21 =	vshll.u32 v21, v1  }
0x52a: {  	[tilespmem:v19+s0+$0x0] =	vst.idx.msk $0xffff, v17;
	v17 =	vbroadcast v21, $0x0  }
0x52b: {  	[tilespmem:v18+s0+$0x0] =	vst.idx.msk $0xffff, v20  }
0x52c: {  	s19 =	sadd.s32 s17, s8;
	v18 =	vld [tilespmem:s9+$0x60];
	v19 =	vadd.s32 v15, v17  }
0x52d: {  	s1 =	sadd.s32 $0x1, s19;
	v20 =	vld [tilespmem:s9+$0x70];
	v17 =	vadd.s32 v16, v17  }
0x52e: {  	s24 =	sshll.u32 s1, $0x6  }
0x52f: {  	s1 =	sshll.u32 s1, $0xB;
	s9 =	sand.u32 $0x1C0, s24  }
0x530: {  	s1 =	sand.u32 $0x1FC000, s1;
	s9 =	sadd.s32 s6, s9  }
0x531: {  	s18 =	simm.s32 $0x8400;
	s9 =	sadd.s32 s1, s9;
	[tilespmem:v19+s0+$0x0] =	vst.idx.msk $0xffff, v18  }
0x532: {  	s19 =	simm.s32 $0x200;
	s24 =	simm.s32 $0x8608;
	s1 =	sadd.s32 $0x0, s9;
	[tilespmem:v17+s0+$0x0] =	vst.idx.msk $0xffff, v20  }
.LBB2_10:
0x533: {  	[hbm4b:s1+s2] =	stream.linear.scatter [tilespmem:s18], [sflag:$0x5], $0x200, $0x38;
	[tilespmem:$0xC500] =	vst v63  }
0x534: {  	s1 =	smov.u32 s19;
	s18 =	smov.u32 s24;
	p1 =	sne.s32 s19, $0x3E00  }
.Ltmp18:
0x535: {  	s19 =	sadd.s32 $0x200, s19;
	(pc) =	sbr.rel @p1 .LBB2_10-.Ltmp18, $2  }
0x536: {  	_ =	sdelay $0x2  }
0x537: {  	s24 =	sadd.s32 $0x208, s24;
	s1 =	sadd.s32 s1, s9  }
0x538: {  	[hbm4b:s1+s2] =	stream.linear.scatter [tilespmem:s18], [sflag:$0x5], $0x200, $0x38;
	[tilespmem:$0xC500] =	vst v63  }
0x539: {  	_ =	swait.ge [sflag:s29], $0x4000  }
0x53a: {  	[sflag:s29] =	ssyncset.done $0x0  }
0x53b: {  	[sflag:s29] =	ssyncadd.s32 $0xFFFFC000  }
0x53c: {  	_ =	swait.ge [sflag:s30], $0x200  }
0x53d: {  	[sflag:s30] =	ssyncset.done $0x0  }
0x53e: {  	s19 =	sadd.s32 s17, s14;
	[sflag:s30] =	ssyncadd.s32 $0xFFFFFE00  }
0x53f: {  	[tilespmem:s31], [sflag:$0x4] =	stream.indirect.gather [hbm4b:s4+s25], $0x20, s25, s25, $0xb8;
	[tilespmem:$0xC500] =	vst v63  }
0x540: {  	s9 =	simm.s32 $0x0;
	s1 =	sshll.u32 s19, $0x6;
	s24 =	rddreg [dreg:$0x1]  }
0x541: {  	v17 =	vmov s9;
	s1 =	sadd.s32 s24, s1  }
0x542: {  	v17 =	vshrl.u32 v17, $0x3;
	[tilespmem:s2], [sflag:$0x1] =	stream.linear.gather [hbm4b:s1+s2], $0x200, $0x38;
	[tilespmem:$0xC500] =	vst v63  }
0x543: {  	v17 =	vshll.u32 v17, v1;
	_ =	swait.ge [sflag:s7], $0x4000  }
0x544: {  	v17 =	vbroadcast v17, $0x0;
	[sflag:s7] =	ssyncset.done $0x0  }
0x545: {  	s18 =	simm.s32 $0x480;
	[sflag:s7] =	ssyncadd.s32 $0xFFFFC000  }
0x546: {  	v19 =	vadd.s32 v0, v17;
	v18 =	vld [tilespmem:s18+$0xFFFFFF80]  }
0x547: {  	s19 =	simm.s32 $0x1;
	v17 =	vadd.s32 v2, v17;
	v20 =	vld [tilespmem:s18+$0xFFFFFF90]  }
0x548: {  	v21 =	vmov s19  }
0x549: {  	v21 =	vshrl.u32 v21, $0x3  }
0x54a: {  	v21 =	vshll.u32 v21, v1  }
0x54b: {  	[tilespmem:v19+s0+$0x0] =	vst.idx.msk $0xffff, v18;
	v18 =	vbroadcast v21, $0x0  }
0x54c: {  	[tilespmem:v17+s0+$0x0] =	vst.idx.msk $0xffff, v20  }
0x54d: {  	v17 =	vld [tilespmem:s18+$0xFFFFFFA0];
	v19 =	vadd.s32 v3, v18  }
0x54e: {  	s24 =	simm.s32 $0x2;
	v20 =	vld [tilespmem:s18+$0xFFFFFFB0];
	v18 =	vadd.s32 v4, v18  }
0x54f: {  	v58 =	vmov s24  }
0x550: {  	v21 =	vshrl.u32 v58, $0x3  }
0x551: {  	v21 =	vshll.u32 v21, v1  }
0x552: {  	[tilespmem:v19+s0+$0x0] =	vst.idx.msk $0xffff, v17;
	v17 =	vbroadcast v21, $0x0  }
0x553: {  	[tilespmem:v18+s0+$0x0] =	vst.idx.msk $0xffff, v20  }
0x554: {  	v18 =	vld [tilespmem:s18+$0xFFFFFFC0];
	v19 =	vadd.s32 v5, v17  }
0x555: {  	s9 =	simm.s32 $0x3;
	v20 =	vld [tilespmem:s18+$0xFFFFFFD0];
	v17 =	vadd.s32 v6, v17  }
0x556: {  	v59 =	vmov s9  }
0x557: {  	v21 =	vshrl.u32 v59, $0x3  }
0x558: {  	v21 =	vshll.u32 v21, v1  }
0x559: {  	[tilespmem:v19+s0+$0x0] =	vst.idx.msk $0xffff, v18;
	v18 =	vbroadcast v21, $0x0  }
0x55a: {  	[tilespmem:v17+s0+$0x0] =	vst.idx.msk $0xffff, v20  }
0x55b: {  	v17 =	vld [tilespmem:s18+$0xFFFFFFE0];
	v19 =	vadd.s32 v7, v18  }
0x55c: {  	s19 =	simm.s32 $0x4;
	v20 =	vld [tilespmem:s18+$0xFFFFFFF0];
	v18 =	vadd.s32 v8, v18  }
0x55d: {  	v60 =	vmov s19  }
0x55e: {  	v21 =	vshrl.u32 v60, $0x3  }
0x55f: {  	v21 =	vshll.u32 v21, v1  }
0x560: {  	[tilespmem:v19+s0+$0x0] =	vst.idx.msk $0xffff, v17;
	v17 =	vbroadcast v21, $0x0  }
0x561: {  	[tilespmem:v18+s0+$0x0] =	vst.idx.msk $0xffff, v20  }
0x562: {  	v18 =	vld [tilespmem:s18+$0x0];
	v19 =	vadd.s32 v9, v17  }
0x563: {  	s24 =	simm.s32 $0x5;
	v20 =	vld [tilespmem:s18+$0x10];
	v17 =	vadd.s32 v10, v17  }
0x564: {  	v61 =	vmov s24  }
0x565: {  	v21 =	vshrl.u32 v61, $0x3  }
0x566: {  	v21 =	vshll.u32 v21, v1  }
0x567: {  	[tilespmem:v19+s0+$0x0] =	vst.idx.msk $0xffff, v18;
	v18 =	vbroadcast v21, $0x0  }
0x568: {  	[tilespmem:v17+s0+$0x0] =	vst.idx.msk $0xffff, v20  }
0x569: {  	v17 =	vld [tilespmem:s18+$0x20];
	v19 =	vadd.s32 v11, v18  }
0x56a: {  	s9 =	simm.s32 $0x6;
	v20 =	vld [tilespmem:s18+$0x30];
	v18 =	vadd.s32 v12, v18  }
0x56b: {  	v62 =	vmov s9  }
0x56c: {  	v21 =	vshrl.u32 v62, $0x3  }
0x56d: {  	v21 =	vshll.u32 v21, v1  }
0x56e: {  	[tilespmem:v19+s0+$0x0] =	vst.idx.msk $0xffff, v17;
	v17 =	vbroadcast v21, $0x0  }
0x56f: {  	[tilespmem:v18+s0+$0x0] =	vst.idx.msk $0xffff, v20  }
0x570: {  	v18 =	vld [tilespmem:s18+$0x40];
	v19 =	vadd.s32 v13, v17  }
0x571: {  	s19 =	simm.s32 $0x7;
	v20 =	vld [tilespmem:s18+$0x50];
	v17 =	vadd.s32 v14, v17  }
0x572: {  	v63 =	vmov s19  }
0x573: {  	v21 =	vshrl.u32 v63, $0x3  }
0x574: {  	v21 =	vshll.u32 v21, v1  }
0x575: {  	[tilespmem:v19+s0+$0x0] =	vst.idx.msk $0xffff, v18;
	v18 =	vbroadcast v21, $0x0  }
0x576: {  	s24 =	simm.s32 $0x8;
	[tilespmem:v17+s0+$0x0] =	vst.idx.msk $0xffff, v20  }
0x577: {  	v17 =	vmov s24;
	v20 =	vld [tilespmem:s18+$0x60];
	v21 =	vadd.s32 v15, v18  }
0x578: {  	v19 =	vshrl.u32 v17, $0x3  }
0x579: {  	v17 =	vld [tilespmem:s18+$0x70];
	v22 =	vshll.u32 v19, v1;
	v19 =	vadd.s32 v16, v18;
	_ =	sdelay $0x2  }
0x57a: {  	s19 =	simm.s32 $0xF;
	s24 =	simm.s32 $0x17;
	v18 =	vbroadcast v22, $0x0;
	[tilespmem:v21+s0+$0x0] =	vst.idx.msk $0xffff, v20  }
.LBB2_12:
0x57b: {  	p1 =	sne.s32 s24, $0x1FF  }
0x57c: {  	[tilespmem:v19+s0+$0x0] =	vst.idx.msk $0xffff, v17;
	s18 =	sadd.s32 $0x100, s18;
	s9 =	smov.u32 s24;
	s24 =	sadd.s32 $0x8, s24  }
0x57d: {  	v17 =	vld [tilespmem:s18+$0xFFFFFF80];
	v19 =	vadd.s32 v0, v18  }
0x57e: {  	s1 =	sadd.s32 $0xFFFFFFFA, s19;
	v18 =	vadd.s32 v2, v18;
	v20 =	vld [tilespmem:s18+$0xFFFFFF90]  }
0x57f: {  	v21 =	vmov s1  }
0x580: {  	v21 =	vshrl.u32 v21, $0x3  }
0x581: {  	v21 =	vshll.u32 v21, v1  }
0x582: {  	[tilespmem:v19+s0+$0x0] =	vst.idx.msk $0xffff, v17;
	v17 =	vbroadcast v21, $0x0  }
0x583: {  	[tilespmem:v18+s0+$0x0] =	vst.idx.msk $0xffff, v20  }
0x584: {  	v18 =	vld [tilespmem:s18+$0xFFFFFFA0];
	v19 =	vadd.s32 v3, v17  }
0x585: {  	s1 =	sadd.s32 $0xFFFFFFFB, s19;
	v17 =	vadd.s32 v4, v17;
	v20 =	vld [tilespmem:s18+$0xFFFFFFB0]  }
0x586: {  	v21 =	vmov s1  }
0x587: {  	v21 =	vshrl.u32 v21, $0x3  }
0x588: {  	v21 =	vshll.u32 v21, v1  }
0x589: {  	[tilespmem:v19+s0+$0x0] =	vst.idx.msk $0xffff, v18;
	v18 =	vbroadcast v21, $0x0  }
0x58a: {  	[tilespmem:v17+s0+$0x0] =	vst.idx.msk $0xffff, v20  }
0x58b: {  	v17 =	vld [tilespmem:s18+$0xFFFFFFC0];
	v19 =	vadd.s32 v5, v18  }
0x58c: {  	s1 =	sadd.s32 $0xFFFFFFFC, s19;
	v18 =	vadd.s32 v6, v18;
	v20 =	vld [tilespmem:s18+$0xFFFFFFD0]  }
0x58d: {  	v21 =	vmov s1  }
0x58e: {  	v21 =	vshrl.u32 v21, $0x3  }
0x58f: {  	v21 =	vshll.u32 v21, v1  }
0x590: {  	[tilespmem:v19+s0+$0x0] =	vst.idx.msk $0xffff, v17;
	v17 =	vbroadcast v21, $0x0  }
0x591: {  	[tilespmem:v18+s0+$0x0] =	vst.idx.msk $0xffff, v20  }
0x592: {  	v18 =	vld [tilespmem:s18+$0xFFFFFFE0];
	v19 =	vadd.s32 v7, v17  }
0x593: {  	s1 =	sadd.s32 $0xFFFFFFFD, s19;
	v17 =	vadd.s32 v8, v17;
	v20 =	vld [tilespmem:s18+$0xFFFFFFF0]  }
0x594: {  	v21 =	vmov s1  }
0x595: {  	v21 =	vshrl.u32 v21, $0x3  }
0x596: {  	v21 =	vshll.u32 v21, v1  }
0x597: {  	[tilespmem:v19+s0+$0x0] =	vst.idx.msk $0xffff, v18;
	v18 =	vbroadcast v21, $0x0  }
0x598: {  	[tilespmem:v17+s0+$0x0] =	vst.idx.msk $0xffff, v20  }
0x599: {  	v17 =	vld [tilespmem:s18+$0x0];
	v19 =	vadd.s32 v9, v18  }
0x59a: {  	s1 =	sadd.s32 $0xFFFFFFFE, s19;
	v18 =	vadd.s32 v10, v18;
	v20 =	vld [tilespmem:s18+$0x10]  }
0x59b: {  	v21 =	vmov s1  }
0x59c: {  	v21 =	vshrl.u32 v21, $0x3  }
0x59d: {  	v21 =	vshll.u32 v21, v1  }
0x59e: {  	[tilespmem:v19+s0+$0x0] =	vst.idx.msk $0xffff, v17;
	v17 =	vbroadcast v21, $0x0  }
0x59f: {  	[tilespmem:v18+s0+$0x0] =	vst.idx.msk $0xffff, v20  }
0x5a0: {  	v18 =	vld [tilespmem:s18+$0x20];
	v19 =	vadd.s32 v11, v17  }
0x5a1: {  	s1 =	sadd.s32 $0xFFFFFFFF, s19;
	v17 =	vadd.s32 v12, v17;
	v20 =	vld [tilespmem:s18+$0x30]  }
0x5a2: {  	v21 =	vmov s1  }
0x5a3: {  	v21 =	vshrl.u32 v21, $0x3  }
0x5a4: {  	v21 =	vshll.u32 v21, v1  }
0x5a5: {  	[tilespmem:v19+s0+$0x0] =	vst.idx.msk $0xffff, v18;
	v18 =	vbroadcast v21, $0x0  }
0x5a6: {  	[tilespmem:v17+s0+$0x0] =	vst.idx.msk $0xffff, v20  }
0x5a7: {  	v17 =	vld [tilespmem:s18+$0x40];
	v19 =	vadd.s32 v13, v18  }
0x5a8: {  	v18 =	vadd.s32 v14, v18;
	v20 =	vld [tilespmem:s18+$0x50]  }
0x5a9: {  	v21 =	vmov s19;
	s19 =	smov.u32 s9  }
0x5aa: {  	v21 =	vshrl.u32 v21, $0x3  }
0x5ab: {  	v21 =	vshll.u32 v21, v1  }
0x5ac: {  	[tilespmem:v19+s0+$0x0] =	vst.idx.msk $0xffff, v17;
	v19 =	vbroadcast v21, $0x0  }
0x5ad: {  	[tilespmem:v18+s0+$0x0] =	vst.idx.msk $0xffff, v20  }
0x5ae: {  	v20 =	vld [tilespmem:s18+$0x60];
	v21 =	vadd.s32 v15, v19  }
.Ltmp19:
0x5af: {  	s1 =	sadd.s32 $0xFFFFFFF9, s19;
	v19 =	vadd.s32 v16, v19;
	v17 =	vld [tilespmem:s18+$0x70];
	(pc) =	sbr.rel @p1 .LBB2_12-.Ltmp19, $4  }
0x5b0: {  	v18 =	vmov s1  }
0x5b1: {  	v18 =	vshrl.u32 v18, $0x3  }
0x5b2: {  	v18 =	vshll.u32 v18, v1  }
0x5b3: {  	v18 =	vbroadcast v18, $0x0;
	[tilespmem:v21+s0+$0x0] =	vst.idx.msk $0xffff, v20  }
0x5b4: {  	_ =	sdelay $0x3  }
0x5b5: {  	[tilespmem:v19+s0+$0x0] =	vst.idx.msk $0xffff, v17;
	s9 =	sadd.s32 $0x100, s18  }
0x5b6: {  	v17 =	vld [tilespmem:s9+$0xFFFFFF80];
	v19 =	vadd.s32 v0, v18  }
0x5b7: {  	s1 =	sadd.s32 $0xFFFFFFFA, s19;
	v20 =	vld [tilespmem:s9+$0xFFFFFF90];
	v18 =	vadd.s32 v2, v18  }
0x5b8: {  	v21 =	vmov s1  }
0x5b9: {  	v21 =	vshrl.u32 v21, $0x3  }
0x5ba: {  	v21 =	vshll.u32 v21, v1  }
0x5bb: {  	[tilespmem:v19+s0+$0x0] =	vst.idx.msk $0xffff, v17;
	v17 =	vbroadcast v21, $0x0  }
0x5bc: {  	[tilespmem:v18+s0+$0x0] =	vst.idx.msk $0xffff, v20  }
0x5bd: {  	v18 =	vld [tilespmem:s9+$0xFFFFFFA0];
	v19 =	vadd.s32 v3, v17  }
0x5be: {  	s18 =	sadd.s32 $0xFFFFFFFB, s19;
	v20 =	vld [tilespmem:s9+$0xFFFFFFB0];
	v17 =	vadd.s32 v4, v17  }
0x5bf: {  	v58 =	vmov s18  }
0x5c0: {  	v21 =	vshrl.u32 v58, $0x3  }
0x5c1: {  	v21 =	vshll.u32 v21, v1  }
0x5c2: {  	[tilespmem:v19+s0+$0x0] =	vst.idx.msk $0xffff, v18;
	v18 =	vbroadcast v21, $0x0  }
0x5c3: {  	[tilespmem:v17+s0+$0x0] =	vst.idx.msk $0xffff, v20  }
0x5c4: {  	v17 =	vld [tilespmem:s9+$0xFFFFFFC0];
	v19 =	vadd.s32 v5, v18  }
0x5c5: {  	s24 =	sadd.s32 $0xFFFFFFFC, s19;
	v20 =	vld [tilespmem:s9+$0xFFFFFFD0];
	v18 =	vadd.s32 v6, v18  }
0x5c6: {  	v59 =	vmov s24  }
0x5c7: {  	v21 =	vshrl.u32 v59, $0x3  }
0x5c8: {  	v21 =	vshll.u32 v21, v1  }
0x5c9: {  	[tilespmem:v19+s0+$0x0] =	vst.idx.msk $0xffff, v17;
	v17 =	vbroadcast v21, $0x0  }
0x5ca: {  	[tilespmem:v18+s0+$0x0] =	vst.idx.msk $0xffff, v20  }
0x5cb: {  	v18 =	vld [tilespmem:s9+$0xFFFFFFE0];
	v19 =	vadd.s32 v7, v17  }
0x5cc: {  	s18 =	sadd.s32 $0xFFFFFFFD, s19;
	v20 =	vld [tilespmem:s9+$0xFFFFFFF0];
	v17 =	vadd.s32 v8, v17  }
0x5cd: {  	v60 =	vmov s18  }
0x5ce: {  	v21 =	vshrl.u32 v60, $0x3  }
0x5cf: {  	v21 =	vshll.u32 v21, v1  }
0x5d0: {  	[tilespmem:v19+s0+$0x0] =	vst.idx.msk $0xffff, v18;
	v18 =	vbroadcast v21, $0x0  }
0x5d1: {  	[tilespmem:v17+s0+$0x0] =	vst.idx.msk $0xffff, v20  }
0x5d2: {  	v17 =	vld [tilespmem:s9+$0x0];
	v19 =	vadd.s32 v9, v18  }
0x5d3: {  	s24 =	sadd.s32 $0xFFFFFFFE, s19;
	v20 =	vld [tilespmem:s9+$0x10];
	v18 =	vadd.s32 v10, v18  }
0x5d4: {  	v61 =	vmov s24  }
0x5d5: {  	v21 =	vshrl.u32 v61, $0x3  }
0x5d6: {  	v21 =	vshll.u32 v21, v1  }
0x5d7: {  	[tilespmem:v19+s0+$0x0] =	vst.idx.msk $0xffff, v17;
	v17 =	vbroadcast v21, $0x0  }
0x5d8: {  	[tilespmem:v18+s0+$0x0] =	vst.idx.msk $0xffff, v20  }
0x5d9: {  	v18 =	vld [tilespmem:s9+$0x20];
	v19 =	vadd.s32 v11, v17  }
0x5da: {  	s18 =	sadd.s32 $0xFFFFFFFF, s19;
	v20 =	vld [tilespmem:s9+$0x30];
	v17 =	vadd.s32 v12, v17  }
0x5db: {  	v62 =	vmov s18  }
0x5dc: {  	v21 =	vshrl.u32 v62, $0x3  }
0x5dd: {  	v21 =	vshll.u32 v21, v1  }
0x5de: {  	[tilespmem:v19+s0+$0x0] =	vst.idx.msk $0xffff, v18;
	v18 =	vbroadcast v21, $0x0  }
0x5df: {  	[tilespmem:v17+s0+$0x0] =	vst.idx.msk $0xffff, v20  }
0x5e0: {  	v17 =	vld [tilespmem:s9+$0x40];
	v19 =	vadd.s32 v13, v18  }
0x5e1: {  	v20 =	vld [tilespmem:s9+$0x50];
	v18 =	vadd.s32 v14, v18  }
0x5e2: {  	v63 =	vmov s19  }
0x5e3: {  	v21 =	vshrl.u32 v63, $0x3  }
0x5e4: {  	v21 =	vshll.u32 v21, v1  }
0x5e5: {  	[tilespmem:v19+s0+$0x0] =	vst.idx.msk $0xffff, v17;
	v17 =	vbroadcast v21, $0x0  }
0x5e6: {  	[tilespmem:v18+s0+$0x0] =	vst.idx.msk $0xffff, v20  }
0x5e7: {  	v18 =	vld [tilespmem:s9+$0x60];
	v19 =	vadd.s32 v15, v17  }
0x5e8: {  	s19 =	sadd.s32 s17, s12;
	v20 =	vld [tilespmem:s9+$0x70];
	v17 =	vadd.s32 v16, v17  }
0x5e9: {  	s24 =	sshll.u32 s19, $0x6  }
0x5ea: {  	s1 =	sshll.u32 s19, $0xB;
	s9 =	sand.u32 $0x1C0, s24  }
0x5eb: {  	s1 =	sand.u32 $0x1FC000, s1;
	s9 =	sadd.s32 s6, s9  }
0x5ec: {  	s17 =	simm.s32 $0x8400;
	s9 =	sadd.s32 s1, s9;
	[tilespmem:v19+s0+$0x0] =	vst.idx.msk $0xffff, v18  }
0x5ed: {  	s18 =	simm.s32 $0x200;
	s19 =	simm.s32 $0x8608;
	s1 =	sadd.s32 $0x0, s9;
	[tilespmem:v17+s0+$0x0] =	vst.idx.msk $0xffff, v20  }
.LBB2_14:
0x5ee: {  	[hbm4b:s1+s2] =	stream.linear.scatter [tilespmem:s17], [sflag:$0x5], $0x200, $0x38;
	[tilespmem:$0xC500] =	vst v63  }
0x5ef: {  	s1 =	smov.u32 s18;
	s17 =	smov.u32 s19;
	p1 =	sne.s32 s18, $0x3E00  }
.Ltmp20:
0x5f0: {  	s18 =	sadd.s32 $0x200, s18;
	(pc) =	sbr.rel @p1 .LBB2_14-.Ltmp20, $2  }
0x5f1: {  	_ =	sdelay $0x2  }
0x5f2: {  	s19 =	sadd.s32 $0x208, s19;
	s1 =	sadd.s32 s1, s9  }
0x5f3: {  	s10 =	sadd.s32 $0x1, s10  }
0x5f4: {  	p1 =	sne.s32 s10, $0xB  }
.Ltmp21:
0x5f5: {  	_ = 	snop;
	(pc) =	sbr.rel @p1 .LBB2_7-.Ltmp21, $2  }
0x5f6: {  	_ =	sdelay $0x2  }
0x5f7: {  	[hbm4b:s1+s2] =	stream.linear.scatter [tilespmem:s17], [sflag:$0x5], $0x200, $0x38;
	[tilespmem:$0xC500] =	vst v63  }
0x5f8: {  	_ =	swait.ge [sflag:s3], $0x4000  }
0x5f9: {  	[sflag:s3] =	ssyncset.done $0x0  }
0x5fa: {  	[sflag:s3] =	ssyncadd.s32 $0xFFFFC000  }
0x5fb: {  	_ =	swait.ge [sflag:s26], $0x200  }
0x5fc: {  	s1 =	simm.s32 $0x0;
	[sflag:s26] =	ssyncset.done $0x0  }
0x5fd: {  	v17 =	vmov s1;
	[sflag:s26] =	ssyncadd.s32 $0xFFFFFE00  }
0x5fe: {  	v17 =	vshrl.u32 v17, $0x3;
	[tilespmem:s28], [sflag:$0x3] =	stream.indirect.gather [hbm4b:s4+s25], $0x20, s2, s25, $0xb8;
	[tilespmem:$0xC500] =	vst v63  }
0x5ff: {  	v17 =	vshll.u32 v17, v1;
	_ =	swait.ge [sflag:s7], $0x4000  }
0x600: {  	v17 =	vbroadcast v17, $0x0;
	[sflag:s7] =	ssyncset.done $0x0  }
0x601: {  	s10 =	simm.s32 $0x4480;
	[sflag:s7] =	ssyncadd.s32 $0xFFFFC000  }
0x602: {  	v19 =	vadd.s32 v0, v17;
	v18 =	vld [tilespmem:s10+$0xFFFFFF80]  }
0x603: {  	s18 =	simm.s32 $0x1;
	v17 =	vadd.s32 v2, v17;
	v20 =	vld [tilespmem:s10+$0xFFFFFF90]  }
0x604: {  	v21 =	vmov s18  }
0x605: {  	v21 =	vshrl.u32 v21, $0x3  }
0x606: {  	v21 =	vshll.u32 v21, v1  }
0x607: {  	[tilespmem:v19+s0+$0x0] =	vst.idx.msk $0xffff, v18;
	v18 =	vbroadcast v21, $0x0  }
0x608: {  	[tilespmem:v17+s0+$0x0] =	vst.idx.msk $0xffff, v20  }
0x609: {  	v17 =	vld [tilespmem:s10+$0xFFFFFFA0];
	v19 =	vadd.s32 v3, v18  }
0x60a: {  	s19 =	simm.s32 $0x2;
	v20 =	vld [tilespmem:s10+$0xFFFFFFB0];
	v18 =	vadd.s32 v4, v18  }
0x60b: {  	v58 =	vmov s19  }
0x60c: {  	v21 =	vshrl.u32 v58, $0x3  }
0x60d: {  	v21 =	vshll.u32 v21, v1  }
0x60e: {  	[tilespmem:v19+s0+$0x0] =	vst.idx.msk $0xffff, v17;
	v17 =	vbroadcast v21, $0x0  }
0x60f: {  	[tilespmem:v18+s0+$0x0] =	vst.idx.msk $0xffff, v20  }
0x610: {  	v18 =	vld [tilespmem:s10+$0xFFFFFFC0];
	v19 =	vadd.s32 v5, v17  }
0x611: {  	s24 =	simm.s32 $0x3;
	v20 =	vld [tilespmem:s10+$0xFFFFFFD0];
	v17 =	vadd.s32 v6, v17  }
0x612: {  	v59 =	vmov s24  }
0x613: {  	v21 =	vshrl.u32 v59, $0x3  }
0x614: {  	v21 =	vshll.u32 v21, v1  }
0x615: {  	[tilespmem:v19+s0+$0x0] =	vst.idx.msk $0xffff, v18;
	v18 =	vbroadcast v21, $0x0  }
0x616: {  	[tilespmem:v17+s0+$0x0] =	vst.idx.msk $0xffff, v20  }
0x617: {  	v17 =	vld [tilespmem:s10+$0xFFFFFFE0];
	v19 =	vadd.s32 v7, v18  }
0x618: {  	s9 =	simm.s32 $0x4;
	v20 =	vld [tilespmem:s10+$0xFFFFFFF0];
	v18 =	vadd.s32 v8, v18  }
0x619: {  	v60 =	vmov s9  }
0x61a: {  	v21 =	vshrl.u32 v60, $0x3  }
0x61b: {  	v21 =	vshll.u32 v21, v1  }
0x61c: {  	[tilespmem:v19+s0+$0x0] =	vst.idx.msk $0xffff, v17;
	v17 =	vbroadcast v21, $0x0  }
0x61d: {  	[tilespmem:v18+s0+$0x0] =	vst.idx.msk $0xffff, v20  }
0x61e: {  	v18 =	vld [tilespmem:s10+$0x0];
	v19 =	vadd.s32 v9, v17  }
0x61f: {  	s17 =	simm.s32 $0x5;
	v20 =	vld [tilespmem:s10+$0x10];
	v17 =	vadd.s32 v10, v17  }
0x620: {  	v61 =	vmov s17  }
0x621: {  	v21 =	vshrl.u32 v61, $0x3  }
0x622: {  	v21 =	vshll.u32 v21, v1  }
0x623: {  	[tilespmem:v19+s0+$0x0] =	vst.idx.msk $0xffff, v18;
	v18 =	vbroadcast v21, $0x0  }
0x624: {  	[tilespmem:v17+s0+$0x0] =	vst.idx.msk $0xffff, v20  }
0x625: {  	v17 =	vld [tilespmem:s10+$0x20];
	v19 =	vadd.s32 v11, v18  }
0x626: {  	s18 =	simm.s32 $0x6;
	v20 =	vld [tilespmem:s10+$0x30];
	v18 =	vadd.s32 v12, v18  }
0x627: {  	v62 =	vmov s18  }
0x628: {  	v21 =	vshrl.u32 v62, $0x3  }
0x629: {  	v21 =	vshll.u32 v21, v1  }
0x62a: {  	[tilespmem:v19+s0+$0x0] =	vst.idx.msk $0xffff, v17;
	v17 =	vbroadcast v21, $0x0  }
0x62b: {  	[tilespmem:v18+s0+$0x0] =	vst.idx.msk $0xffff, v20  }
0x62c: {  	v18 =	vld [tilespmem:s10+$0x40];
	v19 =	vadd.s32 v13, v17  }
0x62d: {  	s19 =	simm.s32 $0x7;
	v20 =	vld [tilespmem:s10+$0x50];
	v17 =	vadd.s32 v14, v17  }
0x62e: {  	v63 =	vmov s19  }
0x62f: {  	v21 =	vshrl.u32 v63, $0x3  }
0x630: {  	v21 =	vshll.u32 v21, v1  }
0x631: {  	[tilespmem:v19+s0+$0x0] =	vst.idx.msk $0xffff, v18;
	v18 =	vbroadcast v21, $0x0  }
0x632: {  	s24 =	simm.s32 $0x8;
	[tilespmem:v17+s0+$0x0] =	vst.idx.msk $0xffff, v20  }
0x633: {  	v17 =	vmov s24;
	v20 =	vld [tilespmem:s10+$0x60];
	v21 =	vadd.s32 v15, v18  }
0x634: {  	v19 =	vshrl.u32 v17, $0x3  }
0x635: {  	v17 =	vld [tilespmem:s10+$0x70];
	v22 =	vshll.u32 v19, v1;
	v19 =	vadd.s32 v16, v18;
	_ =	sdelay $0x2  }
0x636: {  	s17 =	simm.s32 $0xF;
	s18 =	simm.s32 $0x17;
	v18 =	vbroadcast v22, $0x0;
	[tilespmem:v21+s0+$0x0] =	vst.idx.msk $0xffff, v20  }
.LBB2_17:
0x637: {  	p1 =	sne.s32 s18, $0x1FF  }
0x638: {  	[tilespmem:v19+s0+$0x0] =	vst.idx.msk $0xffff, v17;
	s10 =	sadd.s32 $0x100, s10;
	s9 =	smov.u32 s18;
	s18 =	sadd.s32 $0x8, s18  }
0x639: {  	v17 =	vld [tilespmem:s10+$0xFFFFFF80];
	v19 =	vadd.s32 v0, v18  }
0x63a: {  	s1 =	sadd.s32 $0xFFFFFFFA, s17;
	v18 =	vadd.s32 v2, v18;
	v20 =	vld [tilespmem:s10+$0xFFFFFF90]  }
0x63b: {  	v21 =	vmov s1  }
0x63c: {  	v21 =	vshrl.u32 v21, $0x3  }
0x63d: {  	v21 =	vshll.u32 v21, v1  }
0x63e: {  	[tilespmem:v19+s0+$0x0] =	vst.idx.msk $0xffff, v17;
	v17 =	vbroadcast v21, $0x0  }
0x63f: {  	[tilespmem:v18+s0+$0x0] =	vst.idx.msk $0xffff, v20  }
0x640: {  	v18 =	vld [tilespmem:s10+$0xFFFFFFA0];
	v19 =	vadd.s32 v3, v17  }
0x641: {  	s1 =	sadd.s32 $0xFFFFFFFB, s17;
	v17 =	vadd.s32 v4, v17;
	v20 =	vld [tilespmem:s10+$0xFFFFFFB0]  }
0x642: {  	v21 =	vmov s1  }
0x643: {  	v21 =	vshrl.u32 v21, $0x3  }
0x644: {  	v21 =	vshll.u32 v21, v1  }
0x645: {  	[tilespmem:v19+s0+$0x0] =	vst.idx.msk $0xffff, v18;
	v18 =	vbroadcast v21, $0x0  }
0x646: {  	[tilespmem:v17+s0+$0x0] =	vst.idx.msk $0xffff, v20  }
0x647: {  	v17 =	vld [tilespmem:s10+$0xFFFFFFC0];
	v19 =	vadd.s32 v5, v18  }
0x648: {  	s1 =	sadd.s32 $0xFFFFFFFC, s17;
	v18 =	vadd.s32 v6, v18;
	v20 =	vld [tilespmem:s10+$0xFFFFFFD0]  }
0x649: {  	v21 =	vmov s1  }
0x64a: {  	v21 =	vshrl.u32 v21, $0x3  }
0x64b: {  	v21 =	vshll.u32 v21, v1  }
0x64c: {  	[tilespmem:v19+s0+$0x0] =	vst.idx.msk $0xffff, v17;
	v17 =	vbroadcast v21, $0x0  }
0x64d: {  	[tilespmem:v18+s0+$0x0] =	vst.idx.msk $0xffff, v20  }
0x64e: {  	v18 =	vld [tilespmem:s10+$0xFFFFFFE0];
	v19 =	vadd.s32 v7, v17  }
0x64f: {  	s1 =	sadd.s32 $0xFFFFFFFD, s17;
	v17 =	vadd.s32 v8, v17;
	v20 =	vld [tilespmem:s10+$0xFFFFFFF0]  }
0x650: {  	v21 =	vmov s1  }
0x651: {  	v21 =	vshrl.u32 v21, $0x3  }
0x652: {  	v21 =	vshll.u32 v21, v1  }
0x653: {  	[tilespmem:v19+s0+$0x0] =	vst.idx.msk $0xffff, v18;
	v18 =	vbroadcast v21, $0x0  }
0x654: {  	[tilespmem:v17+s0+$0x0] =	vst.idx.msk $0xffff, v20  }
0x655: {  	v17 =	vld [tilespmem:s10+$0x0];
	v19 =	vadd.s32 v9, v18  }
0x656: {  	s1 =	sadd.s32 $0xFFFFFFFE, s17;
	v18 =	vadd.s32 v10, v18;
	v20 =	vld [tilespmem:s10+$0x10]  }
0x657: {  	v21 =	vmov s1  }
0x658: {  	v21 =	vshrl.u32 v21, $0x3  }
0x659: {  	v21 =	vshll.u32 v21, v1  }
0x65a: {  	[tilespmem:v19+s0+$0x0] =	vst.idx.msk $0xffff, v17;
	v17 =	vbroadcast v21, $0x0  }
0x65b: {  	[tilespmem:v18+s0+$0x0] =	vst.idx.msk $0xffff, v20  }
0x65c: {  	v18 =	vld [tilespmem:s10+$0x20];
	v19 =	vadd.s32 v11, v17  }
0x65d: {  	s1 =	sadd.s32 $0xFFFFFFFF, s17;
	v17 =	vadd.s32 v12, v17;
	v20 =	vld [tilespmem:s10+$0x30]  }
0x65e: {  	v21 =	vmov s1  }
0x65f: {  	v21 =	vshrl.u32 v21, $0x3  }
0x660: {  	v21 =	vshll.u32 v21, v1  }
0x661: {  	[tilespmem:v19+s0+$0x0] =	vst.idx.msk $0xffff, v18;
	v18 =	vbroadcast v21, $0x0  }
0x662: {  	[tilespmem:v17+s0+$0x0] =	vst.idx.msk $0xffff, v20  }
0x663: {  	v17 =	vld [tilespmem:s10+$0x40];
	v19 =	vadd.s32 v13, v18  }
0x664: {  	v18 =	vadd.s32 v14, v18;
	v20 =	vld [tilespmem:s10+$0x50]  }
0x665: {  	v21 =	vmov s17;
	s17 =	smov.u32 s9  }
0x666: {  	v21 =	vshrl.u32 v21, $0x3  }
0x667: {  	v21 =	vshll.u32 v21, v1  }
0x668: {  	[tilespmem:v19+s0+$0x0] =	vst.idx.msk $0xffff, v17;
	v19 =	vbroadcast v21, $0x0  }
0x669: {  	[tilespmem:v18+s0+$0x0] =	vst.idx.msk $0xffff, v20  }
0x66a: {  	v20 =	vld [tilespmem:s10+$0x60];
	v21 =	vadd.s32 v15, v19  }
.Ltmp22:
0x66b: {  	s1 =	sadd.s32 $0xFFFFFFF9, s17;
	v19 =	vadd.s32 v16, v19;
	v17 =	vld [tilespmem:s10+$0x70];
	(pc) =	sbr.rel @p1 .LBB2_17-.Ltmp22, $4  }
0x66c: {  	v18 =	vmov s1  }
0x66d: {  	v18 =	vshrl.u32 v18, $0x3  }
0x66e: {  	v18 =	vshll.u32 v18, v1  }
0x66f: {  	v18 =	vbroadcast v18, $0x0;
	[tilespmem:v21+s0+$0x0] =	vst.idx.msk $0xffff, v20  }
0x670: {  	_ =	sdelay $0x3  }
0x671: {  	[tilespmem:v19+s0+$0x0] =	vst.idx.msk $0xffff, v17;
	s9 =	sadd.s32 $0x100, s10  }
0x672: {  	v17 =	vld [tilespmem:s9+$0xFFFFFF80];
	v19 =	vadd.s32 v0, v18  }
0x673: {  	s1 =	sadd.s32 $0xFFFFFFFA, s17;
	v20 =	vld [tilespmem:s9+$0xFFFFFF90];
	v18 =	vadd.s32 v2, v18  }
0x674: {  	v21 =	vmov s1  }
0x675: {  	v21 =	vshrl.u32 v21, $0x3  }
0x676: {  	v21 =	vshll.u32 v21, v1  }
0x677: {  	[tilespmem:v19+s0+$0x0] =	vst.idx.msk $0xffff, v17;
	v17 =	vbroadcast v21, $0x0  }
0x678: {  	[tilespmem:v18+s0+$0x0] =	vst.idx.msk $0xffff, v20  }
0x679: {  	v18 =	vld [tilespmem:s9+$0xFFFFFFA0];
	v19 =	vadd.s32 v3, v17  }
0x67a: {  	s24 =	sadd.s32 $0xFFFFFFFB, s17;
	v20 =	vld [tilespmem:s9+$0xFFFFFFB0];
	v17 =	vadd.s32 v4, v17  }
0x67b: {  	v58 =	vmov s24  }
0x67c: {  	v21 =	vshrl.u32 v58, $0x3  }
0x67d: {  	v21 =	vshll.u32 v21, v1  }
0x67e: {  	[tilespmem:v19+s0+$0x0] =	vst.idx.msk $0xffff, v18;
	v18 =	vbroadcast v21, $0x0  }
0x67f: {  	[tilespmem:v17+s0+$0x0] =	vst.idx.msk $0xffff, v20  }
0x680: {  	v17 =	vld [tilespmem:s9+$0xFFFFFFC0];
	v19 =	vadd.s32 v5, v18  }
0x681: {  	s10 =	sadd.s32 $0xFFFFFFFC, s17;
	v20 =	vld [tilespmem:s9+$0xFFFFFFD0];
	v18 =	vadd.s32 v6, v18  }
0x682: {  	v59 =	vmov s10  }
0x683: {  	v21 =	vshrl.u32 v59, $0x3  }
0x684: {  	v21 =	vshll.u32 v21, v1  }
0x685: {  	[tilespmem:v19+s0+$0x0] =	vst.idx.msk $0xffff, v17;
	v17 =	vbroadcast v21, $0x0  }
0x686: {  	[tilespmem:v18+s0+$0x0] =	vst.idx.msk $0xffff, v20  }
0x687: {  	v18 =	vld [tilespmem:s9+$0xFFFFFFE0];
	v19 =	vadd.s32 v7, v17  }
0x688: {  	s18 =	sadd.s32 $0xFFFFFFFD, s17;
	v20 =	vld [tilespmem:s9+$0xFFFFFFF0];
	v17 =	vadd.s32 v8, v17  }
0x689: {  	v60 =	vmov s18  }
0x68a: {  	v21 =	vshrl.u32 v60, $0x3  }
0x68b: {  	v21 =	vshll.u32 v21, v1  }
0x68c: {  	[tilespmem:v19+s0+$0x0] =	vst.idx.msk $0xffff, v18;
	v18 =	vbroadcast v21, $0x0  }
0x68d: {  	[tilespmem:v17+s0+$0x0] =	vst.idx.msk $0xffff, v20  }
0x68e: {  	v17 =	vld [tilespmem:s9+$0x0];
	v19 =	vadd.s32 v9, v18  }
0x68f: {  	s19 =	sadd.s32 $0xFFFFFFFE, s17;
	v20 =	vld [tilespmem:s9+$0x10];
	v18 =	vadd.s32 v10, v18  }
0x690: {  	v61 =	vmov s19  }
0x691: {  	v21 =	vshrl.u32 v61, $0x3  }
0x692: {  	v21 =	vshll.u32 v21, v1  }
0x693: {  	[tilespmem:v19+s0+$0x0] =	vst.idx.msk $0xffff, v17;
	v17 =	vbroadcast v21, $0x0  }
0x694: {  	[tilespmem:v18+s0+$0x0] =	vst.idx.msk $0xffff, v20  }
0x695: {  	v18 =	vld [tilespmem:s9+$0x20];
	v19 =	vadd.s32 v11, v17  }
0x696: {  	s24 =	sadd.s32 $0xFFFFFFFF, s17;
	v20 =	vld [tilespmem:s9+$0x30];
	v17 =	vadd.s32 v12, v17  }
0x697: {  	v62 =	vmov s24  }
0x698: {  	v21 =	vshrl.u32 v62, $0x3  }
0x699: {  	v21 =	vshll.u32 v21, v1  }
0x69a: {  	[tilespmem:v19+s0+$0x0] =	vst.idx.msk $0xffff, v18;
	v18 =	vbroadcast v21, $0x0  }
0x69b: {  	[tilespmem:v17+s0+$0x0] =	vst.idx.msk $0xffff, v20  }
0x69c: {  	v17 =	vld [tilespmem:s9+$0x40];
	v19 =	vadd.s32 v13, v18  }
0x69d: {  	v20 =	vld [tilespmem:s9+$0x50];
	v18 =	vadd.s32 v14, v18  }
0x69e: {  	v63 =	vmov s17  }
0x69f: {  	v21 =	vshrl.u32 v63, $0x3  }
0x6a0: {  	v21 =	vshll.u32 v21, v1  }
0x6a1: {  	[tilespmem:v19+s0+$0x0] =	vst.idx.msk $0xffff, v17;
	v17 =	vbroadcast v21, $0x0  }
0x6a2: {  	[tilespmem:v18+s0+$0x0] =	vst.idx.msk $0xffff, v20  }
0x6a3: {  	v18 =	vld [tilespmem:s9+$0x60];
	v19 =	vadd.s32 v15, v17  }
0x6a4: {  	v20 =	vld [tilespmem:s9+$0x70];
	v17 =	vadd.s32 v16, v17;
	_ =	sdelay $0x3  }
0x6a5: {  	s10 =	simm.s32 $0x200;
	[tilespmem:v19+s0+$0x0] =	vst.idx.msk $0xffff, v18  }
0x6a6: {  	s1 =	sadd.s32 $0x0, s15;
	s17 =	simm.s32 $0x8608;
	s9 =	simm.s32 $0x8400;
	[tilespmem:v17+s0+$0x0] =	vst.idx.msk $0xffff, v20  }
.LBB2_19:
0x6a7: {  	[hbm4b:s1+s2] =	stream.linear.scatter [tilespmem:s9], [sflag:$0x5], $0x200, $0x38;
	[tilespmem:$0xC500] =	vst v63  }
0x6a8: {  	s1 =	smov.u32 s10;
	s9 =	smov.u32 s17;
	p1 =	sne.s32 s10, $0x3E00  }
.Ltmp23:
0x6a9: {  	s10 =	sadd.s32 $0x200, s10;
	(pc) =	sbr.rel @p1 .LBB2_19-.Ltmp23, $2  }
0x6aa: {  	_ =	sdelay $0x2  }
0x6ab: {  	s17 =	sadd.s32 $0x208, s17;
	s1 =	sadd.s32 s1, s15  }
0x6ac: {  	[hbm4b:s1+s2] =	stream.linear.scatter [tilespmem:s9], [sflag:$0x5], $0x200, $0x38;
	[tilespmem:$0xC500] =	vst v63  }
0x6ad: {  	s17 =	simm.s32 $0x0;
	_ =	swait.ge [sflag:s29], $0x4000  }
0x6ae: {  	v17 =	vmov s17;
	[sflag:s29] =	ssyncset.done $0x0  }
0x6af: {  	v17 =	vshrl.u32 v17, $0x3;
	[sflag:s29] =	ssyncadd.s32 $0xFFFFC000  }
0x6b0: {  	v17 =	vshll.u32 v17, v1;
	_ =	swait.ge [sflag:s7], $0x4000  }
0x6b1: {  	v17 =	vbroadcast v17, $0x0;
	[sflag:s7] =	ssyncset.done $0x0  }
0x6b2: {  	s10 =	simm.s32 $0x480;
	[sflag:s7] =	ssyncadd.s32 $0xFFFFC000  }
0x6b3: {  	v19 =	vadd.s32 v0, v17;
	v18 =	vld [tilespmem:s10+$0xFFFFFF80]  }
0x6b4: {  	s18 =	simm.s32 $0x1;
	v17 =	vadd.s32 v2, v17;
	v20 =	vld [tilespmem:s10+$0xFFFFFF90]  }
0x6b5: {  	v21 =	vmov s18  }
0x6b6: {  	v21 =	vshrl.u32 v21, $0x3  }
0x6b7: {  	v21 =	vshll.u32 v21, v1  }
0x6b8: {  	[tilespmem:v19+s0+$0x0] =	vst.idx.msk $0xffff, v18;
	v18 =	vbroadcast v21, $0x0  }
0x6b9: {  	[tilespmem:v17+s0+$0x0] =	vst.idx.msk $0xffff, v20  }
0x6ba: {  	v17 =	vld [tilespmem:s10+$0xFFFFFFA0];
	v19 =	vadd.s32 v3, v18  }
0x6bb: {  	s19 =	simm.s32 $0x2;
	v20 =	vld [tilespmem:s10+$0xFFFFFFB0];
	v18 =	vadd.s32 v4, v18  }
0x6bc: {  	v58 =	vmov s19  }
0x6bd: {  	v21 =	vshrl.u32 v58, $0x3  }
0x6be: {  	v21 =	vshll.u32 v21, v1  }
0x6bf: {  	[tilespmem:v19+s0+$0x0] =	vst.idx.msk $0xffff, v17;
	v17 =	vbroadcast v21, $0x0  }
0x6c0: {  	[tilespmem:v18+s0+$0x0] =	vst.idx.msk $0xffff, v20  }
0x6c1: {  	v18 =	vld [tilespmem:s10+$0xFFFFFFC0];
	v19 =	vadd.s32 v5, v17  }
0x6c2: {  	s24 =	simm.s32 $0x3;
	v20 =	vld [tilespmem:s10+$0xFFFFFFD0];
	v17 =	vadd.s32 v6, v17  }
0x6c3: {  	v59 =	vmov s24  }
0x6c4: {  	v21 =	vshrl.u32 v59, $0x3  }
0x6c5: {  	v21 =	vshll.u32 v21, v1  }
0x6c6: {  	[tilespmem:v19+s0+$0x0] =	vst.idx.msk $0xffff, v18;
	v18 =	vbroadcast v21, $0x0  }
0x6c7: {  	[tilespmem:v17+s0+$0x0] =	vst.idx.msk $0xffff, v20  }
0x6c8: {  	v17 =	vld [tilespmem:s10+$0xFFFFFFE0];
	v19 =	vadd.s32 v7, v18  }
0x6c9: {  	s9 =	simm.s32 $0x4;
	v20 =	vld [tilespmem:s10+$0xFFFFFFF0];
	v18 =	vadd.s32 v8, v18  }
0x6ca: {  	v60 =	vmov s9  }
0x6cb: {  	v21 =	vshrl.u32 v60, $0x3  }
0x6cc: {  	v21 =	vshll.u32 v21, v1  }
0x6cd: {  	[tilespmem:v19+s0+$0x0] =	vst.idx.msk $0xffff, v17;
	v17 =	vbroadcast v21, $0x0  }
0x6ce: {  	[tilespmem:v18+s0+$0x0] =	vst.idx.msk $0xffff, v20  }
0x6cf: {  	v18 =	vld [tilespmem:s10+$0x0];
	v19 =	vadd.s32 v9, v17  }
0x6d0: {  	s17 =	simm.s32 $0x5;
	v20 =	vld [tilespmem:s10+$0x10];
	v17 =	vadd.s32 v10, v17  }
0x6d1: {  	v61 =	vmov s17  }
0x6d2: {  	v21 =	vshrl.u32 v61, $0x3  }
0x6d3: {  	v21 =	vshll.u32 v21, v1  }
0x6d4: {  	[tilespmem:v19+s0+$0x0] =	vst.idx.msk $0xffff, v18;
	v18 =	vbroadcast v21, $0x0  }
0x6d5: {  	[tilespmem:v17+s0+$0x0] =	vst.idx.msk $0xffff, v20  }
0x6d6: {  	v17 =	vld [tilespmem:s10+$0x20];
	v19 =	vadd.s32 v11, v18  }
0x6d7: {  	s18 =	simm.s32 $0x6;
	v20 =	vld [tilespmem:s10+$0x30];
	v18 =	vadd.s32 v12, v18  }
0x6d8: {  	v62 =	vmov s18  }
0x6d9: {  	v21 =	vshrl.u32 v62, $0x3  }
0x6da: {  	v21 =	vshll.u32 v21, v1  }
0x6db: {  	[tilespmem:v19+s0+$0x0] =	vst.idx.msk $0xffff, v17;
	v17 =	vbroadcast v21, $0x0  }
0x6dc: {  	[tilespmem:v18+s0+$0x0] =	vst.idx.msk $0xffff, v20  }
0x6dd: {  	v18 =	vld [tilespmem:s10+$0x40];
	v19 =	vadd.s32 v13, v17  }
0x6de: {  	s19 =	simm.s32 $0x7;
	v20 =	vld [tilespmem:s10+$0x50];
	v17 =	vadd.s32 v14, v17  }
0x6df: {  	v63 =	vmov s19  }
0x6e0: {  	v21 =	vshrl.u32 v63, $0x3  }
0x6e1: {  	v21 =	vshll.u32 v21, v1  }
0x6e2: {  	[tilespmem:v19+s0+$0x0] =	vst.idx.msk $0xffff, v18;
	v18 =	vbroadcast v21, $0x0  }
0x6e3: {  	s24 =	simm.s32 $0x8;
	[tilespmem:v17+s0+$0x0] =	vst.idx.msk $0xffff, v20  }
0x6e4: {  	v17 =	vmov s24;
	v20 =	vld [tilespmem:s10+$0x60];
	v21 =	vadd.s32 v15, v18  }
0x6e5: {  	v19 =	vshrl.u32 v17, $0x3  }
0x6e6: {  	v17 =	vld [tilespmem:s10+$0x70];
	v22 =	vshll.u32 v19, v1;
	v19 =	vadd.s32 v16, v18;
	_ =	sdelay $0x2  }
0x6e7: {  	s17 =	simm.s32 $0xF;
	s18 =	simm.s32 $0x17;
	v18 =	vbroadcast v22, $0x0;
	[tilespmem:v21+s0+$0x0] =	vst.idx.msk $0xffff, v20  }
.LBB2_21:
0x6e8: {  	p1 =	sne.s32 s18, $0x1FF  }
0x6e9: {  	[tilespmem:v19+s0+$0x0] =	vst.idx.msk $0xffff, v17;
	s10 =	sadd.s32 $0x100, s10;
	s9 =	smov.u32 s18;
	s18 =	sadd.s32 $0x8, s18  }
0x6ea: {  	v17 =	vld [tilespmem:s10+$0xFFFFFF80];
	v19 =	vadd.s32 v0, v18  }
0x6eb: {  	s1 =	sadd.s32 $0xFFFFFFFA, s17;
	v18 =	vadd.s32 v2, v18;
	v20 =	vld [tilespmem:s10+$0xFFFFFF90]  }
0x6ec: {  	v21 =	vmov s1  }
0x6ed: {  	v21 =	vshrl.u32 v21, $0x3  }
0x6ee: {  	v21 =	vshll.u32 v21, v1  }
0x6ef: {  	[tilespmem:v19+s0+$0x0] =	vst.idx.msk $0xffff, v17;
	v17 =	vbroadcast v21, $0x0  }
0x6f0: {  	[tilespmem:v18+s0+$0x0] =	vst.idx.msk $0xffff, v20  }
0x6f1: {  	v18 =	vld [tilespmem:s10+$0xFFFFFFA0];
	v19 =	vadd.s32 v3, v17  }
0x6f2: {  	s1 =	sadd.s32 $0xFFFFFFFB, s17;
	v17 =	vadd.s32 v4, v17;
	v20 =	vld [tilespmem:s10+$0xFFFFFFB0]  }
0x6f3: {  	v21 =	vmov s1  }
0x6f4: {  	v21 =	vshrl.u32 v21, $0x3  }
0x6f5: {  	v21 =	vshll.u32 v21, v1  }
0x6f6: {  	[tilespmem:v19+s0+$0x0] =	vst.idx.msk $0xffff, v18;
	v18 =	vbroadcast v21, $0x0  }
0x6f7: {  	[tilespmem:v17+s0+$0x0] =	vst.idx.msk $0xffff, v20  }
0x6f8: {  	v17 =	vld [tilespmem:s10+$0xFFFFFFC0];
	v19 =	vadd.s32 v5, v18  }
0x6f9: {  	s1 =	sadd.s32 $0xFFFFFFFC, s17;
	v18 =	vadd.s32 v6, v18;
	v20 =	vld [tilespmem:s10+$0xFFFFFFD0]  }
0x6fa: {  	v21 =	vmov s1  }
0x6fb: {  	v21 =	vshrl.u32 v21, $0x3  }
0x6fc: {  	v21 =	vshll.u32 v21, v1  }
0x6fd: {  	[tilespmem:v19+s0+$0x0] =	vst.idx.msk $0xffff, v17;
	v17 =	vbroadcast v21, $0x0  }
0x6fe: {  	[tilespmem:v18+s0+$0x0] =	vst.idx.msk $0xffff, v20  }
0x6ff: {  	v18 =	vld [tilespmem:s10+$0xFFFFFFE0];
	v19 =	vadd.s32 v7, v17  }
0x700: {  	s1 =	sadd.s32 $0xFFFFFFFD, s17;
	v17 =	vadd.s32 v8, v17;
	v20 =	vld [tilespmem:s10+$0xFFFFFFF0]  }
0x701: {  	v21 =	vmov s1  }
0x702: {  	v21 =	vshrl.u32 v21, $0x3  }
0x703: {  	v21 =	vshll.u32 v21, v1  }
0x704: {  	[tilespmem:v19+s0+$0x0] =	vst.idx.msk $0xffff, v18;
	v18 =	vbroadcast v21, $0x0  }
0x705: {  	[tilespmem:v17+s0+$0x0] =	vst.idx.msk $0xffff, v20  }
0x706: {  	v17 =	vld [tilespmem:s10+$0x0];
	v19 =	vadd.s32 v9, v18  }
0x707: {  	s1 =	sadd.s32 $0xFFFFFFFE, s17;
	v18 =	vadd.s32 v10, v18;
	v20 =	vld [tilespmem:s10+$0x10]  }
0x708: {  	v21 =	vmov s1  }
0x709: {  	v21 =	vshrl.u32 v21, $0x3  }
0x70a: {  	v21 =	vshll.u32 v21, v1  }
0x70b: {  	[tilespmem:v19+s0+$0x0] =	vst.idx.msk $0xffff, v17;
	v17 =	vbroadcast v21, $0x0  }
0x70c: {  	[tilespmem:v18+s0+$0x0] =	vst.idx.msk $0xffff, v20  }
0x70d: {  	v18 =	vld [tilespmem:s10+$0x20];
	v19 =	vadd.s32 v11, v17  }
0x70e: {  	s1 =	sadd.s32 $0xFFFFFFFF, s17;
	v17 =	vadd.s32 v12, v17;
	v20 =	vld [tilespmem:s10+$0x30]  }
0x70f: {  	v21 =	vmov s1  }
0x710: {  	v21 =	vshrl.u32 v21, $0x3  }
0x711: {  	v21 =	vshll.u32 v21, v1  }
0x712: {  	[tilespmem:v19+s0+$0x0] =	vst.idx.msk $0xffff, v18;
	v18 =	vbroadcast v21, $0x0  }
0x713: {  	[tilespmem:v17+s0+$0x0] =	vst.idx.msk $0xffff, v20  }
0x714: {  	v17 =	vld [tilespmem:s10+$0x40];
	v19 =	vadd.s32 v13, v18  }
0x715: {  	v18 =	vadd.s32 v14, v18;
	v20 =	vld [tilespmem:s10+$0x50]  }
0x716: {  	v21 =	vmov s17;
	s17 =	smov.u32 s9  }
0x717: {  	v21 =	vshrl.u32 v21, $0x3  }
0x718: {  	v21 =	vshll.u32 v21, v1  }
0x719: {  	[tilespmem:v19+s0+$0x0] =	vst.idx.msk $0xffff, v17;
	v19 =	vbroadcast v21, $0x0  }
0x71a: {  	[tilespmem:v18+s0+$0x0] =	vst.idx.msk $0xffff, v20  }
0x71b: {  	v20 =	vld [tilespmem:s10+$0x60];
	v21 =	vadd.s32 v15, v19  }
.Ltmp24:
0x71c: {  	s1 =	sadd.s32 $0xFFFFFFF9, s17;
	v19 =	vadd.s32 v16, v19;
	v17 =	vld [tilespmem:s10+$0x70];
	(pc) =	sbr.rel @p1 .LBB2_21-.Ltmp24, $4  }
0x71d: {  	v18 =	vmov s1  }
0x71e: {  	v18 =	vshrl.u32 v18, $0x3  }
0x71f: {  	v18 =	vshll.u32 v18, v1  }
0x720: {  	v18 =	vbroadcast v18, $0x0;
	[tilespmem:v21+s0+$0x0] =	vst.idx.msk $0xffff, v20  }
0x721: {  	_ =	sdelay $0x3  }
0x722: {  	[tilespmem:v19+s0+$0x0] =	vst.idx.msk $0xffff, v17;
	s9 =	sadd.s32 $0x100, s10  }
0x723: {  	v17 =	vld [tilespmem:s9+$0xFFFFFF80];
	v19 =	vadd.s32 v0, v18  }
0x724: {  	s1 =	sadd.s32 $0xFFFFFFFA, s17;
	v20 =	vld [tilespmem:s9+$0xFFFFFF90];
	v18 =	vadd.s32 v2, v18  }
0x725: {  	v21 =	vmov s1  }
0x726: {  	v21 =	vshrl.u32 v21, $0x3  }
0x727: {  	v21 =	vshll.u32 v21, v1  }
0x728: {  	[tilespmem:v19+s0+$0x0] =	vst.idx.msk $0xffff, v17;
	v17 =	vbroadcast v21, $0x0  }
0x729: {  	[tilespmem:v18+s0+$0x0] =	vst.idx.msk $0xffff, v20  }
0x72a: {  	v18 =	vld [tilespmem:s9+$0xFFFFFFA0];
	v19 =	vadd.s32 v3, v17  }
0x72b: {  	s24 =	sadd.s32 $0xFFFFFFFB, s17;
	v20 =	vld [tilespmem:s9+$0xFFFFFFB0];
	v17 =	vadd.s32 v4, v17  }
0x72c: {  	v58 =	vmov s24  }
0x72d: {  	v21 =	vshrl.u32 v58, $0x3  }
0x72e: {  	v21 =	vshll.u32 v21, v1  }
0x72f: {  	[tilespmem:v19+s0+$0x0] =	vst.idx.msk $0xffff, v18;
	v18 =	vbroadcast v21, $0x0  }
0x730: {  	[tilespmem:v17+s0+$0x0] =	vst.idx.msk $0xffff, v20  }
0x731: {  	v17 =	vld [tilespmem:s9+$0xFFFFFFC0];
	v19 =	vadd.s32 v5, v18  }
0x732: {  	s10 =	sadd.s32 $0xFFFFFFFC, s17;
	v20 =	vld [tilespmem:s9+$0xFFFFFFD0];
	v18 =	vadd.s32 v6, v18  }
0x733: {  	v59 =	vmov s10  }
0x734: {  	v21 =	vshrl.u32 v59, $0x3  }
0x735: {  	v21 =	vshll.u32 v21, v1  }
0x736: {  	[tilespmem:v19+s0+$0x0] =	vst.idx.msk $0xffff, v17;
	v17 =	vbroadcast v21, $0x0  }
0x737: {  	[tilespmem:v18+s0+$0x0] =	vst.idx.msk $0xffff, v20  }
0x738: {  	v18 =	vld [tilespmem:s9+$0xFFFFFFE0];
	v19 =	vadd.s32 v7, v17  }
0x739: {  	s18 =	sadd.s32 $0xFFFFFFFD, s17;
	v20 =	vld [tilespmem:s9+$0xFFFFFFF0];
	v17 =	vadd.s32 v8, v17  }
0x73a: {  	v60 =	vmov s18  }
0x73b: {  	v21 =	vshrl.u32 v60, $0x3  }
0x73c: {  	v21 =	vshll.u32 v21, v1  }
0x73d: {  	[tilespmem:v19+s0+$0x0] =	vst.idx.msk $0xffff, v18;
	v18 =	vbroadcast v21, $0x0  }
0x73e: {  	[tilespmem:v17+s0+$0x0] =	vst.idx.msk $0xffff, v20  }
0x73f: {  	v17 =	vld [tilespmem:s9+$0x0];
	v19 =	vadd.s32 v9, v18  }
0x740: {  	s19 =	sadd.s32 $0xFFFFFFFE, s17;
	v20 =	vld [tilespmem:s9+$0x10];
	v18 =	vadd.s32 v10, v18  }
0x741: {  	v61 =	vmov s19  }
0x742: {  	v21 =	vshrl.u32 v61, $0x3  }
0x743: {  	v21 =	vshll.u32 v21, v1  }
0x744: {  	[tilespmem:v19+s0+$0x0] =	vst.idx.msk $0xffff, v17;
	v17 =	vbroadcast v21, $0x0  }
0x745: {  	[tilespmem:v18+s0+$0x0] =	vst.idx.msk $0xffff, v20  }
0x746: {  	v18 =	vld [tilespmem:s9+$0x20];
	v19 =	vadd.s32 v11, v17  }
0x747: {  	s24 =	sadd.s32 $0xFFFFFFFF, s17;
	v20 =	vld [tilespmem:s9+$0x30];
	v17 =	vadd.s32 v12, v17  }
0x748: {  	v62 =	vmov s24  }
0x749: {  	v21 =	vshrl.u32 v62, $0x3  }
0x74a: {  	v21 =	vshll.u32 v21, v1  }
0x74b: {  	[tilespmem:v19+s0+$0x0] =	vst.idx.msk $0xffff, v18;
	v18 =	vbroadcast v21, $0x0  }
0x74c: {  	[tilespmem:v17+s0+$0x0] =	vst.idx.msk $0xffff, v20  }
0x74d: {  	v17 =	vld [tilespmem:s9+$0x40];
	v19 =	vadd.s32 v13, v18  }
0x74e: {  	v20 =	vld [tilespmem:s9+$0x50];
	v18 =	vadd.s32 v14, v18  }
0x74f: {  	v63 =	vmov s17  }
0x750: {  	v21 =	vshrl.u32 v63, $0x3  }
0x751: {  	v21 =	vshll.u32 v21, v1  }
0x752: {  	[tilespmem:v19+s0+$0x0] =	vst.idx.msk $0xffff, v17;
	v17 =	vbroadcast v21, $0x0  }
0x753: {  	[tilespmem:v18+s0+$0x0] =	vst.idx.msk $0xffff, v20  }
0x754: {  	v18 =	vld [tilespmem:s9+$0x60];
	v19 =	vadd.s32 v15, v17  }
0x755: {  	v20 =	vld [tilespmem:s9+$0x70];
	v17 =	vadd.s32 v16, v17;
	_ =	sdelay $0x3  }
0x756: {  	s10 =	simm.s32 $0x200;
	[tilespmem:v19+s0+$0x0] =	vst.idx.msk $0xffff, v18  }
0x757: {  	s1 =	sadd.s32 $0x0, s16;
	s17 =	simm.s32 $0x8608;
	s9 =	simm.s32 $0x8400;
	[tilespmem:v17+s0+$0x0] =	vst.idx.msk $0xffff, v20  }
.LBB2_23:
0x758: {  	[hbm4b:s1+s2] =	stream.linear.scatter [tilespmem:s9], [sflag:$0x5], $0x200, $0x38;
	[tilespmem:$0xC500] =	vst v63  }
0x759: {  	s1 =	smov.u32 s10;
	s9 =	smov.u32 s17;
	p1 =	seq.s32 s10, $0x3E00  }
.Ltmp25:
0x75a: {  	s10 =	sadd.s32 $0x200, s10;
	(pc) =	sbr.rel @!p1 .LBB2_23-.Ltmp25, $2  }
0x75b: {  	_ =	sdelay $0x2  }
0x75c: {  	s17 =	sadd.s32 $0x208, s17;
	s1 =	sadd.s32 s1, s16  }
.Ltmp26:
0x75d: {  	(pc) =	sbr.rel .LBB2_48-.Ltmp26, $3  }
0x75e: {  	_ =	sdelay $0x1  }
0x75f: {  	[hbm4b:s1+s2] =	stream.linear.scatter [tilespmem:s9], [sflag:$0x5], $0x200, $0x38;
	[tilespmem:$0xC500] =	vst v63  }
0x760: {  	s9 =	rddreg [dreg:$0xa]  }
.LBB2_49:
0x761: {  	_ =	sfence.sel $0x180000  }
0x762: {  	[bflag:$0x0] =	sbarrier.arrive $0xFFFF  }
0x763: {  	_ =	strace $0x90000047  }
0x764: {  	s0 =	stileid.u32;
	[bflag:$0x2] =	sbarrier.arrive $0xFFFF  }
0x765: {  	p0 =	sne.s32 s0, $0x0;
	s0 =	rddreg [dreg:$0x2]  }
0x766: {  	s0 =	sadd.s32 @!p0 $0x100000, s0  }
0x767: {  	[sflag:s0] =	ssyncadd.tile.s32 @!p0 $0x1;
	_ =	shalt  }
.Lfunc_end2:
_tile_overlayer_lowered:
.L_overlay_start_2:
0x768: {  	(tag) =	ssettag $0x2  }
0x769: {  	s0 =	rddreg [dreg:$0x0];
	s2 =	stileid.u32  }
0x76a: {  	s1 =	rddreg [dreg:$0x1];
	p0 =	sne.s32 s2, $0x0  }
0x76b: {  	s3 =	rddreg [dreg:$0x2];
	[bflag:$0x3] =	sbarrier.arrive $0xFFFF;
	s2 =	simm.s32 @!p0 $0x1C06  }
0x76c: {  	[timem:s3], [sflag:s2] =	dma.local @!p0 [hbm:s0], s1  }
0x76d: {  	s0 =	simm.s32 @!p0 $0x6  }
0x76e: {  	_ =	swait.ge @!p0 [sflag:s0], s1  }
0x76f: {  	s1 =	ssub.s32 @!p0 $0x0, s1;
	[sflag:s0] =	ssyncset.done @!p0 $0x0  }
0x770: {  	[sflag:s0] =	ssyncadd.s32 @!p0 s1  }
0x771: {  	[bflag:$0x3] =	sbarrier.arrive $0xFFFF  }
0x772: {  	_ =	shalt  }

</sc_bundles>
